<compile_context>
chip_gen: v7x
topology: tpu7x:2x2x1
jax: 0.10.2.dev20260603
libtpu: 0.0.44.dev20260713+nightly
codegen_flags: <defaults>
</compile_context>

<pallas_src>
import jax
import jax.numpy as jnp
from jax import lax
from jax.experimental import pallas as pl
from jax.experimental.pallas import tpu as pltpu
from jax.experimental.pallas import tpu_sc as plsc

N_NODES = 10000
N_EDGES = 320000
NP = 10240
NC = 2
NS = 16
ROWS_PER_TILE = NP // NS
CH = 128
N1 = 80
N2 = 160
ZR = 160


def _make_sc_agg(n_chunks):
    mesh = plsc.VectorSubcoreMesh(core_axis_name="c", subcore_axis_name="s")

    SH = 40
    n_stages = n_chunks // SH
    NB = 2

    def body(src_hbm, sidx_hbm, didx_hbm, out_hbm,
             sidx_v, didx_v, rows_v, acc_sh, gsem0, gsem1, ssem0, ssem1):
        cid = lax.axis_index("c")
        sid = lax.axis_index("s")
        gsem = (gsem0, gsem1)
        ssem = (ssem0, ssem1)

        def gather(j, b):
            return pltpu.make_async_copy(
                src_hbm.at[sidx_v.at[j]], rows_v.at[b], gsem[b])

        def scatter(j, b):
            return pltpu.make_async_copy(
                rows_v.at[b], acc_sh.at[didx_v.at[j]], ssem[b])

        def _zrow(r, c):
            for k in range(8):
                rows_v[0, r, pl.ds(16 * k, 16)] = jnp.zeros((16,),
                                                            jnp.float32)
            return c
        lax.fori_loop(0, CH, _zrow, 0)
        base = sid * ROWS_PER_TILE

        def _zcp(i, c):
            pltpu.sync_copy(rows_v.at[0], acc_sh.at[pl.ds(base + i * CH, CH)])
            return c
        lax.fori_loop(0, ROWS_PER_TILE // CH, _zcp, 0)
        plsc.subcore_barrier()

        for stage in range(n_stages):
            pltpu.sync_copy(sidx_hbm.at[cid, sid, pl.ds(stage * SH, SH)],
                            sidx_v)
            pltpu.sync_copy(didx_hbm.at[cid, sid, pl.ds(stage * SH, SH)],
                            didx_v)
            for b in range(NB):
                gather(b, b).start()

            def _t(t, c):
                for b in range(NB):
                    j = t * NB + b
                    pb = (b - 1) % NB

                    @pl.when(j >= 1)
                    def _():
                        scatter(j - 1, pb).wait()

                    @pl.when((j >= 1) & (j - 1 + NB < SH))
                    def _():
                        gather(j - 1 + NB, pb).start()

                    gather(j, b).wait()
                    scatter(j, b).start(add=True)
                return c
            lax.fori_loop(0, SH // NB, _t, 0)
            scatter(SH - 1, (SH - 1) % NB).wait()
        plsc.subcore_barrier()

        pltpu.sync_copy(acc_sh.at[pl.ds(base, ROWS_PER_TILE)],
                        out_hbm.at[cid, pl.ds(base, ROWS_PER_TILE)])

    return pl.kernel(
        body, mesh=mesh,
        out_type=jax.ShapeDtypeStruct((NC, NP, 128), jnp.float32),
        scratch_types=[
            pltpu.VMEM((SH, CH), jnp.int32),
            pltpu.VMEM((SH, CH), jnp.int32),
            pltpu.VMEM((NB, CH, 128), jnp.float32),
            pltpu.VMEM_SHARED((NP, 128), jnp.float32),
            pltpu.SemaphoreType.DMA,
            pltpu.SemaphoreType.DMA,
            pltpu.SemaphoreType.DMA,
            pltpu.SemaphoreType.DMA,
        ])


_sc_agg_cache = {}


def _sc_agg(n_chunks, src_arr, sidx, didx):
    if n_chunks not in _sc_agg_cache:
        _sc_agg_cache[n_chunks] = _make_sc_agg(n_chunks)
    return _sc_agg_cache[n_chunks](src_arr, sidx, didx)


BN = 512
GRID = NP // BN


def _wspec(shape):
    return pl.BlockSpec(shape, lambda i: (0,) * len(shape))


def _mlp_first(x_pad, acc, W1, b1, W2, b2):
    def body(x_ref, a_ref, w1_ref, b1_ref, w2_ref, b2_ref, o_ref):
        g = x_ref[...] + a_ref[0] + a_ref[1]
        t = jnp.dot(g, w1_ref[...], preferred_element_type=jnp.float32)
        t = jnp.maximum(t + b1_ref[...], 0.0)
        h = jnp.dot(t, w2_ref[...], preferred_element_type=jnp.float32)
        h = jnp.maximum(h + b2_ref[...], 0.0)
        o_ref[0] = h[:, :128]
        o_ref[1] = h[:, 128:]

    return pl.pallas_call(
        body,
        grid=(GRID,),
        in_specs=[
            pl.BlockSpec((BN, 128), lambda i: (i, 0)),
            pl.BlockSpec((2, BN, 128), lambda i: (0, i, 0)),
            _wspec((128, 256)), _wspec((1, 256)),
            _wspec((256, 256)), _wspec((1, 256)),
        ],
        out_specs=pl.BlockSpec((2, BN, 128), lambda i: (0, i, 0)),
        out_shape=jax.ShapeDtypeStruct((2, NP, 128), jnp.float32),
    )(x_pad, acc, W1, b1, W2, b2)


def _mlp_mid(h, acc, W3, b3, W4, b4, W5):
    def body(h_ref, a_ref, w3_ref, b3_ref, w4_ref, b4_ref, w5_ref, o_ref):
        g = jnp.concatenate([h_ref[0] + a_ref[0], h_ref[1] + a_ref[1]], axis=1)
        t = jnp.dot(g, w3_ref[...], preferred_element_type=jnp.float32)
        t = jnp.maximum(t + b3_ref[...], 0.0)
        hh = jnp.dot(t, w4_ref[...], preferred_element_type=jnp.float32)
        hh = jnp.maximum(hh + b4_ref[...], 0.0)
        o_ref[...] = jnp.dot(hh, w5_ref[...],
                             preferred_element_type=jnp.float32)

    return pl.pallas_call(
        body,
        grid=(GRID,),
        in_specs=[
            pl.BlockSpec((2, BN, 128), lambda i: (0, i, 0)),
            pl.BlockSpec((2, BN, 128), lambda i: (0, i, 0)),
            _wspec((256, 256)), _wspec((1, 256)),
            _wspec((256, 256)), _wspec((1, 256)),
            _wspec((256, 128)),
        ],
        out_specs=pl.BlockSpec((BN, 128), lambda i: (i, 0)),
        out_shape=jax.ShapeDtypeStruct((NP, 128), jnp.float32),
    )(h, acc, W3, b3, W4, b4, W5)


def _mlp_last(p, acc, b5):
    def body(p_ref, a_ref, b5_ref, o_ref):
        o_ref[...] = p_ref[...] + a_ref[0] + a_ref[1] + b5_ref[...]

    return pl.pallas_call(
        body,
        grid=(GRID,),
        in_specs=[
            pl.BlockSpec((BN, 128), lambda i: (i, 0)),
            pl.BlockSpec((2, BN, 128), lambda i: (0, i, 0)),
            _wspec((1, 128)),
        ],
        out_specs=pl.BlockSpec((BN, 128), lambda i: (i, 0)),
        out_shape=jax.ShapeDtypeStruct((NP, 128), jnp.float32),
    )(p, acc, b5)


def kernel(x, edge_index, W1, b1, W2, b2, W3, b3, W4, b4, W5, b5):
    src = edge_index[0].astype(jnp.int32)
    dst = edge_index[1].astype(jnp.int32)

    e1 = NC * NS * N1 * CH
    sidx1 = jnp.concatenate(
        [src, jnp.zeros((e1 - N_EDGES,), jnp.int32)]).reshape(NC, NS, N1, CH)
    didx1 = jnp.concatenate(
        [dst, jnp.full((e1 - N_EDGES,), N_NODES, jnp.int32)]
    ).reshape(NC, NS, N1, CH)

    e2 = NS * N2 * CH
    s2 = jnp.concatenate(
        [src, jnp.zeros((e2 - N_EDGES,), jnp.int32)]).reshape(1, NS, N2, CH)
    sidx2 = s2 + (jnp.arange(NC, dtype=jnp.int32) * NP).reshape(NC, 1, 1, 1)
    d2 = jnp.concatenate(
        [dst, jnp.full((e2 - N_EDGES,), N_NODES, jnp.int32)]
    ).reshape(1, NS, N2, CH)
    didx2 = jnp.broadcast_to(d2, (NC, NS, N2, CH))

    x_pad = jnp.pad(x, ((0, NP - N_NODES), (0, 0)))
    b1r, b2r, b3r, b4r, b5r = (
        b.reshape(1, -1) for b in (b1, b2, b3, b4, b5))

    acc1 = _sc_agg(N1, x, sidx1, didx1)
    h1 = _mlp_first(x_pad, acc1, W1, b1r, W2, b2r)
    acc2 = _sc_agg(N2, h1.reshape(2 * NP, 128), sidx2, didx2)
    p2 = _mlp_mid(h1, acc2, W3, b3r, W4, b4r, W5)
    acc3 = _sc_agg(N1, p2, sidx1, didx1)
    out = _mlp_last(p2, acc3, b5r)
    return out[:N_NODES]

# --- scband reference (transcript-rebuilt; emitter-appended) ---
"""Pipeline reference for scband-node-gin-6141803233497 (READ-ONLY COPY).

The authoritative reference and input builder live on the scoring server;
editing this copy changes nothing except your own understanding.
"""

import jax, jax.numpy as jnp
import numpy as np

N_NODES = 10000
N_EDGES = 320000
D_IN = 128
D_HID = 256
D_OUT = 128


def setup_inputs(seed: int = 0) -> dict:
    key = jax.random.key(seed)
    ks = jax.random.split(key, 16)
    x = jax.random.normal(ks[0], (N_NODES, D_IN), dtype=jnp.float32)
    edge_index = jax.random.randint(ks[1], (2, N_EDGES), 0, N_NODES, dtype=jnp.int64)
    def lin(k, fan_in, fan_out):
        bound = 1.0 / np.sqrt(fan_in)
        kw, kb = jax.random.split(k)
        W = jax.random.uniform(kw, (fan_in, fan_out), minval=-bound, maxval=bound, dtype=jnp.float32)
        b = jax.random.uniform(kb, (fan_out,), minval=-bound, maxval=bound, dtype=jnp.float32)
        return W, b
    W1, b1 = lin(ks[2], D_IN, D_HID)
    W2, b2 = lin(ks[3], D_HID, D_HID)
    W3, b3 = lin(ks[4], D_HID, D_HID)
    W4, b4 = lin(ks[5], D_HID, D_HID)
    W5, b5 = lin(ks[6], D_HID, D_OUT)
    return {"x": x, "edge_index": edge_index,
            "W1": W1, "b1": b1, "W2": W2, "b2": b2,
            "W3": W3, "b3": b3, "W4": W4, "b4": b4,
            "W5": W5, "b5": b5}


def _gin_aggregate(x, edge_index):
    # GINConv (eps=0): (1+eps)*x + sum_{j in N(i)} x_j
    src = edge_index[0]
    dst = edge_index[1]
    msgs = jnp.take(x, src, axis=0)
    agg = jax.ops.segment_sum(msgs, dst, num_segments=x.shape[0])
    return x + agg


def reference(x, edge_index, W1, b1, W2, b2, W3, b3, W4, b4, W5, b5):
    # conv1: GIN with MLP(Linear->ReLU->Linear), then outer relu
    h = _gin_aggregate(x, edge_index)
    h = jax.nn.relu(h @ W1 + b1) @ W2 + b2
    h = jax.nn.relu(h)
    # conv2: GIN with MLP(Linear->ReLU->Linear), then outer relu
    h = _gin_aggregate(h, edge_index)
    h = jax.nn.relu(h @ W3 + b3) @ W4 + b4
    h = jax.nn.relu(h)
    # conv3 (last): GIN with MLP(Linear)
    h = _gin_aggregate(h, edge_index)
    out = h @ W5 + b5
    return out

if __name__ == "__main__":
    import jax
    _d = setup_inputs()
    print(jax.jit(kernel)(*tuple(_d.values())))

</pallas_src>

<mosaic_0001>
#map = affine_map<(d0, d1) -> (0, 0)>
#map1 = affine_map<(d0, d1) -> (0, 0, 0, 0)>
#map2 = affine_map<(d0, d1) -> (0, 0, 0)>
module attributes {stable_mosaic.version = 14 : i64} {
  func.func @body(%arg0: i32, %arg1: i32, %arg2: memref<10000x128xf32, #tpu.memory_space<hbm>>, %arg3: memref<2x16x80x128xi32, #tpu.memory_space<hbm>>, %arg4: memref<2x16x80x128xi32, #tpu.memory_space<hbm>>, %arg5: memref<2x10240x128xf32, #tpu.memory_space<hbm>>, %arg6: memref<40x128xi32, #tpu.memory_space<vmem>>, %arg7: memref<40x128xi32, #tpu.memory_space<vmem>>, %arg8: memref<2x128x128xf32, #tpu.memory_space<vmem>>, %arg9: memref<10240x128xf32, #tpu.memory_space<vmem_shared>>, %arg10: memref<!tpu.dma_semaphore, #tpu.memory_space<semaphore_mem>>, %arg11: memref<!tpu.dma_semaphore, #tpu.memory_space<semaphore_mem>>, %arg12: memref<!tpu.dma_semaphore, #tpu.memory_space<semaphore_mem>>, %arg13: memref<!tpu.dma_semaphore, #tpu.memory_space<semaphore_mem>>) attributes {dimension_semantics = [#tpu.dimension_semantics<core_parallel>, #tpu.dimension_semantics<subcore_parallel>], iteration_bounds = array<i64: 2, 16>, scalar_prefetch = 0 : i64, scratch_operands = 8 : i64, tpu.core_type = #tpu.core_type<sc_vector_subcore>, window_params = [{transform_indices = #map}, {transform_indices = #map1}, {transform_indices = #map1}, {transform_indices = #map2}]} {
    %scan3A = arith.constant 0 : i32
    %scan3A_0 = arith.constant 0 : i32
    %scan3A_1 = arith.constant 128 : i32
    %scan3A_2 = arith.addi %scan3A_0, %scan3A_1 : i32
    %scan3A_3 = arith.constant 1 : i32
    scf.for %scan3A_95 = %scan3A_0 to %scan3A_2 step %scan3A_3  : i32 {
      %broadcast_in_dim3A = arith.constant 0.000000e+00 : f32
      %broadcast_in_dim3A_96 = vector.broadcast %broadcast_in_dim3A : f32 to vector<16xf32>
      %swap3A = arith.constant 0 : i32
      %swap3A_97 = arith.index_cast %swap3A : i32 to index
      %swap3A_98 = arith.index_cast %scan3A_95 : i32 to index
      %swap3A_99 = arith.constant 0 : index
      %swap3A_100 = tpu.vector_load %arg8[%swap3A_97, %swap3A_98, %swap3A_99] {strides = array<i32>} : memref<2x128x128xf32, #tpu.memory_space<vmem>>, vector<1x1x16xf32>,
      %swap3A_101 = vector.shape_cast %swap3A_100 : vector<1x1x16xf32> to vector<16xf32>
      %swap3A_102 = vector.shape_cast %broadcast_in_dim3A_96 : vector<16xf32> to vector<1x1x16xf32>
      tpu.vector_store %arg8[%swap3A_97, %swap3A_98, %swap3A_99], %swap3A_102 {strides = array<i32>} : memref<2x128x128xf32, #tpu.memory_space<vmem>>, vector<1x1x16xf32>,
      %broadcast_in_dim3A_103 = arith.constant 0.000000e+00 : f32
      %broadcast_in_dim3A_104 = vector.broadcast %broadcast_in_dim3A_103 : f32 to vector<16xf32>
      %swap3A_105 = arith.constant 0 : i32
      %swap3A_106 = arith.index_cast %swap3A_105 : i32 to index
      %swap3A_107 = arith.index_cast %scan3A_95 : i32 to index
      %swap3A_108 = arith.constant 16 : index
      %swap3A_109 = tpu.vector_load %arg8[%swap3A_106, %swap3A_107, %swap3A_108] {strides = array<i32>} : memref<2x128x128xf32, #tpu.memory_space<vmem>>, vector<1x1x16xf32>,
      %swap3A_110 = vector.shape_cast %swap3A_109 : vector<1x1x16xf32> to vector<16xf32>
      %swap3A_111 = vector.shape_cast %broadcast_in_dim3A_104 : vector<16xf32> to vector<1x1x16xf32>
      tpu.vector_store %arg8[%swap3A_106, %swap3A_107, %swap3A_108], %swap3A_111 {strides = array<i32>} : memref<2x128x128xf32, #tpu.memory_space<vmem>>, vector<1x1x16xf32>,
      %broadcast_in_dim3A_112 = arith.constant 0.000000e+00 : f32
      %broadcast_in_dim3A_113 = vector.broadcast %broadcast_in_dim3A_112 : f32 to vector<16xf32>
      %swap3A_114 = arith.constant 0 : i32
      %swap3A_115 = arith.index_cast %swap3A_114 : i32 to index
      %swap3A_116 = arith.index_cast %scan3A_95 : i32 to index
      %swap3A_117 = arith.constant 32 : index
      %swap3A_118 = tpu.vector_load %arg8[%swap3A_115, %swap3A_116, %swap3A_117] {strides = array<i32>} : memref<2x128x128xf32, #tpu.memory_space<vmem>>, vector<1x1x16xf32>,
      %swap3A_119 = vector.shape_cast %swap3A_118 : vector<1x1x16xf32> to vector<16xf32>
      %swap3A_120 = vector.shape_cast %broadcast_in_dim3A_113 : vector<16xf32> to vector<1x1x16xf32>
      tpu.vector_store %arg8[%swap3A_115, %swap3A_116, %swap3A_117], %swap3A_120 {strides = array<i32>} : memref<2x128x128xf32, #tpu.memory_space<vmem>>, vector<1x1x16xf32>,
      %broadcast_in_dim3A_121 = arith.constant 0.000000e+00 : f32
      %broadcast_in_dim3A_122 = vector.broadcast %broadcast_in_dim3A_121 : f32 to vector<16xf32>
      %swap3A_123 = arith.constant 0 : i32
      %swap3A_124 = arith.index_cast %swap3A_123 : i32 to index
      %swap3A_125 = arith.index_cast %scan3A_95 : i32 to index
      %swap3A_126 = arith.constant 48 : index
      %swap3A_127 = tpu.vector_load %arg8[%swap3A_124, %swap3A_125, %swap3A_126] {strides = array<i32>} : memref<2x128x128xf32, #tpu.memory_space<vmem>>, vector<1x1x16xf32>,
      %swap3A_128 = vector.shape_cast %swap3A_127 : vector<1x1x16xf32> to vector<16xf32>
      %swap3A_129 = vector.shape_cast %broadcast_in_dim3A_122 : vector<16xf32> to vector<1x1x16xf32>
      tpu.vector_store %arg8[%swap3A_124, %swap3A_125, %swap3A_126], %swap3A_129 {strides = array<i32>} : memref<2x128x128xf32, #tpu.memory_space<vmem>>, vector<1x1x16xf32>,
      %broadcast_in_dim3A_130 = arith.constant 0.000000e+00 : f32
      %broadcast_in_dim3A_131 = vector.broadcast %broadcast_in_dim3A_130 : f32 to vector<16xf32>
      %swap3A_132 = arith.constant 0 : i32
      %swap3A_133 = arith.index_cast %swap3A_132 : i32 to index
      %swap3A_134 = arith.index_cast %scan3A_95 : i32 to index
      %swap3A_135 = arith.constant 64 : index
      %swap3A_136 = tpu.vector_load %arg8[%swap3A_133, %swap3A_134, %swap3A_135] {strides = array<i32>} : memref<2x128x128xf32, #tpu.memory_space<vmem>>, vector<1x1x16xf32>,
      %swap3A_137 = vector.shape_cast %swap3A_136 : vector<1x1x16xf32> to vector<16xf32>
      %swap3A_138 = vector.shape_cast %broadcast_in_dim3A_131 : vector<16xf32> to vector<1x1x16xf32>
      tpu.vector_store %arg8[%swap3A_133, %swap3A_134, %swap3A_135], %swap3A_138 {strides = array<i32>} : memref<2x128x128xf32, #tpu.memory_space<vmem>>, vector<1x1x16xf32>,
      %broadcast_in_dim3A_139 = arith.constant 0.000000e+00 : f32
      %broadcast_in_dim3A_140 = vector.broadcast %broadcast_in_dim3A_139 : f32 to vector<16xf32>
      %swap3A_141 = arith.constant 0 : i32
      %swap3A_142 = arith.index_cast %swap3A_141 : i32 to index
      %swap3A_143 = arith.index_cast %scan3A_95 : i32 to index
      %swap3A_144 = arith.constant 80 : index
      %swap3A_145 = tpu.vector_load %arg8[%swap3A_142, %swap3A_143, %swap3A_144] {strides = array<i32>} : memref<2x128x128xf32, #tpu.memory_space<vmem>>, vector<1x1x16xf32>,
      %swap3A_146 = vector.shape_cast %swap3A_145 : vector<1x1x16xf32> to vector<16xf32>
      %swap3A_147 = vector.shape_cast %broadcast_in_dim3A_140 : vector<16xf32> to vector<1x1x16xf32>
      tpu.vector_store %arg8[%swap3A_142, %swap3A_143, %swap3A_144], %swap3A_147 {strides = array<i32>} : memref<2x128x128xf32, #tpu.memory_space<vmem>>, vector<1x1x16xf32>,
      %broadcast_in_dim3A_148 = arith.constant 0.000000e+00 : f32
      %broadcast_in_dim3A_149 = vector.broadcast %broadcast_in_dim3A_148 : f32 to vector<16xf32>
      %swap3A_150 = arith.constant 0 : i32
      %swap3A_151 = arith.index_cast %swap3A_150 : i32 to index
      %swap3A_152 = arith.index_cast %scan3A_95 : i32 to index
      %swap3A_153 = arith.constant 96 : index
      %swap3A_154 = tpu.vector_load %arg8[%swap3A_151, %swap3A_152, %swap3A_153] {strides = array<i32>} : memref<2x128x128xf32, #tpu.memory_space<vmem>>, vector<1x1x16xf32>,
      %swap3A_155 = vector.shape_cast %swap3A_154 : vector<1x1x16xf32> to vector<16xf32>
      %swap3A_156 = vector.shape_cast %broadcast_in_dim3A_149 : vector<16xf32> to vector<1x1x16xf32>
      tpu.vector_store %arg8[%swap3A_151, %swap3A_152, %swap3A_153], %swap3A_156 {strides = array<i32>} : memref<2x128x128xf32, #tpu.memory_space<vmem>>, vector<1x1x16xf32>,
      %broadcast_in_dim3A_157 = arith.constant 0.000000e+00 : f32
      %broadcast_in_dim3A_158 = vector.broadcast %broadcast_in_dim3A_157 : f32 to vector<16xf32>
      %swap3A_159 = arith.constant 0 : i32
      %swap3A_160 = arith.index_cast %swap3A_159 : i32 to index
      %swap3A_161 = arith.index_cast %scan3A_95 : i32 to index
      %swap3A_162 = arith.constant 112 : index
      %swap3A_163 = tpu.vector_load %arg8[%swap3A_160, %swap3A_161, %swap3A_162] {strides = array<i32>} : memref<2x128x128xf32, #tpu.memory_space<vmem>>, vector<1x1x16xf32>,
      %swap3A_164 = vector.shape_cast %swap3A_163 : vector<1x1x16xf32> to vector<16xf32>
      %swap3A_165 = vector.shape_cast %broadcast_in_dim3A_158 : vector<16xf32> to vector<1x1x16xf32>
      tpu.vector_store %arg8[%swap3A_160, %swap3A_161, %swap3A_162], %swap3A_165 {strides = array<i32>} : memref<2x128x128xf32, #tpu.memory_space<vmem>>, vector<1x1x16xf32>,
    }
    %scan3A_4 = arith.constant 128 : i32
    %mul3A = arith.constant 640 : i32
    %mul3A_5 = arith.muli %arg1, %mul3A : i32
    %scan3A_6 = arith.constant 0 : i32
    %scan3A_7 = arith.constant 0 : i32
    %scan3A_8 = arith.constant 5 : i32
    %scan3A_9 = arith.addi %scan3A_7, %scan3A_8 : i32
    %scan3A_10 = arith.constant 1 : i32
    scf.for %scan3A_95 = %scan3A_7 to %scan3A_9 step %scan3A_10  : i32 {
      %mul3A_96 = arith.constant 128 : i32
      %mul3A_97 = arith.muli %scan3A_95, %mul3A_96 : i32
      %add3A = arith.addi %mul3A_5, %mul3A_97 : i32
      %run_scoped3A = arith.constant 0 : i32
      "tpu.region"() ({
        %run_scoped3A_98 = tpu.sem_alloc : memref<!tpu.dma_semaphore, #tpu.memory_space<semaphore_mem>>
        %dma_start3A_99 = arith.constant 0 : i32
        %dma_start3A_100 = arith.constant 0 : i32
        %dma_start3A_101 = tpu.memref_slice %arg8[%run_scoped3A, %dma_start3A_99, %dma_start3A_100] : memref<2x128x128xf32, #tpu.memory_space<vmem>> -> memref<1x128x128xf32, #tpu.memory_space<vmem>>
        %dma_start3A_102 = tpu.memref_squeeze %dma_start3A_101 : memref<1x128x128xf32, #tpu.memory_space<vmem>> -> memref<128x128xf32, #tpu.memory_space<vmem>>
        %dma_start3A_103 = arith.constant 0 : i32
        %dma_start3A_104 = tpu.memref_slice %arg9[%add3A, %dma_start3A_103] : memref<10240x128xf32, #tpu.memory_space<vmem_shared>> -> memref<128x128xf32, #tpu.memory_space<vmem_shared>>
        %dma_start3A_105 = arith.constant 0 : i32
        %dma_start3A_106 = tpu.memref_slice %arg9[%add3A, %dma_start3A_105] : memref<10240x128xf32, #tpu.memory_space<vmem_shared>> -> memref<128x128xf32, #tpu.memory_space<vmem_shared>>
        %dma_start3A_107 = arith.constant 0 : i32
        %dma_start3A_108 = arith.constant 0 : i32
        %dma_start3A_109 = tpu.memref_slice %arg8[%run_scoped3A, %dma_start3A_107, %dma_start3A_108] : memref<2x128x128xf32, #tpu.memory_space<vmem>> -> memref<1x128x128xf32, #tpu.memory_space<vmem>>
        %dma_start3A_110 = tpu.memref_squeeze %dma_start3A_109 : memref<1x128x128xf32, #tpu.memory_space<vmem>> -> memref<128x128xf32, #tpu.memory_space<vmem>>
        tpu.enqueue_dma source(%dma_start3A_110 : memref<128x128xf32, #tpu.memory_space<vmem>>) target(%dma_start3A_106 : memref<128x128xf32, #tpu.memory_space<vmem_shared>>) target_semaphore(%run_scoped3A_98 : memref<!tpu.dma_semaphore, #tpu.memory_space<semaphore_mem>>)
        %dma_wait3A_111 = arith.constant 0 : i32
        %dma_wait3A_112 = arith.constant 0 : i32
        %dma_wait3A_113 = tpu.memref_slice %arg8[%run_scoped3A, %dma_wait3A_111, %dma_wait3A_112] : memref<2x128x128xf32, #tpu.memory_space<vmem>> -> memref<1x128x128xf32, #tpu.memory_space<vmem>>
        %dma_wait3A_114 = tpu.memref_squeeze %dma_wait3A_113 : memref<1x128x128xf32, #tpu.memory_space<vmem>> -> memref<128x128xf32, #tpu.memory_space<vmem>>
        %dma_wait3A_115 = arith.constant 0 : i32
        %dma_wait3A_116 = tpu.memref_slice %arg9[%add3A, %dma_wait3A_115] : memref<10240x128xf32, #tpu.memory_space<vmem_shared>> -> memref<128x128xf32, #tpu.memory_space<vmem_shared>>
        %dma_wait3A_117 = arith.constant 0 : i32
        %dma_wait3A_118 = tpu.memref_slice %arg9[%add3A, %dma_wait3A_117] : memref<10240x128xf32, #tpu.memory_space<vmem_shared>> -> memref<128x128xf32, #tpu.memory_space<vmem_shared>>
        %dma_wait3A_119 = arith.constant 0 : i32
        %dma_wait3A_120 = arith.constant 0 : i32
        %dma_wait3A_121 = tpu.memref_slice %arg8[%run_scoped3A, %dma_wait3A_119, %dma_wait3A_120] : memref<2x128x128xf32, #tpu.memory_space<vmem>> -> memref<1x128x128xf32, #tpu.memory_space<vmem>>
        %dma_wait3A_122 = tpu.memref_squeeze %dma_wait3A_121 : memref<1x128x128xf32, #tpu.memory_space<vmem>> -> memref<128x128xf32, #tpu.memory_space<vmem>>
        tpu.wait_dma2 semaphore(%run_scoped3A_98 : memref<!tpu.dma_semaphore, #tpu.memory_space<semaphore_mem>>) src(%dma_wait3A_122 : memref<128x128xf32, #tpu.memory_space<vmem>>) dst(%dma_wait3A_118 : memref<128x128xf32, #tpu.memory_space<vmem_shared>>)
        tpu.yield
      }) : () -> ()
    }
    %scan3A_11 = arith.constant 5 : i32
    %barrier3A = arith.constant 0 : index
    tpu.barrier barrier_id(%barrier3A)
    "tpu.region"() ({
      %run_scoped3A = tpu.sem_alloc : memref<!tpu.dma_semaphore, #tpu.memory_space<semaphore_mem>>
      %dma_start3A_95 = arith.constant 0 : i32
      %dma_start3A_96 = arith.constant 0 : i32
      %dma_start3A_97 = tpu.memref_slice %arg3[%arg0, %arg1, %dma_start3A_95, %dma_start3A_96] : memref<2x16x80x128xi32, #tpu.memory_space<hbm>> -> memref<1x1x40x128xi32, #tpu.memory_space<hbm>>
      %dma_start3A_98 = tpu.memref_squeeze %dma_start3A_97 : memref<1x1x40x128xi32, #tpu.memory_space<hbm>> -> memref<40x128xi32, #tpu.memory_space<hbm>>
      %dma_start3A_99 = arith.constant 0 : i32
      %dma_start3A_100 = arith.constant 0 : i32
      %dma_start3A_101 = tpu.memref_slice %arg3[%arg0, %arg1, %dma_start3A_99, %dma_start3A_100] : memref<2x16x80x128xi32, #tpu.memory_space<hbm>> -> memref<1x1x40x128xi32, #tpu.memory_space<hbm>>
      %dma_start3A_102 = tpu.memref_squeeze %dma_start3A_101 : memref<1x1x40x128xi32, #tpu.memory_space<hbm>> -> memref<40x128xi32, #tpu.memory_space<hbm>>
      tpu.enqueue_dma source(%dma_start3A_102 : memref<40x128xi32, #tpu.memory_space<hbm>>) target(%arg6 : memref<40x128xi32, #tpu.memory_space<vmem>>) target_semaphore(%run_scoped3A : memref<!tpu.dma_semaphore, #tpu.memory_space<semaphore_mem>>)
      %dma_wait3A_103 = arith.constant 0 : i32
      %dma_wait3A_104 = arith.constant 0 : i32
      %dma_wait3A_105 = tpu.memref_slice %arg3[%arg0, %arg1, %dma_wait3A_103, %dma_wait3A_104] : memref<2x16x80x128xi32, #tpu.memory_space<hbm>> -> memref<1x1x40x128xi32, #tpu.memory_space<hbm>>
      %dma_wait3A_106 = tpu.memref_squeeze %dma_wait3A_105 : memref<1x1x40x128xi32, #tpu.memory_space<hbm>> -> memref<40x128xi32, #tpu.memory_space<hbm>>
      %dma_wait3A_107 = arith.constant 0 : i32
      %dma_wait3A_108 = arith.constant 0 : i32
      %dma_wait3A_109 = tpu.memref_slice %arg3[%arg0, %arg1, %dma_wait3A_107, %dma_wait3A_108] : memref<2x16x80x128xi32, #tpu.memory_space<hbm>> -> memref<1x1x40x128xi32, #tpu.memory_space<hbm>>
      %dma_wait3A_110 = tpu.memref_squeeze %dma_wait3A_109 : memref<1x1x40x128xi32, #tpu.memory_space<hbm>> -> memref<40x128xi32, #tpu.memory_space<hbm>>
      tpu.wait_dma2 semaphore(%run_scoped3A : memref<!tpu.dma_semaphore, #tpu.memory_space<semaphore_mem>>) src(%dma_wait3A_110 : memref<40x128xi32, #tpu.memory_space<hbm>>) dst(%arg6 : memref<40x128xi32, #tpu.memory_space<vmem>>)
      tpu.yield
    }) : () -> ()
    "tpu.region"() ({
      %run_scoped3A = tpu.sem_alloc : memref<!tpu.dma_semaphore, #tpu.memory_space<semaphore_mem>>
      %dma_start3A_95 = arith.constant 0 : i32
      %dma_start3A_96 = arith.constant 0 : i32
      %dma_start3A_97 = tpu.memref_slice %arg4[%arg0, %arg1, %dma_start3A_95, %dma_start3A_96] : memref<2x16x80x128xi32, #tpu.memory_space<hbm>> -> memref<1x1x40x128xi32, #tpu.memory_space<hbm>>
      %dma_start3A_98 = tpu.memref_squeeze %dma_start3A_97 : memref<1x1x40x128xi32, #tpu.memory_space<hbm>> -> memref<40x128xi32, #tpu.memory_space<hbm>>
      %dma_start3A_99 = arith.constant 0 : i32
      %dma_start3A_100 = arith.constant 0 : i32
      %dma_start3A_101 = tpu.memref_slice %arg4[%arg0, %arg1, %dma_start3A_99, %dma_start3A_100] : memref<2x16x80x128xi32, #tpu.memory_space<hbm>> -> memref<1x1x40x128xi32, #tpu.memory_space<hbm>>
      %dma_start3A_102 = tpu.memref_squeeze %dma_start3A_101 : memref<1x1x40x128xi32, #tpu.memory_space<hbm>> -> memref<40x128xi32, #tpu.memory_space<hbm>>
      tpu.enqueue_dma source(%dma_start3A_102 : memref<40x128xi32, #tpu.memory_space<hbm>>) target(%arg7 : memref<40x128xi32, #tpu.memory_space<vmem>>) target_semaphore(%run_scoped3A : memref<!tpu.dma_semaphore, #tpu.memory_space<semaphore_mem>>)
      %dma_wait3A_103 = arith.constant 0 : i32
      %dma_wait3A_104 = arith.constant 0 : i32
      %dma_wait3A_105 = tpu.memref_slice %arg4[%arg0, %arg1, %dma_wait3A_103, %dma_wait3A_104] : memref<2x16x80x128xi32, #tpu.memory_space<hbm>> -> memref<1x1x40x128xi32, #tpu.memory_space<hbm>>
      %dma_wait3A_106 = tpu.memref_squeeze %dma_wait3A_105 : memref<1x1x40x128xi32, #tpu.memory_space<hbm>> -> memref<40x128xi32, #tpu.memory_space<hbm>>
      %dma_wait3A_107 = arith.constant 0 : i32
      %dma_wait3A_108 = arith.constant 0 : i32
      %dma_wait3A_109 = tpu.memref_slice %arg4[%arg0, %arg1, %dma_wait3A_107, %dma_wait3A_108] : memref<2x16x80x128xi32, #tpu.memory_space<hbm>> -> memref<1x1x40x128xi32, #tpu.memory_space<hbm>>
      %dma_wait3A_110 = tpu.memref_squeeze %dma_wait3A_109 : memref<1x1x40x128xi32, #tpu.memory_space<hbm>> -> memref<40x128xi32, #tpu.memory_space<hbm>>
      tpu.wait_dma2 semaphore(%run_scoped3A : memref<!tpu.dma_semaphore, #tpu.memory_space<semaphore_mem>>) src(%dma_wait3A_110 : memref<40x128xi32, #tpu.memory_space<hbm>>) dst(%arg7 : memref<40x128xi32, #tpu.memory_space<vmem>>)
      tpu.yield
    }) : () -> ()
    %dma_start3A = arith.constant 0 : i32
    %dma_start3A_12 = arith.constant 0 : i32
    %dma_start3A_13 = arith.constant 0 : i32
    %dma_start3A_14 = arith.constant 0 : i32
    %dma_start3A_15 = tpu.memref_slice %arg8[%dma_start3A_12, %dma_start3A_13, %dma_start3A_14] : memref<2x128x128xf32, #tpu.memory_space<vmem>> -> memref<1x128x128xf32, #tpu.memory_space<vmem>>
    %dma_start3A_16 = tpu.memref_squeeze %dma_start3A_15 : memref<1x128x128xf32, #tpu.memory_space<vmem>> -> memref<128x128xf32, #tpu.memory_space<vmem>>
    %dma_start3A_17 = arith.constant 0 : i32
    %dma_start3A_18 = tpu.memref_slice %arg6[%dma_start3A, %dma_start3A_17] : memref<40x128xi32, #tpu.memory_space<vmem>> -> memref<1x128xi32, #tpu.memory_space<vmem>>
    %dma_start3A_19 = tpu.memref_squeeze %dma_start3A_18 : memref<1x128xi32, #tpu.memory_space<vmem>> -> memref<128xi32, #tpu.memory_space<vmem>>
    %dma_start3A_20 = arith.constant 0 : i32
    %dma_start3A_21 = arith.constant 0 : i32
    %dma_start3A_22 = tpu.memref_slice %arg2[%dma_start3A_20, %dma_start3A_21] : memref<10000x128xf32, #tpu.memory_space<hbm>> -> memref<10000x128xf32, #tpu.memory_space<hbm>>
    tpu.enqueue_indirect_dma source(%dma_start3A_22 : memref<10000x128xf32, #tpu.memory_space<hbm>>) target(%dma_start3A_16 : memref<128x128xf32, #tpu.memory_space<vmem>>) offsets(%dma_start3A_19 : memref<128xi32, #tpu.memory_space<vmem>>) semaphore(%arg10 : memref<!tpu.dma_semaphore, #tpu.memory_space<semaphore_mem>>)
    %dma_start3A_23 = arith.constant 1 : i32
    %dma_start3A_24 = arith.constant 1 : i32
    %dma_start3A_25 = arith.constant 0 : i32
    %dma_start3A_26 = arith.constant 0 : i32
    %dma_start3A_27 = tpu.memref_slice %arg8[%dma_start3A_24, %dma_start3A_25, %dma_start3A_26] : memref<2x128x128xf32, #tpu.memory_space<vmem>> -> memref<1x128x128xf32, #tpu.memory_space<vmem>>
    %dma_start3A_28 = tpu.memref_squeeze %dma_start3A_27 : memref<1x128x128xf32, #tpu.memory_space<vmem>> -> memref<128x128xf32, #tpu.memory_space<vmem>>
    %dma_start3A_29 = arith.constant 0 : i32
    %dma_start3A_30 = tpu.memref_slice %arg6[%dma_start3A_23, %dma_start3A_29] : memref<40x128xi32, #tpu.memory_space<vmem>> -> memref<1x128xi32, #tpu.memory_space<vmem>>
    %dma_start3A_31 = tpu.memref_squeeze %dma_start3A_30 : memref<1x128xi32, #tpu.memory_space<vmem>> -> memref<128xi32, #tpu.memory_space<vmem>>
    %dma_start3A_32 = arith.constant 0 : i32
    %dma_start3A_33 = arith.constant 0 : i32
    %dma_start3A_34 = tpu.memref_slice %arg2[%dma_start3A_32, %dma_start3A_33] : memref<10000x128xf32, #tpu.memory_space<hbm>> -> memref<10000x128xf32, #tpu.memory_space<hbm>>
    tpu.enqueue_indirect_dma source(%dma_start3A_34 : memref<10000x128xf32, #tpu.memory_space<hbm>>) target(%dma_start3A_28 : memref<128x128xf32, #tpu.memory_space<vmem>>) offsets(%dma_start3A_31 : memref<128xi32, #tpu.memory_space<vmem>>) semaphore(%arg11 : memref<!tpu.dma_semaphore, #tpu.memory_space<semaphore_mem>>)
    %scan3A_35 = arith.constant 0 : i32
    %scan3A_36 = arith.constant 0 : i32
    %scan3A_37 = arith.constant 20 : i32
    %scan3A_38 = arith.addi %scan3A_36, %scan3A_37 : i32
    %scan3A_39 = arith.constant 1 : i32
    scf.for %scan3A_95 = %scan3A_36 to %scan3A_38 step %scan3A_39  : i32 {
      %mul3A_96 = arith.constant 2 : i32
      %mul3A_97 = arith.muli %scan3A_95, %mul3A_96 : i32
      %add3A = arith.constant 0 : i32
      %add3A_98 = arith.addi %mul3A_97, %add3A : i32
      %ge3A = arith.constant 1 : i32
      %ge3A_99 = arith.cmpi sge, %add3A_98, %ge3A : i32
      %convert_element_type3A = arith.extui %ge3A_99 : i1 to i32
      %cond3A = arith.constant 0 : i32
      %cond3A_100 = arith.cmpi ne, %convert_element_type3A, %cond3A : i32
      scf.if %cond3A_100 {
        %sub3A_175 = arith.constant 1 : i32
        %sub3A_176 = arith.subi %add3A_98, %sub3A_175 : i32
        %dma_wait3A_177 = arith.constant 1 : i32
        %dma_wait3A_178 = arith.constant 0 : i32
        %dma_wait3A_179 = arith.constant 0 : i32
        %dma_wait3A_180 = tpu.memref_slice %arg8[%dma_wait3A_177, %dma_wait3A_178, %dma_wait3A_179] : memref<2x128x128xf32, #tpu.memory_space<vmem>> -> memref<1x128x128xf32, #tpu.memory_space<vmem>>
        %dma_wait3A_181 = tpu.memref_squeeze %dma_wait3A_180 : memref<1x128x128xf32, #tpu.memory_space<vmem>> -> memref<128x128xf32, #tpu.memory_space<vmem>>
        %dma_wait3A_182 = arith.constant 0 : i32
        %dma_wait3A_183 = tpu.memref_slice %arg7[%sub3A_176, %dma_wait3A_182] : memref<40x128xi32, #tpu.memory_space<vmem>> -> memref<1x128xi32, #tpu.memory_space<vmem>>
        %dma_wait3A_184 = tpu.memref_squeeze %dma_wait3A_183 : memref<1x128xi32, #tpu.memory_space<vmem>> -> memref<128xi32, #tpu.memory_space<vmem>>
        %dma_wait3A_185 = arith.constant 0 : i32
        %dma_wait3A_186 = arith.constant 0 : i32
        %dma_wait3A_187 = tpu.memref_slice %arg9[%dma_wait3A_185, %dma_wait3A_186] : memref<10240x128xf32, #tpu.memory_space<vmem_shared>> -> memref<10240x128xf32, #tpu.memory_space<vmem_shared>>
        tpu.wait_indirect_dma semaphore(%arg13 : memref<!tpu.dma_semaphore, #tpu.memory_space<semaphore_mem>>) src(%dma_wait3A_181 : memref<128x128xf32, #tpu.memory_space<vmem>>) dst(%dma_wait3A_187 : memref<10240x128xf32, #tpu.memory_space<vmem_shared>>)
      } else {
      }
      %ge3A_101 = arith.constant 1 : i32
      %ge3A_102 = arith.cmpi sge, %add3A_98, %ge3A_101 : i32
      %sub3A = arith.constant 1 : i32
      %sub3A_103 = arith.subi %add3A_98, %sub3A : i32
      %add3A_104 = arith.constant 2 : i32
      %add3A_105 = arith.addi %sub3A_103, %add3A_104 : i32
      %lt3A = arith.constant 40 : i32
      %lt3A_106 = arith.cmpi slt, %add3A_105, %lt3A : i32
      %and3A = arith.andi %ge3A_102, %lt3A_106 : i1
      %convert_element_type3A_107 = arith.extui %and3A : i1 to i32
      %cond3A_108 = arith.constant 0 : i32
      %cond3A_109 = arith.cmpi ne, %convert_element_type3A_107, %cond3A_108 : i32
      scf.if %cond3A_109 {
        %sub3A_175 = arith.constant 1 : i32
        %sub3A_176 = arith.subi %add3A_98, %sub3A_175 : i32
        %add3A_177 = arith.constant 2 : i32
        %add3A_178 = arith.addi %sub3A_176, %add3A_177 : i32
        %dma_start3A_179 = arith.constant 1 : i32
        %dma_start3A_180 = arith.constant 0 : i32
        %dma_start3A_181 = arith.constant 0 : i32
        %dma_start3A_182 = tpu.memref_slice %arg8[%dma_start3A_179, %dma_start3A_180, %dma_start3A_181] : memref<2x128x128xf32, #tpu.memory_space<vmem>> -> memref<1x128x128xf32, #tpu.memory_space<vmem>>
        %dma_start3A_183 = tpu.memref_squeeze %dma_start3A_182 : memref<1x128x128xf32, #tpu.memory_space<vmem>> -> memref<128x128xf32, #tpu.memory_space<vmem>>
        %dma_start3A_184 = arith.constant 0 : i32
        %dma_start3A_185 = tpu.memref_slice %arg6[%add3A_178, %dma_start3A_184] : memref<40x128xi32, #tpu.memory_space<vmem>> -> memref<1x128xi32, #tpu.memory_space<vmem>>
        %dma_start3A_186 = tpu.memref_squeeze %dma_start3A_185 : memref<1x128xi32, #tpu.memory_space<vmem>> -> memref<128xi32, #tpu.memory_space<vmem>>
        %dma_start3A_187 = arith.constant 0 : i32
        %dma_start3A_188 = arith.constant 0 : i32
        %dma_start3A_189 = tpu.memref_slice %arg2[%dma_start3A_187, %dma_start3A_188] : memref<10000x128xf32, #tpu.memory_space<hbm>> -> memref<10000x128xf32, #tpu.memory_space<hbm>>
        tpu.enqueue_indirect_dma source(%dma_start3A_189 : memref<10000x128xf32, #tpu.memory_space<hbm>>) target(%dma_start3A_183 : memref<128x128xf32, #tpu.memory_space<vmem>>) offsets(%dma_start3A_186 : memref<128xi32, #tpu.memory_space<vmem>>) semaphore(%arg11 : memref<!tpu.dma_semaphore, #tpu.memory_space<semaphore_mem>>)
      } else {
      }
      %dma_wait3A_110 = arith.constant 0 : i32
      %dma_wait3A_111 = arith.constant 0 : i32
      %dma_wait3A_112 = arith.constant 0 : i32
      %dma_wait3A_113 = tpu.memref_slice %arg8[%dma_wait3A_110, %dma_wait3A_111, %dma_wait3A_112] : memref<2x128x128xf32, #tpu.memory_space<vmem>> -> memref<1x128x128xf32, #tpu.memory_space<vmem>>
      %dma_wait3A_114 = tpu.memref_squeeze %dma_wait3A_113 : memref<1x128x128xf32, #tpu.memory_space<vmem>> -> memref<128x128xf32, #tpu.memory_space<vmem>>
      %dma_wait3A_115 = arith.constant 0 : i32
      %dma_wait3A_116 = tpu.memref_slice %arg6[%add3A_98, %dma_wait3A_115] : memref<40x128xi32, #tpu.memory_space<vmem>> -> memref<1x128xi32, #tpu.memory_space<vmem>>
      %dma_wait3A_117 = tpu.memref_squeeze %dma_wait3A_116 : memref<1x128xi32, #tpu.memory_space<vmem>> -> memref<128xi32, #tpu.memory_space<vmem>>
      %dma_wait3A_118 = arith.constant 0 : i32
      %dma_wait3A_119 = arith.constant 0 : i32
      %dma_wait3A_120 = tpu.memref_slice %arg2[%dma_wait3A_118, %dma_wait3A_119] : memref<10000x128xf32, #tpu.memory_space<hbm>> -> memref<10000x128xf32, #tpu.memory_space<hbm>>
      tpu.wait_indirect_dma semaphore(%arg10 : memref<!tpu.dma_semaphore, #tpu.memory_space<semaphore_mem>>) src(%dma_wait3A_120 : memref<10000x128xf32, #tpu.memory_space<hbm>>) dst(%dma_wait3A_114 : memref<128x128xf32, #tpu.memory_space<vmem>>)
      %dma_start3A_121 = arith.constant 0 : i32
      %dma_start3A_122 = arith.constant 0 : i32
      %dma_start3A_123 = arith.constant 0 : i32
      %dma_start3A_124 = tpu.memref_slice %arg8[%dma_start3A_121, %dma_start3A_122, %dma_start3A_123] : memref<2x128x128xf32, #tpu.memory_space<vmem>> -> memref<1x128x128xf32, #tpu.memory_space<vmem>>
      %dma_start3A_125 = tpu.memref_squeeze %dma_start3A_124 : memref<1x128x128xf32, #tpu.memory_space<vmem>> -> memref<128x128xf32, #tpu.memory_space<vmem>>
      %dma_start3A_126 = arith.constant 0 : i32
      %dma_start3A_127 = tpu.memref_slice %arg7[%add3A_98, %dma_start3A_126] : memref<40x128xi32, #tpu.memory_space<vmem>> -> memref<1x128xi32, #tpu.memory_space<vmem>>
      %dma_start3A_128 = tpu.memref_squeeze %dma_start3A_127 : memref<1x128xi32, #tpu.memory_space<vmem>> -> memref<128xi32, #tpu.memory_space<vmem>>
      %dma_start3A_129 = arith.constant 0 : i32
      %dma_start3A_130 = arith.constant 0 : i32
      %dma_start3A_131 = tpu.memref_slice %arg9[%dma_start3A_129, %dma_start3A_130] : memref<10240x128xf32, #tpu.memory_space<vmem_shared>> -> memref<10240x128xf32, #tpu.memory_space<vmem_shared>>
      tpu.enqueue_indirect_dma source(%dma_start3A_125 : memref<128x128xf32, #tpu.memory_space<vmem>>) target(%dma_start3A_131 : memref<10240x128xf32, #tpu.memory_space<vmem_shared>>) offsets(%dma_start3A_128 : memref<128xi32, #tpu.memory_space<vmem>>) semaphore(%arg12 : memref<!tpu.dma_semaphore, #tpu.memory_space<semaphore_mem>>) {add = true}
      %mul3A_132 = arith.constant 2 : i32
      %mul3A_133 = arith.muli %scan3A_95, %mul3A_132 : i32
      %add3A_134 = arith.constant 1 : i32
      %add3A_135 = arith.addi %mul3A_133, %add3A_134 : i32
      %ge3A_136 = arith.constant 1 : i32
      %ge3A_137 = arith.cmpi sge, %add3A_135, %ge3A_136 : i32
      %convert_element_type3A_138 = arith.extui %ge3A_137 : i1 to i32
      %cond3A_139 = arith.constant 0 : i32
      %cond3A_140 = arith.cmpi ne, %convert_element_type3A_138, %cond3A_139 : i32
      scf.if %cond3A_140 {
        %sub3A_175 = arith.constant 1 : i32
        %sub3A_176 = arith.subi %add3A_135, %sub3A_175 : i32
        %dma_wait3A_177 = arith.constant 0 : i32
        %dma_wait3A_178 = arith.constant 0 : i32
        %dma_wait3A_179 = arith.constant 0 : i32
        %dma_wait3A_180 = tpu.memref_slice %arg8[%dma_wait3A_177, %dma_wait3A_178, %dma_wait3A_179] : memref<2x128x128xf32, #tpu.memory_space<vmem>> -> memref<1x128x128xf32, #tpu.memory_space<vmem>>
        %dma_wait3A_181 = tpu.memref_squeeze %dma_wait3A_180 : memref<1x128x128xf32, #tpu.memory_space<vmem>> -> memref<128x128xf32, #tpu.memory_space<vmem>>
        %dma_wait3A_182 = arith.constant 0 : i32
        %dma_wait3A_183 = tpu.memref_slice %arg7[%sub3A_176, %dma_wait3A_182] : memref<40x128xi32, #tpu.memory_space<vmem>> -> memref<1x128xi32, #tpu.memory_space<vmem>>
        %dma_wait3A_184 = tpu.memref_squeeze %dma_wait3A_183 : memref<1x128xi32, #tpu.memory_space<vmem>> -> memref<128xi32, #tpu.memory_space<vmem>>
        %dma_wait3A_185 = arith.constant 0 : i32
        %dma_wait3A_186 = arith.constant 0 : i32
        %dma_wait3A_187 = tpu.memref_slice %arg9[%dma_wait3A_185, %dma_wait3A_186] : memref<10240x128xf32, #tpu.memory_space<vmem_shared>> -> memref<10240x128xf32, #tpu.memory_space<vmem_shared>>
        tpu.wait_indirect_dma semaphore(%arg12 : memref<!tpu.dma_semaphore, #tpu.memory_space<semaphore_mem>>) src(%dma_wait3A_181 : memref<128x128xf32, #tpu.memory_space<vmem>>) dst(%dma_wait3A_187 : memref<10240x128xf32, #tpu.memory_space<vmem_shared>>)
      } else {
      }
      %ge3A_141 = arith.constant 1 : i32
      %ge3A_142 = arith.cmpi sge, %add3A_135, %ge3A_141 : i32
      %sub3A_143 = arith.constant 1 : i32
      %sub3A_144 = arith.subi %add3A_135, %sub3A_143 : i32
      %add3A_145 = arith.constant 2 : i32
      %add3A_146 = arith.addi %sub3A_144, %add3A_145 : i32
      %lt3A_147 = arith.constant 40 : i32
      %lt3A_148 = arith.cmpi slt, %add3A_146, %lt3A_147 : i32
      %and3A_149 = arith.andi %ge3A_142, %lt3A_148 : i1
      %convert_element_type3A_150 = arith.extui %and3A_149 : i1 to i32
      %cond3A_151 = arith.constant 0 : i32
      %cond3A_152 = arith.cmpi ne, %convert_element_type3A_150, %cond3A_151 : i32
      scf.if %cond3A_152 {
        %sub3A_175 = arith.constant 1 : i32
        %sub3A_176 = arith.subi %add3A_135, %sub3A_175 : i32
        %add3A_177 = arith.constant 2 : i32
        %add3A_178 = arith.addi %sub3A_176, %add3A_177 : i32
        %dma_start3A_179 = arith.constant 0 : i32
        %dma_start3A_180 = arith.constant 0 : i32
        %dma_start3A_181 = arith.constant 0 : i32
        %dma_start3A_182 = tpu.memref_slice %arg8[%dma_start3A_179, %dma_start3A_180, %dma_start3A_181] : memref<2x128x128xf32, #tpu.memory_space<vmem>> -> memref<1x128x128xf32, #tpu.memory_space<vmem>>
        %dma_start3A_183 = tpu.memref_squeeze %dma_start3A_182 : memref<1x128x128xf32, #tpu.memory_space<vmem>> -> memref<128x128xf32, #tpu.memory_space<vmem>>
        %dma_start3A_184 = arith.constant 0 : i32
        %dma_start3A_185 = tpu.memref_slice %arg6[%add3A_178, %dma_start3A_184] : memref<40x128xi32, #tpu.memory_space<vmem>> -> memref<1x128xi32, #tpu.memory_space<vmem>>
        %dma_start3A_186 = tpu.memref_squeeze %dma_start3A_185 : memref<1x128xi32, #tpu.memory_space<vmem>> -> memref<128xi32, #tpu.memory_space<vmem>>
        %dma_start3A_187 = arith.constant 0 : i32
        %dma_start3A_188 = arith.constant 0 : i32
        %dma_start3A_189 = tpu.memref_slice %arg2[%dma_start3A_187, %dma_start3A_188] : memref<10000x128xf32, #tpu.memory_space<hbm>> -> memref<10000x128xf32, #tpu.memory_space<hbm>>
        tpu.enqueue_indirect_dma source(%dma_start3A_189 : memref<10000x128xf32, #tpu.memory_space<hbm>>) target(%dma_start3A_183 : memref<128x128xf32, #tpu.memory_space<vmem>>) offsets(%dma_start3A_186 : memref<128xi32, #tpu.memory_space<vmem>>) semaphore(%arg10 : memref<!tpu.dma_semaphore, #tpu.memory_space<semaphore_mem>>)
      } else {
      }
      %dma_wait3A_153 = arith.constant 1 : i32
      %dma_wait3A_154 = arith.constant 0 : i32
      %dma_wait3A_155 = arith.constant 0 : i32
      %dma_wait3A_156 = tpu.memref_slice %arg8[%dma_wait3A_153, %dma_wait3A_154, %dma_wait3A_155] : memref<2x128x128xf32, #tpu.memory_space<vmem>> -> memref<1x128x128xf32, #tpu.memory_space<vmem>>
      %dma_wait3A_157 = tpu.memref_squeeze %dma_wait3A_156 : memref<1x128x128xf32, #tpu.memory_space<vmem>> -> memref<128x128xf32, #tpu.memory_space<vmem>>
      %dma_wait3A_158 = arith.constant 0 : i32
      %dma_wait3A_159 = tpu.memref_slice %arg6[%add3A_135, %dma_wait3A_158] : memref<40x128xi32, #tpu.memory_space<vmem>> -> memref<1x128xi32, #tpu.memory_space<vmem>>
      %dma_wait3A_160 = tpu.memref_squeeze %dma_wait3A_159 : memref<1x128xi32, #tpu.memory_space<vmem>> -> memref<128xi32, #tpu.memory_space<vmem>>
      %dma_wait3A_161 = arith.constant 0 : i32
      %dma_wait3A_162 = arith.constant 0 : i32
      %dma_wait3A_163 = tpu.memref_slice %arg2[%dma_wait3A_161, %dma_wait3A_162] : memref<10000x128xf32, #tpu.memory_space<hbm>> -> memref<10000x128xf32, #tpu.memory_space<hbm>>
      tpu.wait_indirect_dma semaphore(%arg11 : memref<!tpu.dma_semaphore, #tpu.memory_space<semaphore_mem>>) src(%dma_wait3A_163 : memref<10000x128xf32, #tpu.memory_space<hbm>>) dst(%dma_wait3A_157 : memref<128x128xf32, #tpu.memory_space<vmem>>)
      %dma_start3A_164 = arith.constant 1 : i32
      %dma_start3A_165 = arith.constant 0 : i32
      %dma_start3A_166 = arith.constant 0 : i32
      %dma_start3A_167 = tpu.memref_slice %arg8[%dma_start3A_164, %dma_start3A_165, %dma_start3A_166] : memref<2x128x128xf32, #tpu.memory_space<vmem>> -> memref<1x128x128xf32, #tpu.memory_space<vmem>>
      %dma_start3A_168 = tpu.memref_squeeze %dma_start3A_167 : memref<1x128x128xf32, #tpu.memory_space<vmem>> -> memref<128x128xf32, #tpu.memory_space<vmem>>
      %dma_start3A_169 = arith.constant 0 : i32
      %dma_start3A_170 = tpu.memref_slice %arg7[%add3A_135, %dma_start3A_169] : memref<40x128xi32, #tpu.memory_space<vmem>> -> memref<1x128xi32, #tpu.memory_space<vmem>>
      %dma_start3A_171 = tpu.memref_squeeze %dma_start3A_170 : memref<1x128xi32, #tpu.memory_space<vmem>> -> memref<128xi32, #tpu.memory_space<vmem>>
      %dma_start3A_172 = arith.constant 0 : i32
      %dma_start3A_173 = arith.constant 0 : i32
      %dma_start3A_174 = tpu.memref_slice %arg9[%dma_start3A_172, %dma_start3A_173] : memref<10240x128xf32, #tpu.memory_space<vmem_shared>> -> memref<10240x128xf32, #tpu.memory_space<vmem_shared>>
      tpu.enqueue_indirect_dma source(%dma_start3A_168 : memref<128x128xf32, #tpu.memory_space<vmem>>) target(%dma_start3A_174 : memref<10240x128xf32, #tpu.memory_space<vmem_shared>>) offsets(%dma_start3A_171 : memref<128xi32, #tpu.memory_space<vmem>>) semaphore(%arg13 : memref<!tpu.dma_semaphore, #tpu.memory_space<semaphore_mem>>) {add = true}
    }
    %scan3A_40 = arith.constant 20 : i32
    %dma_wait3A = arith.constant 1 : i32
    %dma_wait3A_41 = arith.constant 39 : i32
    %dma_wait3A_42 = arith.constant 0 : i32
    %dma_wait3A_43 = arith.constant 0 : i32
    %dma_wait3A_44 = tpu.memref_slice %arg8[%dma_wait3A, %dma_wait3A_42, %dma_wait3A_43] : memref<2x128x128xf32, #tpu.memory_space<vmem>> -> memref<1x128x128xf32, #tpu.memory_space<vmem>>
    %dma_wait3A_45 = tpu.memref_squeeze %dma_wait3A_44 : memref<1x128x128xf32, #tpu.memory_space<vmem>> -> memref<128x128xf32, #tpu.memory_space<vmem>>
    %dma_wait3A_46 = arith.constant 0 : i32
    %dma_wait3A_47 = tpu.memref_slice %arg7[%dma_wait3A_41, %dma_wait3A_46] : memref<40x128xi32, #tpu.memory_space<vmem>> -> memref<1x128xi32, #tpu.memory_space<vmem>>
    %dma_wait3A_48 = tpu.memref_squeeze %dma_wait3A_47 : memref<1x128xi32, #tpu.memory_space<vmem>> -> memref<128xi32, #tpu.memory_space<vmem>>
    %dma_wait3A_49 = arith.constant 0 : i32
    %dma_wait3A_50 = arith.constant 0 : i32
    %dma_wait3A_51 = tpu.memref_slice %arg9[%dma_wait3A_49, %dma_wait3A_50] : memref<10240x128xf32, #tpu.memory_space<vmem_shared>> -> memref<10240x128xf32, #tpu.memory_space<vmem_shared>>
    tpu.wait_indirect_dma semaphore(%arg13 : memref<!tpu.dma_semaphore, #tpu.memory_space<semaphore_mem>>) src(%dma_wait3A_45 : memref<128x128xf32, #tpu.memory_space<vmem>>) dst(%dma_wait3A_51 : memref<10240x128xf32, #tpu.memory_space<vmem_shared>>)
    "tpu.region"() ({
      %run_scoped3A = tpu.sem_alloc : memref<!tpu.dma_semaphore, #tpu.memory_space<semaphore_mem>>
      %dma_start3A_95 = arith.constant 40 : i32
      %dma_start3A_96 = arith.constant 0 : i32
      %dma_start3A_97 = tpu.memref_slice %arg3[%arg0, %arg1, %dma_start3A_95, %dma_start3A_96] : memref<2x16x80x128xi32, #tpu.memory_space<hbm>> -> memref<1x1x40x128xi32, #tpu.memory_space<hbm>>
      %dma_start3A_98 = tpu.memref_squeeze %dma_start3A_97 : memref<1x1x40x128xi32, #tpu.memory_space<hbm>> -> memref<40x128xi32, #tpu.memory_space<hbm>>
      %dma_start3A_99 = arith.constant 40 : i32
      %dma_start3A_100 = arith.constant 0 : i32
      %dma_start3A_101 = tpu.memref_slice %arg3[%arg0, %arg1, %dma_start3A_99, %dma_start3A_100] : memref<2x16x80x128xi32, #tpu.memory_space<hbm>> -> memref<1x1x40x128xi32, #tpu.memory_space<hbm>>
      %dma_start3A_102 = tpu.memref_squeeze %dma_start3A_101 : memref<1x1x40x128xi32, #tpu.memory_space<hbm>> -> memref<40x128xi32, #tpu.memory_space<hbm>>
      tpu.enqueue_dma source(%dma_start3A_102 : memref<40x128xi32, #tpu.memory_space<hbm>>) target(%arg6 : memref<40x128xi32, #tpu.memory_space<vmem>>) target_semaphore(%run_scoped3A : memref<!tpu.dma_semaphore, #tpu.memory_space<semaphore_mem>>)
      %dma_wait3A_103 = arith.constant 40 : i32
      %dma_wait3A_104 = arith.constant 0 : i32
      %dma_wait3A_105 = tpu.memref_slice %arg3[%arg0, %arg1, %dma_wait3A_103, %dma_wait3A_104] : memref<2x16x80x128xi32, #tpu.memory_space<hbm>> -> memref<1x1x40x128xi32, #tpu.memory_space<hbm>>
      %dma_wait3A_106 = tpu.memref_squeeze %dma_wait3A_105 : memref<1x1x40x128xi32, #tpu.memory_space<hbm>> -> memref<40x128xi32, #tpu.memory_space<hbm>>
      %dma_wait3A_107 = arith.constant 40 : i32
      %dma_wait3A_108 = arith.constant 0 : i32
      %dma_wait3A_109 = tpu.memref_slice %arg3[%arg0, %arg1, %dma_wait3A_107, %dma_wait3A_108] : memref<2x16x80x128xi32, #tpu.memory_space<hbm>> -> memref<1x1x40x128xi32, #tpu.memory_space<hbm>>
      %dma_wait3A_110 = tpu.memref_squeeze %dma_wait3A_109 : memref<1x1x40x128xi32, #tpu.memory_space<hbm>> -> memref<40x128xi32, #tpu.memory_space<hbm>>
      tpu.wait_dma2 semaphore(%run_scoped3A : memref<!tpu.dma_semaphore, #tpu.memory_space<semaphore_mem>>) src(%dma_wait3A_110 : memref<40x128xi32, #tpu.memory_space<hbm>>) dst(%arg6 : memref<40x128xi32, #tpu.memory_space<vmem>>)
      tpu.yield
    }) : () -> ()
    "tpu.region"() ({
      %run_scoped3A = tpu.sem_alloc : memref<!tpu.dma_semaphore, #tpu.memory_space<semaphore_mem>>
      %dma_start3A_95 = arith.constant 40 : i32
      %dma_start3A_96 = arith.constant 0 : i32
      %dma_start3A_97 = tpu.memref_slice %arg4[%arg0, %arg1, %dma_start3A_95, %dma_start3A_96] : memref<2x16x80x128xi32, #tpu.memory_space<hbm>> -> memref<1x1x40x128xi32, #tpu.memory_space<hbm>>
      %dma_start3A_98 = tpu.memref_squeeze %dma_start3A_97 : memref<1x1x40x128xi32, #tpu.memory_space<hbm>> -> memref<40x128xi32, #tpu.memory_space<hbm>>
      %dma_start3A_99 = arith.constant 40 : i32
      %dma_start3A_100 = arith.constant 0 : i32
      %dma_start3A_101 = tpu.memref_slice %arg4[%arg0, %arg1, %dma_start3A_99, %dma_start3A_100] : memref<2x16x80x128xi32, #tpu.memory_space<hbm>> -> memref<1x1x40x128xi32, #tpu.memory_space<hbm>>
      %dma_start3A_102 = tpu.memref_squeeze %dma_start3A_101 : memref<1x1x40x128xi32, #tpu.memory_space<hbm>> -> memref<40x128xi32, #tpu.memory_space<hbm>>
      tpu.enqueue_dma source(%dma_start3A_102 : memref<40x128xi32, #tpu.memory_space<hbm>>) target(%arg7 : memref<40x128xi32, #tpu.memory_space<vmem>>) target_semaphore(%run_scoped3A : memref<!tpu.dma_semaphore, #tpu.memory_space<semaphore_mem>>)
      %dma_wait3A_103 = arith.constant 40 : i32
      %dma_wait3A_104 = arith.constant 0 : i32
      %dma_wait3A_105 = tpu.memref_slice %arg4[%arg0, %arg1, %dma_wait3A_103, %dma_wait3A_104] : memref<2x16x80x128xi32, #tpu.memory_space<hbm>> -> memref<1x1x40x128xi32, #tpu.memory_space<hbm>>
      %dma_wait3A_106 = tpu.memref_squeeze %dma_wait3A_105 : memref<1x1x40x128xi32, #tpu.memory_space<hbm>> -> memref<40x128xi32, #tpu.memory_space<hbm>>
      %dma_wait3A_107 = arith.constant 40 : i32
      %dma_wait3A_108 = arith.constant 0 : i32
      %dma_wait3A_109 = tpu.memref_slice %arg4[%arg0, %arg1, %dma_wait3A_107, %dma_wait3A_108] : memref<2x16x80x128xi32, #tpu.memory_space<hbm>> -> memref<1x1x40x128xi32, #tpu.memory_space<hbm>>
      %dma_wait3A_110 = tpu.memref_squeeze %dma_wait3A_109 : memref<1x1x40x128xi32, #tpu.memory_space<hbm>> -> memref<40x128xi32, #tpu.memory_space<hbm>>
      tpu.wait_dma2 semaphore(%run_scoped3A : memref<!tpu.dma_semaphore, #tpu.memory_space<semaphore_mem>>) src(%dma_wait3A_110 : memref<40x128xi32, #tpu.memory_space<hbm>>) dst(%arg7 : memref<40x128xi32, #tpu.memory_space<vmem>>)
      tpu.yield
    }) : () -> ()
    %dma_start3A_52 = arith.constant 0 : i32
    %dma_start3A_53 = arith.constant 0 : i32
    %dma_start3A_54 = arith.constant 0 : i32
    %dma_start3A_55 = arith.constant 0 : i32
    %dma_start3A_56 = tpu.memref_slice %arg8[%dma_start3A_53, %dma_start3A_54, %dma_start3A_55] : memref<2x128x128xf32, #tpu.memory_space<vmem>> -> memref<1x128x128xf32, #tpu.memory_space<vmem>>
    %dma_start3A_57 = tpu.memref_squeeze %dma_start3A_56 : memref<1x128x128xf32, #tpu.memory_space<vmem>> -> memref<128x128xf32, #tpu.memory_space<vmem>>
    %dma_start3A_58 = arith.constant 0 : i32
    %dma_start3A_59 = tpu.memref_slice %arg6[%dma_start3A_52, %dma_start3A_58] : memref<40x128xi32, #tpu.memory_space<vmem>> -> memref<1x128xi32, #tpu.memory_space<vmem>>
    %dma_start3A_60 = tpu.memref_squeeze %dma_start3A_59 : memref<1x128xi32, #tpu.memory_space<vmem>> -> memref<128xi32, #tpu.memory_space<vmem>>
    %dma_start3A_61 = arith.constant 0 : i32
    %dma_start3A_62 = arith.constant 0 : i32
    %dma_start3A_63 = tpu.memref_slice %arg2[%dma_start3A_61, %dma_start3A_62] : memref<10000x128xf32, #tpu.memory_space<hbm>> -> memref<10000x128xf32, #tpu.memory_space<hbm>>
    tpu.enqueue_indirect_dma source(%dma_start3A_63 : memref<10000x128xf32, #tpu.memory_space<hbm>>) target(%dma_start3A_57 : memref<128x128xf32, #tpu.memory_space<vmem>>) offsets(%dma_start3A_60 : memref<128xi32, #tpu.memory_space<vmem>>) semaphore(%arg10 : memref<!tpu.dma_semaphore, #tpu.memory_space<semaphore_mem>>)
    %dma_start3A_64 = arith.constant 1 : i32
    %dma_start3A_65 = arith.constant 1 : i32
    %dma_start3A_66 = arith.constant 0 : i32
    %dma_start3A_67 = arith.constant 0 : i32
    %dma_start3A_68 = tpu.memref_slice %arg8[%dma_start3A_65, %dma_start3A_66, %dma_start3A_67] : memref<2x128x128xf32, #tpu.memory_space<vmem>> -> memref<1x128x128xf32, #tpu.memory_space<vmem>>
    %dma_start3A_69 = tpu.memref_squeeze %dma_start3A_68 : memref<1x128x128xf32, #tpu.memory_space<vmem>> -> memref<128x128xf32, #tpu.memory_space<vmem>>
    %dma_start3A_70 = arith.constant 0 : i32
    %dma_start3A_71 = tpu.memref_slice %arg6[%dma_start3A_64, %dma_start3A_70] : memref<40x128xi32, #tpu.memory_space<vmem>> -> memref<1x128xi32, #tpu.memory_space<vmem>>
    %dma_start3A_72 = tpu.memref_squeeze %dma_start3A_71 : memref<1x128xi32, #tpu.memory_space<vmem>> -> memref<128xi32, #tpu.memory_space<vmem>>
    %dma_start3A_73 = arith.constant 0 : i32
    %dma_start3A_74 = arith.constant 0 : i32
    %dma_start3A_75 = tpu.memref_slice %arg2[%dma_start3A_73, %dma_start3A_74] : memref<10000x128xf32, #tpu.memory_space<hbm>> -> memref<10000x128xf32, #tpu.memory_space<hbm>>
    tpu.enqueue_indirect_dma source(%dma_start3A_75 : memref<10000x128xf32, #tpu.memory_space<hbm>>) target(%dma_start3A_69 : memref<128x128xf32, #tpu.memory_space<vmem>>) offsets(%dma_start3A_72 : memref<128xi32, #tpu.memory_space<vmem>>) semaphore(%arg11 : memref<!tpu.dma_semaphore, #tpu.memory_space<semaphore_mem>>)
    %scan3A_76 = arith.constant 0 : i32
    %scan3A_77 = arith.constant 0 : i32
    %scan3A_78 = arith.constant 20 : i32
    %scan3A_79 = arith.addi %scan3A_77, %scan3A_78 : i32
    %scan3A_80 = arith.constant 1 : i32
    scf.for %scan3A_95 = %scan3A_77 to %scan3A_79 step %scan3A_80  : i32 {
      %mul3A_96 = arith.constant 2 : i32
      %mul3A_97 = arith.muli %scan3A_95, %mul3A_96 : i32
      %add3A = arith.constant 0 : i32
      %add3A_98 = arith.addi %mul3A_97, %add3A : i32
      %ge3A = arith.constant 1 : i32
      %ge3A_99 = arith.cmpi sge, %add3A_98, %ge3A : i32
      %convert_element_type3A = arith.extui %ge3A_99 : i1 to i32
      %cond3A = arith.constant 0 : i32
      %cond3A_100 = arith.cmpi ne, %convert_element_type3A, %cond3A : i32
      scf.if %cond3A_100 {
        %sub3A_175 = arith.constant 1 : i32
        %sub3A_176 = arith.subi %add3A_98, %sub3A_175 : i32
        %dma_wait3A_177 = arith.constant 1 : i32
        %dma_wait3A_178 = arith.constant 0 : i32
        %dma_wait3A_179 = arith.constant 0 : i32
        %dma_wait3A_180 = tpu.memref_slice %arg8[%dma_wait3A_177, %dma_wait3A_178, %dma_wait3A_179] : memref<2x128x128xf32, #tpu.memory_space<vmem>> -> memref<1x128x128xf32, #tpu.memory_space<vmem>>
        %dma_wait3A_181 = tpu.memref_squeeze %dma_wait3A_180 : memref<1x128x128xf32, #tpu.memory_space<vmem>> -> memref<128x128xf32, #tpu.memory_space<vmem>>
        %dma_wait3A_182 = arith.constant 0 : i32
        %dma_wait3A_183 = tpu.memref_slice %arg7[%sub3A_176, %dma_wait3A_182] : memref<40x128xi32, #tpu.memory_space<vmem>> -> memref<1x128xi32, #tpu.memory_space<vmem>>
        %dma_wait3A_184 = tpu.memref_squeeze %dma_wait3A_183 : memref<1x128xi32, #tpu.memory_space<vmem>> -> memref<128xi32, #tpu.memory_space<vmem>>
        %dma_wait3A_185 = arith.constant 0 : i32
        %dma_wait3A_186 = arith.constant 0 : i32
        %dma_wait3A_187 = tpu.memref_slice %arg9[%dma_wait3A_185, %dma_wait3A_186] : memref<10240x128xf32, #tpu.memory_space<vmem_shared>> -> memref<10240x128xf32, #tpu.memory_space<vmem_shared>>
        tpu.wait_indirect_dma semaphore(%arg13 : memref<!tpu.dma_semaphore, #tpu.memory_space<semaphore_mem>>) src(%dma_wait3A_181 : memref<128x128xf32, #tpu.memory_space<vmem>>) dst(%dma_wait3A_187 : memref<10240x128xf32, #tpu.memory_space<vmem_shared>>)
      } else {
      }
      %ge3A_101 = arith.constant 1 : i32
      %ge3A_102 = arith.cmpi sge, %add3A_98, %ge3A_101 : i32
      %sub3A = arith.constant 1 : i32
      %sub3A_103 = arith.subi %add3A_98, %sub3A : i32
      %add3A_104 = arith.constant 2 : i32
      %add3A_105 = arith.addi %sub3A_103, %add3A_104 : i32
      %lt3A = arith.constant 40 : i32
      %lt3A_106 = arith.cmpi slt, %add3A_105, %lt3A : i32
      %and3A = arith.andi %ge3A_102, %lt3A_106 : i1
      %convert_element_type3A_107 = arith.extui %and3A : i1 to i32
      %cond3A_108 = arith.constant 0 : i32
      %cond3A_109 = arith.cmpi ne, %convert_element_type3A_107, %cond3A_108 : i32
      scf.if %cond3A_109 {
        %sub3A_175 = arith.constant 1 : i32
        %sub3A_176 = arith.subi %add3A_98, %sub3A_175 : i32
        %add3A_177 = arith.constant 2 : i32
        %add3A_178 = arith.addi %sub3A_176, %add3A_177 : i32
        %dma_start3A_179 = arith.constant 1 : i32
        %dma_start3A_180 = arith.constant 0 : i32
        %dma_start3A_181 = arith.constant 0 : i32
        %dma_start3A_182 = tpu.memref_slice %arg8[%dma_start3A_179, %dma_start3A_180, %dma_start3A_181] : memref<2x128x128xf32, #tpu.memory_space<vmem>> -> memref<1x128x128xf32, #tpu.memory_space<vmem>>
        %dma_start3A_183 = tpu.memref_squeeze %dma_start3A_182 : memref<1x128x128xf32, #tpu.memory_space<vmem>> -> memref<128x128xf32, #tpu.memory_space<vmem>>
        %dma_start3A_184 = arith.constant 0 : i32
        %dma_start3A_185 = tpu.memref_slice %arg6[%add3A_178, %dma_start3A_184] : memref<40x128xi32, #tpu.memory_space<vmem>> -> memref<1x128xi32, #tpu.memory_space<vmem>>
        %dma_start3A_186 = tpu.memref_squeeze %dma_start3A_185 : memref<1x128xi32, #tpu.memory_space<vmem>> -> memref<128xi32, #tpu.memory_space<vmem>>
        %dma_start3A_187 = arith.constant 0 : i32
        %dma_start3A_188 = arith.constant 0 : i32
        %dma_start3A_189 = tpu.memref_slice %arg2[%dma_start3A_187, %dma_start3A_188] : memref<10000x128xf32, #tpu.memory_space<hbm>> -> memref<10000x128xf32, #tpu.memory_space<hbm>>
        tpu.enqueue_indirect_dma source(%dma_start3A_189 : memref<10000x128xf32, #tpu.memory_space<hbm>>) target(%dma_start3A_183 : memref<128x128xf32, #tpu.memory_space<vmem>>) offsets(%dma_start3A_186 : memref<128xi32, #tpu.memory_space<vmem>>) semaphore(%arg11 : memref<!tpu.dma_semaphore, #tpu.memory_space<semaphore_mem>>)
      } else {
      }
      %dma_wait3A_110 = arith.constant 0 : i32
      %dma_wait3A_111 = arith.constant 0 : i32
      %dma_wait3A_112 = arith.constant 0 : i32
      %dma_wait3A_113 = tpu.memref_slice %arg8[%dma_wait3A_110, %dma_wait3A_111, %dma_wait3A_112] : memref<2x128x128xf32, #tpu.memory_space<vmem>> -> memref<1x128x128xf32, #tpu.memory_space<vmem>>
      %dma_wait3A_114 = tpu.memref_squeeze %dma_wait3A_113 : memref<1x128x128xf32, #tpu.memory_space<vmem>> -> memref<128x128xf32, #tpu.memory_space<vmem>>
      %dma_wait3A_115 = arith.constant 0 : i32
      %dma_wait3A_116 = tpu.memref_slice %arg6[%add3A_98, %dma_wait3A_115] : memref<40x128xi32, #tpu.memory_space<vmem>> -> memref<1x128xi32, #tpu.memory_space<vmem>>
      %dma_wait3A_117 = tpu.memref_squeeze %dma_wait3A_116 : memref<1x128xi32, #tpu.memory_space<vmem>> -> memref<128xi32, #tpu.memory_space<vmem>>
      %dma_wait3A_118 = arith.constant 0 : i32
      %dma_wait3A_119 = arith.constant 0 : i32
      %dma_wait3A_120 = tpu.memref_slice %arg2[%dma_wait3A_118, %dma_wait3A_119] : memref<10000x128xf32, #tpu.memory_space<hbm>> -> memref<10000x128xf32, #tpu.memory_space<hbm>>
      tpu.wait_indirect_dma semaphore(%arg10 : memref<!tpu.dma_semaphore, #tpu.memory_space<semaphore_mem>>) src(%dma_wait3A_120 : memref<10000x128xf32, #tpu.memory_space<hbm>>) dst(%dma_wait3A_114 : memref<128x128xf32, #tpu.memory_space<vmem>>)
      %dma_start3A_121 = arith.constant 0 : i32
      %dma_start3A_122 = arith.constant 0 : i32
      %dma_start3A_123 = arith.constant 0 : i32
      %dma_start3A_124 = tpu.memref_slice %arg8[%dma_start3A_121, %dma_start3A_122, %dma_start3A_123] : memref<2x128x128xf32, #tpu.memory_space<vmem>> -> memref<1x128x128xf32, #tpu.memory_space<vmem>>
      %dma_start3A_125 = tpu.memref_squeeze %dma_start3A_124 : memref<1x128x128xf32, #tpu.memory_space<vmem>> -> memref<128x128xf32, #tpu.memory_space<vmem>>
      %dma_start3A_126 = arith.constant 0 : i32
      %dma_start3A_127 = tpu.memref_slice %arg7[%add3A_98, %dma_start3A_126] : memref<40x128xi32, #tpu.memory_space<vmem>> -> memref<1x128xi32, #tpu.memory_space<vmem>>
      %dma_start3A_128 = tpu.memref_squeeze %dma_start3A_127 : memref<1x128xi32, #tpu.memory_space<vmem>> -> memref<128xi32, #tpu.memory_space<vmem>>
      %dma_start3A_129 = arith.constant 0 : i32
      %dma_start3A_130 = arith.constant 0 : i32
      %dma_start3A_131 = tpu.memref_slice %arg9[%dma_start3A_129, %dma_start3A_130] : memref<10240x128xf32, #tpu.memory_space<vmem_shared>> -> memref<10240x128xf32, #tpu.memory_space<vmem_shared>>
      tpu.enqueue_indirect_dma source(%dma_start3A_125 : memref<128x128xf32, #tpu.memory_space<vmem>>) target(%dma_start3A_131 : memref<10240x128xf32, #tpu.memory_space<vmem_shared>>) offsets(%dma_start3A_128 : memref<128xi32, #tpu.memory_space<vmem>>) semaphore(%arg12 : memref<!tpu.dma_semaphore, #tpu.memory_space<semaphore_mem>>) {add = true}
      %mul3A_132 = arith.constant 2 : i32
      %mul3A_133 = arith.muli %scan3A_95, %mul3A_132 : i32
      %add3A_134 = arith.constant 1 : i32
      %add3A_135 = arith.addi %mul3A_133, %add3A_134 : i32
      %ge3A_136 = arith.constant 1 : i32
      %ge3A_137 = arith.cmpi sge, %add3A_135, %ge3A_136 : i32
      %convert_element_type3A_138 = arith.extui %ge3A_137 : i1 to i32
      %cond3A_139 = arith.constant 0 : i32
      %cond3A_140 = arith.cmpi ne, %convert_element_type3A_138, %cond3A_139 : i32
      scf.if %cond3A_140 {
        %sub3A_175 = arith.constant 1 : i32
        %sub3A_176 = arith.subi %add3A_135, %sub3A_175 : i32
        %dma_wait3A_177 = arith.constant 0 : i32
        %dma_wait3A_178 = arith.constant 0 : i32
        %dma_wait3A_179 = arith.constant 0 : i32
        %dma_wait3A_180 = tpu.memref_slice %arg8[%dma_wait3A_177, %dma_wait3A_178, %dma_wait3A_179] : memref<2x128x128xf32, #tpu.memory_space<vmem>> -> memref<1x128x128xf32, #tpu.memory_space<vmem>>
        %dma_wait3A_181 = tpu.memref_squeeze %dma_wait3A_180 : memref<1x128x128xf32, #tpu.memory_space<vmem>> -> memref<128x128xf32, #tpu.memory_space<vmem>>
        %dma_wait3A_182 = arith.constant 0 : i32
        %dma_wait3A_183 = tpu.memref_slice %arg7[%sub3A_176, %dma_wait3A_182] : memref<40x128xi32, #tpu.memory_space<vmem>> -> memref<1x128xi32, #tpu.memory_space<vmem>>
        %dma_wait3A_184 = tpu.memref_squeeze %dma_wait3A_183 : memref<1x128xi32, #tpu.memory_space<vmem>> -> memref<128xi32, #tpu.memory_space<vmem>>
        %dma_wait3A_185 = arith.constant 0 : i32
        %dma_wait3A_186 = arith.constant 0 : i32
        %dma_wait3A_187 = tpu.memref_slice %arg9[%dma_wait3A_185, %dma_wait3A_186] : memref<10240x128xf32, #tpu.memory_space<vmem_shared>> -> memref<10240x128xf32, #tpu.memory_space<vmem_shared>>
        tpu.wait_indirect_dma semaphore(%arg12 : memref<!tpu.dma_semaphore, #tpu.memory_space<semaphore_mem>>) src(%dma_wait3A_181 : memref<128x128xf32, #tpu.memory_space<vmem>>) dst(%dma_wait3A_187 : memref<10240x128xf32, #tpu.memory_space<vmem_shared>>)
      } else {
      }
      %ge3A_141 = arith.constant 1 : i32
      %ge3A_142 = arith.cmpi sge, %add3A_135, %ge3A_141 : i32
      %sub3A_143 = arith.constant 1 : i32
      %sub3A_144 = arith.subi %add3A_135, %sub3A_143 : i32
      %add3A_145 = arith.constant 2 : i32
      %add3A_146 = arith.addi %sub3A_144, %add3A_145 : i32
      %lt3A_147 = arith.constant 40 : i32
      %lt3A_148 = arith.cmpi slt, %add3A_146, %lt3A_147 : i32
      %and3A_149 = arith.andi %ge3A_142, %lt3A_148 : i1
      %convert_element_type3A_150 = arith.extui %and3A_149 : i1 to i32
      %cond3A_151 = arith.constant 0 : i32
      %cond3A_152 = arith.cmpi ne, %convert_element_type3A_150, %cond3A_151 : i32
      scf.if %cond3A_152 {
        %sub3A_175 = arith.constant 1 : i32
        %sub3A_176 = arith.subi %add3A_135, %sub3A_175 : i32
        %add3A_177 = arith.constant 2 : i32
        %add3A_178 = arith.addi %sub3A_176, %add3A_177 : i32
        %dma_start3A_179 = arith.constant 0 : i32
        %dma_start3A_180 = arith.constant 0 : i32
        %dma_start3A_181 = arith.constant 0 : i32
        %dma_start3A_182 = tpu.memref_slice %arg8[%dma_start3A_179, %dma_start3A_180, %dma_start3A_181] : memref<2x128x128xf32, #tpu.memory_space<vmem>> -> memref<1x128x128xf32, #tpu.memory_space<vmem>>
        %dma_start3A_183 = tpu.memref_squeeze %dma_start3A_182 : memref<1x128x128xf32, #tpu.memory_space<vmem>> -> memref<128x128xf32, #tpu.memory_space<vmem>>
        %dma_start3A_184 = arith.constant 0 : i32
        %dma_start3A_185 = tpu.memref_slice %arg6[%add3A_178, %dma_start3A_184] : memref<40x128xi32, #tpu.memory_space<vmem>> -> memref<1x128xi32, #tpu.memory_space<vmem>>
        %dma_start3A_186 = tpu.memref_squeeze %dma_start3A_185 : memref<1x128xi32, #tpu.memory_space<vmem>> -> memref<128xi32, #tpu.memory_space<vmem>>
        %dma_start3A_187 = arith.constant 0 : i32
        %dma_start3A_188 = arith.constant 0 : i32
        %dma_start3A_189 = tpu.memref_slice %arg2[%dma_start3A_187, %dma_start3A_188] : memref<10000x128xf32, #tpu.memory_space<hbm>> -> memref<10000x128xf32, #tpu.memory_space<hbm>>
        tpu.enqueue_indirect_dma source(%dma_start3A_189 : memref<10000x128xf32, #tpu.memory_space<hbm>>) target(%dma_start3A_183 : memref<128x128xf32, #tpu.memory_space<vmem>>) offsets(%dma_start3A_186 : memref<128xi32, #tpu.memory_space<vmem>>) semaphore(%arg10 : memref<!tpu.dma_semaphore, #tpu.memory_space<semaphore_mem>>)
      } else {
      }
      %dma_wait3A_153 = arith.constant 1 : i32
      %dma_wait3A_154 = arith.constant 0 : i32
      %dma_wait3A_155 = arith.constant 0 : i32
      %dma_wait3A_156 = tpu.memref_slice %arg8[%dma_wait3A_153, %dma_wait3A_154, %dma_wait3A_155] : memref<2x128x128xf32, #tpu.memory_space<vmem>> -> memref<1x128x128xf32, #tpu.memory_space<vmem>>
      %dma_wait3A_157 = tpu.memref_squeeze %dma_wait3A_156 : memref<1x128x128xf32, #tpu.memory_space<vmem>> -> memref<128x128xf32, #tpu.memory_space<vmem>>
      %dma_wait3A_158 = arith.constant 0 : i32
      %dma_wait3A_159 = tpu.memref_slice %arg6[%add3A_135, %dma_wait3A_158] : memref<40x128xi32, #tpu.memory_space<vmem>> -> memref<1x128xi32, #tpu.memory_space<vmem>>
      %dma_wait3A_160 = tpu.memref_squeeze %dma_wait3A_159 : memref<1x128xi32, #tpu.memory_space<vmem>> -> memref<128xi32, #tpu.memory_space<vmem>>
      %dma_wait3A_161 = arith.constant 0 : i32
      %dma_wait3A_162 = arith.constant 0 : i32
      %dma_wait3A_163 = tpu.memref_slice %arg2[%dma_wait3A_161, %dma_wait3A_162] : memref<10000x128xf32, #tpu.memory_space<hbm>> -> memref<10000x128xf32, #tpu.memory_space<hbm>>
      tpu.wait_indirect_dma semaphore(%arg11 : memref<!tpu.dma_semaphore, #tpu.memory_space<semaphore_mem>>) src(%dma_wait3A_163 : memref<10000x128xf32, #tpu.memory_space<hbm>>) dst(%dma_wait3A_157 : memref<128x128xf32, #tpu.memory_space<vmem>>)
      %dma_start3A_164 = arith.constant 1 : i32
      %dma_start3A_165 = arith.constant 0 : i32
      %dma_start3A_166 = arith.constant 0 : i32
      %dma_start3A_167 = tpu.memref_slice %arg8[%dma_start3A_164, %dma_start3A_165, %dma_start3A_166] : memref<2x128x128xf32, #tpu.memory_space<vmem>> -> memref<1x128x128xf32, #tpu.memory_space<vmem>>
      %dma_start3A_168 = tpu.memref_squeeze %dma_start3A_167 : memref<1x128x128xf32, #tpu.memory_space<vmem>> -> memref<128x128xf32, #tpu.memory_space<vmem>>
      %dma_start3A_169 = arith.constant 0 : i32
      %dma_start3A_170 = tpu.memref_slice %arg7[%add3A_135, %dma_start3A_169] : memref<40x128xi32, #tpu.memory_space<vmem>> -> memref<1x128xi32, #tpu.memory_space<vmem>>
      %dma_start3A_171 = tpu.memref_squeeze %dma_start3A_170 : memref<1x128xi32, #tpu.memory_space<vmem>> -> memref<128xi32, #tpu.memory_space<vmem>>
      %dma_start3A_172 = arith.constant 0 : i32
      %dma_start3A_173 = arith.constant 0 : i32
      %dma_start3A_174 = tpu.memref_slice %arg9[%dma_start3A_172, %dma_start3A_173] : memref<10240x128xf32, #tpu.memory_space<vmem_shared>> -> memref<10240x128xf32, #tpu.memory_space<vmem_shared>>
      tpu.enqueue_indirect_dma source(%dma_start3A_168 : memref<128x128xf32, #tpu.memory_space<vmem>>) target(%dma_start3A_174 : memref<10240x128xf32, #tpu.memory_space<vmem_shared>>) offsets(%dma_start3A_171 : memref<128xi32, #tpu.memory_space<vmem>>) semaphore(%arg13 : memref<!tpu.dma_semaphore, #tpu.memory_space<semaphore_mem>>) {add = true}
    }
    %scan3A_81 = arith.constant 20 : i32
    %dma_wait3A_82 = arith.constant 1 : i32
    %dma_wait3A_83 = arith.constant 39 : i32
    %dma_wait3A_84 = arith.constant 0 : i32
    %dma_wait3A_85 = arith.constant 0 : i32
    %dma_wait3A_86 = tpu.memref_slice %arg8[%dma_wait3A_82, %dma_wait3A_84, %dma_wait3A_85] : memref<2x128x128xf32, #tpu.memory_space<vmem>> -> memref<1x128x128xf32, #tpu.memory_space<vmem>>
    %dma_wait3A_87 = tpu.memref_squeeze %dma_wait3A_86 : memref<1x128x128xf32, #tpu.memory_space<vmem>> -> memref<128x128xf32, #tpu.memory_space<vmem>>
    %dma_wait3A_88 = arith.constant 0 : i32
    %dma_wait3A_89 = tpu.memref_slice %arg7[%dma_wait3A_83, %dma_wait3A_88] : memref<40x128xi32, #tpu.memory_space<vmem>> -> memref<1x128xi32, #tpu.memory_space<vmem>>
    %dma_wait3A_90 = tpu.memref_squeeze %dma_wait3A_89 : memref<1x128xi32, #tpu.memory_space<vmem>> -> memref<128xi32, #tpu.memory_space<vmem>>
    %dma_wait3A_91 = arith.constant 0 : i32
    %dma_wait3A_92 = arith.constant 0 : i32
    %dma_wait3A_93 = tpu.memref_slice %arg9[%dma_wait3A_91, %dma_wait3A_92] : memref<10240x128xf32, #tpu.memory_space<vmem_shared>> -> memref<10240x128xf32, #tpu.memory_space<vmem_shared>>
    tpu.wait_indirect_dma semaphore(%arg13 : memref<!tpu.dma_semaphore, #tpu.memory_space<semaphore_mem>>) src(%dma_wait3A_87 : memref<128x128xf32, #tpu.memory_space<vmem>>) dst(%dma_wait3A_93 : memref<10240x128xf32, #tpu.memory_space<vmem_shared>>)
    %barrier3A_94 = arith.constant 0 : index
    tpu.barrier barrier_id(%barrier3A_94)
    "tpu.region"() ({
      %run_scoped3A = tpu.sem_alloc : memref<!tpu.dma_semaphore, #tpu.memory_space<semaphore_mem>>
      %dma_start3A_95 = arith.constant 0 : i32
      %dma_start3A_96 = tpu.memref_slice %arg5[%arg0, %mul3A_5, %dma_start3A_95] : memref<2x10240x128xf32, #tpu.memory_space<hbm>> -> memref<1x640x128xf32, #tpu.memory_space<hbm>>
      %dma_start3A_97 = tpu.memref_squeeze %dma_start3A_96 : memref<1x640x128xf32, #tpu.memory_space<hbm>> -> memref<640x128xf32, #tpu.memory_space<hbm>>
      %dma_start3A_98 = arith.constant 0 : i32
      %dma_start3A_99 = tpu.memref_slice %arg9[%mul3A_5, %dma_start3A_98] : memref<10240x128xf32, #tpu.memory_space<vmem_shared>> -> memref<640x128xf32, #tpu.memory_space<vmem_shared>>
      tpu.enqueue_dma source(%dma_start3A_99 : memref<640x128xf32, #tpu.memory_space<vmem_shared>>) target(%dma_start3A_97 : memref<640x128xf32, #tpu.memory_space<hbm>>) target_semaphore(%run_scoped3A : memref<!tpu.dma_semaphore, #tpu.memory_space<semaphore_mem>>)
      %dma_wait3A_100 = arith.constant 0 : i32
      %dma_wait3A_101 = tpu.memref_slice %arg5[%arg0, %mul3A_5, %dma_wait3A_100] : memref<2x10240x128xf32, #tpu.memory_space<hbm>> -> memref<1x640x128xf32, #tpu.memory_space<hbm>>
      %dma_wait3A_102 = tpu.memref_squeeze %dma_wait3A_101 : memref<1x640x128xf32, #tpu.memory_space<hbm>> -> memref<640x128xf32, #tpu.memory_space<hbm>>
      %dma_wait3A_103 = arith.constant 0 : i32
      %dma_wait3A_104 = tpu.memref_slice %arg9[%mul3A_5, %dma_wait3A_103] : memref<10240x128xf32, #tpu.memory_space<vmem_shared>> -> memref<640x128xf32, #tpu.memory_space<vmem_shared>>
      tpu.wait_dma2 semaphore(%run_scoped3A : memref<!tpu.dma_semaphore, #tpu.memory_space<semaphore_mem>>) src(%dma_wait3A_104 : memref<640x128xf32, #tpu.memory_space<vmem_shared>>) dst(%dma_wait3A_102 : memref<640x128xf32, #tpu.memory_space<hbm>>)
      tpu.yield
    }) : () -> ()
    return
  }
}

#map = affine_map<(d0, d1) -> (0, 0)>
#map1 = affine_map<(d0, d1) -> (0, 0, 0, 0)>
#map2 = affine_map<(d0, d1) -> (0, 0, 0)>
module attributes {stable_mosaic.version = 14 : i64} {
  func.func @body(%arg0: i32, %arg1: i32, %arg2: memref<10240x128xf32, #tpu.memory_space<hbm>>, %arg3: memref<2x16x80x128xi32, #tpu.memory_space<hbm>>, %arg4: memref<2x16x80x128xi32, #tpu.memory_space<hbm>>, %arg5: memref<2x10240x128xf32, #tpu.memory_space<hbm>>, %arg6: memref<40x128xi32, #tpu.memory_space<vmem>>, %arg7: memref<40x128xi32, #tpu.memory_space<vmem>>, %arg8: memref<2x128x128xf32, #tpu.memory_space<vmem>>, %arg9: memref<10240x128xf32, #tpu.memory_space<vmem_shared>>, %arg10: memref<!tpu.dma_semaphore, #tpu.memory_space<semaphore_mem>>, %arg11: memref<!tpu.dma_semaphore, #tpu.memory_space<semaphore_mem>>, %arg12: memref<!tpu.dma_semaphore, #tpu.memory_space<semaphore_mem>>, %arg13: memref<!tpu.dma_semaphore, #tpu.memory_space<semaphore_mem>>) attributes {dimension_semantics = [#tpu.dimension_semantics<core_parallel>, #tpu.dimension_semantics<subcore_parallel>], iteration_bounds = array<i64: 2, 16>, scalar_prefetch = 0 : i64, scratch_operands = 8 : i64, tpu.core_type = #tpu.core_type<sc_vector_subcore>, window_params = [{transform_indices = #map}, {transform_indices = #map1}, {transform_indices = #map1}, {transform_indices = #map2}]} {
    %scan3A = arith.constant 0 : i32
    %scan3A_0 = arith.constant 0 : i32
    %scan3A_1 = arith.constant 128 : i32
    %scan3A_2 = arith.addi %scan3A_0, %scan3A_1 : i32
    %scan3A_3 = arith.constant 1 : i32
    scf.for %scan3A_95 = %scan3A_0 to %scan3A_2 step %scan3A_3  : i32 {
      %broadcast_in_dim3A = arith.constant 0.000000e+00 : f32
      %broadcast_in_dim3A_96 = vector.broadcast %broadcast_in_dim3A : f32 to vector<16xf32>
      %swap3A = arith.constant 0 : i32
      %swap3A_97 = arith.index_cast %swap3A : i32 to index
      %swap3A_98 = arith.index_cast %scan3A_95 : i32 to index
      %swap3A_99 = arith.constant 0 : index
      %swap3A_100 = tpu.vector_load %arg8[%swap3A_97, %swap3A_98, %swap3A_99] {strides = array<i32>} : memref<2x128x128xf32, #tpu.memory_space<vmem>>, vector<1x1x16xf32>,
      %swap3A_101 = vector.shape_cast %swap3A_100 : vector<1x1x16xf32> to vector<16xf32>
      %swap3A_102 = vector.shape_cast %broadcast_in_dim3A_96 : vector<16xf32> to vector<1x1x16xf32>
      tpu.vector_store %arg8[%swap3A_97, %swap3A_98, %swap3A_99], %swap3A_102 {strides = array<i32>} : memref<2x128x128xf32, #tpu.memory_space<vmem>>, vector<1x1x16xf32>,
      %broadcast_in_dim3A_103 = arith.constant 0.000000e+00 : f32
      %broadcast_in_dim3A_104 = vector.broadcast %broadcast_in_dim3A_103 : f32 to vector<16xf32>
      %swap3A_105 = arith.constant 0 : i32
      %swap3A_106 = arith.index_cast %swap3A_105 : i32 to index
      %swap3A_107 = arith.index_cast %scan3A_95 : i32 to index
      %swap3A_108 = arith.constant 16 : index
      %swap3A_109 = tpu.vector_load %arg8[%swap3A_106, %swap3A_107, %swap3A_108] {strides = array<i32>} : memref<2x128x128xf32, #tpu.memory_space<vmem>>, vector<1x1x16xf32>,
      %swap3A_110 = vector.shape_cast %swap3A_109 : vector<1x1x16xf32> to vector<16xf32>
      %swap3A_111 = vector.shape_cast %broadcast_in_dim3A_104 : vector<16xf32> to vector<1x1x16xf32>
      tpu.vector_store %arg8[%swap3A_106, %swap3A_107, %swap3A_108], %swap3A_111 {strides = array<i32>} : memref<2x128x128xf32, #tpu.memory_space<vmem>>, vector<1x1x16xf32>,
      %broadcast_in_dim3A_112 = arith.constant 0.000000e+00 : f32
      %broadcast_in_dim3A_113 = vector.broadcast %broadcast_in_dim3A_112 : f32 to vector<16xf32>
      %swap3A_114 = arith.constant 0 : i32
      %swap3A_115 = arith.index_cast %swap3A_114 : i32 to index
      %swap3A_116 = arith.index_cast %scan3A_95 : i32 to index
      %swap3A_117 = arith.constant 32 : index
      %swap3A_118 = tpu.vector_load %arg8[%swap3A_115, %swap3A_116, %swap3A_117] {strides = array<i32>} : memref<2x128x128xf32, #tpu.memory_space<vmem>>, vector<1x1x16xf32>,
      %swap3A_119 = vector.shape_cast %swap3A_118 : vector<1x1x16xf32> to vector<16xf32>
      %swap3A_120 = vector.shape_cast %broadcast_in_dim3A_113 : vector<16xf32> to vector<1x1x16xf32>
      tpu.vector_store %arg8[%swap3A_115, %swap3A_116, %swap3A_117], %swap3A_120 {strides = array<i32>} : memref<2x128x128xf32, #tpu.memory_space<vmem>>, vector<1x1x16xf32>,
      %broadcast_in_dim3A_121 = arith.constant 0.000000e+00 : f32
      %broadcast_in_dim3A_122 = vector.broadcast %broadcast_in_dim3A_121 : f32 to vector<16xf32>
      %swap3A_123 = arith.constant 0 : i32
      %swap3A_124 = arith.index_cast %swap3A_123 : i32 to index
      %swap3A_125 = arith.index_cast %scan3A_95 : i32 to index
      %swap3A_126 = arith.constant 48 : index
      %swap3A_127 = tpu.vector_load %arg8[%swap3A_124, %swap3A_125, %swap3A_126] {strides = array<i32>} : memref<2x128x128xf32, #tpu.memory_space<vmem>>, vector<1x1x16xf32>,
      %swap3A_128 = vector.shape_cast %swap3A_127 : vector<1x1x16xf32> to vector<16xf32>
      %swap3A_129 = vector.shape_cast %broadcast_in_dim3A_122 : vector<16xf32> to vector<1x1x16xf32>
      tpu.vector_store %arg8[%swap3A_124, %swap3A_125, %swap3A_126], %swap3A_129 {strides = array<i32>} : memref<2x128x128xf32, #tpu.memory_space<vmem>>, vector<1x1x16xf32>,
      %broadcast_in_dim3A_130 = arith.constant 0.000000e+00 : f32
      %broadcast_in_dim3A_131 = vector.broadcast %broadcast_in_dim3A_130 : f32 to vector<16xf32>
      %swap3A_132 = arith.constant 0 : i32
      %swap3A_133 = arith.index_cast %swap3A_132 : i32 to index
      %swap3A_134 = arith.index_cast %scan3A_95 : i32 to index
      %swap3A_135 = arith.constant 64 : index
      %swap3A_136 = tpu.vector_load %arg8[%swap3A_133, %swap3A_134, %swap3A_135] {strides = array<i32>} : memref<2x128x128xf32, #tpu.memory_space<vmem>>, vector<1x1x16xf32>,
      %swap3A_137 = vector.shape_cast %swap3A_136 : vector<1x1x16xf32> to vector<16xf32>
      %swap3A_138 = vector.shape_cast %broadcast_in_dim3A_131 : vector<16xf32> to vector<1x1x16xf32>
      tpu.vector_store %arg8[%swap3A_133, %swap3A_134, %swap3A_135], %swap3A_138 {strides = array<i32>} : memref<2x128x128xf32, #tpu.memory_space<vmem>>, vector<1x1x16xf32>,
      %broadcast_in_dim3A_139 = arith.constant 0.000000e+00 : f32
      %broadcast_in_dim3A_140 = vector.broadcast %broadcast_in_dim3A_139 : f32 to vector<16xf32>
      %swap3A_141 = arith.constant 0 : i32
      %swap3A_142 = arith.index_cast %swap3A_141 : i32 to index
      %swap3A_143 = arith.index_cast %scan3A_95 : i32 to index
      %swap3A_144 = arith.constant 80 : index
      %swap3A_145 = tpu.vector_load %arg8[%swap3A_142, %swap3A_143, %swap3A_144] {strides = array<i32>} : memref<2x128x128xf32, #tpu.memory_space<vmem>>, vector<1x1x16xf32>,
      %swap3A_146 = vector.shape_cast %swap3A_145 : vector<1x1x16xf32> to vector<16xf32>
      %swap3A_147 = vector.shape_cast %broadcast_in_dim3A_140 : vector<16xf32> to vector<1x1x16xf32>
      tpu.vector_store %arg8[%swap3A_142, %swap3A_143, %swap3A_144], %swap3A_147 {strides = array<i32>} : memref<2x128x128xf32, #tpu.memory_space<vmem>>, vector<1x1x16xf32>,
      %broadcast_in_dim3A_148 = arith.constant 0.000000e+00 : f32
      %broadcast_in_dim3A_149 = vector.broadcast %broadcast_in_dim3A_148 : f32 to vector<16xf32>
      %swap3A_150 = arith.constant 0 : i32
      %swap3A_151 = arith.index_cast %swap3A_150 : i32 to index
      %swap3A_152 = arith.index_cast %scan3A_95 : i32 to index
      %swap3A_153 = arith.constant 96 : index
      %swap3A_154 = tpu.vector_load %arg8[%swap3A_151, %swap3A_152, %swap3A_153] {strides = array<i32>} : memref<2x128x128xf32, #tpu.memory_space<vmem>>, vector<1x1x16xf32>,
      %swap3A_155 = vector.shape_cast %swap3A_154 : vector<1x1x16xf32> to vector<16xf32>
      %swap3A_156 = vector.shape_cast %broadcast_in_dim3A_149 : vector<16xf32> to vector<1x1x16xf32>
      tpu.vector_store %arg8[%swap3A_151, %swap3A_152, %swap3A_153], %swap3A_156 {strides = array<i32>} : memref<2x128x128xf32, #tpu.memory_space<vmem>>, vector<1x1x16xf32>,
      %broadcast_in_dim3A_157 = arith.constant 0.000000e+00 : f32
      %broadcast_in_dim3A_158 = vector.broadcast %broadcast_in_dim3A_157 : f32 to vector<16xf32>
      %swap3A_159 = arith.constant 0 : i32
      %swap3A_160 = arith.index_cast %swap3A_159 : i32 to index
      %swap3A_161 = arith.index_cast %scan3A_95 : i32 to index
      %swap3A_162 = arith.constant 112 : index
      %swap3A_163 = tpu.vector_load %arg8[%swap3A_160, %swap3A_161, %swap3A_162] {strides = array<i32>} : memref<2x128x128xf32, #tpu.memory_space<vmem>>, vector<1x1x16xf32>,
      %swap3A_164 = vector.shape_cast %swap3A_163 : vector<1x1x16xf32> to vector<16xf32>
      %swap3A_165 = vector.shape_cast %broadcast_in_dim3A_158 : vector<16xf32> to vector<1x1x16xf32>
      tpu.vector_store %arg8[%swap3A_160, %swap3A_161, %swap3A_162], %swap3A_165 {strides = array<i32>} : memref<2x128x128xf32, #tpu.memory_space<vmem>>, vector<1x1x16xf32>,
    }
    %scan3A_4 = arith.constant 128 : i32
    %mul3A = arith.constant 640 : i32
    %mul3A_5 = arith.muli %arg1, %mul3A : i32
    %scan3A_6 = arith.constant 0 : i32
    %scan3A_7 = arith.constant 0 : i32
    %scan3A_8 = arith.constant 5 : i32
    %scan3A_9 = arith.addi %scan3A_7, %scan3A_8 : i32
    %scan3A_10 = arith.constant 1 : i32
    scf.for %scan3A_95 = %scan3A_7 to %scan3A_9 step %scan3A_10  : i32 {
      %mul3A_96 = arith.constant 128 : i32
      %mul3A_97 = arith.muli %scan3A_95, %mul3A_96 : i32
      %add3A = arith.addi %mul3A_5, %mul3A_97 : i32
      %run_scoped3A = arith.constant 0 : i32
      "tpu.region"() ({
        %run_scoped3A_98 = tpu.sem_alloc : memref<!tpu.dma_semaphore, #tpu.memory_space<semaphore_mem>>
        %dma_start3A_99 = arith.constant 0 : i32
        %dma_start3A_100 = arith.constant 0 : i32
        %dma_start3A_101 = tpu.memref_slice %arg8[%run_scoped3A, %dma_start3A_99, %dma_start3A_100] : memref<2x128x128xf32, #tpu.memory_space<vmem>> -> memref<1x128x128xf32, #tpu.memory_space<vmem>>
        %dma_start3A_102 = tpu.memref_squeeze %dma_start3A_101 : memref<1x128x128xf32, #tpu.memory_space<vmem>> -> memref<128x128xf32, #tpu.memory_space<vmem>>
        %dma_start3A_103 = arith.constant 0 : i32
        %dma_start3A_104 = tpu.memref_slice %arg9[%add3A, %dma_start3A_103] : memref<10240x128xf32, #tpu.memory_space<vmem_shared>> -> memref<128x128xf32, #tpu.memory_space<vmem_shared>>
        %dma_start3A_105 = arith.constant 0 : i32
        %dma_start3A_106 = tpu.memref_slice %arg9[%add3A, %dma_start3A_105] : memref<10240x128xf32, #tpu.memory_space<vmem_shared>> -> memref<128x128xf32, #tpu.memory_space<vmem_shared>>
        %dma_start3A_107 = arith.constant 0 : i32
        %dma_start3A_108 = arith.constant 0 : i32
        %dma_start3A_109 = tpu.memref_slice %arg8[%run_scoped3A, %dma_start3A_107, %dma_start3A_108] : memref<2x128x128xf32, #tpu.memory_space<vmem>> -> memref<1x128x128xf32, #tpu.memory_space<vmem>>
        %dma_start3A_110 = tpu.memref_squeeze %dma_start3A_109 : memref<1x128x128xf32, #tpu.memory_space<vmem>> -> memref<128x128xf32, #tpu.memory_space<vmem>>
        tpu.enqueue_dma source(%dma_start3A_110 : memref<128x128xf32, #tpu.memory_space<vmem>>) target(%dma_start3A_106 : memref<128x128xf32, #tpu.memory_space<vmem_shared>>) target_semaphore(%run_scoped3A_98 : memref<!tpu.dma_semaphore, #tpu.memory_space<semaphore_mem>>)
        %dma_wait3A_111 = arith.constant 0 : i32
        %dma_wait3A_112 = arith.constant 0 : i32
        %dma_wait3A_113 = tpu.memref_slice %arg8[%run_scoped3A, %dma_wait3A_111, %dma_wait3A_112] : memref<2x128x128xf32, #tpu.memory_space<vmem>> -> memref<1x128x128xf32, #tpu.memory_space<vmem>>
        %dma_wait3A_114 = tpu.memref_squeeze %dma_wait3A_113 : memref<1x128x128xf32, #tpu.memory_space<vmem>> -> memref<128x128xf32, #tpu.memory_space<vmem>>
        %dma_wait3A_115 = arith.constant 0 : i32
        %dma_wait3A_116 = tpu.memref_slice %arg9[%add3A, %dma_wait3A_115] : memref<10240x128xf32, #tpu.memory_space<vmem_shared>> -> memref<128x128xf32, #tpu.memory_space<vmem_shared>>
        %dma_wait3A_117 = arith.constant 0 : i32
        %dma_wait3A_118 = tpu.memref_slice %arg9[%add3A, %dma_wait3A_117] : memref<10240x128xf32, #tpu.memory_space<vmem_shared>> -> memref<128x128xf32, #tpu.memory_space<vmem_shared>>
        %dma_wait3A_119 = arith.constant 0 : i32
        %dma_wait3A_120 = arith.constant 0 : i32
        %dma_wait3A_121 = tpu.memref_slice %arg8[%run_scoped3A, %dma_wait3A_119, %dma_wait3A_120] : memref<2x128x128xf32, #tpu.memory_space<vmem>> -> memref<1x128x128xf32, #tpu.memory_space<vmem>>
        %dma_wait3A_122 = tpu.memref_squeeze %dma_wait3A_121 : memref<1x128x128xf32, #tpu.memory_space<vmem>> -> memref<128x128xf32, #tpu.memory_space<vmem>>
        tpu.wait_dma2 semaphore(%run_scoped3A_98 : memref<!tpu.dma_semaphore, #tpu.memory_space<semaphore_mem>>) src(%dma_wait3A_122 : memref<128x128xf32, #tpu.memory_space<vmem>>) dst(%dma_wait3A_118 : memref<128x128xf32, #tpu.memory_space<vmem_shared>>)
        tpu.yield
      }) : () -> ()
    }
    %scan3A_11 = arith.constant 5 : i32
    %barrier3A = arith.constant 0 : index
    tpu.barrier barrier_id(%barrier3A)
    "tpu.region"() ({
      %run_scoped3A = tpu.sem_alloc : memref<!tpu.dma_semaphore, #tpu.memory_space<semaphore_mem>>
      %dma_start3A_95 = arith.constant 0 : i32
      %dma_start3A_96 = arith.constant 0 : i32
      %dma_start3A_97 = tpu.memref_slice %arg3[%arg0, %arg1, %dma_start3A_95, %dma_start3A_96] : memref<2x16x80x128xi32, #tpu.memory_space<hbm>> -> memref<1x1x40x128xi32, #tpu.memory_space<hbm>>
      %dma_start3A_98 = tpu.memref_squeeze %dma_start3A_97 : memref<1x1x40x128xi32, #tpu.memory_space<hbm>> -> memref<40x128xi32, #tpu.memory_space<hbm>>
      %dma_start3A_99 = arith.constant 0 : i32
      %dma_start3A_100 = arith.constant 0 : i32
      %dma_start3A_101 = tpu.memref_slice %arg3[%arg0, %arg1, %dma_start3A_99, %dma_start3A_100] : memref<2x16x80x128xi32, #tpu.memory_space<hbm>> -> memref<1x1x40x128xi32, #tpu.memory_space<hbm>>
      %dma_start3A_102 = tpu.memref_squeeze %dma_start3A_101 : memref<1x1x40x128xi32, #tpu.memory_space<hbm>> -> memref<40x128xi32, #tpu.memory_space<hbm>>
      tpu.enqueue_dma source(%dma_start3A_102 : memref<40x128xi32, #tpu.memory_space<hbm>>) target(%arg6 : memref<40x128xi32, #tpu.memory_space<vmem>>) target_semaphore(%run_scoped3A : memref<!tpu.dma_semaphore, #tpu.memory_space<semaphore_mem>>)
      %dma_wait3A_103 = arith.constant 0 : i32
      %dma_wait3A_104 = arith.constant 0 : i32
      %dma_wait3A_105 = tpu.memref_slice %arg3[%arg0, %arg1, %dma_wait3A_103, %dma_wait3A_104] : memref<2x16x80x128xi32, #tpu.memory_space<hbm>> -> memref<1x1x40x128xi32, #tpu.memory_space<hbm>>
      %dma_wait3A_106 = tpu.memref_squeeze %dma_wait3A_105 : memref<1x1x40x128xi32, #tpu.memory_space<hbm>> -> memref<40x128xi32, #tpu.memory_space<hbm>>
      %dma_wait3A_107 = arith.constant 0 : i32
      %dma_wait3A_108 = arith.constant 0 : i32
      %dma_wait3A_109 = tpu.memref_slice %arg3[%arg0, %arg1, %dma_wait3A_107, %dma_wait3A_108] : memref<2x16x80x128xi32, #tpu.memory_space<hbm>> -> memref<1x1x40x128xi32, #tpu.memory_space<hbm>>
      %dma_wait3A_110 = tpu.memref_squeeze %dma_wait3A_109 : memref<1x1x40x128xi32, #tpu.memory_space<hbm>> -> memref<40x128xi32, #tpu.memory_space<hbm>>
      tpu.wait_dma2 semaphore(%run_scoped3A : memref<!tpu.dma_semaphore, #tpu.memory_space<semaphore_mem>>) src(%dma_wait3A_110 : memref<40x128xi32, #tpu.memory_space<hbm>>) dst(%arg6 : memref<40x128xi32, #tpu.memory_space<vmem>>)
      tpu.yield
    }) : () -> ()
    "tpu.region"() ({
      %run_scoped3A = tpu.sem_alloc : memref<!tpu.dma_semaphore, #tpu.memory_space<semaphore_mem>>
      %dma_start3A_95 = arith.constant 0 : i32
      %dma_start3A_96 = arith.constant 0 : i32
      %dma_start3A_97 = tpu.memref_slice %arg4[%arg0, %arg1, %dma_start3A_95, %dma_start3A_96] : memref<2x16x80x128xi32, #tpu.memory_space<hbm>> -> memref<1x1x40x128xi32, #tpu.memory_space<hbm>>
      %dma_start3A_98 = tpu.memref_squeeze %dma_start3A_97 : memref<1x1x40x128xi32, #tpu.memory_space<hbm>> -> memref<40x128xi32, #tpu.memory_space<hbm>>
      %dma_start3A_99 = arith.constant 0 : i32
      %dma_start3A_100 = arith.constant 0 : i32
      %dma_start3A_101 = tpu.memref_slice %arg4[%arg0, %arg1, %dma_start3A_99, %dma_start3A_100] : memref<2x16x80x128xi32, #tpu.memory_space<hbm>> -> memref<1x1x40x128xi32, #tpu.memory_space<hbm>>
      %dma_start3A_102 = tpu.memref_squeeze %dma_start3A_101 : memref<1x1x40x128xi32, #tpu.memory_space<hbm>> -> memref<40x128xi32, #tpu.memory_space<hbm>>
      tpu.enqueue_dma source(%dma_start3A_102 : memref<40x128xi32, #tpu.memory_space<hbm>>) target(%arg7 : memref<40x128xi32, #tpu.memory_space<vmem>>) target_semaphore(%run_scoped3A : memref<!tpu.dma_semaphore, #tpu.memory_space<semaphore_mem>>)
      %dma_wait3A_103 = arith.constant 0 : i32
      %dma_wait3A_104 = arith.constant 0 : i32
      %dma_wait3A_105 = tpu.memref_slice %arg4[%arg0, %arg1, %dma_wait3A_103, %dma_wait3A_104] : memref<2x16x80x128xi32, #tpu.memory_space<hbm>> -> memref<1x1x40x128xi32, #tpu.memory_space<hbm>>
      %dma_wait3A_106 = tpu.memref_squeeze %dma_wait3A_105 : memref<1x1x40x128xi32, #tpu.memory_space<hbm>> -> memref<40x128xi32, #tpu.memory_space<hbm>>
      %dma_wait3A_107 = arith.constant 0 : i32
      %dma_wait3A_108 = arith.constant 0 : i32
      %dma_wait3A_109 = tpu.memref_slice %arg4[%arg0, %arg1, %dma_wait3A_107, %dma_wait3A_108] : memref<2x16x80x128xi32, #tpu.memory_space<hbm>> -> memref<1x1x40x128xi32, #tpu.memory_space<hbm>>
      %dma_wait3A_110 = tpu.memref_squeeze %dma_wait3A_109 : memref<1x1x40x128xi32, #tpu.memory_space<hbm>> -> memref<40x128xi32, #tpu.memory_space<hbm>>
      tpu.wait_dma2 semaphore(%run_scoped3A : memref<!tpu.dma_semaphore, #tpu.memory_space<semaphore_mem>>) src(%dma_wait3A_110 : memref<40x128xi32, #tpu.memory_space<hbm>>) dst(%arg7 : memref<40x128xi32, #tpu.memory_space<vmem>>)
      tpu.yield
    }) : () -> ()
    %dma_start3A = arith.constant 0 : i32
    %dma_start3A_12 = arith.constant 0 : i32
    %dma_start3A_13 = arith.constant 0 : i32
    %dma_start3A_14 = arith.constant 0 : i32
    %dma_start3A_15 = tpu.memref_slice %arg8[%dma_start3A_12, %dma_start3A_13, %dma_start3A_14] : memref<2x128x128xf32, #tpu.memory_space<vmem>> -> memref<1x128x128xf32, #tpu.memory_space<vmem>>
    %dma_start3A_16 = tpu.memref_squeeze %dma_start3A_15 : memref<1x128x128xf32, #tpu.memory_space<vmem>> -> memref<128x128xf32, #tpu.memory_space<vmem>>
    %dma_start3A_17 = arith.constant 0 : i32
    %dma_start3A_18 = tpu.memref_slice %arg6[%dma_start3A, %dma_start3A_17] : memref<40x128xi32, #tpu.memory_space<vmem>> -> memref<1x128xi32, #tpu.memory_space<vmem>>
    %dma_start3A_19 = tpu.memref_squeeze %dma_start3A_18 : memref<1x128xi32, #tpu.memory_space<vmem>> -> memref<128xi32, #tpu.memory_space<vmem>>
    %dma_start3A_20 = arith.constant 0 : i32
    %dma_start3A_21 = arith.constant 0 : i32
    %dma_start3A_22 = tpu.memref_slice %arg2[%dma_start3A_20, %dma_start3A_21] : memref<10240x128xf32, #tpu.memory_space<hbm>> -> memref<10240x128xf32, #tpu.memory_space<hbm>>
    tpu.enqueue_indirect_dma source(%dma_start3A_22 : memref<10240x128xf32, #tpu.memory_space<hbm>>) target(%dma_start3A_16 : memref<128x128xf32, #tpu.memory_space<vmem>>) offsets(%dma_start3A_19 : memref<128xi32, #tpu.memory_space<vmem>>) semaphore(%arg10 : memref<!tpu.dma_semaphore, #tpu.memory_space<semaphore_mem>>)
    %dma_start3A_23 = arith.constant 1 : i32
    %dma_start3A_24 = arith.constant 1 : i32
    %dma_start3A_25 = arith.constant 0 : i32
    %dma_start3A_26 = arith.constant 0 : i32
    %dma_start3A_27 = tpu.memref_slice %arg8[%dma_start3A_24, %dma_start3A_25, %dma_start3A_26] : memref<2x128x128xf32, #tpu.memory_space<vmem>> -> memref<1x128x128xf32, #tpu.memory_space<vmem>>
    %dma_start3A_28 = tpu.memref_squeeze %dma_start3A_27 : memref<1x128x128xf32, #tpu.memory_space<vmem>> -> memref<128x128xf32, #tpu.memory_space<vmem>>
    %dma_start3A_29 = arith.constant 0 : i32
    %dma_start3A_30 = tpu.memref_slice %arg6[%dma_start3A_23, %dma_start3A_29] : memref<40x128xi32, #tpu.memory_space<vmem>> -> memref<1x128xi32, #tpu.memory_space<vmem>>
    %dma_start3A_31 = tpu.memref_squeeze %dma_start3A_30 : memref<1x128xi32, #tpu.memory_space<vmem>> -> memref<128xi32, #tpu.memory_space<vmem>>
    %dma_start3A_32 = arith.constant 0 : i32
    %dma_start3A_33 = arith.constant 0 : i32
    %dma_start3A_34 = tpu.memref_slice %arg2[%dma_start3A_32, %dma_start3A_33] : memref<10240x128xf32, #tpu.memory_space<hbm>> -> memref<10240x128xf32, #tpu.memory_space<hbm>>
    tpu.enqueue_indirect_dma source(%dma_start3A_34 : memref<10240x128xf32, #tpu.memory_space<hbm>>) target(%dma_start3A_28 : memref<128x128xf32, #tpu.memory_space<vmem>>) offsets(%dma_start3A_31 : memref<128xi32, #tpu.memory_space<vmem>>) semaphore(%arg11 : memref<!tpu.dma_semaphore, #tpu.memory_space<semaphore_mem>>)
    %scan3A_35 = arith.constant 0 : i32
    %scan3A_36 = arith.constant 0 : i32
    %scan3A_37 = arith.constant 20 : i32
    %scan3A_38 = arith.addi %scan3A_36, %scan3A_37 : i32
    %scan3A_39 = arith.constant 1 : i32
    scf.for %scan3A_95 = %scan3A_36 to %scan3A_38 step %scan3A_39  : i32 {
      %mul3A_96 = arith.constant 2 : i32
      %mul3A_97 = arith.muli %scan3A_95, %mul3A_96 : i32
      %add3A = arith.constant 0 : i32
      %add3A_98 = arith.addi %mul3A_97, %add3A : i32
      %ge3A = arith.constant 1 : i32
      %ge3A_99 = arith.cmpi sge, %add3A_98, %ge3A : i32
      %convert_element_type3A = arith.extui %ge3A_99 : i1 to i32
      %cond3A = arith.constant 0 : i32
      %cond3A_100 = arith.cmpi ne, %convert_element_type3A, %cond3A : i32
      scf.if %cond3A_100 {
        %sub3A_175 = arith.constant 1 : i32
        %sub3A_176 = arith.subi %add3A_98, %sub3A_175 : i32
        %dma_wait3A_177 = arith.constant 1 : i32
        %dma_wait3A_178 = arith.constant 0 : i32
        %dma_wait3A_179 = arith.constant 0 : i32
        %dma_wait3A_180 = tpu.memref_slice %arg8[%dma_wait3A_177, %dma_wait3A_178, %dma_wait3A_179] : memref<2x128x128xf32, #tpu.memory_space<vmem>> -> memref<1x128x128xf32, #tpu.memory_space<vmem>>
        %dma_wait3A_181 = tpu.memref_squeeze %dma_wait3A_180 : memref<1x128x128xf32, #tpu.memory_space<vmem>> -> memref<128x128xf32, #tpu.memory_space<vmem>>
        %dma_wait3A_182 = arith.constant 0 : i32
        %dma_wait3A_183 = tpu.memref_slice %arg7[%sub3A_176, %dma_wait3A_182] : memref<40x128xi32, #tpu.memory_space<vmem>> -> memref<1x128xi32, #tpu.memory_space<vmem>>
        %dma_wait3A_184 = tpu.memref_squeeze %dma_wait3A_183 : memref<1x128xi32, #tpu.memory_space<vmem>> -> memref<128xi32, #tpu.memory_space<vmem>>
        %dma_wait3A_185 = arith.constant 0 : i32
        %dma_wait3A_186 = arith.constant 0 : i32
        %dma_wait3A_187 = tpu.memref_slice %arg9[%dma_wait3A_185, %dma_wait3A_186] : memref<10240x128xf32, #tpu.memory_space<vmem_shared>> -> memref<10240x128xf32, #tpu.memory_space<vmem_shared>>
        tpu.wait_indirect_dma semaphore(%arg13 : memref<!tpu.dma_semaphore, #tpu.memory_space<semaphore_mem>>) src(%dma_wait3A_181 : memref<128x128xf32, #tpu.memory_space<vmem>>) dst(%dma_wait3A_187 : memref<10240x128xf32, #tpu.memory_space<vmem_shared>>)
      } else {
      }
      %ge3A_101 = arith.constant 1 : i32
      %ge3A_102 = arith.cmpi sge, %add3A_98, %ge3A_101 : i32
      %sub3A = arith.constant 1 : i32
      %sub3A_103 = arith.subi %add3A_98, %sub3A : i32
      %add3A_104 = arith.constant 2 : i32
      %add3A_105 = arith.addi %sub3A_103, %add3A_104 : i32
      %lt3A = arith.constant 40 : i32
      %lt3A_106 = arith.cmpi slt, %add3A_105, %lt3A : i32
      %and3A = arith.andi %ge3A_102, %lt3A_106 : i1
      %convert_element_type3A_107 = arith.extui %and3A : i1 to i32
      %cond3A_108 = arith.constant 0 : i32
      %cond3A_109 = arith.cmpi ne, %convert_element_type3A_107, %cond3A_108 : i32
      scf.if %cond3A_109 {
        %sub3A_175 = arith.constant 1 : i32
        %sub3A_176 = arith.subi %add3A_98, %sub3A_175 : i32
        %add3A_177 = arith.constant 2 : i32
        %add3A_178 = arith.addi %sub3A_176, %add3A_177 : i32
        %dma_start3A_179 = arith.constant 1 : i32
        %dma_start3A_180 = arith.constant 0 : i32
        %dma_start3A_181 = arith.constant 0 : i32
        %dma_start3A_182 = tpu.memref_slice %arg8[%dma_start3A_179, %dma_start3A_180, %dma_start3A_181] : memref<2x128x128xf32, #tpu.memory_space<vmem>> -> memref<1x128x128xf32, #tpu.memory_space<vmem>>
        %dma_start3A_183 = tpu.memref_squeeze %dma_start3A_182 : memref<1x128x128xf32, #tpu.memory_space<vmem>> -> memref<128x128xf32, #tpu.memory_space<vmem>>
        %dma_start3A_184 = arith.constant 0 : i32
        %dma_start3A_185 = tpu.memref_slice %arg6[%add3A_178, %dma_start3A_184] : memref<40x128xi32, #tpu.memory_space<vmem>> -> memref<1x128xi32, #tpu.memory_space<vmem>>
        %dma_start3A_186 = tpu.memref_squeeze %dma_start3A_185 : memref<1x128xi32, #tpu.memory_space<vmem>> -> memref<128xi32, #tpu.memory_space<vmem>>
        %dma_start3A_187 = arith.constant 0 : i32
        %dma_start3A_188 = arith.constant 0 : i32
        %dma_start3A_189 = tpu.memref_slice %arg2[%dma_start3A_187, %dma_start3A_188] : memref<10240x128xf32, #tpu.memory_space<hbm>> -> memref<10240x128xf32, #tpu.memory_space<hbm>>
        tpu.enqueue_indirect_dma source(%dma_start3A_189 : memref<10240x128xf32, #tpu.memory_space<hbm>>) target(%dma_start3A_183 : memref<128x128xf32, #tpu.memory_space<vmem>>) offsets(%dma_start3A_186 : memref<128xi32, #tpu.memory_space<vmem>>) semaphore(%arg11 : memref<!tpu.dma_semaphore, #tpu.memory_space<semaphore_mem>>)
      } else {
      }
      %dma_wait3A_110 = arith.constant 0 : i32
      %dma_wait3A_111 = arith.constant 0 : i32
      %dma_wait3A_112 = arith.constant 0 : i32
      %dma_wait3A_113 = tpu.memref_slice %arg8[%dma_wait3A_110, %dma_wait3A_111, %dma_wait3A_112] : memref<2x128x128xf32, #tpu.memory_space<vmem>> -> memref<1x128x128xf32, #tpu.memory_space<vmem>>
      %dma_wait3A_114 = tpu.memref_squeeze %dma_wait3A_113 : memref<1x128x128xf32, #tpu.memory_space<vmem>> -> memref<128x128xf32, #tpu.memory_space<vmem>>
      %dma_wait3A_115 = arith.constant 0 : i32
      %dma_wait3A_116 = tpu.memref_slice %arg6[%add3A_98, %dma_wait3A_115] : memref<40x128xi32, #tpu.memory_space<vmem>> -> memref<1x128xi32, #tpu.memory_space<vmem>>
      %dma_wait3A_117 = tpu.memref_squeeze %dma_wait3A_116 : memref<1x128xi32, #tpu.memory_space<vmem>> -> memref<128xi32, #tpu.memory_space<vmem>>
      %dma_wait3A_118 = arith.constant 0 : i32
      %dma_wait3A_119 = arith.constant 0 : i32
      %dma_wait3A_120 = tpu.memref_slice %arg2[%dma_wait3A_118, %dma_wait3A_119] : memref<10240x128xf32, #tpu.memory_space<hbm>> -> memref<10240x128xf32, #tpu.memory_space<hbm>>
      tpu.wait_indirect_dma semaphore(%arg10 : memref<!tpu.dma_semaphore, #tpu.memory_space<semaphore_mem>>) src(%dma_wait3A_120 : memref<10240x128xf32, #tpu.memory_space<hbm>>) dst(%dma_wait3A_114 : memref<128x128xf32, #tpu.memory_space<vmem>>)
      %dma_start3A_121 = arith.constant 0 : i32
      %dma_start3A_122 = arith.constant 0 : i32
      %dma_start3A_123 = arith.constant 0 : i32
      %dma_start3A_124 = tpu.memref_slice %arg8[%dma_start3A_121, %dma_start3A_122, %dma_start3A_123] : memref<2x128x128xf32, #tpu.memory_space<vmem>> -> memref<1x128x128xf32, #tpu.memory_space<vmem>>
      %dma_start3A_125 = tpu.memref_squeeze %dma_start3A_124 : memref<1x128x128xf32, #tpu.memory_space<vmem>> -> memref<128x128xf32, #tpu.memory_space<vmem>>
      %dma_start3A_126 = arith.constant 0 : i32
      %dma_start3A_127 = tpu.memref_slice %arg7[%add3A_98, %dma_start3A_126] : memref<40x128xi32, #tpu.memory_space<vmem>> -> memref<1x128xi32, #tpu.memory_space<vmem>>
      %dma_start3A_128 = tpu.memref_squeeze %dma_start3A_127 : memref<1x128xi32, #tpu.memory_space<vmem>> -> memref<128xi32, #tpu.memory_space<vmem>>
      %dma_start3A_129 = arith.constant 0 : i32
      %dma_start3A_130 = arith.constant 0 : i32
      %dma_start3A_131 = tpu.memref_slice %arg9[%dma_start3A_129, %dma_start3A_130] : memref<10240x128xf32, #tpu.memory_space<vmem_shared>> -> memref<10240x128xf32, #tpu.memory_space<vmem_shared>>
      tpu.enqueue_indirect_dma source(%dma_start3A_125 : memref<128x128xf32, #tpu.memory_space<vmem>>) target(%dma_start3A_131 : memref<10240x128xf32, #tpu.memory_space<vmem_shared>>) offsets(%dma_start3A_128 : memref<128xi32, #tpu.memory_space<vmem>>) semaphore(%arg12 : memref<!tpu.dma_semaphore, #tpu.memory_space<semaphore_mem>>) {add = true}
      %mul3A_132 = arith.constant 2 : i32
      %mul3A_133 = arith.muli %scan3A_95, %mul3A_132 : i32
      %add3A_134 = arith.constant 1 : i32
      %add3A_135 = arith.addi %mul3A_133, %add3A_134 : i32
      %ge3A_136 = arith.constant 1 : i32
      %ge3A_137 = arith.cmpi sge, %add3A_135, %ge3A_136 : i32
      %convert_element_type3A_138 = arith.extui %ge3A_137 : i1 to i32
      %cond3A_139 = arith.constant 0 : i32
      %cond3A_140 = arith.cmpi ne, %convert_element_type3A_138, %cond3A_139 : i32
      scf.if %cond3A_140 {
        %sub3A_175 = arith.constant 1 : i32
        %sub3A_176 = arith.subi %add3A_135, %sub3A_175 : i32
        %dma_wait3A_177 = arith.constant 0 : i32
        %dma_wait3A_178 = arith.constant 0 : i32
        %dma_wait3A_179 = arith.constant 0 : i32
        %dma_wait3A_180 = tpu.memref_slice %arg8[%dma_wait3A_177, %dma_wait3A_178, %dma_wait3A_179] : memref<2x128x128xf32, #tpu.memory_space<vmem>> -> memref<1x128x128xf32, #tpu.memory_space<vmem>>
        %dma_wait3A_181 = tpu.memref_squeeze %dma_wait3A_180 : memref<1x128x128xf32, #tpu.memory_space<vmem>> -> memref<128x128xf32, #tpu.memory_space<vmem>>
        %dma_wait3A_182 = arith.constant 0 : i32
        %dma_wait3A_183 = tpu.memref_slice %arg7[%sub3A_176, %dma_wait3A_182] : memref<40x128xi32, #tpu.memory_space<vmem>> -> memref<1x128xi32, #tpu.memory_space<vmem>>
        %dma_wait3A_184 = tpu.memref_squeeze %dma_wait3A_183 : memref<1x128xi32, #tpu.memory_space<vmem>> -> memref<128xi32, #tpu.memory_space<vmem>>
        %dma_wait3A_185 = arith.constant 0 : i32
        %dma_wait3A_186 = arith.constant 0 : i32
        %dma_wait3A_187 = tpu.memref_slice %arg9[%dma_wait3A_185, %dma_wait3A_186] : memref<10240x128xf32, #tpu.memory_space<vmem_shared>> -> memref<10240x128xf32, #tpu.memory_space<vmem_shared>>
        tpu.wait_indirect_dma semaphore(%arg12 : memref<!tpu.dma_semaphore, #tpu.memory_space<semaphore_mem>>) src(%dma_wait3A_181 : memref<128x128xf32, #tpu.memory_space<vmem>>) dst(%dma_wait3A_187 : memref<10240x128xf32, #tpu.memory_space<vmem_shared>>)
      } else {
      }
      %ge3A_141 = arith.constant 1 : i32
      %ge3A_142 = arith.cmpi sge, %add3A_135, %ge3A_141 : i32
      %sub3A_143 = arith.constant 1 : i32
      %sub3A_144 = arith.subi %add3A_135, %sub3A_143 : i32
      %add3A_145 = arith.constant 2 : i32
      %add3A_146 = arith.addi %sub3A_144, %add3A_145 : i32
      %lt3A_147 = arith.constant 40 : i32
      %lt3A_148 = arith.cmpi slt, %add3A_146, %lt3A_147 : i32
      %and3A_149 = arith.andi %ge3A_142, %lt3A_148 : i1
      %convert_element_type3A_150 = arith.extui %and3A_149 : i1 to i32
      %cond3A_151 = arith.constant 0 : i32
      %cond3A_152 = arith.cmpi ne, %convert_element_type3A_150, %cond3A_151 : i32
      scf.if %cond3A_152 {
        %sub3A_175 = arith.constant 1 : i32
        %sub3A_176 = arith.subi %add3A_135, %sub3A_175 : i32
        %add3A_177 = arith.constant 2 : i32
        %add3A_178 = arith.addi %sub3A_176, %add3A_177 : i32
        %dma_start3A_179 = arith.constant 0 : i32
        %dma_start3A_180 = arith.constant 0 : i32
        %dma_start3A_181 = arith.constant 0 : i32
        %dma_start3A_182 = tpu.memref_slice %arg8[%dma_start3A_179, %dma_start3A_180, %dma_start3A_181] : memref<2x128x128xf32, #tpu.memory_space<vmem>> -> memref<1x128x128xf32, #tpu.memory_space<vmem>>
        %dma_start3A_183 = tpu.memref_squeeze %dma_start3A_182 : memref<1x128x128xf32, #tpu.memory_space<vmem>> -> memref<128x128xf32, #tpu.memory_space<vmem>>
        %dma_start3A_184 = arith.constant 0 : i32
        %dma_start3A_185 = tpu.memref_slice %arg6[%add3A_178, %dma_start3A_184] : memref<40x128xi32, #tpu.memory_space<vmem>> -> memref<1x128xi32, #tpu.memory_space<vmem>>
        %dma_start3A_186 = tpu.memref_squeeze %dma_start3A_185 : memref<1x128xi32, #tpu.memory_space<vmem>> -> memref<128xi32, #tpu.memory_space<vmem>>
        %dma_start3A_187 = arith.constant 0 : i32
        %dma_start3A_188 = arith.constant 0 : i32
        %dma_start3A_189 = tpu.memref_slice %arg2[%dma_start3A_187, %dma_start3A_188] : memref<10240x128xf32, #tpu.memory_space<hbm>> -> memref<10240x128xf32, #tpu.memory_space<hbm>>
        tpu.enqueue_indirect_dma source(%dma_start3A_189 : memref<10240x128xf32, #tpu.memory_space<hbm>>) target(%dma_start3A_183 : memref<128x128xf32, #tpu.memory_space<vmem>>) offsets(%dma_start3A_186 : memref<128xi32, #tpu.memory_space<vmem>>) semaphore(%arg10 : memref<!tpu.dma_semaphore, #tpu.memory_space<semaphore_mem>>)
      } else {
      }
      %dma_wait3A_153 = arith.constant 1 : i32
      %dma_wait3A_154 = arith.constant 0 : i32
      %dma_wait3A_155 = arith.constant 0 : i32
      %dma_wait3A_156 = tpu.memref_slice %arg8[%dma_wait3A_153, %dma_wait3A_154, %dma_wait3A_155] : memref<2x128x128xf32, #tpu.memory_space<vmem>> -> memref<1x128x128xf32, #tpu.memory_space<vmem>>
      %dma_wait3A_157 = tpu.memref_squeeze %dma_wait3A_156 : memref<1x128x128xf32, #tpu.memory_space<vmem>> -> memref<128x128xf32, #tpu.memory_space<vmem>>
      %dma_wait3A_158 = arith.constant 0 : i32
      %dma_wait3A_159 = tpu.memref_slice %arg6[%add3A_135, %dma_wait3A_158] : memref<40x128xi32, #tpu.memory_space<vmem>> -> memref<1x128xi32, #tpu.memory_space<vmem>>
      %dma_wait3A_160 = tpu.memref_squeeze %dma_wait3A_159 : memref<1x128xi32, #tpu.memory_space<vmem>> -> memref<128xi32, #tpu.memory_space<vmem>>
      %dma_wait3A_161 = arith.constant 0 : i32
      %dma_wait3A_162 = arith.constant 0 : i32
      %dma_wait3A_163 = tpu.memref_slice %arg2[%dma_wait3A_161, %dma_wait3A_162] : memref<10240x128xf32, #tpu.memory_space<hbm>> -> memref<10240x128xf32, #tpu.memory_space<hbm>>
      tpu.wait_indirect_dma semaphore(%arg11 : memref<!tpu.dma_semaphore, #tpu.memory_space<semaphore_mem>>) src(%dma_wait3A_163 : memref<10240x128xf32, #tpu.memory_space<hbm>>) dst(%dma_wait3A_157 : memref<128x128xf32, #tpu.memory_space<vmem>>)
      %dma_start3A_164 = arith.constant 1 : i32
      %dma_start3A_165 = arith.constant 0 : i32
      %dma_start3A_166 = arith.constant 0 : i32
      %dma_start3A_167 = tpu.memref_slice %arg8[%dma_start3A_164, %dma_start3A_165, %dma_start3A_166] : memref<2x128x128xf32, #tpu.memory_space<vmem>> -> memref<1x128x128xf32, #tpu.memory_space<vmem>>
      %dma_start3A_168 = tpu.memref_squeeze %dma_start3A_167 : memref<1x128x128xf32, #tpu.memory_space<vmem>> -> memref<128x128xf32, #tpu.memory_space<vmem>>
      %dma_start3A_169 = arith.constant 0 : i32
      %dma_start3A_170 = tpu.memref_slice %arg7[%add3A_135, %dma_start3A_169] : memref<40x128xi32, #tpu.memory_space<vmem>> -> memref<1x128xi32, #tpu.memory_space<vmem>>
      %dma_start3A_171 = tpu.memref_squeeze %dma_start3A_170 : memref<1x128xi32, #tpu.memory_space<vmem>> -> memref<128xi32, #tpu.memory_space<vmem>>
      %dma_start3A_172 = arith.constant 0 : i32
      %dma_start3A_173 = arith.constant 0 : i32
      %dma_start3A_174 = tpu.memref_slice %arg9[%dma_start3A_172, %dma_start3A_173] : memref<10240x128xf32, #tpu.memory_space<vmem_shared>> -> memref<10240x128xf32, #tpu.memory_space<vmem_shared>>
      tpu.enqueue_indirect_dma source(%dma_start3A_168 : memref<128x128xf32, #tpu.memory_space<vmem>>) target(%dma_start3A_174 : memref<10240x128xf32, #tpu.memory_space<vmem_shared>>) offsets(%dma_start3A_171 : memref<128xi32, #tpu.memory_space<vmem>>) semaphore(%arg13 : memref<!tpu.dma_semaphore, #tpu.memory_space<semaphore_mem>>) {add = true}
    }
    %scan3A_40 = arith.constant 20 : i32
    %dma_wait3A = arith.constant 1 : i32
    %dma_wait3A_41 = arith.constant 39 : i32
    %dma_wait3A_42 = arith.constant 0 : i32
    %dma_wait3A_43 = arith.constant 0 : i32
    %dma_wait3A_44 = tpu.memref_slice %arg8[%dma_wait3A, %dma_wait3A_42, %dma_wait3A_43] : memref<2x128x128xf32, #tpu.memory_space<vmem>> -> memref<1x128x128xf32, #tpu.memory_space<vmem>>
    %dma_wait3A_45 = tpu.memref_squeeze %dma_wait3A_44 : memref<1x128x128xf32, #tpu.memory_space<vmem>> -> memref<128x128xf32, #tpu.memory_space<vmem>>
    %dma_wait3A_46 = arith.constant 0 : i32
    %dma_wait3A_47 = tpu.memref_slice %arg7[%dma_wait3A_41, %dma_wait3A_46] : memref<40x128xi32, #tpu.memory_space<vmem>> -> memref<1x128xi32, #tpu.memory_space<vmem>>
    %dma_wait3A_48 = tpu.memref_squeeze %dma_wait3A_47 : memref<1x128xi32, #tpu.memory_space<vmem>> -> memref<128xi32, #tpu.memory_space<vmem>>
    %dma_wait3A_49 = arith.constant 0 : i32
    %dma_wait3A_50 = arith.constant 0 : i32
    %dma_wait3A_51 = tpu.memref_slice %arg9[%dma_wait3A_49, %dma_wait3A_50] : memref<10240x128xf32, #tpu.memory_space<vmem_shared>> -> memref<10240x128xf32, #tpu.memory_space<vmem_shared>>
    tpu.wait_indirect_dma semaphore(%arg13 : memref<!tpu.dma_semaphore, #tpu.memory_space<semaphore_mem>>) src(%dma_wait3A_45 : memref<128x128xf32, #tpu.memory_space<vmem>>) dst(%dma_wait3A_51 : memref<10240x128xf32, #tpu.memory_space<vmem_shared>>)
    "tpu.region"() ({
      %run_scoped3A = tpu.sem_alloc : memref<!tpu.dma_semaphore, #tpu.memory_space<semaphore_mem>>
      %dma_start3A_95 = arith.constant 40 : i32
      %dma_start3A_96 = arith.constant 0 : i32
      %dma_start3A_97 = tpu.memref_slice %arg3[%arg0, %arg1, %dma_start3A_95, %dma_start3A_96] : memref<2x16x80x128xi32, #tpu.memory_space<hbm>> -> memref<1x1x40x128xi32, #tpu.memory_space<hbm>>
      %dma_start3A_98 = tpu.memref_squeeze %dma_start3A_97 : memref<1x1x40x128xi32, #tpu.memory_space<hbm>> -> memref<40x128xi32, #tpu.memory_space<hbm>>
      %dma_start3A_99 = arith.constant 40 : i32
      %dma_start3A_100 = arith.constant 0 : i32
      %dma_start3A_101 = tpu.memref_slice %arg3[%arg0, %arg1, %dma_start3A_99, %dma_start3A_100] : memref<2x16x80x128xi32, #tpu.memory_space<hbm>> -> memref<1x1x40x128xi32, #tpu.memory_space<hbm>>
      %dma_start3A_102 = tpu.memref_squeeze %dma_start3A_101 : memref<1x1x40x128xi32, #tpu.memory_space<hbm>> -> memref<40x128xi32, #tpu.memory_space<hbm>>
      tpu.enqueue_dma source(%dma_start3A_102 : memref<40x128xi32, #tpu.memory_space<hbm>>) target(%arg6 : memref<40x128xi32, #tpu.memory_space<vmem>>) target_semaphore(%run_scoped3A : memref<!tpu.dma_semaphore, #tpu.memory_space<semaphore_mem>>)
      %dma_wait3A_103 = arith.constant 40 : i32
      %dma_wait3A_104 = arith.constant 0 : i32
      %dma_wait3A_105 = tpu.memref_slice %arg3[%arg0, %arg1, %dma_wait3A_103, %dma_wait3A_104] : memref<2x16x80x128xi32, #tpu.memory_space<hbm>> -> memref<1x1x40x128xi32, #tpu.memory_space<hbm>>
      %dma_wait3A_106 = tpu.memref_squeeze %dma_wait3A_105 : memref<1x1x40x128xi32, #tpu.memory_space<hbm>> -> memref<40x128xi32, #tpu.memory_space<hbm>>
      %dma_wait3A_107 = arith.constant 40 : i32
      %dma_wait3A_108 = arith.constant 0 : i32
      %dma_wait3A_109 = tpu.memref_slice %arg3[%arg0, %arg1, %dma_wait3A_107, %dma_wait3A_108] : memref<2x16x80x128xi32, #tpu.memory_space<hbm>> -> memref<1x1x40x128xi32, #tpu.memory_space<hbm>>
      %dma_wait3A_110 = tpu.memref_squeeze %dma_wait3A_109 : memref<1x1x40x128xi32, #tpu.memory_space<hbm>> -> memref<40x128xi32, #tpu.memory_space<hbm>>
      tpu.wait_dma2 semaphore(%run_scoped3A : memref<!tpu.dma_semaphore, #tpu.memory_space<semaphore_mem>>) src(%dma_wait3A_110 : memref<40x128xi32, #tpu.memory_space<hbm>>) dst(%arg6 : memref<40x128xi32, #tpu.memory_space<vmem>>)
      tpu.yield
    }) : () -> ()
    "tpu.region"() ({
      %run_scoped3A = tpu.sem_alloc : memref<!tpu.dma_semaphore, #tpu.memory_space<semaphore_mem>>
      %dma_start3A_95 = arith.constant 40 : i32
      %dma_start3A_96 = arith.constant 0 : i32
      %dma_start3A_97 = tpu.memref_slice %arg4[%arg0, %arg1, %dma_start3A_95, %dma_start3A_96] : memref<2x16x80x128xi32, #tpu.memory_space<hbm>> -> memref<1x1x40x128xi32, #tpu.memory_space<hbm>>
      %dma_start3A_98 = tpu.memref_squeeze %dma_start3A_97 : memref<1x1x40x128xi32, #tpu.memory_space<hbm>> -> memref<40x128xi32, #tpu.memory_space<hbm>>
      %dma_start3A_99 = arith.constant 40 : i32
      %dma_start3A_100 = arith.constant 0 : i32
      %dma_start3A_101 = tpu.memref_slice %arg4[%arg0, %arg1, %dma_start3A_99, %dma_start3A_100] : memref<2x16x80x128xi32, #tpu.memory_space<hbm>> -> memref<1x1x40x128xi32, #tpu.memory_space<hbm>>
      %dma_start3A_102 = tpu.memref_squeeze %dma_start3A_101 : memref<1x1x40x128xi32, #tpu.memory_space<hbm>> -> memref<40x128xi32, #tpu.memory_space<hbm>>
      tpu.enqueue_dma source(%dma_start3A_102 : memref<40x128xi32, #tpu.memory_space<hbm>>) target(%arg7 : memref<40x128xi32, #tpu.memory_space<vmem>>) target_semaphore(%run_scoped3A : memref<!tpu.dma_semaphore, #tpu.memory_space<semaphore_mem>>)
      %dma_wait3A_103 = arith.constant 40 : i32
      %dma_wait3A_104 = arith.constant 0 : i32
      %dma_wait3A_105 = tpu.memref_slice %arg4[%arg0, %arg1, %dma_wait3A_103, %dma_wait3A_104] : memref<2x16x80x128xi32, #tpu.memory_space<hbm>> -> memref<1x1x40x128xi32, #tpu.memory_space<hbm>>
      %dma_wait3A_106 = tpu.memref_squeeze %dma_wait3A_105 : memref<1x1x40x128xi32, #tpu.memory_space<hbm>> -> memref<40x128xi32, #tpu.memory_space<hbm>>
      %dma_wait3A_107 = arith.constant 40 : i32
      %dma_wait3A_108 = arith.constant 0 : i32
      %dma_wait3A_109 = tpu.memref_slice %arg4[%arg0, %arg1, %dma_wait3A_107, %dma_wait3A_108] : memref<2x16x80x128xi32, #tpu.memory_space<hbm>> -> memref<1x1x40x128xi32, #tpu.memory_space<hbm>>
      %dma_wait3A_110 = tpu.memref_squeeze %dma_wait3A_109 : memref<1x1x40x128xi32, #tpu.memory_space<hbm>> -> memref<40x128xi32, #tpu.memory_space<hbm>>
      tpu.wait_dma2 semaphore(%run_scoped3A : memref<!tpu.dma_semaphore, #tpu.memory_space<semaphore_mem>>) src(%dma_wait3A_110 : memref<40x128xi32, #tpu.memory_space<hbm>>) dst(%arg7 : memref<40x128xi32, #tpu.memory_space<vmem>>)
      tpu.yield
    }) : () -> ()
    %dma_start3A_52 = arith.constant 0 : i32
    %dma_start3A_53 = arith.constant 0 : i32
    %dma_start3A_54 = arith.constant 0 : i32
    %dma_start3A_55 = arith.constant 0 : i32
    %dma_start3A_56 = tpu.memref_slice %arg8[%dma_start3A_53, %dma_start3A_54, %dma_start3A_55] : memref<2x128x128xf32, #tpu.memory_space<vmem>> -> memref<1x128x128xf32, #tpu.memory_space<vmem>>
    %dma_start3A_57 = tpu.memref_squeeze %dma_start3A_56 : memref<1x128x128xf32, #tpu.memory_space<vmem>> -> memref<128x128xf32, #tpu.memory_space<vmem>>
    %dma_start3A_58 = arith.constant 0 : i32
    %dma_start3A_59 = tpu.memref_slice %arg6[%dma_start3A_52, %dma_start3A_58] : memref<40x128xi32, #tpu.memory_space<vmem>> -> memref<1x128xi32, #tpu.memory_space<vmem>>
    %dma_start3A_60 = tpu.memref_squeeze %dma_start3A_59 : memref<1x128xi32, #tpu.memory_space<vmem>> -> memref<128xi32, #tpu.memory_space<vmem>>
    %dma_start3A_61 = arith.constant 0 : i32
    %dma_start3A_62 = arith.constant 0 : i32
    %dma_start3A_63 = tpu.memref_slice %arg2[%dma_start3A_61, %dma_start3A_62] : memref<10240x128xf32, #tpu.memory_space<hbm>> -> memref<10240x128xf32, #tpu.memory_space<hbm>>
    tpu.enqueue_indirect_dma source(%dma_start3A_63 : memref<10240x128xf32, #tpu.memory_space<hbm>>) target(%dma_start3A_57 : memref<128x128xf32, #tpu.memory_space<vmem>>) offsets(%dma_start3A_60 : memref<128xi32, #tpu.memory_space<vmem>>) semaphore(%arg10 : memref<!tpu.dma_semaphore, #tpu.memory_space<semaphore_mem>>)
    %dma_start3A_64 = arith.constant 1 : i32
    %dma_start3A_65 = arith.constant 1 : i32
    %dma_start3A_66 = arith.constant 0 : i32
    %dma_start3A_67 = arith.constant 0 : i32
    %dma_start3A_68 = tpu.memref_slice %arg8[%dma_start3A_65, %dma_start3A_66, %dma_start3A_67] : memref<2x128x128xf32, #tpu.memory_space<vmem>> -> memref<1x128x128xf32, #tpu.memory_space<vmem>>
    %dma_start3A_69 = tpu.memref_squeeze %dma_start3A_68 : memref<1x128x128xf32, #tpu.memory_space<vmem>> -> memref<128x128xf32, #tpu.memory_space<vmem>>
    %dma_start3A_70 = arith.constant 0 : i32
    %dma_start3A_71 = tpu.memref_slice %arg6[%dma_start3A_64, %dma_start3A_70] : memref<40x128xi32, #tpu.memory_space<vmem>> -> memref<1x128xi32, #tpu.memory_space<vmem>>
    %dma_start3A_72 = tpu.memref_squeeze %dma_start3A_71 : memref<1x128xi32, #tpu.memory_space<vmem>> -> memref<128xi32, #tpu.memory_space<vmem>>
    %dma_start3A_73 = arith.constant 0 : i32
    %dma_start3A_74 = arith.constant 0 : i32
    %dma_start3A_75 = tpu.memref_slice %arg2[%dma_start3A_73, %dma_start3A_74] : memref<10240x128xf32, #tpu.memory_space<hbm>> -> memref<10240x128xf32, #tpu.memory_space<hbm>>
    tpu.enqueue_indirect_dma source(%dma_start3A_75 : memref<10240x128xf32, #tpu.memory_space<hbm>>) target(%dma_start3A_69 : memref<128x128xf32, #tpu.memory_space<vmem>>) offsets(%dma_start3A_72 : memref<128xi32, #tpu.memory_space<vmem>>) semaphore(%arg11 : memref<!tpu.dma_semaphore, #tpu.memory_space<semaphore_mem>>)
    %scan3A_76 = arith.constant 0 : i32
    %scan3A_77 = arith.constant 0 : i32
    %scan3A_78 = arith.constant 20 : i32
    %scan3A_79 = arith.addi %scan3A_77, %scan3A_78 : i32
    %scan3A_80 = arith.constant 1 : i32
    scf.for %scan3A_95 = %scan3A_77 to %scan3A_79 step %scan3A_80  : i32 {
      %mul3A_96 = arith.constant 2 : i32
      %mul3A_97 = arith.muli %scan3A_95, %mul3A_96 : i32
      %add3A = arith.constant 0 : i32
      %add3A_98 = arith.addi %mul3A_97, %add3A : i32
      %ge3A = arith.constant 1 : i32
      %ge3A_99 = arith.cmpi sge, %add3A_98, %ge3A : i32
      %convert_element_type3A = arith.extui %ge3A_99 : i1 to i32
      %cond3A = arith.constant 0 : i32
      %cond3A_100 = arith.cmpi ne, %convert_element_type3A, %cond3A : i32
      scf.if %cond3A_100 {
        %sub3A_175 = arith.constant 1 : i32
        %sub3A_176 = arith.subi %add3A_98, %sub3A_175 : i32
        %dma_wait3A_177 = arith.constant 1 : i32
        %dma_wait3A_178 = arith.constant 0 : i32
        %dma_wait3A_179 = arith.constant 0 : i32
        %dma_wait3A_180 = tpu.memref_slice %arg8[%dma_wait3A_177, %dma_wait3A_178, %dma_wait3A_179] : memref<2x128x128xf32, #tpu.memory_space<vmem>> -> memref<1x128x128xf32, #tpu.memory_space<vmem>>
        %dma_wait3A_181 = tpu.memref_squeeze %dma_wait3A_180 : memref<1x128x128xf32, #tpu.memory_space<vmem>> -> memref<128x128xf32, #tpu.memory_space<vmem>>
        %dma_wait3A_182 = arith.constant 0 : i32
        %dma_wait3A_183 = tpu.memref_slice %arg7[%sub3A_176, %dma_wait3A_182] : memref<40x128xi32, #tpu.memory_space<vmem>> -> memref<1x128xi32, #tpu.memory_space<vmem>>
        %dma_wait3A_184 = tpu.memref_squeeze %dma_wait3A_183 : memref<1x128xi32, #tpu.memory_space<vmem>> -> memref<128xi32, #tpu.memory_space<vmem>>
        %dma_wait3A_185 = arith.constant 0 : i32
        %dma_wait3A_186 = arith.constant 0 : i32
        %dma_wait3A_187 = tpu.memref_slice %arg9[%dma_wait3A_185, %dma_wait3A_186] : memref<10240x128xf32, #tpu.memory_space<vmem_shared>> -> memref<10240x128xf32, #tpu.memory_space<vmem_shared>>
        tpu.wait_indirect_dma semaphore(%arg13 : memref<!tpu.dma_semaphore, #tpu.memory_space<semaphore_mem>>) src(%dma_wait3A_181 : memref<128x128xf32, #tpu.memory_space<vmem>>) dst(%dma_wait3A_187 : memref<10240x128xf32, #tpu.memory_space<vmem_shared>>)
      } else {
      }
      %ge3A_101 = arith.constant 1 : i32
      %ge3A_102 = arith.cmpi sge, %add3A_98, %ge3A_101 : i32
      %sub3A = arith.constant 1 : i32
      %sub3A_103 = arith.subi %add3A_98, %sub3A : i32
      %add3A_104 = arith.constant 2 : i32
      %add3A_105 = arith.addi %sub3A_103, %add3A_104 : i32
      %lt3A = arith.constant 40 : i32
      %lt3A_106 = arith.cmpi slt, %add3A_105, %lt3A : i32
      %and3A = arith.andi %ge3A_102, %lt3A_106 : i1
      %convert_element_type3A_107 = arith.extui %and3A : i1 to i32
      %cond3A_108 = arith.constant 0 : i32
      %cond3A_109 = arith.cmpi ne, %convert_element_type3A_107, %cond3A_108 : i32
      scf.if %cond3A_109 {
        %sub3A_175 = arith.constant 1 : i32
        %sub3A_176 = arith.subi %add3A_98, %sub3A_175 : i32
        %add3A_177 = arith.constant 2 : i32
        %add3A_178 = arith.addi %sub3A_176, %add3A_177 : i32
        %dma_start3A_179 = arith.constant 1 : i32
        %dma_start3A_180 = arith.constant 0 : i32
        %dma_start3A_181 = arith.constant 0 : i32
        %dma_start3A_182 = tpu.memref_slice %arg8[%dma_start3A_179, %dma_start3A_180, %dma_start3A_181] : memref<2x128x128xf32, #tpu.memory_space<vmem>> -> memref<1x128x128xf32, #tpu.memory_space<vmem>>
        %dma_start3A_183 = tpu.memref_squeeze %dma_start3A_182 : memref<1x128x128xf32, #tpu.memory_space<vmem>> -> memref<128x128xf32, #tpu.memory_space<vmem>>
        %dma_start3A_184 = arith.constant 0 : i32
        %dma_start3A_185 = tpu.memref_slice %arg6[%add3A_178, %dma_start3A_184] : memref<40x128xi32, #tpu.memory_space<vmem>> -> memref<1x128xi32, #tpu.memory_space<vmem>>
        %dma_start3A_186 = tpu.memref_squeeze %dma_start3A_185 : memref<1x128xi32, #tpu.memory_space<vmem>> -> memref<128xi32, #tpu.memory_space<vmem>>
        %dma_start3A_187 = arith.constant 0 : i32
        %dma_start3A_188 = arith.constant 0 : i32
        %dma_start3A_189 = tpu.memref_slice %arg2[%dma_start3A_187, %dma_start3A_188] : memref<10240x128xf32, #tpu.memory_space<hbm>> -> memref<10240x128xf32, #tpu.memory_space<hbm>>
        tpu.enqueue_indirect_dma source(%dma_start3A_189 : memref<10240x128xf32, #tpu.memory_space<hbm>>) target(%dma_start3A_183 : memref<128x128xf32, #tpu.memory_space<vmem>>) offsets(%dma_start3A_186 : memref<128xi32, #tpu.memory_space<vmem>>) semaphore(%arg11 : memref<!tpu.dma_semaphore, #tpu.memory_space<semaphore_mem>>)
      } else {
      }
      %dma_wait3A_110 = arith.constant 0 : i32
      %dma_wait3A_111 = arith.constant 0 : i32
      %dma_wait3A_112 = arith.constant 0 : i32
      %dma_wait3A_113 = tpu.memref_slice %arg8[%dma_wait3A_110, %dma_wait3A_111, %dma_wait3A_112] : memref<2x128x128xf32, #tpu.memory_space<vmem>> -> memref<1x128x128xf32, #tpu.memory_space<vmem>>
      %dma_wait3A_114 = tpu.memref_squeeze %dma_wait3A_113 : memref<1x128x128xf32, #tpu.memory_space<vmem>> -> memref<128x128xf32, #tpu.memory_space<vmem>>
      %dma_wait3A_115 = arith.constant 0 : i32
      %dma_wait3A_116 = tpu.memref_slice %arg6[%add3A_98, %dma_wait3A_115] : memref<40x128xi32, #tpu.memory_space<vmem>> -> memref<1x128xi32, #tpu.memory_space<vmem>>
      %dma_wait3A_117 = tpu.memref_squeeze %dma_wait3A_116 : memref<1x128xi32, #tpu.memory_space<vmem>> -> memref<128xi32, #tpu.memory_space<vmem>>
      %dma_wait3A_118 = arith.constant 0 : i32
      %dma_wait3A_119 = arith.constant 0 : i32
      %dma_wait3A_120 = tpu.memref_slice %arg2[%dma_wait3A_118, %dma_wait3A_119] : memref<10240x128xf32, #tpu.memory_space<hbm>> -> memref<10240x128xf32, #tpu.memory_space<hbm>>
      tpu.wait_indirect_dma semaphore(%arg10 : memref<!tpu.dma_semaphore, #tpu.memory_space<semaphore_mem>>) src(%dma_wait3A_120 : memref<10240x128xf32, #tpu.memory_space<hbm>>) dst(%dma_wait3A_114 : memref<128x128xf32, #tpu.memory_space<vmem>>)
      %dma_start3A_121 = arith.constant 0 : i32
      %dma_start3A_122 = arith.constant 0 : i32
      %dma_start3A_123 = arith.constant 0 : i32
      %dma_start3A_124 = tpu.memref_slice %arg8[%dma_start3A_121, %dma_start3A_122, %dma_start3A_123] : memref<2x128x128xf32, #tpu.memory_space<vmem>> -> memref<1x128x128xf32, #tpu.memory_space<vmem>>
      %dma_start3A_125 = tpu.memref_squeeze %dma_start3A_124 : memref<1x128x128xf32, #tpu.memory_space<vmem>> -> memref<128x128xf32, #tpu.memory_space<vmem>>
      %dma_start3A_126 = arith.constant 0 : i32
      %dma_start3A_127 = tpu.memref_slice %arg7[%add3A_98, %dma_start3A_126] : memref<40x128xi32, #tpu.memory_space<vmem>> -> memref<1x128xi32, #tpu.memory_space<vmem>>
      %dma_start3A_128 = tpu.memref_squeeze %dma_start3A_127 : memref<1x128xi32, #tpu.memory_space<vmem>> -> memref<128xi32, #tpu.memory_space<vmem>>
      %dma_start3A_129 = arith.constant 0 : i32
      %dma_start3A_130 = arith.constant 0 : i32
      %dma_start3A_131 = tpu.memref_slice %arg9[%dma_start3A_129, %dma_start3A_130] : memref<10240x128xf32, #tpu.memory_space<vmem_shared>> -> memref<10240x128xf32, #tpu.memory_space<vmem_shared>>
      tpu.enqueue_indirect_dma source(%dma_start3A_125 : memref<128x128xf32, #tpu.memory_space<vmem>>) target(%dma_start3A_131 : memref<10240x128xf32, #tpu.memory_space<vmem_shared>>) offsets(%dma_start3A_128 : memref<128xi32, #tpu.memory_space<vmem>>) semaphore(%arg12 : memref<!tpu.dma_semaphore, #tpu.memory_space<semaphore_mem>>) {add = true}
      %mul3A_132 = arith.constant 2 : i32
      %mul3A_133 = arith.muli %scan3A_95, %mul3A_132 : i32
      %add3A_134 = arith.constant 1 : i32
      %add3A_135 = arith.addi %mul3A_133, %add3A_134 : i32
      %ge3A_136 = arith.constant 1 : i32
      %ge3A_137 = arith.cmpi sge, %add3A_135, %ge3A_136 : i32
      %convert_element_type3A_138 = arith.extui %ge3A_137 : i1 to i32
      %cond3A_139 = arith.constant 0 : i32
      %cond3A_140 = arith.cmpi ne, %convert_element_type3A_138, %cond3A_139 : i32
      scf.if %cond3A_140 {
        %sub3A_175 = arith.constant 1 : i32
        %sub3A_176 = arith.subi %add3A_135, %sub3A_175 : i32
        %dma_wait3A_177 = arith.constant 0 : i32
        %dma_wait3A_178 = arith.constant 0 : i32
        %dma_wait3A_179 = arith.constant 0 : i32
        %dma_wait3A_180 = tpu.memref_slice %arg8[%dma_wait3A_177, %dma_wait3A_178, %dma_wait3A_179] : memref<2x128x128xf32, #tpu.memory_space<vmem>> -> memref<1x128x128xf32, #tpu.memory_space<vmem>>
        %dma_wait3A_181 = tpu.memref_squeeze %dma_wait3A_180 : memref<1x128x128xf32, #tpu.memory_space<vmem>> -> memref<128x128xf32, #tpu.memory_space<vmem>>
        %dma_wait3A_182 = arith.constant 0 : i32
        %dma_wait3A_183 = tpu.memref_slice %arg7[%sub3A_176, %dma_wait3A_182] : memref<40x128xi32, #tpu.memory_space<vmem>> -> memref<1x128xi32, #tpu.memory_space<vmem>>
        %dma_wait3A_184 = tpu.memref_squeeze %dma_wait3A_183 : memref<1x128xi32, #tpu.memory_space<vmem>> -> memref<128xi32, #tpu.memory_space<vmem>>
        %dma_wait3A_185 = arith.constant 0 : i32
        %dma_wait3A_186 = arith.constant 0 : i32
        %dma_wait3A_187 = tpu.memref_slice %arg9[%dma_wait3A_185, %dma_wait3A_186] : memref<10240x128xf32, #tpu.memory_space<vmem_shared>> -> memref<10240x128xf32, #tpu.memory_space<vmem_shared>>
        tpu.wait_indirect_dma semaphore(%arg12 : memref<!tpu.dma_semaphore, #tpu.memory_space<semaphore_mem>>) src(%dma_wait3A_181 : memref<128x128xf32, #tpu.memory_space<vmem>>) dst(%dma_wait3A_187 : memref<10240x128xf32, #tpu.memory_space<vmem_shared>>)
      } else {
      }
      %ge3A_141 = arith.constant 1 : i32
      %ge3A_142 = arith.cmpi sge, %add3A_135, %ge3A_141 : i32
      %sub3A_143 = arith.constant 1 : i32
      %sub3A_144 = arith.subi %add3A_135, %sub3A_143 : i32
      %add3A_145 = arith.constant 2 : i32
      %add3A_146 = arith.addi %sub3A_144, %add3A_145 : i32
      %lt3A_147 = arith.constant 40 : i32
      %lt3A_148 = arith.cmpi slt, %add3A_146, %lt3A_147 : i32
      %and3A_149 = arith.andi %ge3A_142, %lt3A_148 : i1
      %convert_element_type3A_150 = arith.extui %and3A_149 : i1 to i32
      %cond3A_151 = arith.constant 0 : i32
      %cond3A_152 = arith.cmpi ne, %convert_element_type3A_150, %cond3A_151 : i32
      scf.if %cond3A_152 {
        %sub3A_175 = arith.constant 1 : i32
        %sub3A_176 = arith.subi %add3A_135, %sub3A_175 : i32
        %add3A_177 = arith.constant 2 : i32
        %add3A_178 = arith.addi %sub3A_176, %add3A_177 : i32
        %dma_start3A_179 = arith.constant 0 : i32
        %dma_start3A_180 = arith.constant 0 : i32
        %dma_start3A_181 = arith.constant 0 : i32
        %dma_start3A_182 = tpu.memref_slice %arg8[%dma_start3A_179, %dma_start3A_180, %dma_start3A_181] : memref<2x128x128xf32, #tpu.memory_space<vmem>> -> memref<1x128x128xf32, #tpu.memory_space<vmem>>
        %dma_start3A_183 = tpu.memref_squeeze %dma_start3A_182 : memref<1x128x128xf32, #tpu.memory_space<vmem>> -> memref<128x128xf32, #tpu.memory_space<vmem>>
        %dma_start3A_184 = arith.constant 0 : i32
        %dma_start3A_185 = tpu.memref_slice %arg6[%add3A_178, %dma_start3A_184] : memref<40x128xi32, #tpu.memory_space<vmem>> -> memref<1x128xi32, #tpu.memory_space<vmem>>
        %dma_start3A_186 = tpu.memref_squeeze %dma_start3A_185 : memref<1x128xi32, #tpu.memory_space<vmem>> -> memref<128xi32, #tpu.memory_space<vmem>>
        %dma_start3A_187 = arith.constant 0 : i32
        %dma_start3A_188 = arith.constant 0 : i32
        %dma_start3A_189 = tpu.memref_slice %arg2[%dma_start3A_187, %dma_start3A_188] : memref<10240x128xf32, #tpu.memory_space<hbm>> -> memref<10240x128xf32, #tpu.memory_space<hbm>>
        tpu.enqueue_indirect_dma source(%dma_start3A_189 : memref<10240x128xf32, #tpu.memory_space<hbm>>) target(%dma_start3A_183 : memref<128x128xf32, #tpu.memory_space<vmem>>) offsets(%dma_start3A_186 : memref<128xi32, #tpu.memory_space<vmem>>) semaphore(%arg10 : memref<!tpu.dma_semaphore, #tpu.memory_space<semaphore_mem>>)
      } else {
      }
      %dma_wait3A_153 = arith.constant 1 : i32
      %dma_wait3A_154 = arith.constant 0 : i32
      %dma_wait3A_155 = arith.constant 0 : i32
      %dma_wait3A_156 = tpu.memref_slice %arg8[%dma_wait3A_153, %dma_wait3A_154, %dma_wait3A_155] : memref<2x128x128xf32, #tpu.memory_space<vmem>> -> memref<1x128x128xf32, #tpu.memory_space<vmem>>
      %dma_wait3A_157 = tpu.memref_squeeze %dma_wait3A_156 : memref<1x128x128xf32, #tpu.memory_space<vmem>> -> memref<128x128xf32, #tpu.memory_space<vmem>>
      %dma_wait3A_158 = arith.constant 0 : i32
      %dma_wait3A_159 = tpu.memref_slice %arg6[%add3A_135, %dma_wait3A_158] : memref<40x128xi32, #tpu.memory_space<vmem>> -> memref<1x128xi32, #tpu.memory_space<vmem>>
      %dma_wait3A_160 = tpu.memref_squeeze %dma_wait3A_159 : memref<1x128xi32, #tpu.memory_space<vmem>> -> memref<128xi32, #tpu.memory_space<vmem>>
      %dma_wait3A_161 = arith.constant 0 : i32
      %dma_wait3A_162 = arith.constant 0 : i32
      %dma_wait3A_163 = tpu.memref_slice %arg2[%dma_wait3A_161, %dma_wait3A_162] : memref<10240x128xf32, #tpu.memory_space<hbm>> -> memref<10240x128xf32, #tpu.memory_space<hbm>>
      tpu.wait_indirect_dma semaphore(%arg11 : memref<!tpu.dma_semaphore, #tpu.memory_space<semaphore_mem>>) src(%dma_wait3A_163 : memref<10240x128xf32, #tpu.memory_space<hbm>>) dst(%dma_wait3A_157 : memref<128x128xf32, #tpu.memory_space<vmem>>)
      %dma_start3A_164 = arith.constant 1 : i32
      %dma_start3A_165 = arith.constant 0 : i32
      %dma_start3A_166 = arith.constant 0 : i32
      %dma_start3A_167 = tpu.memref_slice %arg8[%dma_start3A_164, %dma_start3A_165, %dma_start3A_166] : memref<2x128x128xf32, #tpu.memory_space<vmem>> -> memref<1x128x128xf32, #tpu.memory_space<vmem>>
      %dma_start3A_168 = tpu.memref_squeeze %dma_start3A_167 : memref<1x128x128xf32, #tpu.memory_space<vmem>> -> memref<128x128xf32, #tpu.memory_space<vmem>>
      %dma_start3A_169 = arith.constant 0 : i32
      %dma_start3A_170 = tpu.memref_slice %arg7[%add3A_135, %dma_start3A_169] : memref<40x128xi32, #tpu.memory_space<vmem>> -> memref<1x128xi32, #tpu.memory_space<vmem>>
      %dma_start3A_171 = tpu.memref_squeeze %dma_start3A_170 : memref<1x128xi32, #tpu.memory_space<vmem>> -> memref<128xi32, #tpu.memory_space<vmem>>
      %dma_start3A_172 = arith.constant 0 : i32
      %dma_start3A_173 = arith.constant 0 : i32
      %dma_start3A_174 = tpu.memref_slice %arg9[%dma_start3A_172, %dma_start3A_173] : memref<10240x128xf32, #tpu.memory_space<vmem_shared>> -> memref<10240x128xf32, #tpu.memory_space<vmem_shared>>
      tpu.enqueue_indirect_dma source(%dma_start3A_168 : memref<128x128xf32, #tpu.memory_space<vmem>>) target(%dma_start3A_174 : memref<10240x128xf32, #tpu.memory_space<vmem_shared>>) offsets(%dma_start3A_171 : memref<128xi32, #tpu.memory_space<vmem>>) semaphore(%arg13 : memref<!tpu.dma_semaphore, #tpu.memory_space<semaphore_mem>>) {add = true}
    }
    %scan3A_81 = arith.constant 20 : i32
    %dma_wait3A_82 = arith.constant 1 : i32
    %dma_wait3A_83 = arith.constant 39 : i32
    %dma_wait3A_84 = arith.constant 0 : i32
    %dma_wait3A_85 = arith.constant 0 : i32
    %dma_wait3A_86 = tpu.memref_slice %arg8[%dma_wait3A_82, %dma_wait3A_84, %dma_wait3A_85] : memref<2x128x128xf32, #tpu.memory_space<vmem>> -> memref<1x128x128xf32, #tpu.memory_space<vmem>>
    %dma_wait3A_87 = tpu.memref_squeeze %dma_wait3A_86 : memref<1x128x128xf32, #tpu.memory_space<vmem>> -> memref<128x128xf32, #tpu.memory_space<vmem>>
    %dma_wait3A_88 = arith.constant 0 : i32
    %dma_wait3A_89 = tpu.memref_slice %arg7[%dma_wait3A_83, %dma_wait3A_88] : memref<40x128xi32, #tpu.memory_space<vmem>> -> memref<1x128xi32, #tpu.memory_space<vmem>>
    %dma_wait3A_90 = tpu.memref_squeeze %dma_wait3A_89 : memref<1x128xi32, #tpu.memory_space<vmem>> -> memref<128xi32, #tpu.memory_space<vmem>>
    %dma_wait3A_91 = arith.constant 0 : i32
    %dma_wait3A_92 = arith.constant 0 : i32
    %dma_wait3A_93 = tpu.memref_slice %arg9[%dma_wait3A_91, %dma_wait3A_92] : memref<10240x128xf32, #tpu.memory_space<vmem_shared>> -> memref<10240x128xf32, #tpu.memory_space<vmem_shared>>
    tpu.wait_indirect_dma semaphore(%arg13 : memref<!tpu.dma_semaphore, #tpu.memory_space<semaphore_mem>>) src(%dma_wait3A_87 : memref<128x128xf32, #tpu.memory_space<vmem>>) dst(%dma_wait3A_93 : memref<10240x128xf32, #tpu.memory_space<vmem_shared>>)
    %barrier3A_94 = arith.constant 0 : index
    tpu.barrier barrier_id(%barrier3A_94)
    "tpu.region"() ({
      %run_scoped3A = tpu.sem_alloc : memref<!tpu.dma_semaphore, #tpu.memory_space<semaphore_mem>>
      %dma_start3A_95 = arith.constant 0 : i32
      %dma_start3A_96 = tpu.memref_slice %arg5[%arg0, %mul3A_5, %dma_start3A_95] : memref<2x10240x128xf32, #tpu.memory_space<hbm>> -> memref<1x640x128xf32, #tpu.memory_space<hbm>>
      %dma_start3A_97 = tpu.memref_squeeze %dma_start3A_96 : memref<1x640x128xf32, #tpu.memory_space<hbm>> -> memref<640x128xf32, #tpu.memory_space<hbm>>
      %dma_start3A_98 = arith.constant 0 : i32
      %dma_start3A_99 = tpu.memref_slice %arg9[%mul3A_5, %dma_start3A_98] : memref<10240x128xf32, #tpu.memory_space<vmem_shared>> -> memref<640x128xf32, #tpu.memory_space<vmem_shared>>
      tpu.enqueue_dma source(%dma_start3A_99 : memref<640x128xf32, #tpu.memory_space<vmem_shared>>) target(%dma_start3A_97 : memref<640x128xf32, #tpu.memory_space<hbm>>) target_semaphore(%run_scoped3A : memref<!tpu.dma_semaphore, #tpu.memory_space<semaphore_mem>>)
      %dma_wait3A_100 = arith.constant 0 : i32
      %dma_wait3A_101 = tpu.memref_slice %arg5[%arg0, %mul3A_5, %dma_wait3A_100] : memref<2x10240x128xf32, #tpu.memory_space<hbm>> -> memref<1x640x128xf32, #tpu.memory_space<hbm>>
      %dma_wait3A_102 = tpu.memref_squeeze %dma_wait3A_101 : memref<1x640x128xf32, #tpu.memory_space<hbm>> -> memref<640x128xf32, #tpu.memory_space<hbm>>
      %dma_wait3A_103 = arith.constant 0 : i32
      %dma_wait3A_104 = tpu.memref_slice %arg9[%mul3A_5, %dma_wait3A_103] : memref<10240x128xf32, #tpu.memory_space<vmem_shared>> -> memref<640x128xf32, #tpu.memory_space<vmem_shared>>
      tpu.wait_dma2 semaphore(%run_scoped3A : memref<!tpu.dma_semaphore, #tpu.memory_space<semaphore_mem>>) src(%dma_wait3A_104 : memref<640x128xf32, #tpu.memory_space<vmem_shared>>) dst(%dma_wait3A_102 : memref<640x128xf32, #tpu.memory_space<hbm>>)
      tpu.yield
    }) : () -> ()
    return
  }
}

#map = affine_map<(d0, d1) -> (0, 0)>
#map1 = affine_map<(d0, d1) -> (0, 0, 0, 0)>
#map2 = affine_map<(d0, d1) -> (0, 0, 0)>
module attributes {stable_mosaic.version = 14 : i64} {
  func.func @body(%arg0: i32, %arg1: i32, %arg2: memref<20480x128xf32, #tpu.memory_space<hbm>>, %arg3: memref<2x16x160x128xi32, #tpu.memory_space<hbm>>, %arg4: memref<2x16x160x128xi32, #tpu.memory_space<hbm>>, %arg5: memref<2x10240x128xf32, #tpu.memory_space<hbm>>, %arg6: memref<40x128xi32, #tpu.memory_space<vmem>>, %arg7: memref<40x128xi32, #tpu.memory_space<vmem>>, %arg8: memref<2x128x128xf32, #tpu.memory_space<vmem>>, %arg9: memref<10240x128xf32, #tpu.memory_space<vmem_shared>>, %arg10: memref<!tpu.dma_semaphore, #tpu.memory_space<semaphore_mem>>, %arg11: memref<!tpu.dma_semaphore, #tpu.memory_space<semaphore_mem>>, %arg12: memref<!tpu.dma_semaphore, #tpu.memory_space<semaphore_mem>>, %arg13: memref<!tpu.dma_semaphore, #tpu.memory_space<semaphore_mem>>) attributes {dimension_semantics = [#tpu.dimension_semantics<core_parallel>, #tpu.dimension_semantics<subcore_parallel>], iteration_bounds = array<i64: 2, 16>, scalar_prefetch = 0 : i64, scratch_operands = 8 : i64, tpu.core_type = #tpu.core_type<sc_vector_subcore>, window_params = [{transform_indices = #map}, {transform_indices = #map1}, {transform_indices = #map1}, {transform_indices = #map2}]} {
    %scan3A = arith.constant 0 : i32
    %scan3A_0 = arith.constant 0 : i32
    %scan3A_1 = arith.constant 128 : i32
    %scan3A_2 = arith.addi %scan3A_0, %scan3A_1 : i32
    %scan3A_3 = arith.constant 1 : i32
    scf.for %scan3A_179 = %scan3A_0 to %scan3A_2 step %scan3A_3  : i32 {
      %broadcast_in_dim3A = arith.constant 0.000000e+00 : f32
      %broadcast_in_dim3A_180 = vector.broadcast %broadcast_in_dim3A : f32 to vector<16xf32>
      %swap3A = arith.constant 0 : i32
      %swap3A_181 = arith.index_cast %swap3A : i32 to index
      %swap3A_182 = arith.index_cast %scan3A_179 : i32 to index
      %swap3A_183 = arith.constant 0 : index
      %swap3A_184 = tpu.vector_load %arg8[%swap3A_181, %swap3A_182, %swap3A_183] {strides = array<i32>} : memref<2x128x128xf32, #tpu.memory_space<vmem>>, vector<1x1x16xf32>,
      %swap3A_185 = vector.shape_cast %swap3A_184 : vector<1x1x16xf32> to vector<16xf32>
      %swap3A_186 = vector.shape_cast %broadcast_in_dim3A_180 : vector<16xf32> to vector<1x1x16xf32>
      tpu.vector_store %arg8[%swap3A_181, %swap3A_182, %swap3A_183], %swap3A_186 {strides = array<i32>} : memref<2x128x128xf32, #tpu.memory_space<vmem>>, vector<1x1x16xf32>,
      %broadcast_in_dim3A_187 = arith.constant 0.000000e+00 : f32
      %broadcast_in_dim3A_188 = vector.broadcast %broadcast_in_dim3A_187 : f32 to vector<16xf32>
      %swap3A_189 = arith.constant 0 : i32
      %swap3A_190 = arith.index_cast %swap3A_189 : i32 to index
      %swap3A_191 = arith.index_cast %scan3A_179 : i32 to index
      %swap3A_192 = arith.constant 16 : index
      %swap3A_193 = tpu.vector_load %arg8[%swap3A_190, %swap3A_191, %swap3A_192] {strides = array<i32>} : memref<2x128x128xf32, #tpu.memory_space<vmem>>, vector<1x1x16xf32>,
      %swap3A_194 = vector.shape_cast %swap3A_193 : vector<1x1x16xf32> to vector<16xf32>
      %swap3A_195 = vector.shape_cast %broadcast_in_dim3A_188 : vector<16xf32> to vector<1x1x16xf32>
      tpu.vector_store %arg8[%swap3A_190, %swap3A_191, %swap3A_192], %swap3A_195 {strides = array<i32>} : memref<2x128x128xf32, #tpu.memory_space<vmem>>, vector<1x1x16xf32>,
      %broadcast_in_dim3A_196 = arith.constant 0.000000e+00 : f32
      %broadcast_in_dim3A_197 = vector.broadcast %broadcast_in_dim3A_196 : f32 to vector<16xf32>
      %swap3A_198 = arith.constant 0 : i32
      %swap3A_199 = arith.index_cast %swap3A_198 : i32 to index
      %swap3A_200 = arith.index_cast %scan3A_179 : i32 to index
      %swap3A_201 = arith.constant 32 : index
      %swap3A_202 = tpu.vector_load %arg8[%swap3A_199, %swap3A_200, %swap3A_201] {strides = array<i32>} : memref<2x128x128xf32, #tpu.memory_space<vmem>>, vector<1x1x16xf32>,
      %swap3A_203 = vector.shape_cast %swap3A_202 : vector<1x1x16xf32> to vector<16xf32>
      %swap3A_204 = vector.shape_cast %broadcast_in_dim3A_197 : vector<16xf32> to vector<1x1x16xf32>
      tpu.vector_store %arg8[%swap3A_199, %swap3A_200, %swap3A_201], %swap3A_204 {strides = array<i32>} : memref<2x128x128xf32, #tpu.memory_space<vmem>>, vector<1x1x16xf32>,
      %broadcast_in_dim3A_205 = arith.constant 0.000000e+00 : f32
      %broadcast_in_dim3A_206 = vector.broadcast %broadcast_in_dim3A_205 : f32 to vector<16xf32>
      %swap3A_207 = arith.constant 0 : i32
      %swap3A_208 = arith.index_cast %swap3A_207 : i32 to index
      %swap3A_209 = arith.index_cast %scan3A_179 : i32 to index
      %swap3A_210 = arith.constant 48 : index
      %swap3A_211 = tpu.vector_load %arg8[%swap3A_208, %swap3A_209, %swap3A_210] {strides = array<i32>} : memref<2x128x128xf32, #tpu.memory_space<vmem>>, vector<1x1x16xf32>,
      %swap3A_212 = vector.shape_cast %swap3A_211 : vector<1x1x16xf32> to vector<16xf32>
      %swap3A_213 = vector.shape_cast %broadcast_in_dim3A_206 : vector<16xf32> to vector<1x1x16xf32>
      tpu.vector_store %arg8[%swap3A_208, %swap3A_209, %swap3A_210], %swap3A_213 {strides = array<i32>} : memref<2x128x128xf32, #tpu.memory_space<vmem>>, vector<1x1x16xf32>,
      %broadcast_in_dim3A_214 = arith.constant 0.000000e+00 : f32
      %broadcast_in_dim3A_215 = vector.broadcast %broadcast_in_dim3A_214 : f32 to vector<16xf32>
      %swap3A_216 = arith.constant 0 : i32
      %swap3A_217 = arith.index_cast %swap3A_216 : i32 to index
      %swap3A_218 = arith.index_cast %scan3A_179 : i32 to index
      %swap3A_219 = arith.constant 64 : index
      %swap3A_220 = tpu.vector_load %arg8[%swap3A_217, %swap3A_218, %swap3A_219] {strides = array<i32>} : memref<2x128x128xf32, #tpu.memory_space<vmem>>, vector<1x1x16xf32>,
      %swap3A_221 = vector.shape_cast %swap3A_220 : vector<1x1x16xf32> to vector<16xf32>
      %swap3A_222 = vector.shape_cast %broadcast_in_dim3A_215 : vector<16xf32> to vector<1x1x16xf32>
      tpu.vector_store %arg8[%swap3A_217, %swap3A_218, %swap3A_219], %swap3A_222 {strides = array<i32>} : memref<2x128x128xf32, #tpu.memory_space<vmem>>, vector<1x1x16xf32>,
      %broadcast_in_dim3A_223 = arith.constant 0.000000e+00 : f32
      %broadcast_in_dim3A_224 = vector.broadcast %broadcast_in_dim3A_223 : f32 to vector<16xf32>
      %swap3A_225 = arith.constant 0 : i32
      %swap3A_226 = arith.index_cast %swap3A_225 : i32 to index
      %swap3A_227 = arith.index_cast %scan3A_179 : i32 to index
      %swap3A_228 = arith.constant 80 : index
      %swap3A_229 = tpu.vector_load %arg8[%swap3A_226, %swap3A_227, %swap3A_228] {strides = array<i32>} : memref<2x128x128xf32, #tpu.memory_space<vmem>>, vector<1x1x16xf32>,
      %swap3A_230 = vector.shape_cast %swap3A_229 : vector<1x1x16xf32> to vector<16xf32>
      %swap3A_231 = vector.shape_cast %broadcast_in_dim3A_224 : vector<16xf32> to vector<1x1x16xf32>
      tpu.vector_store %arg8[%swap3A_226, %swap3A_227, %swap3A_228], %swap3A_231 {strides = array<i32>} : memref<2x128x128xf32, #tpu.memory_space<vmem>>, vector<1x1x16xf32>,
      %broadcast_in_dim3A_232 = arith.constant 0.000000e+00 : f32
      %broadcast_in_dim3A_233 = vector.broadcast %broadcast_in_dim3A_232 : f32 to vector<16xf32>
      %swap3A_234 = arith.constant 0 : i32
      %swap3A_235 = arith.index_cast %swap3A_234 : i32 to index
      %swap3A_236 = arith.index_cast %scan3A_179 : i32 to index
      %swap3A_237 = arith.constant 96 : index
      %swap3A_238 = tpu.vector_load %arg8[%swap3A_235, %swap3A_236, %swap3A_237] {strides = array<i32>} : memref<2x128x128xf32, #tpu.memory_space<vmem>>, vector<1x1x16xf32>,
      %swap3A_239 = vector.shape_cast %swap3A_238 : vector<1x1x16xf32> to vector<16xf32>
      %swap3A_240 = vector.shape_cast %broadcast_in_dim3A_233 : vector<16xf32> to vector<1x1x16xf32>
      tpu.vector_store %arg8[%swap3A_235, %swap3A_236, %swap3A_237], %swap3A_240 {strides = array<i32>} : memref<2x128x128xf32, #tpu.memory_space<vmem>>, vector<1x1x16xf32>,
      %broadcast_in_dim3A_241 = arith.constant 0.000000e+00 : f32
      %broadcast_in_dim3A_242 = vector.broadcast %broadcast_in_dim3A_241 : f32 to vector<16xf32>
      %swap3A_243 = arith.constant 0 : i32
      %swap3A_244 = arith.index_cast %swap3A_243 : i32 to index
      %swap3A_245 = arith.index_cast %scan3A_179 : i32 to index
      %swap3A_246 = arith.constant 112 : index
      %swap3A_247 = tpu.vector_load %arg8[%swap3A_244, %swap3A_245, %swap3A_246] {strides = array<i32>} : memref<2x128x128xf32, #tpu.memory_space<vmem>>, vector<1x1x16xf32>,
      %swap3A_248 = vector.shape_cast %swap3A_247 : vector<1x1x16xf32> to vector<16xf32>
      %swap3A_249 = vector.shape_cast %broadcast_in_dim3A_242 : vector<16xf32> to vector<1x1x16xf32>
      tpu.vector_store %arg8[%swap3A_244, %swap3A_245, %swap3A_246], %swap3A_249 {strides = array<i32>} : memref<2x128x128xf32, #tpu.memory_space<vmem>>, vector<1x1x16xf32>,
    }
    %scan3A_4 = arith.constant 128 : i32
    %mul3A = arith.constant 640 : i32
    %mul3A_5 = arith.muli %arg1, %mul3A : i32
    %scan3A_6 = arith.constant 0 : i32
    %scan3A_7 = arith.constant 0 : i32
    %scan3A_8 = arith.constant 5 : i32
    %scan3A_9 = arith.addi %scan3A_7, %scan3A_8 : i32
    %scan3A_10 = arith.constant 1 : i32
    scf.for %scan3A_179 = %scan3A_7 to %scan3A_9 step %scan3A_10  : i32 {
      %mul3A_180 = arith.constant 128 : i32
      %mul3A_181 = arith.muli %scan3A_179, %mul3A_180 : i32
      %add3A = arith.addi %mul3A_5, %mul3A_181 : i32
      %run_scoped3A = arith.constant 0 : i32
      "tpu.region"() ({
        %run_scoped3A_182 = tpu.sem_alloc : memref<!tpu.dma_semaphore, #tpu.memory_space<semaphore_mem>>
        %dma_start3A_183 = arith.constant 0 : i32
        %dma_start3A_184 = arith.constant 0 : i32
        %dma_start3A_185 = tpu.memref_slice %arg8[%run_scoped3A, %dma_start3A_183, %dma_start3A_184] : memref<2x128x128xf32, #tpu.memory_space<vmem>> -> memref<1x128x128xf32, #tpu.memory_space<vmem>>
        %dma_start3A_186 = tpu.memref_squeeze %dma_start3A_185 : memref<1x128x128xf32, #tpu.memory_space<vmem>> -> memref<128x128xf32, #tpu.memory_space<vmem>>
        %dma_start3A_187 = arith.constant 0 : i32
        %dma_start3A_188 = tpu.memref_slice %arg9[%add3A, %dma_start3A_187] : memref<10240x128xf32, #tpu.memory_space<vmem_shared>> -> memref<128x128xf32, #tpu.memory_space<vmem_shared>>
        %dma_start3A_189 = arith.constant 0 : i32
        %dma_start3A_190 = tpu.memref_slice %arg9[%add3A, %dma_start3A_189] : memref<10240x128xf32, #tpu.memory_space<vmem_shared>> -> memref<128x128xf32, #tpu.memory_space<vmem_shared>>
        %dma_start3A_191 = arith.constant 0 : i32
        %dma_start3A_192 = arith.constant 0 : i32
        %dma_start3A_193 = tpu.memref_slice %arg8[%run_scoped3A, %dma_start3A_191, %dma_start3A_192] : memref<2x128x128xf32, #tpu.memory_space<vmem>> -> memref<1x128x128xf32, #tpu.memory_space<vmem>>
        %dma_start3A_194 = tpu.memref_squeeze %dma_start3A_193 : memref<1x128x128xf32, #tpu.memory_space<vmem>> -> memref<128x128xf32, #tpu.memory_space<vmem>>
        tpu.enqueue_dma source(%dma_start3A_194 : memref<128x128xf32, #tpu.memory_space<vmem>>) target(%dma_start3A_190 : memref<128x128xf32, #tpu.memory_space<vmem_shared>>) target_semaphore(%run_scoped3A_182 : memref<!tpu.dma_semaphore, #tpu.memory_space<semaphore_mem>>)
        %dma_wait3A_195 = arith.constant 0 : i32
        %dma_wait3A_196 = arith.constant 0 : i32
        %dma_wait3A_197 = tpu.memref_slice %arg8[%run_scoped3A, %dma_wait3A_195, %dma_wait3A_196] : memref<2x128x128xf32, #tpu.memory_space<vmem>> -> memref<1x128x128xf32, #tpu.memory_space<vmem>>
        %dma_wait3A_198 = tpu.memref_squeeze %dma_wait3A_197 : memref<1x128x128xf32, #tpu.memory_space<vmem>> -> memref<128x128xf32, #tpu.memory_space<vmem>>
        %dma_wait3A_199 = arith.constant 0 : i32
        %dma_wait3A_200 = tpu.memref_slice %arg9[%add3A, %dma_wait3A_199] : memref<10240x128xf32, #tpu.memory_space<vmem_shared>> -> memref<128x128xf32, #tpu.memory_space<vmem_shared>>
        %dma_wait3A_201 = arith.constant 0 : i32
        %dma_wait3A_202 = tpu.memref_slice %arg9[%add3A, %dma_wait3A_201] : memref<10240x128xf32, #tpu.memory_space<vmem_shared>> -> memref<128x128xf32, #tpu.memory_space<vmem_shared>>
        %dma_wait3A_203 = arith.constant 0 : i32
        %dma_wait3A_204 = arith.constant 0 : i32
        %dma_wait3A_205 = tpu.memref_slice %arg8[%run_scoped3A, %dma_wait3A_203, %dma_wait3A_204] : memref<2x128x128xf32, #tpu.memory_space<vmem>> -> memref<1x128x128xf32, #tpu.memory_space<vmem>>
        %dma_wait3A_206 = tpu.memref_squeeze %dma_wait3A_205 : memref<1x128x128xf32, #tpu.memory_space<vmem>> -> memref<128x128xf32, #tpu.memory_space<vmem>>
        tpu.wait_dma2 semaphore(%run_scoped3A_182 : memref<!tpu.dma_semaphore, #tpu.memory_space<semaphore_mem>>) src(%dma_wait3A_206 : memref<128x128xf32, #tpu.memory_space<vmem>>) dst(%dma_wait3A_202 : memref<128x128xf32, #tpu.memory_space<vmem_shared>>)
        tpu.yield
      }) : () -> ()
    }
    %scan3A_11 = arith.constant 5 : i32
    %barrier3A = arith.constant 0 : index
    tpu.barrier barrier_id(%barrier3A)
    "tpu.region"() ({
      %run_scoped3A = tpu.sem_alloc : memref<!tpu.dma_semaphore, #tpu.memory_space<semaphore_mem>>
      %dma_start3A_179 = arith.constant 0 : i32
      %dma_start3A_180 = arith.constant 0 : i32
      %dma_start3A_181 = tpu.memref_slice %arg3[%arg0, %arg1, %dma_start3A_179, %dma_start3A_180] : memref<2x16x160x128xi32, #tpu.memory_space<hbm>> -> memref<1x1x40x128xi32, #tpu.memory_space<hbm>>
      %dma_start3A_182 = tpu.memref_squeeze %dma_start3A_181 : memref<1x1x40x128xi32, #tpu.memory_space<hbm>> -> memref<40x128xi32, #tpu.memory_space<hbm>>
      %dma_start3A_183 = arith.constant 0 : i32
      %dma_start3A_184 = arith.constant 0 : i32
      %dma_start3A_185 = tpu.memref_slice %arg3[%arg0, %arg1, %dma_start3A_183, %dma_start3A_184] : memref<2x16x160x128xi32, #tpu.memory_space<hbm>> -> memref<1x1x40x128xi32, #tpu.memory_space<hbm>>
      %dma_start3A_186 = tpu.memref_squeeze %dma_start3A_185 : memref<1x1x40x128xi32, #tpu.memory_space<hbm>> -> memref<40x128xi32, #tpu.memory_space<hbm>>
      tpu.enqueue_dma source(%dma_start3A_186 : memref<40x128xi32, #tpu.memory_space<hbm>>) target(%arg6 : memref<40x128xi32, #tpu.memory_space<vmem>>) target_semaphore(%run_scoped3A : memref<!tpu.dma_semaphore, #tpu.memory_space<semaphore_mem>>)
      %dma_wait3A_187 = arith.constant 0 : i32
      %dma_wait3A_188 = arith.constant 0 : i32
      %dma_wait3A_189 = tpu.memref_slice %arg3[%arg0, %arg1, %dma_wait3A_187, %dma_wait3A_188] : memref<2x16x160x128xi32, #tpu.memory_space<hbm>> -> memref<1x1x40x128xi32, #tpu.memory_space<hbm>>
      %dma_wait3A_190 = tpu.memref_squeeze %dma_wait3A_189 : memref<1x1x40x128xi32, #tpu.memory_space<hbm>> -> memref<40x128xi32, #tpu.memory_space<hbm>>
      %dma_wait3A_191 = arith.constant 0 : i32
      %dma_wait3A_192 = arith.constant 0 : i32
      %dma_wait3A_193 = tpu.memref_slice %arg3[%arg0, %arg1, %dma_wait3A_191, %dma_wait3A_192] : memref<2x16x160x128xi32, #tpu.memory_space<hbm>> -> memref<1x1x40x128xi32, #tpu.memory_space<hbm>>
      %dma_wait3A_194 = tpu.memref_squeeze %dma_wait3A_193 : memref<1x1x40x128xi32, #tpu.memory_space<hbm>> -> memref<40x128xi32, #tpu.memory_space<hbm>>
      tpu.wait_dma2 semaphore(%run_scoped3A : memref<!tpu.dma_semaphore, #tpu.memory_space<semaphore_mem>>) src(%dma_wait3A_194 : memref<40x128xi32, #tpu.memory_space<hbm>>) dst(%arg6 : memref<40x128xi32, #tpu.memory_space<vmem>>)
      tpu.yield
    }) : () -> ()
    "tpu.region"() ({
      %run_scoped3A = tpu.sem_alloc : memref<!tpu.dma_semaphore, #tpu.memory_space<semaphore_mem>>
      %dma_start3A_179 = arith.constant 0 : i32
      %dma_start3A_180 = arith.constant 0 : i32
      %dma_start3A_181 = tpu.memref_slice %arg4[%arg0, %arg1, %dma_start3A_179, %dma_start3A_180] : memref<2x16x160x128xi32, #tpu.memory_space<hbm>> -> memref<1x1x40x128xi32, #tpu.memory_space<hbm>>
      %dma_start3A_182 = tpu.memref_squeeze %dma_start3A_181 : memref<1x1x40x128xi32, #tpu.memory_space<hbm>> -> memref<40x128xi32, #tpu.memory_space<hbm>>
      %dma_start3A_183 = arith.constant 0 : i32
      %dma_start3A_184 = arith.constant 0 : i32
      %dma_start3A_185 = tpu.memref_slice %arg4[%arg0, %arg1, %dma_start3A_183, %dma_start3A_184] : memref<2x16x160x128xi32, #tpu.memory_space<hbm>> -> memref<1x1x40x128xi32, #tpu.memory_space<hbm>>
      %dma_start3A_186 = tpu.memref_squeeze %dma_start3A_185 : memref<1x1x40x128xi32, #tpu.memory_space<hbm>> -> memref<40x128xi32, #tpu.memory_space<hbm>>
      tpu.enqueue_dma source(%dma_start3A_186 : memref<40x128xi32, #tpu.memory_space<hbm>>) target(%arg7 : memref<40x128xi32, #tpu.memory_space<vmem>>) target_semaphore(%run_scoped3A : memref<!tpu.dma_semaphore, #tpu.memory_space<semaphore_mem>>)
      %dma_wait3A_187 = arith.constant 0 : i32
      %dma_wait3A_188 = arith.constant 0 : i32
      %dma_wait3A_189 = tpu.memref_slice %arg4[%arg0, %arg1, %dma_wait3A_187, %dma_wait3A_188] : memref<2x16x160x128xi32, #tpu.memory_space<hbm>> -> memref<1x1x40x128xi32, #tpu.memory_space<hbm>>
      %dma_wait3A_190 = tpu.memref_squeeze %dma_wait3A_189 : memref<1x1x40x128xi32, #tpu.memory_space<hbm>> -> memref<40x128xi32, #tpu.memory_space<hbm>>
      %dma_wait3A_191 = arith.constant 0 : i32
      %dma_wait3A_192 = arith.constant 0 : i32
      %dma_wait3A_193 = tpu.memref_slice %arg4[%arg0, %arg1, %dma_wait3A_191, %dma_wait3A_192] : memref<2x16x160x128xi32, #tpu.memory_space<hbm>> -> memref<1x1x40x128xi32, #tpu.memory_space<hbm>>
      %dma_wait3A_194 = tpu.memref_squeeze %dma_wait3A_193 : memref<1x1x40x128xi32, #tpu.memory_space<hbm>> -> memref<40x128xi32, #tpu.memory_space<hbm>>
      tpu.wait_dma2 semaphore(%run_scoped3A : memref<!tpu.dma_semaphore, #tpu.memory_space<semaphore_mem>>) src(%dma_wait3A_194 : memref<40x128xi32, #tpu.memory_space<hbm>>) dst(%arg7 : memref<40x128xi32, #tpu.memory_space<vmem>>)
      tpu.yield
    }) : () -> ()
    %dma_start3A = arith.constant 0 : i32
    %dma_start3A_12 = arith.constant 0 : i32
    %dma_start3A_13 = arith.constant 0 : i32
    %dma_start3A_14 = arith.constant 0 : i32
    %dma_start3A_15 = tpu.memref_slice %arg8[%dma_start3A_12, %dma_start3A_13, %dma_start3A_14] : memref<2x128x128xf32, #tpu.memory_space<vmem>> -> memref<1x128x128xf32, #tpu.memory_space<vmem>>
    %dma_start3A_16 = tpu.memref_squeeze %dma_start3A_15 : memref<1x128x128xf32, #tpu.memory_space<vmem>> -> memref<128x128xf32, #tpu.memory_space<vmem>>
    %dma_start3A_17 = arith.constant 0 : i32
    %dma_start3A_18 = tpu.memref_slice %arg6[%dma_start3A, %dma_start3A_17] : memref<40x128xi32, #tpu.memory_space<vmem>> -> memref<1x128xi32, #tpu.memory_space<vmem>>
    %dma_start3A_19 = tpu.memref_squeeze %dma_start3A_18 : memref<1x128xi32, #tpu.memory_space<vmem>> -> memref<128xi32, #tpu.memory_space<vmem>>
    %dma_start3A_20 = arith.constant 0 : i32
    %dma_start3A_21 = arith.constant 0 : i32
    %dma_start3A_22 = tpu.memref_slice %arg2[%dma_start3A_20, %dma_start3A_21] : memref<20480x128xf32, #tpu.memory_space<hbm>> -> memref<20480x128xf32, #tpu.memory_space<hbm>>
    tpu.enqueue_indirect_dma source(%dma_start3A_22 : memref<20480x128xf32, #tpu.memory_space<hbm>>) target(%dma_start3A_16 : memref<128x128xf32, #tpu.memory_space<vmem>>) offsets(%dma_start3A_19 : memref<128xi32, #tpu.memory_space<vmem>>) semaphore(%arg10 : memref<!tpu.dma_semaphore, #tpu.memory_space<semaphore_mem>>)
    %dma_start3A_23 = arith.constant 1 : i32
    %dma_start3A_24 = arith.constant 1 : i32
    %dma_start3A_25 = arith.constant 0 : i32
    %dma_start3A_26 = arith.constant 0 : i32
    %dma_start3A_27 = tpu.memref_slice %arg8[%dma_start3A_24, %dma_start3A_25, %dma_start3A_26] : memref<2x128x128xf32, #tpu.memory_space<vmem>> -> memref<1x128x128xf32, #tpu.memory_space<vmem>>
    %dma_start3A_28 = tpu.memref_squeeze %dma_start3A_27 : memref<1x128x128xf32, #tpu.memory_space<vmem>> -> memref<128x128xf32, #tpu.memory_space<vmem>>
    %dma_start3A_29 = arith.constant 0 : i32
    %dma_start3A_30 = tpu.memref_slice %arg6[%dma_start3A_23, %dma_start3A_29] : memref<40x128xi32, #tpu.memory_space<vmem>> -> memref<1x128xi32, #tpu.memory_space<vmem>>
    %dma_start3A_31 = tpu.memref_squeeze %dma_start3A_30 : memref<1x128xi32, #tpu.memory_space<vmem>> -> memref<128xi32, #tpu.memory_space<vmem>>
    %dma_start3A_32 = arith.constant 0 : i32
    %dma_start3A_33 = arith.constant 0 : i32
    %dma_start3A_34 = tpu.memref_slice %arg2[%dma_start3A_32, %dma_start3A_33] : memref<20480x128xf32, #tpu.memory_space<hbm>> -> memref<20480x128xf32, #tpu.memory_space<hbm>>
    tpu.enqueue_indirect_dma source(%dma_start3A_34 : memref<20480x128xf32, #tpu.memory_space<hbm>>) target(%dma_start3A_28 : memref<128x128xf32, #tpu.memory_space<vmem>>) offsets(%dma_start3A_31 : memref<128xi32, #tpu.memory_space<vmem>>) semaphore(%arg11 : memref<!tpu.dma_semaphore, #tpu.memory_space<semaphore_mem>>)
    %scan3A_35 = arith.constant 0 : i32
    %scan3A_36 = arith.constant 0 : i32
    %scan3A_37 = arith.constant 20 : i32
    %scan3A_38 = arith.addi %scan3A_36, %scan3A_37 : i32
    %scan3A_39 = arith.constant 1 : i32
    scf.for %scan3A_179 = %scan3A_36 to %scan3A_38 step %scan3A_39  : i32 {
      %mul3A_180 = arith.constant 2 : i32
      %mul3A_181 = arith.muli %scan3A_179, %mul3A_180 : i32
      %add3A = arith.constant 0 : i32
      %add3A_182 = arith.addi %mul3A_181, %add3A : i32
      %ge3A = arith.constant 1 : i32
      %ge3A_183 = arith.cmpi sge, %add3A_182, %ge3A : i32
      %convert_element_type3A = arith.extui %ge3A_183 : i1 to i32
      %cond3A = arith.constant 0 : i32
      %cond3A_184 = arith.cmpi ne, %convert_element_type3A, %cond3A : i32
      scf.if %cond3A_184 {
        %sub3A_259 = arith.constant 1 : i32
        %sub3A_260 = arith.subi %add3A_182, %sub3A_259 : i32
        %dma_wait3A_261 = arith.constant 1 : i32
        %dma_wait3A_262 = arith.constant 0 : i32
        %dma_wait3A_263 = arith.constant 0 : i32
        %dma_wait3A_264 = tpu.memref_slice %arg8[%dma_wait3A_261, %dma_wait3A_262, %dma_wait3A_263] : memref<2x128x128xf32, #tpu.memory_space<vmem>> -> memref<1x128x128xf32, #tpu.memory_space<vmem>>
        %dma_wait3A_265 = tpu.memref_squeeze %dma_wait3A_264 : memref<1x128x128xf32, #tpu.memory_space<vmem>> -> memref<128x128xf32, #tpu.memory_space<vmem>>
        %dma_wait3A_266 = arith.constant 0 : i32
        %dma_wait3A_267 = tpu.memref_slice %arg7[%sub3A_260, %dma_wait3A_266] : memref<40x128xi32, #tpu.memory_space<vmem>> -> memref<1x128xi32, #tpu.memory_space<vmem>>
        %dma_wait3A_268 = tpu.memref_squeeze %dma_wait3A_267 : memref<1x128xi32, #tpu.memory_space<vmem>> -> memref<128xi32, #tpu.memory_space<vmem>>
        %dma_wait3A_269 = arith.constant 0 : i32
        %dma_wait3A_270 = arith.constant 0 : i32
        %dma_wait3A_271 = tpu.memref_slice %arg9[%dma_wait3A_269, %dma_wait3A_270] : memref<10240x128xf32, #tpu.memory_space<vmem_shared>> -> memref<10240x128xf32, #tpu.memory_space<vmem_shared>>
        tpu.wait_indirect_dma semaphore(%arg13 : memref<!tpu.dma_semaphore, #tpu.memory_space<semaphore_mem>>) src(%dma_wait3A_265 : memref<128x128xf32, #tpu.memory_space<vmem>>) dst(%dma_wait3A_271 : memref<10240x128xf32, #tpu.memory_space<vmem_shared>>)
      } else {
      }
      %ge3A_185 = arith.constant 1 : i32
      %ge3A_186 = arith.cmpi sge, %add3A_182, %ge3A_185 : i32
      %sub3A = arith.constant 1 : i32
      %sub3A_187 = arith.subi %add3A_182, %sub3A : i32
      %add3A_188 = arith.constant 2 : i32
      %add3A_189 = arith.addi %sub3A_187, %add3A_188 : i32
      %lt3A = arith.constant 40 : i32
      %lt3A_190 = arith.cmpi slt, %add3A_189, %lt3A : i32
      %and3A = arith.andi %ge3A_186, %lt3A_190 : i1
      %convert_element_type3A_191 = arith.extui %and3A : i1 to i32
      %cond3A_192 = arith.constant 0 : i32
      %cond3A_193 = arith.cmpi ne, %convert_element_type3A_191, %cond3A_192 : i32
      scf.if %cond3A_193 {
        %sub3A_259 = arith.constant 1 : i32
        %sub3A_260 = arith.subi %add3A_182, %sub3A_259 : i32
        %add3A_261 = arith.constant 2 : i32
        %add3A_262 = arith.addi %sub3A_260, %add3A_261 : i32
        %dma_start3A_263 = arith.constant 1 : i32
        %dma_start3A_264 = arith.constant 0 : i32
        %dma_start3A_265 = arith.constant 0 : i32
        %dma_start3A_266 = tpu.memref_slice %arg8[%dma_start3A_263, %dma_start3A_264, %dma_start3A_265] : memref<2x128x128xf32, #tpu.memory_space<vmem>> -> memref<1x128x128xf32, #tpu.memory_space<vmem>>
        %dma_start3A_267 = tpu.memref_squeeze %dma_start3A_266 : memref<1x128x128xf32, #tpu.memory_space<vmem>> -> memref<128x128xf32, #tpu.memory_space<vmem>>
        %dma_start3A_268 = arith.constant 0 : i32
        %dma_start3A_269 = tpu.memref_slice %arg6[%add3A_262, %dma_start3A_268] : memref<40x128xi32, #tpu.memory_space<vmem>> -> memref<1x128xi32, #tpu.memory_space<vmem>>
        %dma_start3A_270 = tpu.memref_squeeze %dma_start3A_269 : memref<1x128xi32, #tpu.memory_space<vmem>> -> memref<128xi32, #tpu.memory_space<vmem>>
        %dma_start3A_271 = arith.constant 0 : i32
        %dma_start3A_272 = arith.constant 0 : i32
        %dma_start3A_273 = tpu.memref_slice %arg2[%dma_start3A_271, %dma_start3A_272] : memref<20480x128xf32, #tpu.memory_space<hbm>> -> memref<20480x128xf32, #tpu.memory_space<hbm>>
        tpu.enqueue_indirect_dma source(%dma_start3A_273 : memref<20480x128xf32, #tpu.memory_space<hbm>>) target(%dma_start3A_267 : memref<128x128xf32, #tpu.memory_space<vmem>>) offsets(%dma_start3A_270 : memref<128xi32, #tpu.memory_space<vmem>>) semaphore(%arg11 : memref<!tpu.dma_semaphore, #tpu.memory_space<semaphore_mem>>)
      } else {
      }
      %dma_wait3A_194 = arith.constant 0 : i32
      %dma_wait3A_195 = arith.constant 0 : i32
      %dma_wait3A_196 = arith.constant 0 : i32
      %dma_wait3A_197 = tpu.memref_slice %arg8[%dma_wait3A_194, %dma_wait3A_195, %dma_wait3A_196] : memref<2x128x128xf32, #tpu.memory_space<vmem>> -> memref<1x128x128xf32, #tpu.memory_space<vmem>>
      %dma_wait3A_198 = tpu.memref_squeeze %dma_wait3A_197 : memref<1x128x128xf32, #tpu.memory_space<vmem>> -> memref<128x128xf32, #tpu.memory_space<vmem>>
      %dma_wait3A_199 = arith.constant 0 : i32
      %dma_wait3A_200 = tpu.memref_slice %arg6[%add3A_182, %dma_wait3A_199] : memref<40x128xi32, #tpu.memory_space<vmem>> -> memref<1x128xi32, #tpu.memory_space<vmem>>
      %dma_wait3A_201 = tpu.memref_squeeze %dma_wait3A_200 : memref<1x128xi32, #tpu.memory_space<vmem>> -> memref<128xi32, #tpu.memory_space<vmem>>
      %dma_wait3A_202 = arith.constant 0 : i32
      %dma_wait3A_203 = arith.constant 0 : i32
      %dma_wait3A_204 = tpu.memref_slice %arg2[%dma_wait3A_202, %dma_wait3A_203] : memref<20480x128xf32, #tpu.memory_space<hbm>> -> memref<20480x128xf32, #tpu.memory_space<hbm>>
      tpu.wait_indirect_dma semaphore(%arg10 : memref<!tpu.dma_semaphore, #tpu.memory_space<semaphore_mem>>) src(%dma_wait3A_204 : memref<20480x128xf32, #tpu.memory_space<hbm>>) dst(%dma_wait3A_198 : memref<128x128xf32, #tpu.memory_space<vmem>>)
      %dma_start3A_205 = arith.constant 0 : i32
      %dma_start3A_206 = arith.constant 0 : i32
      %dma_start3A_207 = arith.constant 0 : i32
      %dma_start3A_208 = tpu.memref_slice %arg8[%dma_start3A_205, %dma_start3A_206, %dma_start3A_207] : memref<2x128x128xf32, #tpu.memory_space<vmem>> -> memref<1x128x128xf32, #tpu.memory_space<vmem>>
      %dma_start3A_209 = tpu.memref_squeeze %dma_start3A_208 : memref<1x128x128xf32, #tpu.memory_space<vmem>> -> memref<128x128xf32, #tpu.memory_space<vmem>>
      %dma_start3A_210 = arith.constant 0 : i32
      %dma_start3A_211 = tpu.memref_slice %arg7[%add3A_182, %dma_start3A_210] : memref<40x128xi32, #tpu.memory_space<vmem>> -> memref<1x128xi32, #tpu.memory_space<vmem>>
      %dma_start3A_212 = tpu.memref_squeeze %dma_start3A_211 : memref<1x128xi32, #tpu.memory_space<vmem>> -> memref<128xi32, #tpu.memory_space<vmem>>
      %dma_start3A_213 = arith.constant 0 : i32
      %dma_start3A_214 = arith.constant 0 : i32
      %dma_start3A_215 = tpu.memref_slice %arg9[%dma_start3A_213, %dma_start3A_214] : memref<10240x128xf32, #tpu.memory_space<vmem_shared>> -> memref<10240x128xf32, #tpu.memory_space<vmem_shared>>
      tpu.enqueue_indirect_dma source(%dma_start3A_209 : memref<128x128xf32, #tpu.memory_space<vmem>>) target(%dma_start3A_215 : memref<10240x128xf32, #tpu.memory_space<vmem_shared>>) offsets(%dma_start3A_212 : memref<128xi32, #tpu.memory_space<vmem>>) semaphore(%arg12 : memref<!tpu.dma_semaphore, #tpu.memory_space<semaphore_mem>>) {add = true}
      %mul3A_216 = arith.constant 2 : i32
      %mul3A_217 = arith.muli %scan3A_179, %mul3A_216 : i32
      %add3A_218 = arith.constant 1 : i32
      %add3A_219 = arith.addi %mul3A_217, %add3A_218 : i32
      %ge3A_220 = arith.constant 1 : i32
      %ge3A_221 = arith.cmpi sge, %add3A_219, %ge3A_220 : i32
      %convert_element_type3A_222 = arith.extui %ge3A_221 : i1 to i32
      %cond3A_223 = arith.constant 0 : i32
      %cond3A_224 = arith.cmpi ne, %convert_element_type3A_222, %cond3A_223 : i32
      scf.if %cond3A_224 {
        %sub3A_259 = arith.constant 1 : i32
        %sub3A_260 = arith.subi %add3A_219, %sub3A_259 : i32
        %dma_wait3A_261 = arith.constant 0 : i32
        %dma_wait3A_262 = arith.constant 0 : i32
        %dma_wait3A_263 = arith.constant 0 : i32
        %dma_wait3A_264 = tpu.memref_slice %arg8[%dma_wait3A_261, %dma_wait3A_262, %dma_wait3A_263] : memref<2x128x128xf32, #tpu.memory_space<vmem>> -> memref<1x128x128xf32, #tpu.memory_space<vmem>>
        %dma_wait3A_265 = tpu.memref_squeeze %dma_wait3A_264 : memref<1x128x128xf32, #tpu.memory_space<vmem>> -> memref<128x128xf32, #tpu.memory_space<vmem>>
        %dma_wait3A_266 = arith.constant 0 : i32
        %dma_wait3A_267 = tpu.memref_slice %arg7[%sub3A_260, %dma_wait3A_266] : memref<40x128xi32, #tpu.memory_space<vmem>> -> memref<1x128xi32, #tpu.memory_space<vmem>>
        %dma_wait3A_268 = tpu.memref_squeeze %dma_wait3A_267 : memref<1x128xi32, #tpu.memory_space<vmem>> -> memref<128xi32, #tpu.memory_space<vmem>>
        %dma_wait3A_269 = arith.constant 0 : i32
        %dma_wait3A_270 = arith.constant 0 : i32
        %dma_wait3A_271 = tpu.memref_slice %arg9[%dma_wait3A_269, %dma_wait3A_270] : memref<10240x128xf32, #tpu.memory_space<vmem_shared>> -> memref<10240x128xf32, #tpu.memory_space<vmem_shared>>
        tpu.wait_indirect_dma semaphore(%arg12 : memref<!tpu.dma_semaphore, #tpu.memory_space<semaphore_mem>>) src(%dma_wait3A_265 : memref<128x128xf32, #tpu.memory_space<vmem>>) dst(%dma_wait3A_271 : memref<10240x128xf32, #tpu.memory_space<vmem_shared>>)
      } else {
      }
      %ge3A_225 = arith.constant 1 : i32
      %ge3A_226 = arith.cmpi sge, %add3A_219, %ge3A_225 : i32
      %sub3A_227 = arith.constant 1 : i32
      %sub3A_228 = arith.subi %add3A_219, %sub3A_227 : i32
      %add3A_229 = arith.constant 2 : i32
      %add3A_230 = arith.addi %sub3A_228, %add3A_229 : i32
      %lt3A_231 = arith.constant 40 : i32
      %lt3A_232 = arith.cmpi slt, %add3A_230, %lt3A_231 : i32
      %and3A_233 = arith.andi %ge3A_226, %lt3A_232 : i1
      %convert_element_type3A_234 = arith.extui %and3A_233 : i1 to i32
      %cond3A_235 = arith.constant 0 : i32
      %cond3A_236 = arith.cmpi ne, %convert_element_type3A_234, %cond3A_235 : i32
      scf.if %cond3A_236 {
        %sub3A_259 = arith.constant 1 : i32
        %sub3A_260 = arith.subi %add3A_219, %sub3A_259 : i32
        %add3A_261 = arith.constant 2 : i32
        %add3A_262 = arith.addi %sub3A_260, %add3A_261 : i32
        %dma_start3A_263 = arith.constant 0 : i32
        %dma_start3A_264 = arith.constant 0 : i32
        %dma_start3A_265 = arith.constant 0 : i32
        %dma_start3A_266 = tpu.memref_slice %arg8[%dma_start3A_263, %dma_start3A_264, %dma_start3A_265] : memref<2x128x128xf32, #tpu.memory_space<vmem>> -> memref<1x128x128xf32, #tpu.memory_space<vmem>>
        %dma_start3A_267 = tpu.memref_squeeze %dma_start3A_266 : memref<1x128x128xf32, #tpu.memory_space<vmem>> -> memref<128x128xf32, #tpu.memory_space<vmem>>
        %dma_start3A_268 = arith.constant 0 : i32
        %dma_start3A_269 = tpu.memref_slice %arg6[%add3A_262, %dma_start3A_268] : memref<40x128xi32, #tpu.memory_space<vmem>> -> memref<1x128xi32, #tpu.memory_space<vmem>>
        %dma_start3A_270 = tpu.memref_squeeze %dma_start3A_269 : memref<1x128xi32, #tpu.memory_space<vmem>> -> memref<128xi32, #tpu.memory_space<vmem>>
        %dma_start3A_271 = arith.constant 0 : i32
        %dma_start3A_272 = arith.constant 0 : i32
        %dma_start3A_273 = tpu.memref_slice %arg2[%dma_start3A_271, %dma_start3A_272] : memref<20480x128xf32, #tpu.memory_space<hbm>> -> memref<20480x128xf32, #tpu.memory_space<hbm>>
        tpu.enqueue_indirect_dma source(%dma_start3A_273 : memref<20480x128xf32, #tpu.memory_space<hbm>>) target(%dma_start3A_267 : memref<128x128xf32, #tpu.memory_space<vmem>>) offsets(%dma_start3A_270 : memref<128xi32, #tpu.memory_space<vmem>>) semaphore(%arg10 : memref<!tpu.dma_semaphore, #tpu.memory_space<semaphore_mem>>)
      } else {
      }
      %dma_wait3A_237 = arith.constant 1 : i32
      %dma_wait3A_238 = arith.constant 0 : i32
      %dma_wait3A_239 = arith.constant 0 : i32
      %dma_wait3A_240 = tpu.memref_slice %arg8[%dma_wait3A_237, %dma_wait3A_238, %dma_wait3A_239] : memref<2x128x128xf32, #tpu.memory_space<vmem>> -> memref<1x128x128xf32, #tpu.memory_space<vmem>>
      %dma_wait3A_241 = tpu.memref_squeeze %dma_wait3A_240 : memref<1x128x128xf32, #tpu.memory_space<vmem>> -> memref<128x128xf32, #tpu.memory_space<vmem>>
      %dma_wait3A_242 = arith.constant 0 : i32
      %dma_wait3A_243 = tpu.memref_slice %arg6[%add3A_219, %dma_wait3A_242] : memref<40x128xi32, #tpu.memory_space<vmem>> -> memref<1x128xi32, #tpu.memory_space<vmem>>
      %dma_wait3A_244 = tpu.memref_squeeze %dma_wait3A_243 : memref<1x128xi32, #tpu.memory_space<vmem>> -> memref<128xi32, #tpu.memory_space<vmem>>
      %dma_wait3A_245 = arith.constant 0 : i32
      %dma_wait3A_246 = arith.constant 0 : i32
      %dma_wait3A_247 = tpu.memref_slice %arg2[%dma_wait3A_245, %dma_wait3A_246] : memref<20480x128xf32, #tpu.memory_space<hbm>> -> memref<20480x128xf32, #tpu.memory_space<hbm>>
      tpu.wait_indirect_dma semaphore(%arg11 : memref<!tpu.dma_semaphore, #tpu.memory_space<semaphore_mem>>) src(%dma_wait3A_247 : memref<20480x128xf32, #tpu.memory_space<hbm>>) dst(%dma_wait3A_241 : memref<128x128xf32, #tpu.memory_space<vmem>>)
      %dma_start3A_248 = arith.constant 1 : i32
      %dma_start3A_249 = arith.constant 0 : i32
      %dma_start3A_250 = arith.constant 0 : i32
      %dma_start3A_251 = tpu.memref_slice %arg8[%dma_start3A_248, %dma_start3A_249, %dma_start3A_250] : memref<2x128x128xf32, #tpu.memory_space<vmem>> -> memref<1x128x128xf32, #tpu.memory_space<vmem>>
      %dma_start3A_252 = tpu.memref_squeeze %dma_start3A_251 : memref<1x128x128xf32, #tpu.memory_space<vmem>> -> memref<128x128xf32, #tpu.memory_space<vmem>>
      %dma_start3A_253 = arith.constant 0 : i32
      %dma_start3A_254 = tpu.memref_slice %arg7[%add3A_219, %dma_start3A_253] : memref<40x128xi32, #tpu.memory_space<vmem>> -> memref<1x128xi32, #tpu.memory_space<vmem>>
      %dma_start3A_255 = tpu.memref_squeeze %dma_start3A_254 : memref<1x128xi32, #tpu.memory_space<vmem>> -> memref<128xi32, #tpu.memory_space<vmem>>
      %dma_start3A_256 = arith.constant 0 : i32
      %dma_start3A_257 = arith.constant 0 : i32
      %dma_start3A_258 = tpu.memref_slice %arg9[%dma_start3A_256, %dma_start3A_257] : memref<10240x128xf32, #tpu.memory_space<vmem_shared>> -> memref<10240x128xf32, #tpu.memory_space<vmem_shared>>
      tpu.enqueue_indirect_dma source(%dma_start3A_252 : memref<128x128xf32, #tpu.memory_space<vmem>>) target(%dma_start3A_258 : memref<10240x128xf32, #tpu.memory_space<vmem_shared>>) offsets(%dma_start3A_255 : memref<128xi32, #tpu.memory_space<vmem>>) semaphore(%arg13 : memref<!tpu.dma_semaphore, #tpu.memory_space<semaphore_mem>>) {add = true}
    }
    %scan3A_40 = arith.constant 20 : i32
    %dma_wait3A = arith.constant 1 : i32
    %dma_wait3A_41 = arith.constant 39 : i32
    %dma_wait3A_42 = arith.constant 0 : i32
    %dma_wait3A_43 = arith.constant 0 : i32
    %dma_wait3A_44 = tpu.memref_slice %arg8[%dma_wait3A, %dma_wait3A_42, %dma_wait3A_43] : memref<2x128x128xf32, #tpu.memory_space<vmem>> -> memref<1x128x128xf32, #tpu.memory_space<vmem>>
    %dma_wait3A_45 = tpu.memref_squeeze %dma_wait3A_44 : memref<1x128x128xf32, #tpu.memory_space<vmem>> -> memref<128x128xf32, #tpu.memory_space<vmem>>
    %dma_wait3A_46 = arith.constant 0 : i32
    %dma_wait3A_47 = tpu.memref_slice %arg7[%dma_wait3A_41, %dma_wait3A_46] : memref<40x128xi32, #tpu.memory_space<vmem>> -> memref<1x128xi32, #tpu.memory_space<vmem>>
    %dma_wait3A_48 = tpu.memref_squeeze %dma_wait3A_47 : memref<1x128xi32, #tpu.memory_space<vmem>> -> memref<128xi32, #tpu.memory_space<vmem>>
    %dma_wait3A_49 = arith.constant 0 : i32
    %dma_wait3A_50 = arith.constant 0 : i32
    %dma_wait3A_51 = tpu.memref_slice %arg9[%dma_wait3A_49, %dma_wait3A_50] : memref<10240x128xf32, #tpu.memory_space<vmem_shared>> -> memref<10240x128xf32, #tpu.memory_space<vmem_shared>>
    tpu.wait_indirect_dma semaphore(%arg13 : memref<!tpu.dma_semaphore, #tpu.memory_space<semaphore_mem>>) src(%dma_wait3A_45 : memref<128x128xf32, #tpu.memory_space<vmem>>) dst(%dma_wait3A_51 : memref<10240x128xf32, #tpu.memory_space<vmem_shared>>)
    "tpu.region"() ({
      %run_scoped3A = tpu.sem_alloc : memref<!tpu.dma_semaphore, #tpu.memory_space<semaphore_mem>>
      %dma_start3A_179 = arith.constant 40 : i32
      %dma_start3A_180 = arith.constant 0 : i32
      %dma_start3A_181 = tpu.memref_slice %arg3[%arg0, %arg1, %dma_start3A_179, %dma_start3A_180] : memref<2x16x160x128xi32, #tpu.memory_space<hbm>> -> memref<1x1x40x128xi32, #tpu.memory_space<hbm>>
      %dma_start3A_182 = tpu.memref_squeeze %dma_start3A_181 : memref<1x1x40x128xi32, #tpu.memory_space<hbm>> -> memref<40x128xi32, #tpu.memory_space<hbm>>
      %dma_start3A_183 = arith.constant 40 : i32
      %dma_start3A_184 = arith.constant 0 : i32
      %dma_start3A_185 = tpu.memref_slice %arg3[%arg0, %arg1, %dma_start3A_183, %dma_start3A_184] : memref<2x16x160x128xi32, #tpu.memory_space<hbm>> -> memref<1x1x40x128xi32, #tpu.memory_space<hbm>>
      %dma_start3A_186 = tpu.memref_squeeze %dma_start3A_185 : memref<1x1x40x128xi32, #tpu.memory_space<hbm>> -> memref<40x128xi32, #tpu.memory_space<hbm>>
      tpu.enqueue_dma source(%dma_start3A_186 : memref<40x128xi32, #tpu.memory_space<hbm>>) target(%arg6 : memref<40x128xi32, #tpu.memory_space<vmem>>) target_semaphore(%run_scoped3A : memref<!tpu.dma_semaphore, #tpu.memory_space<semaphore_mem>>)
      %dma_wait3A_187 = arith.constant 40 : i32
      %dma_wait3A_188 = arith.constant 0 : i32
      %dma_wait3A_189 = tpu.memref_slice %arg3[%arg0, %arg1, %dma_wait3A_187, %dma_wait3A_188] : memref<2x16x160x128xi32, #tpu.memory_space<hbm>> -> memref<1x1x40x128xi32, #tpu.memory_space<hbm>>
      %dma_wait3A_190 = tpu.memref_squeeze %dma_wait3A_189 : memref<1x1x40x128xi32, #tpu.memory_space<hbm>> -> memref<40x128xi32, #tpu.memory_space<hbm>>
      %dma_wait3A_191 = arith.constant 40 : i32
      %dma_wait3A_192 = arith.constant 0 : i32
      %dma_wait3A_193 = tpu.memref_slice %arg3[%arg0, %arg1, %dma_wait3A_191, %dma_wait3A_192] : memref<2x16x160x128xi32, #tpu.memory_space<hbm>> -> memref<1x1x40x128xi32, #tpu.memory_space<hbm>>
      %dma_wait3A_194 = tpu.memref_squeeze %dma_wait3A_193 : memref<1x1x40x128xi32, #tpu.memory_space<hbm>> -> memref<40x128xi32, #tpu.memory_space<hbm>>
      tpu.wait_dma2 semaphore(%run_scoped3A : memref<!tpu.dma_semaphore, #tpu.memory_space<semaphore_mem>>) src(%dma_wait3A_194 : memref<40x128xi32, #tpu.memory_space<hbm>>) dst(%arg6 : memref<40x128xi32, #tpu.memory_space<vmem>>)
      tpu.yield
    }) : () -> ()
    "tpu.region"() ({
      %run_scoped3A = tpu.sem_alloc : memref<!tpu.dma_semaphore, #tpu.memory_space<semaphore_mem>>
      %dma_start3A_179 = arith.constant 40 : i32
      %dma_start3A_180 = arith.constant 0 : i32
      %dma_start3A_181 = tpu.memref_slice %arg4[%arg0, %arg1, %dma_start3A_179, %dma_start3A_180] : memref<2x16x160x128xi32, #tpu.memory_space<hbm>> -> memref<1x1x40x128xi32, #tpu.memory_space<hbm>>
      %dma_start3A_182 = tpu.memref_squeeze %dma_start3A_181 : memref<1x1x40x128xi32, #tpu.memory_space<hbm>> -> memref<40x128xi32, #tpu.memory_space<hbm>>
      %dma_start3A_183 = arith.constant 40 : i32
      %dma_start3A_184 = arith.constant 0 : i32
      %dma_start3A_185 = tpu.memref_slice %arg4[%arg0, %arg1, %dma_start3A_183, %dma_start3A_184] : memref<2x16x160x128xi32, #tpu.memory_space<hbm>> -> memref<1x1x40x128xi32, #tpu.memory_space<hbm>>
      %dma_start3A_186 = tpu.memref_squeeze %dma_start3A_185 : memref<1x1x40x128xi32, #tpu.memory_space<hbm>> -> memref<40x128xi32, #tpu.memory_space<hbm>>
      tpu.enqueue_dma source(%dma_start3A_186 : memref<40x128xi32, #tpu.memory_space<hbm>>) target(%arg7 : memref<40x128xi32, #tpu.memory_space<vmem>>) target_semaphore(%run_scoped3A : memref<!tpu.dma_semaphore, #tpu.memory_space<semaphore_mem>>)
      %dma_wait3A_187 = arith.constant 40 : i32
      %dma_wait3A_188 = arith.constant 0 : i32
      %dma_wait3A_189 = tpu.memref_slice %arg4[%arg0, %arg1, %dma_wait3A_187, %dma_wait3A_188] : memref<2x16x160x128xi32, #tpu.memory_space<hbm>> -> memref<1x1x40x128xi32, #tpu.memory_space<hbm>>
      %dma_wait3A_190 = tpu.memref_squeeze %dma_wait3A_189 : memref<1x1x40x128xi32, #tpu.memory_space<hbm>> -> memref<40x128xi32, #tpu.memory_space<hbm>>
      %dma_wait3A_191 = arith.constant 40 : i32
      %dma_wait3A_192 = arith.constant 0 : i32
      %dma_wait3A_193 = tpu.memref_slice %arg4[%arg0, %arg1, %dma_wait3A_191, %dma_wait3A_192] : memref<2x16x160x128xi32, #tpu.memory_space<hbm>> -> memref<1x1x40x128xi32, #tpu.memory_space<hbm>>
      %dma_wait3A_194 = tpu.memref_squeeze %dma_wait3A_193 : memref<1x1x40x128xi32, #tpu.memory_space<hbm>> -> memref<40x128xi32, #tpu.memory_space<hbm>>
      tpu.wait_dma2 semaphore(%run_scoped3A : memref<!tpu.dma_semaphore, #tpu.memory_space<semaphore_mem>>) src(%dma_wait3A_194 : memref<40x128xi32, #tpu.memory_space<hbm>>) dst(%arg7 : memref<40x128xi32, #tpu.memory_space<vmem>>)
      tpu.yield
    }) : () -> ()
    %dma_start3A_52 = arith.constant 0 : i32
    %dma_start3A_53 = arith.constant 0 : i32
    %dma_start3A_54 = arith.constant 0 : i32
    %dma_start3A_55 = arith.constant 0 : i32
    %dma_start3A_56 = tpu.memref_slice %arg8[%dma_start3A_53, %dma_start3A_54, %dma_start3A_55] : memref<2x128x128xf32, #tpu.memory_space<vmem>> -> memref<1x128x128xf32, #tpu.memory_space<vmem>>
    %dma_start3A_57 = tpu.memref_squeeze %dma_start3A_56 : memref<1x128x128xf32, #tpu.memory_space<vmem>> -> memref<128x128xf32, #tpu.memory_space<vmem>>
    %dma_start3A_58 = arith.constant 0 : i32
    %dma_start3A_59 = tpu.memref_slice %arg6[%dma_start3A_52, %dma_start3A_58] : memref<40x128xi32, #tpu.memory_space<vmem>> -> memref<1x128xi32, #tpu.memory_space<vmem>>
    %dma_start3A_60 = tpu.memref_squeeze %dma_start3A_59 : memref<1x128xi32, #tpu.memory_space<vmem>> -> memref<128xi32, #tpu.memory_space<vmem>>
    %dma_start3A_61 = arith.constant 0 : i32
    %dma_start3A_62 = arith.constant 0 : i32
    %dma_start3A_63 = tpu.memref_slice %arg2[%dma_start3A_61, %dma_start3A_62] : memref<20480x128xf32, #tpu.memory_space<hbm>> -> memref<20480x128xf32, #tpu.memory_space<hbm>>
    tpu.enqueue_indirect_dma source(%dma_start3A_63 : memref<20480x128xf32, #tpu.memory_space<hbm>>) target(%dma_start3A_57 : memref<128x128xf32, #tpu.memory_space<vmem>>) offsets(%dma_start3A_60 : memref<128xi32, #tpu.memory_space<vmem>>) semaphore(%arg10 : memref<!tpu.dma_semaphore, #tpu.memory_space<semaphore_mem>>)
    %dma_start3A_64 = arith.constant 1 : i32
    %dma_start3A_65 = arith.constant 1 : i32
    %dma_start3A_66 = arith.constant 0 : i32
    %dma_start3A_67 = arith.constant 0 : i32
    %dma_start3A_68 = tpu.memref_slice %arg8[%dma_start3A_65, %dma_start3A_66, %dma_start3A_67] : memref<2x128x128xf32, #tpu.memory_space<vmem>> -> memref<1x128x128xf32, #tpu.memory_space<vmem>>
    %dma_start3A_69 = tpu.memref_squeeze %dma_start3A_68 : memref<1x128x128xf32, #tpu.memory_space<vmem>> -> memref<128x128xf32, #tpu.memory_space<vmem>>
    %dma_start3A_70 = arith.constant 0 : i32
    %dma_start3A_71 = tpu.memref_slice %arg6[%dma_start3A_64, %dma_start3A_70] : memref<40x128xi32, #tpu.memory_space<vmem>> -> memref<1x128xi32, #tpu.memory_space<vmem>>
    %dma_start3A_72 = tpu.memref_squeeze %dma_start3A_71 : memref<1x128xi32, #tpu.memory_space<vmem>> -> memref<128xi32, #tpu.memory_space<vmem>>
    %dma_start3A_73 = arith.constant 0 : i32
    %dma_start3A_74 = arith.constant 0 : i32
    %dma_start3A_75 = tpu.memref_slice %arg2[%dma_start3A_73, %dma_start3A_74] : memref<20480x128xf32, #tpu.memory_space<hbm>> -> memref<20480x128xf32, #tpu.memory_space<hbm>>
    tpu.enqueue_indirect_dma source(%dma_start3A_75 : memref<20480x128xf32, #tpu.memory_space<hbm>>) target(%dma_start3A_69 : memref<128x128xf32, #tpu.memory_space<vmem>>) offsets(%dma_start3A_72 : memref<128xi32, #tpu.memory_space<vmem>>) semaphore(%arg11 : memref<!tpu.dma_semaphore, #tpu.memory_space<semaphore_mem>>)
    %scan3A_76 = arith.constant 0 : i32
    %scan3A_77 = arith.constant 0 : i32
    %scan3A_78 = arith.constant 20 : i32
    %scan3A_79 = arith.addi %scan3A_77, %scan3A_78 : i32
    %scan3A_80 = arith.constant 1 : i32
    scf.for %scan3A_179 = %scan3A_77 to %scan3A_79 step %scan3A_80  : i32 {
      %mul3A_180 = arith.constant 2 : i32
      %mul3A_181 = arith.muli %scan3A_179, %mul3A_180 : i32
      %add3A = arith.constant 0 : i32
      %add3A_182 = arith.addi %mul3A_181, %add3A : i32
      %ge3A = arith.constant 1 : i32
      %ge3A_183 = arith.cmpi sge, %add3A_182, %ge3A : i32
      %convert_element_type3A = arith.extui %ge3A_183 : i1 to i32
      %cond3A = arith.constant 0 : i32
      %cond3A_184 = arith.cmpi ne, %convert_element_type3A, %cond3A : i32
      scf.if %cond3A_184 {
        %sub3A_259 = arith.constant 1 : i32
        %sub3A_260 = arith.subi %add3A_182, %sub3A_259 : i32
        %dma_wait3A_261 = arith.constant 1 : i32
        %dma_wait3A_262 = arith.constant 0 : i32
        %dma_wait3A_263 = arith.constant 0 : i32
        %dma_wait3A_264 = tpu.memref_slice %arg8[%dma_wait3A_261, %dma_wait3A_262, %dma_wait3A_263] : memref<2x128x128xf32, #tpu.memory_space<vmem>> -> memref<1x128x128xf32, #tpu.memory_space<vmem>>
        %dma_wait3A_265 = tpu.memref_squeeze %dma_wait3A_264 : memref<1x128x128xf32, #tpu.memory_space<vmem>> -> memref<128x128xf32, #tpu.memory_space<vmem>>
        %dma_wait3A_266 = arith.constant 0 : i32
        %dma_wait3A_267 = tpu.memref_slice %arg7[%sub3A_260, %dma_wait3A_266] : memref<40x128xi32, #tpu.memory_space<vmem>> -> memref<1x128xi32, #tpu.memory_space<vmem>>
        %dma_wait3A_268 = tpu.memref_squeeze %dma_wait3A_267 : memref<1x128xi32, #tpu.memory_space<vmem>> -> memref<128xi32, #tpu.memory_space<vmem>>
        %dma_wait3A_269 = arith.constant 0 : i32
        %dma_wait3A_270 = arith.constant 0 : i32
        %dma_wait3A_271 = tpu.memref_slice %arg9[%dma_wait3A_269, %dma_wait3A_270] : memref<10240x128xf32, #tpu.memory_space<vmem_shared>> -> memref<10240x128xf32, #tpu.memory_space<vmem_shared>>
        tpu.wait_indirect_dma semaphore(%arg13 : memref<!tpu.dma_semaphore, #tpu.memory_space<semaphore_mem>>) src(%dma_wait3A_265 : memref<128x128xf32, #tpu.memory_space<vmem>>) dst(%dma_wait3A_271 : memref<10240x128xf32, #tpu.memory_space<vmem_shared>>)
      } else {
      }
      %ge3A_185 = arith.constant 1 : i32
      %ge3A_186 = arith.cmpi sge, %add3A_182, %ge3A_185 : i32
      %sub3A = arith.constant 1 : i32
      %sub3A_187 = arith.subi %add3A_182, %sub3A : i32
      %add3A_188 = arith.constant 2 : i32
      %add3A_189 = arith.addi %sub3A_187, %add3A_188 : i32
      %lt3A = arith.constant 40 : i32
      %lt3A_190 = arith.cmpi slt, %add3A_189, %lt3A : i32
      %and3A = arith.andi %ge3A_186, %lt3A_190 : i1
      %convert_element_type3A_191 = arith.extui %and3A : i1 to i32
      %cond3A_192 = arith.constant 0 : i32
      %cond3A_193 = arith.cmpi ne, %convert_element_type3A_191, %cond3A_192 : i32
      scf.if %cond3A_193 {
        %sub3A_259 = arith.constant 1 : i32
        %sub3A_260 = arith.subi %add3A_182, %sub3A_259 : i32
        %add3A_261 = arith.constant 2 : i32
        %add3A_262 = arith.addi %sub3A_260, %add3A_261 : i32
        %dma_start3A_263 = arith.constant 1 : i32
        %dma_start3A_264 = arith.constant 0 : i32
        %dma_start3A_265 = arith.constant 0 : i32
        %dma_start3A_266 = tpu.memref_slice %arg8[%dma_start3A_263, %dma_start3A_264, %dma_start3A_265] : memref<2x128x128xf32, #tpu.memory_space<vmem>> -> memref<1x128x128xf32, #tpu.memory_space<vmem>>
        %dma_start3A_267 = tpu.memref_squeeze %dma_start3A_266 : memref<1x128x128xf32, #tpu.memory_space<vmem>> -> memref<128x128xf32, #tpu.memory_space<vmem>>
        %dma_start3A_268 = arith.constant 0 : i32
        %dma_start3A_269 = tpu.memref_slice %arg6[%add3A_262, %dma_start3A_268] : memref<40x128xi32, #tpu.memory_space<vmem>> -> memref<1x128xi32, #tpu.memory_space<vmem>>
        %dma_start3A_270 = tpu.memref_squeeze %dma_start3A_269 : memref<1x128xi32, #tpu.memory_space<vmem>> -> memref<128xi32, #tpu.memory_space<vmem>>
        %dma_start3A_271 = arith.constant 0 : i32
        %dma_start3A_272 = arith.constant 0 : i32
        %dma_start3A_273 = tpu.memref_slice %arg2[%dma_start3A_271, %dma_start3A_272] : memref<20480x128xf32, #tpu.memory_space<hbm>> -> memref<20480x128xf32, #tpu.memory_space<hbm>>
        tpu.enqueue_indirect_dma source(%dma_start3A_273 : memref<20480x128xf32, #tpu.memory_space<hbm>>) target(%dma_start3A_267 : memref<128x128xf32, #tpu.memory_space<vmem>>) offsets(%dma_start3A_270 : memref<128xi32, #tpu.memory_space<vmem>>) semaphore(%arg11 : memref<!tpu.dma_semaphore, #tpu.memory_space<semaphore_mem>>)
      } else {
      }
      %dma_wait3A_194 = arith.constant 0 : i32
      %dma_wait3A_195 = arith.constant 0 : i32
      %dma_wait3A_196 = arith.constant 0 : i32
      %dma_wait3A_197 = tpu.memref_slice %arg8[%dma_wait3A_194, %dma_wait3A_195, %dma_wait3A_196] : memref<2x128x128xf32, #tpu.memory_space<vmem>> -> memref<1x128x128xf32, #tpu.memory_space<vmem>>
      %dma_wait3A_198 = tpu.memref_squeeze %dma_wait3A_197 : memref<1x128x128xf32, #tpu.memory_space<vmem>> -> memref<128x128xf32, #tpu.memory_space<vmem>>
      %dma_wait3A_199 = arith.constant 0 : i32
      %dma_wait3A_200 = tpu.memref_slice %arg6[%add3A_182, %dma_wait3A_199] : memref<40x128xi32, #tpu.memory_space<vmem>> -> memref<1x128xi32, #tpu.memory_space<vmem>>
      %dma_wait3A_201 = tpu.memref_squeeze %dma_wait3A_200 : memref<1x128xi32, #tpu.memory_space<vmem>> -> memref<128xi32, #tpu.memory_space<vmem>>
      %dma_wait3A_202 = arith.constant 0 : i32
      %dma_wait3A_203 = arith.constant 0 : i32
      %dma_wait3A_204 = tpu.memref_slice %arg2[%dma_wait3A_202, %dma_wait3A_203] : memref<20480x128xf32, #tpu.memory_space<hbm>> -> memref<20480x128xf32, #tpu.memory_space<hbm>>
      tpu.wait_indirect_dma semaphore(%arg10 : memref<!tpu.dma_semaphore, #tpu.memory_space<semaphore_mem>>) src(%dma_wait3A_204 : memref<20480x128xf32, #tpu.memory_space<hbm>>) dst(%dma_wait3A_198 : memref<128x128xf32, #tpu.memory_space<vmem>>)
      %dma_start3A_205 = arith.constant 0 : i32
      %dma_start3A_206 = arith.constant 0 : i32
      %dma_start3A_207 = arith.constant 0 : i32
      %dma_start3A_208 = tpu.memref_slice %arg8[%dma_start3A_205, %dma_start3A_206, %dma_start3A_207] : memref<2x128x128xf32, #tpu.memory_space<vmem>> -> memref<1x128x128xf32, #tpu.memory_space<vmem>>
      %dma_start3A_209 = tpu.memref_squeeze %dma_start3A_208 : memref<1x128x128xf32, #tpu.memory_space<vmem>> -> memref<128x128xf32, #tpu.memory_space<vmem>>
      %dma_start3A_210 = arith.constant 0 : i32
      %dma_start3A_211 = tpu.memref_slice %arg7[%add3A_182, %dma_start3A_210] : memref<40x128xi32, #tpu.memory_space<vmem>> -> memref<1x128xi32, #tpu.memory_space<vmem>>
      %dma_start3A_212 = tpu.memref_squeeze %dma_start3A_211 : memref<1x128xi32, #tpu.memory_space<vmem>> -> memref<128xi32, #tpu.memory_space<vmem>>
      %dma_start3A_213 = arith.constant 0 : i32
      %dma_start3A_214 = arith.constant 0 : i32
      %dma_start3A_215 = tpu.memref_slice %arg9[%dma_start3A_213, %dma_start3A_214] : memref<10240x128xf32, #tpu.memory_space<vmem_shared>> -> memref<10240x128xf32, #tpu.memory_space<vmem_shared>>
      tpu.enqueue_indirect_dma source(%dma_start3A_209 : memref<128x128xf32, #tpu.memory_space<vmem>>) target(%dma_start3A_215 : memref<10240x128xf32, #tpu.memory_space<vmem_shared>>) offsets(%dma_start3A_212 : memref<128xi32, #tpu.memory_space<vmem>>) semaphore(%arg12 : memref<!tpu.dma_semaphore, #tpu.memory_space<semaphore_mem>>) {add = true}
      %mul3A_216 = arith.constant 2 : i32
      %mul3A_217 = arith.muli %scan3A_179, %mul3A_216 : i32
      %add3A_218 = arith.constant 1 : i32
      %add3A_219 = arith.addi %mul3A_217, %add3A_218 : i32
      %ge3A_220 = arith.constant 1 : i32
      %ge3A_221 = arith.cmpi sge, %add3A_219, %ge3A_220 : i32
      %convert_element_type3A_222 = arith.extui %ge3A_221 : i1 to i32
      %cond3A_223 = arith.constant 0 : i32
      %cond3A_224 = arith.cmpi ne, %convert_element_type3A_222, %cond3A_223 : i32
      scf.if %cond3A_224 {
        %sub3A_259 = arith.constant 1 : i32
        %sub3A_260 = arith.subi %add3A_219, %sub3A_259 : i32
        %dma_wait3A_261 = arith.constant 0 : i32
        %dma_wait3A_262 = arith.constant 0 : i32
        %dma_wait3A_263 = arith.constant 0 : i32
        %dma_wait3A_264 = tpu.memref_slice %arg8[%dma_wait3A_261, %dma_wait3A_262, %dma_wait3A_263] : memref<2x128x128xf32, #tpu.memory_space<vmem>> -> memref<1x128x128xf32, #tpu.memory_space<vmem>>
        %dma_wait3A_265 = tpu.memref_squeeze %dma_wait3A_264 : memref<1x128x128xf32, #tpu.memory_space<vmem>> -> memref<128x128xf32, #tpu.memory_space<vmem>>
        %dma_wait3A_266 = arith.constant 0 : i32
        %dma_wait3A_267 = tpu.memref_slice %arg7[%sub3A_260, %dma_wait3A_266] : memref<40x128xi32, #tpu.memory_space<vmem>> -> memref<1x128xi32, #tpu.memory_space<vmem>>
        %dma_wait3A_268 = tpu.memref_squeeze %dma_wait3A_267 : memref<1x128xi32, #tpu.memory_space<vmem>> -> memref<128xi32, #tpu.memory_space<vmem>>
        %dma_wait3A_269 = arith.constant 0 : i32
        %dma_wait3A_270 = arith.constant 0 : i32
        %dma_wait3A_271 = tpu.memref_slice %arg9[%dma_wait3A_269, %dma_wait3A_270] : memref<10240x128xf32, #tpu.memory_space<vmem_shared>> -> memref<10240x128xf32, #tpu.memory_space<vmem_shared>>
        tpu.wait_indirect_dma semaphore(%arg12 : memref<!tpu.dma_semaphore, #tpu.memory_space<semaphore_mem>>) src(%dma_wait3A_265 : memref<128x128xf32, #tpu.memory_space<vmem>>) dst(%dma_wait3A_271 : memref<10240x128xf32, #tpu.memory_space<vmem_shared>>)
      } else {
      }
      %ge3A_225 = arith.constant 1 : i32
      %ge3A_226 = arith.cmpi sge, %add3A_219, %ge3A_225 : i32
      %sub3A_227 = arith.constant 1 : i32
      %sub3A_228 = arith.subi %add3A_219, %sub3A_227 : i32
      %add3A_229 = arith.constant 2 : i32
      %add3A_230 = arith.addi %sub3A_228, %add3A_229 : i32
      %lt3A_231 = arith.constant 40 : i32
      %lt3A_232 = arith.cmpi slt, %add3A_230, %lt3A_231 : i32
      %and3A_233 = arith.andi %ge3A_226, %lt3A_232 : i1
      %convert_element_type3A_234 = arith.extui %and3A_233 : i1 to i32
      %cond3A_235 = arith.constant 0 : i32
      %cond3A_236 = arith.cmpi ne, %convert_element_type3A_234, %cond3A_235 : i32
      scf.if %cond3A_236 {
        %sub3A_259 = arith.constant 1 : i32
        %sub3A_260 = arith.subi %add3A_219, %sub3A_259 : i32
        %add3A_261 = arith.constant 2 : i32
        %add3A_262 = arith.addi %sub3A_260, %add3A_261 : i32
        %dma_start3A_263 = arith.constant 0 : i32
        %dma_start3A_264 = arith.constant 0 : i32
        %dma_start3A_265 = arith.constant 0 : i32
        %dma_start3A_266 = tpu.memref_slice %arg8[%dma_start3A_263, %dma_start3A_264, %dma_start3A_265] : memref<2x128x128xf32, #tpu.memory_space<vmem>> -> memref<1x128x128xf32, #tpu.memory_space<vmem>>
        %dma_start3A_267 = tpu.memref_squeeze %dma_start3A_266 : memref<1x128x128xf32, #tpu.memory_space<vmem>> -> memref<128x128xf32, #tpu.memory_space<vmem>>
        %dma_start3A_268 = arith.constant 0 : i32
        %dma_start3A_269 = tpu.memref_slice %arg6[%add3A_262, %dma_start3A_268] : memref<40x128xi32, #tpu.memory_space<vmem>> -> memref<1x128xi32, #tpu.memory_space<vmem>>
        %dma_start3A_270 = tpu.memref_squeeze %dma_start3A_269 : memref<1x128xi32, #tpu.memory_space<vmem>> -> memref<128xi32, #tpu.memory_space<vmem>>
        %dma_start3A_271 = arith.constant 0 : i32
        %dma_start3A_272 = arith.constant 0 : i32
        %dma_start3A_273 = tpu.memref_slice %arg2[%dma_start3A_271, %dma_start3A_272] : memref<20480x128xf32, #tpu.memory_space<hbm>> -> memref<20480x128xf32, #tpu.memory_space<hbm>>
        tpu.enqueue_indirect_dma source(%dma_start3A_273 : memref<20480x128xf32, #tpu.memory_space<hbm>>) target(%dma_start3A_267 : memref<128x128xf32, #tpu.memory_space<vmem>>) offsets(%dma_start3A_270 : memref<128xi32, #tpu.memory_space<vmem>>) semaphore(%arg10 : memref<!tpu.dma_semaphore, #tpu.memory_space<semaphore_mem>>)
      } else {
      }
      %dma_wait3A_237 = arith.constant 1 : i32
      %dma_wait3A_238 = arith.constant 0 : i32
      %dma_wait3A_239 = arith.constant 0 : i32
      %dma_wait3A_240 = tpu.memref_slice %arg8[%dma_wait3A_237, %dma_wait3A_238, %dma_wait3A_239] : memref<2x128x128xf32, #tpu.memory_space<vmem>> -> memref<1x128x128xf32, #tpu.memory_space<vmem>>
      %dma_wait3A_241 = tpu.memref_squeeze %dma_wait3A_240 : memref<1x128x128xf32, #tpu.memory_space<vmem>> -> memref<128x128xf32, #tpu.memory_space<vmem>>
      %dma_wait3A_242 = arith.constant 0 : i32
      %dma_wait3A_243 = tpu.memref_slice %arg6[%add3A_219, %dma_wait3A_242] : memref<40x128xi32, #tpu.memory_space<vmem>> -> memref<1x128xi32, #tpu.memory_space<vmem>>
      %dma_wait3A_244 = tpu.memref_squeeze %dma_wait3A_243 : memref<1x128xi32, #tpu.memory_space<vmem>> -> memref<128xi32, #tpu.memory_space<vmem>>
      %dma_wait3A_245 = arith.constant 0 : i32
      %dma_wait3A_246 = arith.constant 0 : i32
      %dma_wait3A_247 = tpu.memref_slice %arg2[%dma_wait3A_245, %dma_wait3A_246] : memref<20480x128xf32, #tpu.memory_space<hbm>> -> memref<20480x128xf32, #tpu.memory_space<hbm>>
      tpu.wait_indirect_dma semaphore(%arg11 : memref<!tpu.dma_semaphore, #tpu.memory_space<semaphore_mem>>) src(%dma_wait3A_247 : memref<20480x128xf32, #tpu.memory_space<hbm>>) dst(%dma_wait3A_241 : memref<128x128xf32, #tpu.memory_space<vmem>>)
      %dma_start3A_248 = arith.constant 1 : i32
      %dma_start3A_249 = arith.constant 0 : i32
      %dma_start3A_250 = arith.constant 0 : i32
      %dma_start3A_251 = tpu.memref_slice %arg8[%dma_start3A_248, %dma_start3A_249, %dma_start3A_250] : memref<2x128x128xf32, #tpu.memory_space<vmem>> -> memref<1x128x128xf32, #tpu.memory_space<vmem>>
      %dma_start3A_252 = tpu.memref_squeeze %dma_start3A_251 : memref<1x128x128xf32, #tpu.memory_space<vmem>> -> memref<128x128xf32, #tpu.memory_space<vmem>>
      %dma_start3A_253 = arith.constant 0 : i32
      %dma_start3A_254 = tpu.memref_slice %arg7[%add3A_219, %dma_start3A_253] : memref<40x128xi32, #tpu.memory_space<vmem>> -> memref<1x128xi32, #tpu.memory_space<vmem>>
      %dma_start3A_255 = tpu.memref_squeeze %dma_start3A_254 : memref<1x128xi32, #tpu.memory_space<vmem>> -> memref<128xi32, #tpu.memory_space<vmem>>
      %dma_start3A_256 = arith.constant 0 : i32
      %dma_start3A_257 = arith.constant 0 : i32
      %dma_start3A_258 = tpu.memref_slice %arg9[%dma_start3A_256, %dma_start3A_257] : memref<10240x128xf32, #tpu.memory_space<vmem_shared>> -> memref<10240x128xf32, #tpu.memory_space<vmem_shared>>
      tpu.enqueue_indirect_dma source(%dma_start3A_252 : memref<128x128xf32, #tpu.memory_space<vmem>>) target(%dma_start3A_258 : memref<10240x128xf32, #tpu.memory_space<vmem_shared>>) offsets(%dma_start3A_255 : memref<128xi32, #tpu.memory_space<vmem>>) semaphore(%arg13 : memref<!tpu.dma_semaphore, #tpu.memory_space<semaphore_mem>>) {add = true}
    }
    %scan3A_81 = arith.constant 20 : i32
    %dma_wait3A_82 = arith.constant 1 : i32
    %dma_wait3A_83 = arith.constant 39 : i32
    %dma_wait3A_84 = arith.constant 0 : i32
    %dma_wait3A_85 = arith.constant 0 : i32
    %dma_wait3A_86 = tpu.memref_slice %arg8[%dma_wait3A_82, %dma_wait3A_84, %dma_wait3A_85] : memref<2x128x128xf32, #tpu.memory_space<vmem>> -> memref<1x128x128xf32, #tpu.memory_space<vmem>>
    %dma_wait3A_87 = tpu.memref_squeeze %dma_wait3A_86 : memref<1x128x128xf32, #tpu.memory_space<vmem>> -> memref<128x128xf32, #tpu.memory_space<vmem>>
    %dma_wait3A_88 = arith.constant 0 : i32
    %dma_wait3A_89 = tpu.memref_slice %arg7[%dma_wait3A_83, %dma_wait3A_88] : memref<40x128xi32, #tpu.memory_space<vmem>> -> memref<1x128xi32, #tpu.memory_space<vmem>>
    %dma_wait3A_90 = tpu.memref_squeeze %dma_wait3A_89 : memref<1x128xi32, #tpu.memory_space<vmem>> -> memref<128xi32, #tpu.memory_space<vmem>>
    %dma_wait3A_91 = arith.constant 0 : i32
    %dma_wait3A_92 = arith.constant 0 : i32
    %dma_wait3A_93 = tpu.memref_slice %arg9[%dma_wait3A_91, %dma_wait3A_92] : memref<10240x128xf32, #tpu.memory_space<vmem_shared>> -> memref<10240x128xf32, #tpu.memory_space<vmem_shared>>
    tpu.wait_indirect_dma semaphore(%arg13 : memref<!tpu.dma_semaphore, #tpu.memory_space<semaphore_mem>>) src(%dma_wait3A_87 : memref<128x128xf32, #tpu.memory_space<vmem>>) dst(%dma_wait3A_93 : memref<10240x128xf32, #tpu.memory_space<vmem_shared>>)
    "tpu.region"() ({
      %run_scoped3A = tpu.sem_alloc : memref<!tpu.dma_semaphore, #tpu.memory_space<semaphore_mem>>
      %dma_start3A_179 = arith.constant 80 : i32
      %dma_start3A_180 = arith.constant 0 : i32
      %dma_start3A_181 = tpu.memref_slice %arg3[%arg0, %arg1, %dma_start3A_179, %dma_start3A_180] : memref<2x16x160x128xi32, #tpu.memory_space<hbm>> -> memref<1x1x40x128xi32, #tpu.memory_space<hbm>>
      %dma_start3A_182 = tpu.memref_squeeze %dma_start3A_181 : memref<1x1x40x128xi32, #tpu.memory_space<hbm>> -> memref<40x128xi32, #tpu.memory_space<hbm>>
      %dma_start3A_183 = arith.constant 80 : i32
      %dma_start3A_184 = arith.constant 0 : i32
      %dma_start3A_185 = tpu.memref_slice %arg3[%arg0, %arg1, %dma_start3A_183, %dma_start3A_184] : memref<2x16x160x128xi32, #tpu.memory_space<hbm>> -> memref<1x1x40x128xi32, #tpu.memory_space<hbm>>
      %dma_start3A_186 = tpu.memref_squeeze %dma_start3A_185 : memref<1x1x40x128xi32, #tpu.memory_space<hbm>> -> memref<40x128xi32, #tpu.memory_space<hbm>>
      tpu.enqueue_dma source(%dma_start3A_186 : memref<40x128xi32, #tpu.memory_space<hbm>>) target(%arg6 : memref<40x128xi32, #tpu.memory_space<vmem>>) target_semaphore(%run_scoped3A : memref<!tpu.dma_semaphore, #tpu.memory_space<semaphore_mem>>)
      %dma_wait3A_187 = arith.constant 80 : i32
      %dma_wait3A_188 = arith.constant 0 : i32
      %dma_wait3A_189 = tpu.memref_slice %arg3[%arg0, %arg1, %dma_wait3A_187, %dma_wait3A_188] : memref<2x16x160x128xi32, #tpu.memory_space<hbm>> -> memref<1x1x40x128xi32, #tpu.memory_space<hbm>>
      %dma_wait3A_190 = tpu.memref_squeeze %dma_wait3A_189 : memref<1x1x40x128xi32, #tpu.memory_space<hbm>> -> memref<40x128xi32, #tpu.memory_space<hbm>>
      %dma_wait3A_191 = arith.constant 80 : i32
      %dma_wait3A_192 = arith.constant 0 : i32
      %dma_wait3A_193 = tpu.memref_slice %arg3[%arg0, %arg1, %dma_wait3A_191, %dma_wait3A_192] : memref<2x16x160x128xi32, #tpu.memory_space<hbm>> -> memref<1x1x40x128xi32, #tpu.memory_space<hbm>>
      %dma_wait3A_194 = tpu.memref_squeeze %dma_wait3A_193 : memref<1x1x40x128xi32, #tpu.memory_space<hbm>> -> memref<40x128xi32, #tpu.memory_space<hbm>>
      tpu.wait_dma2 semaphore(%run_scoped3A : memref<!tpu.dma_semaphore, #tpu.memory_space<semaphore_mem>>) src(%dma_wait3A_194 : memref<40x128xi32, #tpu.memory_space<hbm>>) dst(%arg6 : memref<40x128xi32, #tpu.memory_space<vmem>>)
      tpu.yield
    }) : () -> ()
    "tpu.region"() ({
      %run_scoped3A = tpu.sem_alloc : memref<!tpu.dma_semaphore, #tpu.memory_space<semaphore_mem>>
      %dma_start3A_179 = arith.constant 80 : i32
      %dma_start3A_180 = arith.constant 0 : i32
      %dma_start3A_181 = tpu.memref_slice %arg4[%arg0, %arg1, %dma_start3A_179, %dma_start3A_180] : memref<2x16x160x128xi32, #tpu.memory_space<hbm>> -> memref<1x1x40x128xi32, #tpu.memory_space<hbm>>
      %dma_start3A_182 = tpu.memref_squeeze %dma_start3A_181 : memref<1x1x40x128xi32, #tpu.memory_space<hbm>> -> memref<40x128xi32, #tpu.memory_space<hbm>>
      %dma_start3A_183 = arith.constant 80 : i32
      %dma_start3A_184 = arith.constant 0 : i32
      %dma_start3A_185 = tpu.memref_slice %arg4[%arg0, %arg1, %dma_start3A_183, %dma_start3A_184] : memref<2x16x160x128xi32, #tpu.memory_space<hbm>> -> memref<1x1x40x128xi32, #tpu.memory_space<hbm>>
      %dma_start3A_186 = tpu.memref_squeeze %dma_start3A_185 : memref<1x1x40x128xi32, #tpu.memory_space<hbm>> -> memref<40x128xi32, #tpu.memory_space<hbm>>
      tpu.enqueue_dma source(%dma_start3A_186 : memref<40x128xi32, #tpu.memory_space<hbm>>) target(%arg7 : memref<40x128xi32, #tpu.memory_space<vmem>>) target_semaphore(%run_scoped3A : memref<!tpu.dma_semaphore, #tpu.memory_space<semaphore_mem>>)
      %dma_wait3A_187 = arith.constant 80 : i32
      %dma_wait3A_188 = arith.constant 0 : i32
      %dma_wait3A_189 = tpu.memref_slice %arg4[%arg0, %arg1, %dma_wait3A_187, %dma_wait3A_188] : memref<2x16x160x128xi32, #tpu.memory_space<hbm>> -> memref<1x1x40x128xi32, #tpu.memory_space<hbm>>
      %dma_wait3A_190 = tpu.memref_squeeze %dma_wait3A_189 : memref<1x1x40x128xi32, #tpu.memory_space<hbm>> -> memref<40x128xi32, #tpu.memory_space<hbm>>
      %dma_wait3A_191 = arith.constant 80 : i32
      %dma_wait3A_192 = arith.constant 0 : i32
      %dma_wait3A_193 = tpu.memref_slice %arg4[%arg0, %arg1, %dma_wait3A_191, %dma_wait3A_192] : memref<2x16x160x128xi32, #tpu.memory_space<hbm>> -> memref<1x1x40x128xi32, #tpu.memory_space<hbm>>
      %dma_wait3A_194 = tpu.memref_squeeze %dma_wait3A_193 : memref<1x1x40x128xi32, #tpu.memory_space<hbm>> -> memref<40x128xi32, #tpu.memory_space<hbm>>
      tpu.wait_dma2 semaphore(%run_scoped3A : memref<!tpu.dma_semaphore, #tpu.memory_space<semaphore_mem>>) src(%dma_wait3A_194 : memref<40x128xi32, #tpu.memory_space<hbm>>) dst(%arg7 : memref<40x128xi32, #tpu.memory_space<vmem>>)
      tpu.yield
    }) : () -> ()
    %dma_start3A_94 = arith.constant 0 : i32
    %dma_start3A_95 = arith.constant 0 : i32
    %dma_start3A_96 = arith.constant 0 : i32
    %dma_start3A_97 = arith.constant 0 : i32
    %dma_start3A_98 = tpu.memref_slice %arg8[%dma_start3A_95, %dma_start3A_96, %dma_start3A_97] : memref<2x128x128xf32, #tpu.memory_space<vmem>> -> memref<1x128x128xf32, #tpu.memory_space<vmem>>
    %dma_start3A_99 = tpu.memref_squeeze %dma_start3A_98 : memref<1x128x128xf32, #tpu.memory_space<vmem>> -> memref<128x128xf32, #tpu.memory_space<vmem>>
    %dma_start3A_100 = arith.constant 0 : i32
    %dma_start3A_101 = tpu.memref_slice %arg6[%dma_start3A_94, %dma_start3A_100] : memref<40x128xi32, #tpu.memory_space<vmem>> -> memref<1x128xi32, #tpu.memory_space<vmem>>
    %dma_start3A_102 = tpu.memref_squeeze %dma_start3A_101 : memref<1x128xi32, #tpu.memory_space<vmem>> -> memref<128xi32, #tpu.memory_space<vmem>>
    %dma_start3A_103 = arith.constant 0 : i32
    %dma_start3A_104 = arith.constant 0 : i32
    %dma_start3A_105 = tpu.memref_slice %arg2[%dma_start3A_103, %dma_start3A_104] : memref<20480x128xf32, #tpu.memory_space<hbm>> -> memref<20480x128xf32, #tpu.memory_space<hbm>>
    tpu.enqueue_indirect_dma source(%dma_start3A_105 : memref<20480x128xf32, #tpu.memory_space<hbm>>) target(%dma_start3A_99 : memref<128x128xf32, #tpu.memory_space<vmem>>) offsets(%dma_start3A_102 : memref<128xi32, #tpu.memory_space<vmem>>) semaphore(%arg10 : memref<!tpu.dma_semaphore, #tpu.memory_space<semaphore_mem>>)
    %dma_start3A_106 = arith.constant 1 : i32
    %dma_start3A_107 = arith.constant 1 : i32
    %dma_start3A_108 = arith.constant 0 : i32
    %dma_start3A_109 = arith.constant 0 : i32
    %dma_start3A_110 = tpu.memref_slice %arg8[%dma_start3A_107, %dma_start3A_108, %dma_start3A_109] : memref<2x128x128xf32, #tpu.memory_space<vmem>> -> memref<1x128x128xf32, #tpu.memory_space<vmem>>
    %dma_start3A_111 = tpu.memref_squeeze %dma_start3A_110 : memref<1x128x128xf32, #tpu.memory_space<vmem>> -> memref<128x128xf32, #tpu.memory_space<vmem>>
    %dma_start3A_112 = arith.constant 0 : i32
    %dma_start3A_113 = tpu.memref_slice %arg6[%dma_start3A_106, %dma_start3A_112] : memref<40x128xi32, #tpu.memory_space<vmem>> -> memref<1x128xi32, #tpu.memory_space<vmem>>
    %dma_start3A_114 = tpu.memref_squeeze %dma_start3A_113 : memref<1x128xi32, #tpu.memory_space<vmem>> -> memref<128xi32, #tpu.memory_space<vmem>>
    %dma_start3A_115 = arith.constant 0 : i32
    %dma_start3A_116 = arith.constant 0 : i32
    %dma_start3A_117 = tpu.memref_slice %arg2[%dma_start3A_115, %dma_start3A_116] : memref<20480x128xf32, #tpu.memory_space<hbm>> -> memref<20480x128xf32, #tpu.memory_space<hbm>>
    tpu.enqueue_indirect_dma source(%dma_start3A_117 : memref<20480x128xf32, #tpu.memory_space<hbm>>) target(%dma_start3A_111 : memref<128x128xf32, #tpu.memory_space<vmem>>) offsets(%dma_start3A_114 : memref<128xi32, #tpu.memory_space<vmem>>) semaphore(%arg11 : memref<!tpu.dma_semaphore, #tpu.memory_space<semaphore_mem>>)
    %scan3A_118 = arith.constant 0 : i32
    %scan3A_119 = arith.constant 0 : i32
    %scan3A_120 = arith.constant 20 : i32
    %scan3A_121 = arith.addi %scan3A_119, %scan3A_120 : i32
    %scan3A_122 = arith.constant 1 : i32
    scf.for %scan3A_179 = %scan3A_119 to %scan3A_121 step %scan3A_122  : i32 {
      %mul3A_180 = arith.constant 2 : i32
      %mul3A_181 = arith.muli %scan3A_179, %mul3A_180 : i32
      %add3A = arith.constant 0 : i32
      %add3A_182 = arith.addi %mul3A_181, %add3A : i32
      %ge3A = arith.constant 1 : i32
      %ge3A_183 = arith.cmpi sge, %add3A_182, %ge3A : i32
      %convert_element_type3A = arith.extui %ge3A_183 : i1 to i32
      %cond3A = arith.constant 0 : i32
      %cond3A_184 = arith.cmpi ne, %convert_element_type3A, %cond3A : i32
      scf.if %cond3A_184 {
        %sub3A_259 = arith.constant 1 : i32
        %sub3A_260 = arith.subi %add3A_182, %sub3A_259 : i32
        %dma_wait3A_261 = arith.constant 1 : i32
        %dma_wait3A_262 = arith.constant 0 : i32
        %dma_wait3A_263 = arith.constant 0 : i32
        %dma_wait3A_264 = tpu.memref_slice %arg8[%dma_wait3A_261, %dma_wait3A_262, %dma_wait3A_263] : memref<2x128x128xf32, #tpu.memory_space<vmem>> -> memref<1x128x128xf32, #tpu.memory_space<vmem>>
        %dma_wait3A_265 = tpu.memref_squeeze %dma_wait3A_264 : memref<1x128x128xf32, #tpu.memory_space<vmem>> -> memref<128x128xf32, #tpu.memory_space<vmem>>
        %dma_wait3A_266 = arith.constant 0 : i32
        %dma_wait3A_267 = tpu.memref_slice %arg7[%sub3A_260, %dma_wait3A_266] : memref<40x128xi32, #tpu.memory_space<vmem>> -> memref<1x128xi32, #tpu.memory_space<vmem>>
        %dma_wait3A_268 = tpu.memref_squeeze %dma_wait3A_267 : memref<1x128xi32, #tpu.memory_space<vmem>> -> memref<128xi32, #tpu.memory_space<vmem>>
        %dma_wait3A_269 = arith.constant 0 : i32
        %dma_wait3A_270 = arith.constant 0 : i32
        %dma_wait3A_271 = tpu.memref_slice %arg9[%dma_wait3A_269, %dma_wait3A_270] : memref<10240x128xf32, #tpu.memory_space<vmem_shared>> -> memref<10240x128xf32, #tpu.memory_space<vmem_shared>>
        tpu.wait_indirect_dma semaphore(%arg13 : memref<!tpu.dma_semaphore, #tpu.memory_space<semaphore_mem>>) src(%dma_wait3A_265 : memref<128x128xf32, #tpu.memory_space<vmem>>) dst(%dma_wait3A_271 : memref<10240x128xf32, #tpu.memory_space<vmem_shared>>)
      } else {
      }
      %ge3A_185 = arith.constant 1 : i32
      %ge3A_186 = arith.cmpi sge, %add3A_182, %ge3A_185 : i32
      %sub3A = arith.constant 1 : i32
      %sub3A_187 = arith.subi %add3A_182, %sub3A : i32
      %add3A_188 = arith.constant 2 : i32
      %add3A_189 = arith.addi %sub3A_187, %add3A_188 : i32
      %lt3A = arith.constant 40 : i32
      %lt3A_190 = arith.cmpi slt, %add3A_189, %lt3A : i32
      %and3A = arith.andi %ge3A_186, %lt3A_190 : i1
      %convert_element_type3A_191 = arith.extui %and3A : i1 to i32
      %cond3A_192 = arith.constant 0 : i32
      %cond3A_193 = arith.cmpi ne, %convert_element_type3A_191, %cond3A_192 : i32
      scf.if %cond3A_193 {
        %sub3A_259 = arith.constant 1 : i32
        %sub3A_260 = arith.subi %add3A_182, %sub3A_259 : i32
        %add3A_261 = arith.constant 2 : i32
        %add3A_262 = arith.addi %sub3A_260, %add3A_261 : i32
        %dma_start3A_263 = arith.constant 1 : i32
        %dma_start3A_264 = arith.constant 0 : i32
        %dma_start3A_265 = arith.constant 0 : i32
        %dma_start3A_266 = tpu.memref_slice %arg8[%dma_start3A_263, %dma_start3A_264, %dma_start3A_265] : memref<2x128x128xf32, #tpu.memory_space<vmem>> -> memref<1x128x128xf32, #tpu.memory_space<vmem>>
        %dma_start3A_267 = tpu.memref_squeeze %dma_start3A_266 : memref<1x128x128xf32, #tpu.memory_space<vmem>> -> memref<128x128xf32, #tpu.memory_space<vmem>>
        %dma_start3A_268 = arith.constant 0 : i32
        %dma_start3A_269 = tpu.memref_slice %arg6[%add3A_262, %dma_start3A_268] : memref<40x128xi32, #tpu.memory_space<vmem>> -> memref<1x128xi32, #tpu.memory_space<vmem>>
        %dma_start3A_270 = tpu.memref_squeeze %dma_start3A_269 : memref<1x128xi32, #tpu.memory_space<vmem>> -> memref<128xi32, #tpu.memory_space<vmem>>
        %dma_start3A_271 = arith.constant 0 : i32
        %dma_start3A_272 = arith.constant 0 : i32
        %dma_start3A_273 = tpu.memref_slice %arg2[%dma_start3A_271, %dma_start3A_272] : memref<20480x128xf32, #tpu.memory_space<hbm>> -> memref<20480x128xf32, #tpu.memory_space<hbm>>
        tpu.enqueue_indirect_dma source(%dma_start3A_273 : memref<20480x128xf32, #tpu.memory_space<hbm>>) target(%dma_start3A_267 : memref<128x128xf32, #tpu.memory_space<vmem>>) offsets(%dma_start3A_270 : memref<128xi32, #tpu.memory_space<vmem>>) semaphore(%arg11 : memref<!tpu.dma_semaphore, #tpu.memory_space<semaphore_mem>>)
      } else {
      }
      %dma_wait3A_194 = arith.constant 0 : i32
      %dma_wait3A_195 = arith.constant 0 : i32
      %dma_wait3A_196 = arith.constant 0 : i32
      %dma_wait3A_197 = tpu.memref_slice %arg8[%dma_wait3A_194, %dma_wait3A_195, %dma_wait3A_196] : memref<2x128x128xf32, #tpu.memory_space<vmem>> -> memref<1x128x128xf32, #tpu.memory_space<vmem>>
      %dma_wait3A_198 = tpu.memref_squeeze %dma_wait3A_197 : memref<1x128x128xf32, #tpu.memory_space<vmem>> -> memref<128x128xf32, #tpu.memory_space<vmem>>
      %dma_wait3A_199 = arith.constant 0 : i32
      %dma_wait3A_200 = tpu.memref_slice %arg6[%add3A_182, %dma_wait3A_199] : memref<40x128xi32, #tpu.memory_space<vmem>> -> memref<1x128xi32, #tpu.memory_space<vmem>>
      %dma_wait3A_201 = tpu.memref_squeeze %dma_wait3A_200 : memref<1x128xi32, #tpu.memory_space<vmem>> -> memref<128xi32, #tpu.memory_space<vmem>>
      %dma_wait3A_202 = arith.constant 0 : i32
      %dma_wait3A_203 = arith.constant 0 : i32
      %dma_wait3A_204 = tpu.memref_slice %arg2[%dma_wait3A_202, %dma_wait3A_203] : memref<20480x128xf32, #tpu.memory_space<hbm>> -> memref<20480x128xf32, #tpu.memory_space<hbm>>
      tpu.wait_indirect_dma semaphore(%arg10 : memref<!tpu.dma_semaphore, #tpu.memory_space<semaphore_mem>>) src(%dma_wait3A_204 : memref<20480x128xf32, #tpu.memory_space<hbm>>) dst(%dma_wait3A_198 : memref<128x128xf32, #tpu.memory_space<vmem>>)
      %dma_start3A_205 = arith.constant 0 : i32
      %dma_start3A_206 = arith.constant 0 : i32
      %dma_start3A_207 = arith.constant 0 : i32
      %dma_start3A_208 = tpu.memref_slice %arg8[%dma_start3A_205, %dma_start3A_206, %dma_start3A_207] : memref<2x128x128xf32, #tpu.memory_space<vmem>> -> memref<1x128x128xf32, #tpu.memory_space<vmem>>
      %dma_start3A_209 = tpu.memref_squeeze %dma_start3A_208 : memref<1x128x128xf32, #tpu.memory_space<vmem>> -> memref<128x128xf32, #tpu.memory_space<vmem>>
      %dma_start3A_210 = arith.constant 0 : i32
      %dma_start3A_211 = tpu.memref_slice %arg7[%add3A_182, %dma_start3A_210] : memref<40x128xi32, #tpu.memory_space<vmem>> -> memref<1x128xi32, #tpu.memory_space<vmem>>
      %dma_start3A_212 = tpu.memref_squeeze %dma_start3A_211 : memref<1x128xi32, #tpu.memory_space<vmem>> -> memref<128xi32, #tpu.memory_space<vmem>>
      %dma_start3A_213 = arith.constant 0 : i32
      %dma_start3A_214 = arith.constant 0 : i32
      %dma_start3A_215 = tpu.memref_slice %arg9[%dma_start3A_213, %dma_start3A_214] : memref<10240x128xf32, #tpu.memory_space<vmem_shared>> -> memref<10240x128xf32, #tpu.memory_space<vmem_shared>>
      tpu.enqueue_indirect_dma source(%dma_start3A_209 : memref<128x128xf32, #tpu.memory_space<vmem>>) target(%dma_start3A_215 : memref<10240x128xf32, #tpu.memory_space<vmem_shared>>) offsets(%dma_start3A_212 : memref<128xi32, #tpu.memory_space<vmem>>) semaphore(%arg12 : memref<!tpu.dma_semaphore, #tpu.memory_space<semaphore_mem>>) {add = true}
      %mul3A_216 = arith.constant 2 : i32
      %mul3A_217 = arith.muli %scan3A_179, %mul3A_216 : i32
      %add3A_218 = arith.constant 1 : i32
      %add3A_219 = arith.addi %mul3A_217, %add3A_218 : i32
      %ge3A_220 = arith.constant 1 : i32
      %ge3A_221 = arith.cmpi sge, %add3A_219, %ge3A_220 : i32
      %convert_element_type3A_222 = arith.extui %ge3A_221 : i1 to i32
      %cond3A_223 = arith.constant 0 : i32
      %cond3A_224 = arith.cmpi ne, %convert_element_type3A_222, %cond3A_223 : i32
      scf.if %cond3A_224 {
        %sub3A_259 = arith.constant 1 : i32
        %sub3A_260 = arith.subi %add3A_219, %sub3A_259 : i32
        %dma_wait3A_261 = arith.constant 0 : i32
        %dma_wait3A_262 = arith.constant 0 : i32
        %dma_wait3A_263 = arith.constant 0 : i32
        %dma_wait3A_264 = tpu.memref_slice %arg8[%dma_wait3A_261, %dma_wait3A_262, %dma_wait3A_263] : memref<2x128x128xf32, #tpu.memory_space<vmem>> -> memref<1x128x128xf32, #tpu.memory_space<vmem>>
        %dma_wait3A_265 = tpu.memref_squeeze %dma_wait3A_264 : memref<1x128x128xf32, #tpu.memory_space<vmem>> -> memref<128x128xf32, #tpu.memory_space<vmem>>
        %dma_wait3A_266 = arith.constant 0 : i32
        %dma_wait3A_267 = tpu.memref_slice %arg7[%sub3A_260, %dma_wait3A_266] : memref<40x128xi32, #tpu.memory_space<vmem>> -> memref<1x128xi32, #tpu.memory_space<vmem>>
        %dma_wait3A_268 = tpu.memref_squeeze %dma_wait3A_267 : memref<1x128xi32, #tpu.memory_space<vmem>> -> memref<128xi32, #tpu.memory_space<vmem>>
        %dma_wait3A_269 = arith.constant 0 : i32
        %dma_wait3A_270 = arith.constant 0 : i32
        %dma_wait3A_271 = tpu.memref_slice %arg9[%dma_wait3A_269, %dma_wait3A_270] : memref<10240x128xf32, #tpu.memory_space<vmem_shared>> -> memref<10240x128xf32, #tpu.memory_space<vmem_shared>>
        tpu.wait_indirect_dma semaphore(%arg12 : memref<!tpu.dma_semaphore, #tpu.memory_space<semaphore_mem>>) src(%dma_wait3A_265 : memref<128x128xf32, #tpu.memory_space<vmem>>) dst(%dma_wait3A_271 : memref<10240x128xf32, #tpu.memory_space<vmem_shared>>)
      } else {
      }
      %ge3A_225 = arith.constant 1 : i32
      %ge3A_226 = arith.cmpi sge, %add3A_219, %ge3A_225 : i32
      %sub3A_227 = arith.constant 1 : i32
      %sub3A_228 = arith.subi %add3A_219, %sub3A_227 : i32
      %add3A_229 = arith.constant 2 : i32
      %add3A_230 = arith.addi %sub3A_228, %add3A_229 : i32
      %lt3A_231 = arith.constant 40 : i32
      %lt3A_232 = arith.cmpi slt, %add3A_230, %lt3A_231 : i32
      %and3A_233 = arith.andi %ge3A_226, %lt3A_232 : i1
      %convert_element_type3A_234 = arith.extui %and3A_233 : i1 to i32
      %cond3A_235 = arith.constant 0 : i32
      %cond3A_236 = arith.cmpi ne, %convert_element_type3A_234, %cond3A_235 : i32
      scf.if %cond3A_236 {
        %sub3A_259 = arith.constant 1 : i32
        %sub3A_260 = arith.subi %add3A_219, %sub3A_259 : i32
        %add3A_261 = arith.constant 2 : i32
        %add3A_262 = arith.addi %sub3A_260, %add3A_261 : i32
        %dma_start3A_263 = arith.constant 0 : i32
        %dma_start3A_264 = arith.constant 0 : i32
        %dma_start3A_265 = arith.constant 0 : i32
        %dma_start3A_266 = tpu.memref_slice %arg8[%dma_start3A_263, %dma_start3A_264, %dma_start3A_265] : memref<2x128x128xf32, #tpu.memory_space<vmem>> -> memref<1x128x128xf32, #tpu.memory_space<vmem>>
        %dma_start3A_267 = tpu.memref_squeeze %dma_start3A_266 : memref<1x128x128xf32, #tpu.memory_space<vmem>> -> memref<128x128xf32, #tpu.memory_space<vmem>>
        %dma_start3A_268 = arith.constant 0 : i32
        %dma_start3A_269 = tpu.memref_slice %arg6[%add3A_262, %dma_start3A_268] : memref<40x128xi32, #tpu.memory_space<vmem>> -> memref<1x128xi32, #tpu.memory_space<vmem>>
        %dma_start3A_270 = tpu.memref_squeeze %dma_start3A_269 : memref<1x128xi32, #tpu.memory_space<vmem>> -> memref<128xi32, #tpu.memory_space<vmem>>
        %dma_start3A_271 = arith.constant 0 : i32
        %dma_start3A_272 = arith.constant 0 : i32
        %dma_start3A_273 = tpu.memref_slice %arg2[%dma_start3A_271, %dma_start3A_272] : memref<20480x128xf32, #tpu.memory_space<hbm>> -> memref<20480x128xf32, #tpu.memory_space<hbm>>
        tpu.enqueue_indirect_dma source(%dma_start3A_273 : memref<20480x128xf32, #tpu.memory_space<hbm>>) target(%dma_start3A_267 : memref<128x128xf32, #tpu.memory_space<vmem>>) offsets(%dma_start3A_270 : memref<128xi32, #tpu.memory_space<vmem>>) semaphore(%arg10 : memref<!tpu.dma_semaphore, #tpu.memory_space<semaphore_mem>>)
      } else {
      }
      %dma_wait3A_237 = arith.constant 1 : i32
      %dma_wait3A_238 = arith.constant 0 : i32
      %dma_wait3A_239 = arith.constant 0 : i32
      %dma_wait3A_240 = tpu.memref_slice %arg8[%dma_wait3A_237, %dma_wait3A_238, %dma_wait3A_239] : memref<2x128x128xf32, #tpu.memory_space<vmem>> -> memref<1x128x128xf32, #tpu.memory_space<vmem>>
      %dma_wait3A_241 = tpu.memref_squeeze %dma_wait3A_240 : memref<1x128x128xf32, #tpu.memory_space<vmem>> -> memref<128x128xf32, #tpu.memory_space<vmem>>
      %dma_wait3A_242 = arith.constant 0 : i32
      %dma_wait3A_243 = tpu.memref_slice %arg6[%add3A_219, %dma_wait3A_242] : memref<40x128xi32, #tpu.memory_space<vmem>> -> memref<1x128xi32, #tpu.memory_space<vmem>>
      %dma_wait3A_244 = tpu.memref_squeeze %dma_wait3A_243 : memref<1x128xi32, #tpu.memory_space<vmem>> -> memref<128xi32, #tpu.memory_space<vmem>>
      %dma_wait3A_245 = arith.constant 0 : i32
      %dma_wait3A_246 = arith.constant 0 : i32
      %dma_wait3A_247 = tpu.memref_slice %arg2[%dma_wait3A_245, %dma_wait3A_246] : memref<20480x128xf32, #tpu.memory_space<hbm>> -> memref<20480x128xf32, #tpu.memory_space<hbm>>
      tpu.wait_indirect_dma semaphore(%arg11 : memref<!tpu.dma_semaphore, #tpu.memory_space<semaphore_mem>>) src(%dma_wait3A_247 : memref<20480x128xf32, #tpu.memory_space<hbm>>) dst(%dma_wait3A_241 : memref<128x128xf32, #tpu.memory_space<vmem>>)
      %dma_start3A_248 = arith.constant 1 : i32
      %dma_start3A_249 = arith.constant 0 : i32
      %dma_start3A_250 = arith.constant 0 : i32
      %dma_start3A_251 = tpu.memref_slice %arg8[%dma_start3A_248, %dma_start3A_249, %dma_start3A_250] : memref<2x128x128xf32, #tpu.memory_space<vmem>> -> memref<1x128x128xf32, #tpu.memory_space<vmem>>
      %dma_start3A_252 = tpu.memref_squeeze %dma_start3A_251 : memref<1x128x128xf32, #tpu.memory_space<vmem>> -> memref<128x128xf32, #tpu.memory_space<vmem>>
      %dma_start3A_253 = arith.constant 0 : i32
      %dma_start3A_254 = tpu.memref_slice %arg7[%add3A_219, %dma_start3A_253] : memref<40x128xi32, #tpu.memory_space<vmem>> -> memref<1x128xi32, #tpu.memory_space<vmem>>
      %dma_start3A_255 = tpu.memref_squeeze %dma_start3A_254 : memref<1x128xi32, #tpu.memory_space<vmem>> -> memref<128xi32, #tpu.memory_space<vmem>>
      %dma_start3A_256 = arith.constant 0 : i32
      %dma_start3A_257 = arith.constant 0 : i32
      %dma_start3A_258 = tpu.memref_slice %arg9[%dma_start3A_256, %dma_start3A_257] : memref<10240x128xf32, #tpu.memory_space<vmem_shared>> -> memref<10240x128xf32, #tpu.memory_space<vmem_shared>>
      tpu.enqueue_indirect_dma source(%dma_start3A_252 : memref<128x128xf32, #tpu.memory_space<vmem>>) target(%dma_start3A_258 : memref<10240x128xf32, #tpu.memory_space<vmem_shared>>) offsets(%dma_start3A_255 : memref<128xi32, #tpu.memory_space<vmem>>) semaphore(%arg13 : memref<!tpu.dma_semaphore, #tpu.memory_space<semaphore_mem>>) {add = true}
    }
    %scan3A_123 = arith.constant 20 : i32
    %dma_wait3A_124 = arith.constant 1 : i32
    %dma_wait3A_125 = arith.constant 39 : i32
    %dma_wait3A_126 = arith.constant 0 : i32
    %dma_wait3A_127 = arith.constant 0 : i32
    %dma_wait3A_128 = tpu.memref_slice %arg8[%dma_wait3A_124, %dma_wait3A_126, %dma_wait3A_127] : memref<2x128x128xf32, #tpu.memory_space<vmem>> -> memref<1x128x128xf32, #tpu.memory_space<vmem>>
    %dma_wait3A_129 = tpu.memref_squeeze %dma_wait3A_128 : memref<1x128x128xf32, #tpu.memory_space<vmem>> -> memref<128x128xf32, #tpu.memory_space<vmem>>
    %dma_wait3A_130 = arith.constant 0 : i32
    %dma_wait3A_131 = tpu.memref_slice %arg7[%dma_wait3A_125, %dma_wait3A_130] : memref<40x128xi32, #tpu.memory_space<vmem>> -> memref<1x128xi32, #tpu.memory_space<vmem>>
    %dma_wait3A_132 = tpu.memref_squeeze %dma_wait3A_131 : memref<1x128xi32, #tpu.memory_space<vmem>> -> memref<128xi32, #tpu.memory_space<vmem>>
    %dma_wait3A_133 = arith.constant 0 : i32
    %dma_wait3A_134 = arith.constant 0 : i32
    %dma_wait3A_135 = tpu.memref_slice %arg9[%dma_wait3A_133, %dma_wait3A_134] : memref<10240x128xf32, #tpu.memory_space<vmem_shared>> -> memref<10240x128xf32, #tpu.memory_space<vmem_shared>>
    tpu.wait_indirect_dma semaphore(%arg13 : memref<!tpu.dma_semaphore, #tpu.memory_space<semaphore_mem>>) src(%dma_wait3A_129 : memref<128x128xf32, #tpu.memory_space<vmem>>) dst(%dma_wait3A_135 : memref<10240x128xf32, #tpu.memory_space<vmem_shared>>)
    "tpu.region"() ({
      %run_scoped3A = tpu.sem_alloc : memref<!tpu.dma_semaphore, #tpu.memory_space<semaphore_mem>>
      %dma_start3A_179 = arith.constant 120 : i32
      %dma_start3A_180 = arith.constant 0 : i32
      %dma_start3A_181 = tpu.memref_slice %arg3[%arg0, %arg1, %dma_start3A_179, %dma_start3A_180] : memref<2x16x160x128xi32, #tpu.memory_space<hbm>> -> memref<1x1x40x128xi32, #tpu.memory_space<hbm>>
      %dma_start3A_182 = tpu.memref_squeeze %dma_start3A_181 : memref<1x1x40x128xi32, #tpu.memory_space<hbm>> -> memref<40x128xi32, #tpu.memory_space<hbm>>
      %dma_start3A_183 = arith.constant 120 : i32
      %dma_start3A_184 = arith.constant 0 : i32
      %dma_start3A_185 = tpu.memref_slice %arg3[%arg0, %arg1, %dma_start3A_183, %dma_start3A_184] : memref<2x16x160x128xi32, #tpu.memory_space<hbm>> -> memref<1x1x40x128xi32, #tpu.memory_space<hbm>>
      %dma_start3A_186 = tpu.memref_squeeze %dma_start3A_185 : memref<1x1x40x128xi32, #tpu.memory_space<hbm>> -> memref<40x128xi32, #tpu.memory_space<hbm>>
      tpu.enqueue_dma source(%dma_start3A_186 : memref<40x128xi32, #tpu.memory_space<hbm>>) target(%arg6 : memref<40x128xi32, #tpu.memory_space<vmem>>) target_semaphore(%run_scoped3A : memref<!tpu.dma_semaphore, #tpu.memory_space<semaphore_mem>>)
      %dma_wait3A_187 = arith.constant 120 : i32
      %dma_wait3A_188 = arith.constant 0 : i32
      %dma_wait3A_189 = tpu.memref_slice %arg3[%arg0, %arg1, %dma_wait3A_187, %dma_wait3A_188] : memref<2x16x160x128xi32, #tpu.memory_space<hbm>> -> memref<1x1x40x128xi32, #tpu.memory_space<hbm>>
      %dma_wait3A_190 = tpu.memref_squeeze %dma_wait3A_189 : memref<1x1x40x128xi32, #tpu.memory_space<hbm>> -> memref<40x128xi32, #tpu.memory_space<hbm>>
      %dma_wait3A_191 = arith.constant 120 : i32
      %dma_wait3A_192 = arith.constant 0 : i32
      %dma_wait3A_193 = tpu.memref_slice %arg3[%arg0, %arg1, %dma_wait3A_191, %dma_wait3A_192] : memref<2x16x160x128xi32, #tpu.memory_space<hbm>> -> memref<1x1x40x128xi32, #tpu.memory_space<hbm>>
      %dma_wait3A_194 = tpu.memref_squeeze %dma_wait3A_193 : memref<1x1x40x128xi32, #tpu.memory_space<hbm>> -> memref<40x128xi32, #tpu.memory_space<hbm>>
      tpu.wait_dma2 semaphore(%run_scoped3A : memref<!tpu.dma_semaphore, #tpu.memory_space<semaphore_mem>>) src(%dma_wait3A_194 : memref<40x128xi32, #tpu.memory_space<hbm>>) dst(%arg6 : memref<40x128xi32, #tpu.memory_space<vmem>>)
      tpu.yield
    }) : () -> ()
    "tpu.region"() ({
      %run_scoped3A = tpu.sem_alloc : memref<!tpu.dma_semaphore, #tpu.memory_space<semaphore_mem>>
      %dma_start3A_179 = arith.constant 120 : i32
      %dma_start3A_180 = arith.constant 0 : i32
      %dma_start3A_181 = tpu.memref_slice %arg4[%arg0, %arg1, %dma_start3A_179, %dma_start3A_180] : memref<2x16x160x128xi32, #tpu.memory_space<hbm>> -> memref<1x1x40x128xi32, #tpu.memory_space<hbm>>
      %dma_start3A_182 = tpu.memref_squeeze %dma_start3A_181 : memref<1x1x40x128xi32, #tpu.memory_space<hbm>> -> memref<40x128xi32, #tpu.memory_space<hbm>>
      %dma_start3A_183 = arith.constant 120 : i32
      %dma_start3A_184 = arith.constant 0 : i32
      %dma_start3A_185 = tpu.memref_slice %arg4[%arg0, %arg1, %dma_start3A_183, %dma_start3A_184] : memref<2x16x160x128xi32, #tpu.memory_space<hbm>> -> memref<1x1x40x128xi32, #tpu.memory_space<hbm>>
      %dma_start3A_186 = tpu.memref_squeeze %dma_start3A_185 : memref<1x1x40x128xi32, #tpu.memory_space<hbm>> -> memref<40x128xi32, #tpu.memory_space<hbm>>
      tpu.enqueue_dma source(%dma_start3A_186 : memref<40x128xi32, #tpu.memory_space<hbm>>) target(%arg7 : memref<40x128xi32, #tpu.memory_space<vmem>>) target_semaphore(%run_scoped3A : memref<!tpu.dma_semaphore, #tpu.memory_space<semaphore_mem>>)
      %dma_wait3A_187 = arith.constant 120 : i32
      %dma_wait3A_188 = arith.constant 0 : i32
      %dma_wait3A_189 = tpu.memref_slice %arg4[%arg0, %arg1, %dma_wait3A_187, %dma_wait3A_188] : memref<2x16x160x128xi32, #tpu.memory_space<hbm>> -> memref<1x1x40x128xi32, #tpu.memory_space<hbm>>
      %dma_wait3A_190 = tpu.memref_squeeze %dma_wait3A_189 : memref<1x1x40x128xi32, #tpu.memory_space<hbm>> -> memref<40x128xi32, #tpu.memory_space<hbm>>
      %dma_wait3A_191 = arith.constant 120 : i32
      %dma_wait3A_192 = arith.constant 0 : i32
      %dma_wait3A_193 = tpu.memref_slice %arg4[%arg0, %arg1, %dma_wait3A_191, %dma_wait3A_192] : memref<2x16x160x128xi32, #tpu.memory_space<hbm>> -> memref<1x1x40x128xi32, #tpu.memory_space<hbm>>
      %dma_wait3A_194 = tpu.memref_squeeze %dma_wait3A_193 : memref<1x1x40x128xi32, #tpu.memory_space<hbm>> -> memref<40x128xi32, #tpu.memory_space<hbm>>
      tpu.wait_dma2 semaphore(%run_scoped3A : memref<!tpu.dma_semaphore, #tpu.memory_space<semaphore_mem>>) src(%dma_wait3A_194 : memref<40x128xi32, #tpu.memory_space<hbm>>) dst(%arg7 : memref<40x128xi32, #tpu.memory_space<vmem>>)
      tpu.yield
    }) : () -> ()
    %dma_start3A_136 = arith.constant 0 : i32
    %dma_start3A_137 = arith.constant 0 : i32
    %dma_start3A_138 = arith.constant 0 : i32
    %dma_start3A_139 = arith.constant 0 : i32
    %dma_start3A_140 = tpu.memref_slice %arg8[%dma_start3A_137, %dma_start3A_138, %dma_start3A_139] : memref<2x128x128xf32, #tpu.memory_space<vmem>> -> memref<1x128x128xf32, #tpu.memory_space<vmem>>
    %dma_start3A_141 = tpu.memref_squeeze %dma_start3A_140 : memref<1x128x128xf32, #tpu.memory_space<vmem>> -> memref<128x128xf32, #tpu.memory_space<vmem>>
    %dma_start3A_142 = arith.constant 0 : i32
    %dma_start3A_143 = tpu.memref_slice %arg6[%dma_start3A_136, %dma_start3A_142] : memref<40x128xi32, #tpu.memory_space<vmem>> -> memref<1x128xi32, #tpu.memory_space<vmem>>
    %dma_start3A_144 = tpu.memref_squeeze %dma_start3A_143 : memref<1x128xi32, #tpu.memory_space<vmem>> -> memref<128xi32, #tpu.memory_space<vmem>>
    %dma_start3A_145 = arith.constant 0 : i32
    %dma_start3A_146 = arith.constant 0 : i32
    %dma_start3A_147 = tpu.memref_slice %arg2[%dma_start3A_145, %dma_start3A_146] : memref<20480x128xf32, #tpu.memory_space<hbm>> -> memref<20480x128xf32, #tpu.memory_space<hbm>>
    tpu.enqueue_indirect_dma source(%dma_start3A_147 : memref<20480x128xf32, #tpu.memory_space<hbm>>) target(%dma_start3A_141 : memref<128x128xf32, #tpu.memory_space<vmem>>) offsets(%dma_start3A_144 : memref<128xi32, #tpu.memory_space<vmem>>) semaphore(%arg10 : memref<!tpu.dma_semaphore, #tpu.memory_space<semaphore_mem>>)
    %dma_start3A_148 = arith.constant 1 : i32
    %dma_start3A_149 = arith.constant 1 : i32
    %dma_start3A_150 = arith.constant 0 : i32
    %dma_start3A_151 = arith.constant 0 : i32
    %dma_start3A_152 = tpu.memref_slice %arg8[%dma_start3A_149, %dma_start3A_150, %dma_start3A_151] : memref<2x128x128xf32, #tpu.memory_space<vmem>> -> memref<1x128x128xf32, #tpu.memory_space<vmem>>
    %dma_start3A_153 = tpu.memref_squeeze %dma_start3A_152 : memref<1x128x128xf32, #tpu.memory_space<vmem>> -> memref<128x128xf32, #tpu.memory_space<vmem>>
    %dma_start3A_154 = arith.constant 0 : i32
    %dma_start3A_155 = tpu.memref_slice %arg6[%dma_start3A_148, %dma_start3A_154] : memref<40x128xi32, #tpu.memory_space<vmem>> -> memref<1x128xi32, #tpu.memory_space<vmem>>
    %dma_start3A_156 = tpu.memref_squeeze %dma_start3A_155 : memref<1x128xi32, #tpu.memory_space<vmem>> -> memref<128xi32, #tpu.memory_space<vmem>>
    %dma_start3A_157 = arith.constant 0 : i32
    %dma_start3A_158 = arith.constant 0 : i32
    %dma_start3A_159 = tpu.memref_slice %arg2[%dma_start3A_157, %dma_start3A_158] : memref<20480x128xf32, #tpu.memory_space<hbm>> -> memref<20480x128xf32, #tpu.memory_space<hbm>>
    tpu.enqueue_indirect_dma source(%dma_start3A_159 : memref<20480x128xf32, #tpu.memory_space<hbm>>) target(%dma_start3A_153 : memref<128x128xf32, #tpu.memory_space<vmem>>) offsets(%dma_start3A_156 : memref<128xi32, #tpu.memory_space<vmem>>) semaphore(%arg11 : memref<!tpu.dma_semaphore, #tpu.memory_space<semaphore_mem>>)
    %scan3A_160 = arith.constant 0 : i32
    %scan3A_161 = arith.constant 0 : i32
    %scan3A_162 = arith.constant 20 : i32
    %scan3A_163 = arith.addi %scan3A_161, %scan3A_162 : i32
    %scan3A_164 = arith.constant 1 : i32
    scf.for %scan3A_179 = %scan3A_161 to %scan3A_163 step %scan3A_164  : i32 {
      %mul3A_180 = arith.constant 2 : i32
      %mul3A_181 = arith.muli %scan3A_179, %mul3A_180 : i32
      %add3A = arith.constant 0 : i32
      %add3A_182 = arith.addi %mul3A_181, %add3A : i32
      %ge3A = arith.constant 1 : i32
      %ge3A_183 = arith.cmpi sge, %add3A_182, %ge3A : i32
      %convert_element_type3A = arith.extui %ge3A_183 : i1 to i32
      %cond3A = arith.constant 0 : i32
      %cond3A_184 = arith.cmpi ne, %convert_element_type3A, %cond3A : i32
      scf.if %cond3A_184 {
        %sub3A_259 = arith.constant 1 : i32
        %sub3A_260 = arith.subi %add3A_182, %sub3A_259 : i32
        %dma_wait3A_261 = arith.constant 1 : i32
        %dma_wait3A_262 = arith.constant 0 : i32
        %dma_wait3A_263 = arith.constant 0 : i32
        %dma_wait3A_264 = tpu.memref_slice %arg8[%dma_wait3A_261, %dma_wait3A_262, %dma_wait3A_263] : memref<2x128x128xf32, #tpu.memory_space<vmem>> -> memref<1x128x128xf32, #tpu.memory_space<vmem>>
        %dma_wait3A_265 = tpu.memref_squeeze %dma_wait3A_264 : memref<1x128x128xf32, #tpu.memory_space<vmem>> -> memref<128x128xf32, #tpu.memory_space<vmem>>
        %dma_wait3A_266 = arith.constant 0 : i32
        %dma_wait3A_267 = tpu.memref_slice %arg7[%sub3A_260, %dma_wait3A_266] : memref<40x128xi32, #tpu.memory_space<vmem>> -> memref<1x128xi32, #tpu.memory_space<vmem>>
        %dma_wait3A_268 = tpu.memref_squeeze %dma_wait3A_267 : memref<1x128xi32, #tpu.memory_space<vmem>> -> memref<128xi32, #tpu.memory_space<vmem>>
        %dma_wait3A_269 = arith.constant 0 : i32
        %dma_wait3A_270 = arith.constant 0 : i32
        %dma_wait3A_271 = tpu.memref_slice %arg9[%dma_wait3A_269, %dma_wait3A_270] : memref<10240x128xf32, #tpu.memory_space<vmem_shared>> -> memref<10240x128xf32, #tpu.memory_space<vmem_shared>>
        tpu.wait_indirect_dma semaphore(%arg13 : memref<!tpu.dma_semaphore, #tpu.memory_space<semaphore_mem>>) src(%dma_wait3A_265 : memref<128x128xf32, #tpu.memory_space<vmem>>) dst(%dma_wait3A_271 : memref<10240x128xf32, #tpu.memory_space<vmem_shared>>)
      } else {
      }
      %ge3A_185 = arith.constant 1 : i32
      %ge3A_186 = arith.cmpi sge, %add3A_182, %ge3A_185 : i32
      %sub3A = arith.constant 1 : i32
      %sub3A_187 = arith.subi %add3A_182, %sub3A : i32
      %add3A_188 = arith.constant 2 : i32
      %add3A_189 = arith.addi %sub3A_187, %add3A_188 : i32
      %lt3A = arith.constant 40 : i32
      %lt3A_190 = arith.cmpi slt, %add3A_189, %lt3A : i32
      %and3A = arith.andi %ge3A_186, %lt3A_190 : i1
      %convert_element_type3A_191 = arith.extui %and3A : i1 to i32
      %cond3A_192 = arith.constant 0 : i32
      %cond3A_193 = arith.cmpi ne, %convert_element_type3A_191, %cond3A_192 : i32
      scf.if %cond3A_193 {
        %sub3A_259 = arith.constant 1 : i32
        %sub3A_260 = arith.subi %add3A_182, %sub3A_259 : i32
        %add3A_261 = arith.constant 2 : i32
        %add3A_262 = arith.addi %sub3A_260, %add3A_261 : i32
        %dma_start3A_263 = arith.constant 1 : i32
        %dma_start3A_264 = arith.constant 0 : i32
        %dma_start3A_265 = arith.constant 0 : i32
        %dma_start3A_266 = tpu.memref_slice %arg8[%dma_start3A_263, %dma_start3A_264, %dma_start3A_265] : memref<2x128x128xf32, #tpu.memory_space<vmem>> -> memref<1x128x128xf32, #tpu.memory_space<vmem>>
        %dma_start3A_267 = tpu.memref_squeeze %dma_start3A_266 : memref<1x128x128xf32, #tpu.memory_space<vmem>> -> memref<128x128xf32, #tpu.memory_space<vmem>>
        %dma_start3A_268 = arith.constant 0 : i32
        %dma_start3A_269 = tpu.memref_slice %arg6[%add3A_262, %dma_start3A_268] : memref<40x128xi32, #tpu.memory_space<vmem>> -> memref<1x128xi32, #tpu.memory_space<vmem>>
        %dma_start3A_270 = tpu.memref_squeeze %dma_start3A_269 : memref<1x128xi32, #tpu.memory_space<vmem>> -> memref<128xi32, #tpu.memory_space<vmem>>
        %dma_start3A_271 = arith.constant 0 : i32
        %dma_start3A_272 = arith.constant 0 : i32
        %dma_start3A_273 = tpu.memref_slice %arg2[%dma_start3A_271, %dma_start3A_272] : memref<20480x128xf32, #tpu.memory_space<hbm>> -> memref<20480x128xf32, #tpu.memory_space<hbm>>
        tpu.enqueue_indirect_dma source(%dma_start3A_273 : memref<20480x128xf32, #tpu.memory_space<hbm>>) target(%dma_start3A_267 : memref<128x128xf32, #tpu.memory_space<vmem>>) offsets(%dma_start3A_270 : memref<128xi32, #tpu.memory_space<vmem>>) semaphore(%arg11 : memref<!tpu.dma_semaphore, #tpu.memory_space<semaphore_mem>>)
      } else {
      }
      %dma_wait3A_194 = arith.constant 0 : i32
      %dma_wait3A_195 = arith.constant 0 : i32
      %dma_wait3A_196 = arith.constant 0 : i32
      %dma_wait3A_197 = tpu.memref_slice %arg8[%dma_wait3A_194, %dma_wait3A_195, %dma_wait3A_196] : memref<2x128x128xf32, #tpu.memory_space<vmem>> -> memref<1x128x128xf32, #tpu.memory_space<vmem>>
      %dma_wait3A_198 = tpu.memref_squeeze %dma_wait3A_197 : memref<1x128x128xf32, #tpu.memory_space<vmem>> -> memref<128x128xf32, #tpu.memory_space<vmem>>
      %dma_wait3A_199 = arith.constant 0 : i32
      %dma_wait3A_200 = tpu.memref_slice %arg6[%add3A_182, %dma_wait3A_199] : memref<40x128xi32, #tpu.memory_space<vmem>> -> memref<1x128xi32, #tpu.memory_space<vmem>>
      %dma_wait3A_201 = tpu.memref_squeeze %dma_wait3A_200 : memref<1x128xi32, #tpu.memory_space<vmem>> -> memref<128xi32, #tpu.memory_space<vmem>>
      %dma_wait3A_202 = arith.constant 0 : i32
      %dma_wait3A_203 = arith.constant 0 : i32
      %dma_wait3A_204 = tpu.memref_slice %arg2[%dma_wait3A_202, %dma_wait3A_203] : memref<20480x128xf32, #tpu.memory_space<hbm>> -> memref<20480x128xf32, #tpu.memory_space<hbm>>
      tpu.wait_indirect_dma semaphore(%arg10 : memref<!tpu.dma_semaphore, #tpu.memory_space<semaphore_mem>>) src(%dma_wait3A_204 : memref<20480x128xf32, #tpu.memory_space<hbm>>) dst(%dma_wait3A_198 : memref<128x128xf32, #tpu.memory_space<vmem>>)
      %dma_start3A_205 = arith.constant 0 : i32
      %dma_start3A_206 = arith.constant 0 : i32
      %dma_start3A_207 = arith.constant 0 : i32
      %dma_start3A_208 = tpu.memref_slice %arg8[%dma_start3A_205, %dma_start3A_206, %dma_start3A_207] : memref<2x128x128xf32, #tpu.memory_space<vmem>> -> memref<1x128x128xf32, #tpu.memory_space<vmem>>
      %dma_start3A_209 = tpu.memref_squeeze %dma_start3A_208 : memref<1x128x128xf32, #tpu.memory_space<vmem>> -> memref<128x128xf32, #tpu.memory_space<vmem>>
      %dma_start3A_210 = arith.constant 0 : i32
      %dma_start3A_211 = tpu.memref_slice %arg7[%add3A_182, %dma_start3A_210] : memref<40x128xi32, #tpu.memory_space<vmem>> -> memref<1x128xi32, #tpu.memory_space<vmem>>
      %dma_start3A_212 = tpu.memref_squeeze %dma_start3A_211 : memref<1x128xi32, #tpu.memory_space<vmem>> -> memref<128xi32, #tpu.memory_space<vmem>>
      %dma_start3A_213 = arith.constant 0 : i32
      %dma_start3A_214 = arith.constant 0 : i32
      %dma_start3A_215 = tpu.memref_slice %arg9[%dma_start3A_213, %dma_start3A_214] : memref<10240x128xf32, #tpu.memory_space<vmem_shared>> -> memref<10240x128xf32, #tpu.memory_space<vmem_shared>>
      tpu.enqueue_indirect_dma source(%dma_start3A_209 : memref<128x128xf32, #tpu.memory_space<vmem>>) target(%dma_start3A_215 : memref<10240x128xf32, #tpu.memory_space<vmem_shared>>) offsets(%dma_start3A_212 : memref<128xi32, #tpu.memory_space<vmem>>) semaphore(%arg12 : memref<!tpu.dma_semaphore, #tpu.memory_space<semaphore_mem>>) {add = true}
      %mul3A_216 = arith.constant 2 : i32
      %mul3A_217 = arith.muli %scan3A_179, %mul3A_216 : i32
      %add3A_218 = arith.constant 1 : i32
      %add3A_219 = arith.addi %mul3A_217, %add3A_218 : i32
      %ge3A_220 = arith.constant 1 : i32
      %ge3A_221 = arith.cmpi sge, %add3A_219, %ge3A_220 : i32
      %convert_element_type3A_222 = arith.extui %ge3A_221 : i1 to i32
      %cond3A_223 = arith.constant 0 : i32
      %cond3A_224 = arith.cmpi ne, %convert_element_type3A_222, %cond3A_223 : i32
      scf.if %cond3A_224 {
        %sub3A_259 = arith.constant 1 : i32
        %sub3A_260 = arith.subi %add3A_219, %sub3A_259 : i32
        %dma_wait3A_261 = arith.constant 0 : i32
        %dma_wait3A_262 = arith.constant 0 : i32
        %dma_wait3A_263 = arith.constant 0 : i32
        %dma_wait3A_264 = tpu.memref_slice %arg8[%dma_wait3A_261, %dma_wait3A_262, %dma_wait3A_263] : memref<2x128x128xf32, #tpu.memory_space<vmem>> -> memref<1x128x128xf32, #tpu.memory_space<vmem>>
        %dma_wait3A_265 = tpu.memref_squeeze %dma_wait3A_264 : memref<1x128x128xf32, #tpu.memory_space<vmem>> -> memref<128x128xf32, #tpu.memory_space<vmem>>
        %dma_wait3A_266 = arith.constant 0 : i32
        %dma_wait3A_267 = tpu.memref_slice %arg7[%sub3A_260, %dma_wait3A_266] : memref<40x128xi32, #tpu.memory_space<vmem>> -> memref<1x128xi32, #tpu.memory_space<vmem>>
        %dma_wait3A_268 = tpu.memref_squeeze %dma_wait3A_267 : memref<1x128xi32, #tpu.memory_space<vmem>> -> memref<128xi32, #tpu.memory_space<vmem>>
        %dma_wait3A_269 = arith.constant 0 : i32
        %dma_wait3A_270 = arith.constant 0 : i32
        %dma_wait3A_271 = tpu.memref_slice %arg9[%dma_wait3A_269, %dma_wait3A_270] : memref<10240x128xf32, #tpu.memory_space<vmem_shared>> -> memref<10240x128xf32, #tpu.memory_space<vmem_shared>>
        tpu.wait_indirect_dma semaphore(%arg12 : memref<!tpu.dma_semaphore, #tpu.memory_space<semaphore_mem>>) src(%dma_wait3A_265 : memref<128x128xf32, #tpu.memory_space<vmem>>) dst(%dma_wait3A_271 : memref<10240x128xf32, #tpu.memory_space<vmem_shared>>)
      } else {
      }
      %ge3A_225 = arith.constant 1 : i32
      %ge3A_226 = arith.cmpi sge, %add3A_219, %ge3A_225 : i32
      %sub3A_227 = arith.constant 1 : i32
      %sub3A_228 = arith.subi %add3A_219, %sub3A_227 : i32
      %add3A_229 = arith.constant 2 : i32
      %add3A_230 = arith.addi %sub3A_228, %add3A_229 : i32
      %lt3A_231 = arith.constant 40 : i32
      %lt3A_232 = arith.cmpi slt, %add3A_230, %lt3A_231 : i32
      %and3A_233 = arith.andi %ge3A_226, %lt3A_232 : i1
      %convert_element_type3A_234 = arith.extui %and3A_233 : i1 to i32
      %cond3A_235 = arith.constant 0 : i32
      %cond3A_236 = arith.cmpi ne, %convert_element_type3A_234, %cond3A_235 : i32
      scf.if %cond3A_236 {
        %sub3A_259 = arith.constant 1 : i32
        %sub3A_260 = arith.subi %add3A_219, %sub3A_259 : i32
        %add3A_261 = arith.constant 2 : i32
        %add3A_262 = arith.addi %sub3A_260, %add3A_261 : i32
        %dma_start3A_263 = arith.constant 0 : i32
        %dma_start3A_264 = arith.constant 0 : i32
        %dma_start3A_265 = arith.constant 0 : i32
        %dma_start3A_266 = tpu.memref_slice %arg8[%dma_start3A_263, %dma_start3A_264, %dma_start3A_265] : memref<2x128x128xf32, #tpu.memory_space<vmem>> -> memref<1x128x128xf32, #tpu.memory_space<vmem>>
        %dma_start3A_267 = tpu.memref_squeeze %dma_start3A_266 : memref<1x128x128xf32, #tpu.memory_space<vmem>> -> memref<128x128xf32, #tpu.memory_space<vmem>>
        %dma_start3A_268 = arith.constant 0 : i32
        %dma_start3A_269 = tpu.memref_slice %arg6[%add3A_262, %dma_start3A_268] : memref<40x128xi32, #tpu.memory_space<vmem>> -> memref<1x128xi32, #tpu.memory_space<vmem>>
        %dma_start3A_270 = tpu.memref_squeeze %dma_start3A_269 : memref<1x128xi32, #tpu.memory_space<vmem>> -> memref<128xi32, #tpu.memory_space<vmem>>
        %dma_start3A_271 = arith.constant 0 : i32
        %dma_start3A_272 = arith.constant 0 : i32
        %dma_start3A_273 = tpu.memref_slice %arg2[%dma_start3A_271, %dma_start3A_272] : memref<20480x128xf32, #tpu.memory_space<hbm>> -> memref<20480x128xf32, #tpu.memory_space<hbm>>
        tpu.enqueue_indirect_dma source(%dma_start3A_273 : memref<20480x128xf32, #tpu.memory_space<hbm>>) target(%dma_start3A_267 : memref<128x128xf32, #tpu.memory_space<vmem>>) offsets(%dma_start3A_270 : memref<128xi32, #tpu.memory_space<vmem>>) semaphore(%arg10 : memref<!tpu.dma_semaphore, #tpu.memory_space<semaphore_mem>>)
      } else {
      }
      %dma_wait3A_237 = arith.constant 1 : i32
      %dma_wait3A_238 = arith.constant 0 : i32
      %dma_wait3A_239 = arith.constant 0 : i32
      %dma_wait3A_240 = tpu.memref_slice %arg8[%dma_wait3A_237, %dma_wait3A_238, %dma_wait3A_239] : memref<2x128x128xf32, #tpu.memory_space<vmem>> -> memref<1x128x128xf32, #tpu.memory_space<vmem>>
      %dma_wait3A_241 = tpu.memref_squeeze %dma_wait3A_240 : memref<1x128x128xf32, #tpu.memory_space<vmem>> -> memref<128x128xf32, #tpu.memory_space<vmem>>
      %dma_wait3A_242 = arith.constant 0 : i32
      %dma_wait3A_243 = tpu.memref_slice %arg6[%add3A_219, %dma_wait3A_242] : memref<40x128xi32, #tpu.memory_space<vmem>> -> memref<1x128xi32, #tpu.memory_space<vmem>>
      %dma_wait3A_244 = tpu.memref_squeeze %dma_wait3A_243 : memref<1x128xi32, #tpu.memory_space<vmem>> -> memref<128xi32, #tpu.memory_space<vmem>>
      %dma_wait3A_245 = arith.constant 0 : i32
      %dma_wait3A_246 = arith.constant 0 : i32
      %dma_wait3A_247 = tpu.memref_slice %arg2[%dma_wait3A_245, %dma_wait3A_246] : memref<20480x128xf32, #tpu.memory_space<hbm>> -> memref<20480x128xf32, #tpu.memory_space<hbm>>
      tpu.wait_indirect_dma semaphore(%arg11 : memref<!tpu.dma_semaphore, #tpu.memory_space<semaphore_mem>>) src(%dma_wait3A_247 : memref<20480x128xf32, #tpu.memory_space<hbm>>) dst(%dma_wait3A_241 : memref<128x128xf32, #tpu.memory_space<vmem>>)
      %dma_start3A_248 = arith.constant 1 : i32
      %dma_start3A_249 = arith.constant 0 : i32
      %dma_start3A_250 = arith.constant 0 : i32
      %dma_start3A_251 = tpu.memref_slice %arg8[%dma_start3A_248, %dma_start3A_249, %dma_start3A_250] : memref<2x128x128xf32, #tpu.memory_space<vmem>> -> memref<1x128x128xf32, #tpu.memory_space<vmem>>
      %dma_start3A_252 = tpu.memref_squeeze %dma_start3A_251 : memref<1x128x128xf32, #tpu.memory_space<vmem>> -> memref<128x128xf32, #tpu.memory_space<vmem>>
      %dma_start3A_253 = arith.constant 0 : i32
      %dma_start3A_254 = tpu.memref_slice %arg7[%add3A_219, %dma_start3A_253] : memref<40x128xi32, #tpu.memory_space<vmem>> -> memref<1x128xi32, #tpu.memory_space<vmem>>
      %dma_start3A_255 = tpu.memref_squeeze %dma_start3A_254 : memref<1x128xi32, #tpu.memory_space<vmem>> -> memref<128xi32, #tpu.memory_space<vmem>>
      %dma_start3A_256 = arith.constant 0 : i32
      %dma_start3A_257 = arith.constant 0 : i32
      %dma_start3A_258 = tpu.memref_slice %arg9[%dma_start3A_256, %dma_start3A_257] : memref<10240x128xf32, #tpu.memory_space<vmem_shared>> -> memref<10240x128xf32, #tpu.memory_space<vmem_shared>>
      tpu.enqueue_indirect_dma source(%dma_start3A_252 : memref<128x128xf32, #tpu.memory_space<vmem>>) target(%dma_start3A_258 : memref<10240x128xf32, #tpu.memory_space<vmem_shared>>) offsets(%dma_start3A_255 : memref<128xi32, #tpu.memory_space<vmem>>) semaphore(%arg13 : memref<!tpu.dma_semaphore, #tpu.memory_space<semaphore_mem>>) {add = true}
    }
    %scan3A_165 = arith.constant 20 : i32
    %dma_wait3A_166 = arith.constant 1 : i32
    %dma_wait3A_167 = arith.constant 39 : i32
    %dma_wait3A_168 = arith.constant 0 : i32
    %dma_wait3A_169 = arith.constant 0 : i32
    %dma_wait3A_170 = tpu.memref_slice %arg8[%dma_wait3A_166, %dma_wait3A_168, %dma_wait3A_169] : memref<2x128x128xf32, #tpu.memory_space<vmem>> -> memref<1x128x128xf32, #tpu.memory_space<vmem>>
    %dma_wait3A_171 = tpu.memref_squeeze %dma_wait3A_170 : memref<1x128x128xf32, #tpu.memory_space<vmem>> -> memref<128x128xf32, #tpu.memory_space<vmem>>
    %dma_wait3A_172 = arith.constant 0 : i32
    %dma_wait3A_173 = tpu.memref_slice %arg7[%dma_wait3A_167, %dma_wait3A_172] : memref<40x128xi32, #tpu.memory_space<vmem>> -> memref<1x128xi32, #tpu.memory_space<vmem>>
    %dma_wait3A_174 = tpu.memref_squeeze %dma_wait3A_173 : memref<1x128xi32, #tpu.memory_space<vmem>> -> memref<128xi32, #tpu.memory_space<vmem>>
    %dma_wait3A_175 = arith.constant 0 : i32
    %dma_wait3A_176 = arith.constant 0 : i32
    %dma_wait3A_177 = tpu.memref_slice %arg9[%dma_wait3A_175, %dma_wait3A_176] : memref<10240x128xf32, #tpu.memory_space<vmem_shared>> -> memref<10240x128xf32, #tpu.memory_space<vmem_shared>>
    tpu.wait_indirect_dma semaphore(%arg13 : memref<!tpu.dma_semaphore, #tpu.memory_space<semaphore_mem>>) src(%dma_wait3A_171 : memref<128x128xf32, #tpu.memory_space<vmem>>) dst(%dma_wait3A_177 : memref<10240x128xf32, #tpu.memory_space<vmem_shared>>)
    %barrier3A_178 = arith.constant 0 : index
    tpu.barrier barrier_id(%barrier3A_178)
    "tpu.region"() ({
      %run_scoped3A = tpu.sem_alloc : memref<!tpu.dma_semaphore, #tpu.memory_space<semaphore_mem>>
      %dma_start3A_179 = arith.constant 0 : i32
      %dma_start3A_180 = tpu.memref_slice %arg5[%arg0, %mul3A_5, %dma_start3A_179] : memref<2x10240x128xf32, #tpu.memory_space<hbm>> -> memref<1x640x128xf32, #tpu.memory_space<hbm>>
      %dma_start3A_181 = tpu.memref_squeeze %dma_start3A_180 : memref<1x640x128xf32, #tpu.memory_space<hbm>> -> memref<640x128xf32, #tpu.memory_space<hbm>>
      %dma_start3A_182 = arith.constant 0 : i32
      %dma_start3A_183 = tpu.memref_slice %arg9[%mul3A_5, %dma_start3A_182] : memref<10240x128xf32, #tpu.memory_space<vmem_shared>> -> memref<640x128xf32, #tpu.memory_space<vmem_shared>>
      tpu.enqueue_dma source(%dma_start3A_183 : memref<640x128xf32, #tpu.memory_space<vmem_shared>>) target(%dma_start3A_181 : memref<640x128xf32, #tpu.memory_space<hbm>>) target_semaphore(%run_scoped3A : memref<!tpu.dma_semaphore, #tpu.memory_space<semaphore_mem>>)
      %dma_wait3A_184 = arith.constant 0 : i32
      %dma_wait3A_185 = tpu.memref_slice %arg5[%arg0, %mul3A_5, %dma_wait3A_184] : memref<2x10240x128xf32, #tpu.memory_space<hbm>> -> memref<1x640x128xf32, #tpu.memory_space<hbm>>
      %dma_wait3A_186 = tpu.memref_squeeze %dma_wait3A_185 : memref<1x640x128xf32, #tpu.memory_space<hbm>> -> memref<640x128xf32, #tpu.memory_space<hbm>>
      %dma_wait3A_187 = arith.constant 0 : i32
      %dma_wait3A_188 = tpu.memref_slice %arg9[%mul3A_5, %dma_wait3A_187] : memref<10240x128xf32, #tpu.memory_space<vmem_shared>> -> memref<640x128xf32, #tpu.memory_space<vmem_shared>>
      tpu.wait_dma2 semaphore(%run_scoped3A : memref<!tpu.dma_semaphore, #tpu.memory_space<semaphore_mem>>) src(%dma_wait3A_188 : memref<640x128xf32, #tpu.memory_space<vmem_shared>>) dst(%dma_wait3A_186 : memref<640x128xf32, #tpu.memory_space<hbm>>)
      tpu.yield
    }) : () -> ()
    return
  }
}

module attributes {stable_mosaic.version = 14 : i64} {
  func.func @body(%arg0: i32, %arg1: memref<512x128xf32, #tpu.memory_space<vmem>>, %arg2: memref<2x512x128xf32, #tpu.memory_space<vmem>>, %arg3: memref<128x256xf32, #tpu.memory_space<vmem>>, %arg4: memref<1x256xf32, #tpu.memory_space<vmem>>, %arg5: memref<256x256xf32, #tpu.memory_space<vmem>>, %arg6: memref<1x256xf32, #tpu.memory_space<vmem>>, %arg7: memref<2x512x128xf32, #tpu.memory_space<vmem>>) attributes {dimension_semantics = [#tpu.dimension_semantics<arbitrary>], iteration_bounds = array<i64: 20>, scalar_prefetch = 0 : i64, scratch_operands = 0 : i64, tpu.core_type = #tpu.core_type<tc>, window_params = [{transform_indices = @transform_0, window_bounds = array<i64: 512, 128>}, {transform_indices = @transform_1, window_bounds = array<i64: 2, 512, 128>}, {pipeline_mode = #tpu.pipeline_mode<synchronous>, transform_indices = @transform_2, window_bounds = array<i64: 128, 256>}, {pipeline_mode = #tpu.pipeline_mode<synchronous>, transform_indices = @transform_3, window_bounds = array<i64: 1, 256>}, {pipeline_mode = #tpu.pipeline_mode<synchronous>, transform_indices = @transform_4, window_bounds = array<i64: 256, 256>}, {pipeline_mode = #tpu.pipeline_mode<synchronous>, transform_indices = @transform_5, window_bounds = array<i64: 1, 256>}, {transform_indices = @transform_6, window_bounds = array<i64: 2, 512, 128>}]} {
    %get3A = arith.constant 0 : index
    %get3A_0 = arith.constant 0 : index
    %get3A_1 = vector.load %arg1[%get3A, %get3A_0] : memref<512x128xf32, #tpu.memory_space<vmem>>, vector<512x128xf32>
    %get3A_2 = arith.constant 0 : index
    %get3A_3 = arith.constant 0 : index
    %get3A_4 = arith.constant 0 : index
    %get3A_5 = vector.load %arg2[%get3A_2, %get3A_3, %get3A_4] : memref<2x512x128xf32, #tpu.memory_space<vmem>>, vector<1x512x128xf32>
    %get3A_6 = vector.shape_cast %get3A_5 : vector<1x512x128xf32> to vector<512x128xf32>
    %add3A = arith.addf %get3A_1, %get3A_6 : vector<512x128xf32>
    %get3A_7 = arith.constant 1 : index
    %get3A_8 = arith.constant 0 : index
    %get3A_9 = arith.constant 0 : index
    %get3A_10 = vector.load %arg2[%get3A_7, %get3A_8, %get3A_9] : memref<2x512x128xf32, #tpu.memory_space<vmem>>, vector<1x512x128xf32>
    %get3A_11 = vector.shape_cast %get3A_10 : vector<1x512x128xf32> to vector<512x128xf32>
    %add3A_12 = arith.addf %add3A, %get3A_11 : vector<512x128xf32>
    %get3A_13 = arith.constant 0 : index
    %get3A_14 = arith.constant 0 : index
    %get3A_15 = vector.load %arg3[%get3A_13, %get3A_14] : memref<128x256xf32, #tpu.memory_space<vmem>>, vector<128x256xf32>
    %dot_general3A = arith.constant dense<0.000000e+00> : vector<512x256xf32>
    %dot_general3A_16 = tpu.matmul %add3A_12, %get3A_15, %dot_general3A {dimension_numbers = #tpu.dot_dimension_numbers<[1], [0], [0], [1], [0, 0, 1, 1], [], []>, transpose_lhs_hint = false} : vector<512x128xf32>, vector<128x256xf32>, vector<512x256xf32> -> vector<512x256xf32>
    %get3A_17 = arith.constant 0 : index
    %get3A_18 = arith.constant 0 : index
    %get3A_19 = vector.load %arg4[%get3A_17, %get3A_18] : memref<1x256xf32, #tpu.memory_space<vmem>>, vector<1x256xf32>
    %add3A_20 = vector.broadcast %get3A_19 : vector<1x256xf32> to vector<512x256xf32>
    %add3A_21 = arith.addf %dot_general3A_16, %add3A_20 : vector<512x256xf32>
    %max3A = arith.constant 0.000000e+00 : f32
    %max3A_22 = vector.broadcast %max3A : f32 to vector<512x256xf32>
    %max3A_23 = arith.maximumf %add3A_21, %max3A_22 : vector<512x256xf32>
    %get3A_24 = arith.constant 0 : index
    %get3A_25 = arith.constant 0 : index
    %get3A_26 = vector.load %arg5[%get3A_24, %get3A_25] : memref<256x256xf32, #tpu.memory_space<vmem>>, vector<256x256xf32>
    %dot_general3A_27 = arith.constant dense<0.000000e+00> : vector<512x256xf32>
    %dot_general3A_28 = tpu.matmul %max3A_23, %get3A_26, %dot_general3A_27 {dimension_numbers = #tpu.dot_dimension_numbers<[1], [0], [0], [1], [0, 0, 1, 1], [], []>, transpose_lhs_hint = false} : vector<512x256xf32>, vector<256x256xf32>, vector<512x256xf32> -> vector<512x256xf32>
    %get3A_29 = arith.constant 0 : index
    %get3A_30 = arith.constant 0 : index
    %get3A_31 = vector.load %arg6[%get3A_29, %get3A_30] : memref<1x256xf32, #tpu.memory_space<vmem>>, vector<1x256xf32>
    %add3A_32 = vector.broadcast %get3A_31 : vector<1x256xf32> to vector<512x256xf32>
    %add3A_33 = arith.addf %dot_general3A_28, %add3A_32 : vector<512x256xf32>
    %max3A_34 = arith.constant 0.000000e+00 : f32
    %max3A_35 = vector.broadcast %max3A_34 : f32 to vector<512x256xf32>
    %max3A_36 = arith.maximumf %add3A_33, %max3A_35 : vector<512x256xf32>
    %slice3A = vector.extract_strided_slice %max3A_36 {offsets = [0, 0], sizes = [512, 128], strides = [1, 1]} : vector<512x256xf32> to vector<512x128xf32>
    %swap3A = arith.constant 0 : index
    %swap3A_37 = arith.constant 0 : index
    %swap3A_38 = arith.constant 0 : index
    %swap3A_39 = vector.load %arg7[%swap3A, %swap3A_37, %swap3A_38] : memref<2x512x128xf32, #tpu.memory_space<vmem>>, vector<1x512x128xf32>
    %swap3A_40 = vector.shape_cast %swap3A_39 : vector<1x512x128xf32> to vector<512x128xf32>
    %swap3A_41 = vector.shape_cast %slice3A : vector<512x128xf32> to vector<1x512x128xf32>
    tpu.vector_store %arg7[%swap3A, %swap3A_37, %swap3A_38], %swap3A_41 {strides = array<i32>} : memref<2x512x128xf32, #tpu.memory_space<vmem>>, vector<1x512x128xf32>,
    %slice3A_42 = vector.extract_strided_slice %max3A_36 {offsets = [0, 128], sizes = [512, 128], strides = [1, 1]} : vector<512x256xf32> to vector<512x128xf32>
    %swap3A_43 = arith.constant 1 : index
    %swap3A_44 = arith.constant 0 : index
    %swap3A_45 = arith.constant 0 : index
    %swap3A_46 = vector.load %arg7[%swap3A_43, %swap3A_44, %swap3A_45] : memref<2x512x128xf32, #tpu.memory_space<vmem>>, vector<1x512x128xf32>
    %swap3A_47 = vector.shape_cast %swap3A_46 : vector<1x512x128xf32> to vector<512x128xf32>
    %swap3A_48 = vector.shape_cast %slice3A_42 : vector<512x128xf32> to vector<1x512x128xf32>
    tpu.vector_store %arg7[%swap3A_43, %swap3A_44, %swap3A_45], %swap3A_48 {strides = array<i32>} : memref<2x512x128xf32, #tpu.memory_space<vmem>>, vector<1x512x128xf32>,
    return
  }
  func.func @transform_0(%arg0: i32) -> (i32, i32) {
    %c0_i32 = arith.constant 0 : i32
    %c0_i32_0 = arith.constant 0 : i32
    return %arg0, %c0_i32 : i32, i32
  }
  func.func @transform_1(%arg0: i32) -> (i32, i32, i32) {
    %c0_i32 = arith.constant 0 : i32
    %c0_i32_0 = arith.constant 0 : i32
    %c0_i32_1 = arith.constant 0 : i32
    return %c0_i32, %arg0, %c0_i32_0 : i32, i32, i32
  }
  func.func @transform_2(%arg0: i32) -> (i32, i32) {
    %c0_i32 = arith.constant 0 : i32
    %c0_i32_0 = arith.constant 0 : i32
    %c0_i32_1 = arith.constant 0 : i32
    return %c0_i32, %c0_i32_0 : i32, i32
  }
  func.func @transform_3(%arg0: i32) -> (i32, i32) {
    %c0_i32 = arith.constant 0 : i32
    %c0_i32_0 = arith.constant 0 : i32
    %c0_i32_1 = arith.constant 0 : i32
    return %c0_i32, %c0_i32_0 : i32, i32
  }
  func.func @transform_4(%arg0: i32) -> (i32, i32) {
    %c0_i32 = arith.constant 0 : i32
    %c0_i32_0 = arith.constant 0 : i32
    %c0_i32_1 = arith.constant 0 : i32
    return %c0_i32, %c0_i32_0 : i32, i32
  }
  func.func @transform_5(%arg0: i32) -> (i32, i32) {
    %c0_i32 = arith.constant 0 : i32
    %c0_i32_0 = arith.constant 0 : i32
    %c0_i32_1 = arith.constant 0 : i32
    return %c0_i32, %c0_i32_0 : i32, i32
  }
  func.func @transform_6(%arg0: i32) -> (i32, i32, i32) {
    %c0_i32 = arith.constant 0 : i32
    %c0_i32_0 = arith.constant 0 : i32
    %c0_i32_1 = arith.constant 0 : i32
    return %c0_i32, %arg0, %c0_i32_0 : i32, i32, i32
  }
}

module attributes {stable_mosaic.version = 14 : i64} {
  func.func @body(%arg0: i32, %arg1: memref<2x512x128xf32, #tpu.memory_space<vmem>>, %arg2: memref<2x512x128xf32, #tpu.memory_space<vmem>>, %arg3: memref<256x256xf32, #tpu.memory_space<vmem>>, %arg4: memref<1x256xf32, #tpu.memory_space<vmem>>, %arg5: memref<256x256xf32, #tpu.memory_space<vmem>>, %arg6: memref<1x256xf32, #tpu.memory_space<vmem>>, %arg7: memref<256x128xf32, #tpu.memory_space<vmem>>, %arg8: memref<512x128xf32, #tpu.memory_space<vmem>>) attributes {dimension_semantics = [#tpu.dimension_semantics<arbitrary>], iteration_bounds = array<i64: 20>, scalar_prefetch = 0 : i64, scratch_operands = 0 : i64, tpu.core_type = #tpu.core_type<tc>, window_params = [{transform_indices = @transform_0, window_bounds = array<i64: 2, 512, 128>}, {transform_indices = @transform_1, window_bounds = array<i64: 2, 512, 128>}, {pipeline_mode = #tpu.pipeline_mode<synchronous>, transform_indices = @transform_2, window_bounds = array<i64: 256, 256>}, {pipeline_mode = #tpu.pipeline_mode<synchronous>, transform_indices = @transform_3, window_bounds = array<i64: 1, 256>}, {pipeline_mode = #tpu.pipeline_mode<synchronous>, transform_indices = @transform_4, window_bounds = array<i64: 256, 256>}, {pipeline_mode = #tpu.pipeline_mode<synchronous>, transform_indices = @transform_5, window_bounds = array<i64: 1, 256>}, {pipeline_mode = #tpu.pipeline_mode<synchronous>, transform_indices = @transform_6, window_bounds = array<i64: 256, 128>}, {transform_indices = @transform_7, window_bounds = array<i64: 512, 128>}]} {
    %get3A = arith.constant 0 : index
    %get3A_0 = arith.constant 0 : index
    %get3A_1 = arith.constant 0 : index
    %get3A_2 = vector.load %arg1[%get3A, %get3A_0, %get3A_1] : memref<2x512x128xf32, #tpu.memory_space<vmem>>, vector<1x512x128xf32>
    %get3A_3 = vector.shape_cast %get3A_2 : vector<1x512x128xf32> to vector<512x128xf32>
    %get3A_4 = arith.constant 0 : index
    %get3A_5 = arith.constant 0 : index
    %get3A_6 = arith.constant 0 : index
    %get3A_7 = vector.load %arg2[%get3A_4, %get3A_5, %get3A_6] : memref<2x512x128xf32, #tpu.memory_space<vmem>>, vector<1x512x128xf32>
    %get3A_8 = vector.shape_cast %get3A_7 : vector<1x512x128xf32> to vector<512x128xf32>
    %add3A = arith.addf %get3A_3, %get3A_8 : vector<512x128xf32>
    %get3A_9 = arith.constant 1 : index
    %get3A_10 = arith.constant 0 : index
    %get3A_11 = arith.constant 0 : index
    %get3A_12 = vector.load %arg1[%get3A_9, %get3A_10, %get3A_11] : memref<2x512x128xf32, #tpu.memory_space<vmem>>, vector<1x512x128xf32>
    %get3A_13 = vector.shape_cast %get3A_12 : vector<1x512x128xf32> to vector<512x128xf32>
    %get3A_14 = arith.constant 1 : index
    %get3A_15 = arith.constant 0 : index
    %get3A_16 = arith.constant 0 : index
    %get3A_17 = vector.load %arg2[%get3A_14, %get3A_15, %get3A_16] : memref<2x512x128xf32, #tpu.memory_space<vmem>>, vector<1x512x128xf32>
    %get3A_18 = vector.shape_cast %get3A_17 : vector<1x512x128xf32> to vector<512x128xf32>
    %add3A_19 = arith.addf %get3A_13, %get3A_18 : vector<512x128xf32>
    %concatenate3A = tpu.concatenate %add3A, %add3A_19 in 1 : vector<512x128xf32>, vector<512x128xf32> -> vector<512x256xf32>
    %get3A_20 = arith.constant 0 : index
    %get3A_21 = arith.constant 0 : index
    %get3A_22 = vector.load %arg3[%get3A_20, %get3A_21] : memref<256x256xf32, #tpu.memory_space<vmem>>, vector<256x256xf32>
    %dot_general3A = arith.constant dense<0.000000e+00> : vector<512x256xf32>
    %dot_general3A_23 = tpu.matmul %concatenate3A, %get3A_22, %dot_general3A {dimension_numbers = #tpu.dot_dimension_numbers<[1], [0], [0], [1], [0, 0, 1, 1], [], []>, transpose_lhs_hint = false} : vector<512x256xf32>, vector<256x256xf32>, vector<512x256xf32> -> vector<512x256xf32>
    %get3A_24 = arith.constant 0 : index
    %get3A_25 = arith.constant 0 : index
    %get3A_26 = vector.load %arg4[%get3A_24, %get3A_25] : memref<1x256xf32, #tpu.memory_space<vmem>>, vector<1x256xf32>
    %add3A_27 = vector.broadcast %get3A_26 : vector<1x256xf32> to vector<512x256xf32>
    %add3A_28 = arith.addf %dot_general3A_23, %add3A_27 : vector<512x256xf32>
    %max3A = arith.constant 0.000000e+00 : f32
    %max3A_29 = vector.broadcast %max3A : f32 to vector<512x256xf32>
    %max3A_30 = arith.maximumf %add3A_28, %max3A_29 : vector<512x256xf32>
    %get3A_31 = arith.constant 0 : index
    %get3A_32 = arith.constant 0 : index
    %get3A_33 = vector.load %arg5[%get3A_31, %get3A_32] : memref<256x256xf32, #tpu.memory_space<vmem>>, vector<256x256xf32>
    %dot_general3A_34 = arith.constant dense<0.000000e+00> : vector<512x256xf32>
    %dot_general3A_35 = tpu.matmul %max3A_30, %get3A_33, %dot_general3A_34 {dimension_numbers = #tpu.dot_dimension_numbers<[1], [0], [0], [1], [0, 0, 1, 1], [], []>, transpose_lhs_hint = false} : vector<512x256xf32>, vector<256x256xf32>, vector<512x256xf32> -> vector<512x256xf32>
    %get3A_36 = arith.constant 0 : index
    %get3A_37 = arith.constant 0 : index
    %get3A_38 = vector.load %arg6[%get3A_36, %get3A_37] : memref<1x256xf32, #tpu.memory_space<vmem>>, vector<1x256xf32>
    %add3A_39 = vector.broadcast %get3A_38 : vector<1x256xf32> to vector<512x256xf32>
    %add3A_40 = arith.addf %dot_general3A_35, %add3A_39 : vector<512x256xf32>
    %max3A_41 = arith.constant 0.000000e+00 : f32
    %max3A_42 = vector.broadcast %max3A_41 : f32 to vector<512x256xf32>
    %max3A_43 = arith.maximumf %add3A_40, %max3A_42 : vector<512x256xf32>
    %get3A_44 = arith.constant 0 : index
    %get3A_45 = arith.constant 0 : index
    %get3A_46 = vector.load %arg7[%get3A_44, %get3A_45] : memref<256x128xf32, #tpu.memory_space<vmem>>, vector<256x128xf32>
    %dot_general3A_47 = arith.constant dense<0.000000e+00> : vector<512x128xf32>
    %dot_general3A_48 = tpu.matmul %max3A_43, %get3A_46, %dot_general3A_47 {dimension_numbers = #tpu.dot_dimension_numbers<[1], [0], [0], [1], [0, 0, 1, 1], [], []>, transpose_lhs_hint = false} : vector<512x256xf32>, vector<256x128xf32>, vector<512x128xf32> -> vector<512x128xf32>
    %swap3A = arith.constant 0 : index
    %swap3A_49 = arith.constant 0 : index
    %swap3A_50 = vector.load %arg8[%swap3A, %swap3A_49] : memref<512x128xf32, #tpu.memory_space<vmem>>, vector<512x128xf32>
    tpu.vector_store %arg8[%swap3A, %swap3A_49], %dot_general3A_48 {strides = array<i32>} : memref<512x128xf32, #tpu.memory_space<vmem>>, vector<512x128xf32>,
    return
  }
  func.func @transform_0(%arg0: i32) -> (i32, i32, i32) {
    %c0_i32 = arith.constant 0 : i32
    %c0_i32_0 = arith.constant 0 : i32
    %c0_i32_1 = arith.constant 0 : i32
    return %c0_i32, %arg0, %c0_i32_0 : i32, i32, i32
  }
  func.func @transform_1(%arg0: i32) -> (i32, i32, i32) {
    %c0_i32 = arith.constant 0 : i32
    %c0_i32_0 = arith.constant 0 : i32
    %c0_i32_1 = arith.constant 0 : i32
    return %c0_i32, %arg0, %c0_i32_0 : i32, i32, i32
  }
  func.func @transform_2(%arg0: i32) -> (i32, i32) {
    %c0_i32 = arith.constant 0 : i32
    %c0_i32_0 = arith.constant 0 : i32
    %c0_i32_1 = arith.constant 0 : i32
    return %c0_i32, %c0_i32_0 : i32, i32
  }
  func.func @transform_3(%arg0: i32) -> (i32, i32) {
    %c0_i32 = arith.constant 0 : i32
    %c0_i32_0 = arith.constant 0 : i32
    %c0_i32_1 = arith.constant 0 : i32
    return %c0_i32, %c0_i32_0 : i32, i32
  }
  func.func @transform_4(%arg0: i32) -> (i32, i32) {
    %c0_i32 = arith.constant 0 : i32
    %c0_i32_0 = arith.constant 0 : i32
    %c0_i32_1 = arith.constant 0 : i32
    return %c0_i32, %c0_i32_0 : i32, i32
  }
  func.func @transform_5(%arg0: i32) -> (i32, i32) {
    %c0_i32 = arith.constant 0 : i32
    %c0_i32_0 = arith.constant 0 : i32
    %c0_i32_1 = arith.constant 0 : i32
    return %c0_i32, %c0_i32_0 : i32, i32
  }
  func.func @transform_6(%arg0: i32) -> (i32, i32) {
    %c0_i32 = arith.constant 0 : i32
    %c0_i32_0 = arith.constant 0 : i32
    %c0_i32_1 = arith.constant 0 : i32
    return %c0_i32, %c0_i32_0 : i32, i32
  }
  func.func @transform_7(%arg0: i32) -> (i32, i32) {
    %c0_i32 = arith.constant 0 : i32
    %c0_i32_0 = arith.constant 0 : i32
    return %arg0, %c0_i32 : i32, i32
  }
}

module attributes {stable_mosaic.version = 14 : i64} {
  func.func @body(%arg0: i32, %arg1: memref<512x128xf32, #tpu.memory_space<vmem>>, %arg2: memref<2x512x128xf32, #tpu.memory_space<vmem>>, %arg3: memref<1x128xf32, #tpu.memory_space<vmem>>, %arg4: memref<512x128xf32, #tpu.memory_space<vmem>>) attributes {dimension_semantics = [#tpu.dimension_semantics<arbitrary>], iteration_bounds = array<i64: 20>, scalar_prefetch = 0 : i64, scratch_operands = 0 : i64, tpu.core_type = #tpu.core_type<tc>, window_params = [{transform_indices = @transform_0, window_bounds = array<i64: 512, 128>}, {transform_indices = @transform_1, window_bounds = array<i64: 2, 512, 128>}, {pipeline_mode = #tpu.pipeline_mode<synchronous>, transform_indices = @transform_2, window_bounds = array<i64: 1, 128>}, {transform_indices = @transform_3, window_bounds = array<i64: 512, 128>}]} {
    %get3A = arith.constant 0 : index
    %get3A_0 = arith.constant 0 : index
    %get3A_1 = vector.load %arg1[%get3A, %get3A_0] : memref<512x128xf32, #tpu.memory_space<vmem>>, vector<512x128xf32>
    %get3A_2 = arith.constant 0 : index
    %get3A_3 = arith.constant 0 : index
    %get3A_4 = arith.constant 0 : index
    %get3A_5 = vector.load %arg2[%get3A_2, %get3A_3, %get3A_4] : memref<2x512x128xf32, #tpu.memory_space<vmem>>, vector<1x512x128xf32>
    %get3A_6 = vector.shape_cast %get3A_5 : vector<1x512x128xf32> to vector<512x128xf32>
    %add3A = arith.addf %get3A_1, %get3A_6 : vector<512x128xf32>
    %get3A_7 = arith.constant 1 : index
    %get3A_8 = arith.constant 0 : index
    %get3A_9 = arith.constant 0 : index
    %get3A_10 = vector.load %arg2[%get3A_7, %get3A_8, %get3A_9] : memref<2x512x128xf32, #tpu.memory_space<vmem>>, vector<1x512x128xf32>
    %get3A_11 = vector.shape_cast %get3A_10 : vector<1x512x128xf32> to vector<512x128xf32>
    %add3A_12 = arith.addf %add3A, %get3A_11 : vector<512x128xf32>
    %get3A_13 = arith.constant 0 : index
    %get3A_14 = arith.constant 0 : index
    %get3A_15 = vector.load %arg3[%get3A_13, %get3A_14] : memref<1x128xf32, #tpu.memory_space<vmem>>, vector<1x128xf32>
    %add3A_16 = vector.broadcast %get3A_15 : vector<1x128xf32> to vector<512x128xf32>
    %add3A_17 = arith.addf %add3A_12, %add3A_16 : vector<512x128xf32>
    %swap3A = arith.constant 0 : index
    %swap3A_18 = arith.constant 0 : index
    %swap3A_19 = vector.load %arg4[%swap3A, %swap3A_18] : memref<512x128xf32, #tpu.memory_space<vmem>>, vector<512x128xf32>
    tpu.vector_store %arg4[%swap3A, %swap3A_18], %add3A_17 {strides = array<i32>} : memref<512x128xf32, #tpu.memory_space<vmem>>, vector<512x128xf32>,
    return
  }
  func.func @transform_0(%arg0: i32) -> (i32, i32) {
    %c0_i32 = arith.constant 0 : i32
    %c0_i32_0 = arith.constant 0 : i32
    return %arg0, %c0_i32 : i32, i32
  }
  func.func @transform_1(%arg0: i32) -> (i32, i32, i32) {
    %c0_i32 = arith.constant 0 : i32
    %c0_i32_0 = arith.constant 0 : i32
    %c0_i32_1 = arith.constant 0 : i32
    return %c0_i32, %arg0, %c0_i32_0 : i32, i32, i32
  }
  func.func @transform_2(%arg0: i32) -> (i32, i32) {
    %c0_i32 = arith.constant 0 : i32
    %c0_i32_0 = arith.constant 0 : i32
    %c0_i32_1 = arith.constant 0 : i32
    return %c0_i32, %c0_i32_0 : i32, i32
  }
  func.func @transform_3(%arg0: i32) -> (i32, i32) {
    %c0_i32 = arith.constant 0 : i32
    %c0_i32_0 = arith.constant 0 : i32
    return %arg0, %c0_i32 : i32, i32
  }
}

</mosaic_0001>

<sc_bundles>
// kernel: kernel.11.cloned.1.call-start
scs
__scs_entry_jumppad:
0x0: {  	(pc) =	sbr.rel $0x88, $3  }
0x1: {  	(tag) =	ssettag $0x0;
	lr =	simm.s32 $0x1  }
0x2: {  	[smem:$0x3F95] =	sst lr;
	_ =	strace $0xD0000000  }
0x3: {  	_ = 	snop  }
0x4: {  	_ = 	snop  }
0x5: {  	_ = 	snop  }
0x6: {  	_ = 	snop  }
0x7: {  	_ = 	snop  }
__scs_overlays_trampoline_lowered:
0x8: {  	[smem:$0x3FA4] =	sst s0  }
0x9: {  	[smem:$0x3FA5] =	sst s1  }
0xa: {  	[smem:$0x3FA6] =	sst s2  }
0xb: {  	[smem:$0x3FA7] =	sst s3  }
0xc: {  	[smem:$0x3FA8] =	sst s4  }
0xd: {  	[smem:$0x3FA9] =	sst s5  }
0xe: {  	[smem:$0x3FAA] =	sst s6  }
0xf: {  	[smem:$0x3FAB] =	sst s7  }
0x10: {  	[smem:$0x3FAC] =	sst s8  }
0x11: {  	[smem:$0x3FAD] =	sst s9;
	s0 =	simm.s32 @!p0 $0x0  }
0x12: {  	s1 =	sld [smem:$0x3F93];
	s0 =	simm.s32 @p0 $0x1  }
0x13: {  	[smem:$0x3FAE] =	sst s0;
	s0 =	simm.s32 @!p1 $0x0  }
0x14: {  	s2 =	sld [smem:$0x3F92];
	s0 =	simm.s32 @p1 $0x1  }
0x15: {  	[smem:$0x3FAF] =	sst s0;
	s0 =	simm.s32 @!p2 $0x0  }
0x16: {  	s3 =	sld [smem:$0x3FDB];
	s0 =	simm.s32 @p2 $0x1  }
0x17: {  	s4 =	simm.s32 $0x1BF5;
	[smem:$0x3FB1] =	sst s0  }
0x18: {  	s0 =	sld [smem:$0x3F94];
	_ =	swait.ge [sflag:s4], $0x0  }
0x19: {  	s7 =	sld [smem:$0x3F95]  }
0x1a: {  	s8 =	sadd.s32 $0xFFFFE003, lr  }
0x1b: {  	s9 =	sadd.s32 $0xFFFFFEF7, lr;
	s5 =	simm.s32 $0xFFFFFFFF;
	p2 =	slt.u32 s8, $0xFFFFF086  }
0x1c: {  	p1 =	slt.u32 s9, $0xF7A;
	s5 =	simm.s32 @!p2 $0x0  }
0x1d: {  	s5 =	simm.s32 @p1 $0x1;
	p0 =	seq.s32 s7, s2  }
0x1e: {  	s7 =	smul.u32 @!p0 $0xF7A, s2;
	p2 =	seq.s32 @!p0 s5, $0x0  }
0x1f: {  	s9 =	smul.u32 $0xF7A, s1;
	s8 =	simm.s32 @!p0 $0x1BF5;
	p2 =	por !p2, p0  }
0x20: {  	[sflag:s8] =	ssyncset.s32 @!p0 $0xFFFFF086;
	s6 =	sadd.s32 @!p0 s3, s7;
	s7 =	simm.s32 @!p0 $0x108  }
0x21: {  	s3 =	sadd.s32 s3, s9;
	s6 =	sadd.s32 @!p0 $0x88, s6;
	s7 =	simm.s32 @p2 $0x1082  }
0x22: {  	[simem:s7], [sflag:s8] =	dma.local @!p0 [hbm:s6], $0xF7A  }
0x23: {  	s9 =	sor.u32 $0xD0000000, s2;
	s6 =	simm.s32 $0x108;
	_ =	swait.ge @!p0 [sflag:s8], $0x0  }
0x24: {  	s3 =	sadd.s32 $0x88, s3;
	s6 =	simm.s32 @!p1 $0x1082;
	[sflag:s4] =	ssyncset.s32 $0xFFFFF086  }
0x25: {  	[simem:s6], [sflag:s4] =	dma.local [hbm:s3], $0xF7A  }
0x26: {  	[smem:$0x3F95] =	sst s1;
	(tag) =	ssettag s2;
	_ =	strace s9  }
0x27: {  	s1 =	sld [smem:$0x3FA5]  }
0x28: {  	s2 =	sld [smem:$0x3FA6]  }
0x29: {  	s4 =	sld [smem:$0x3FA8]  }
0x2a: {  	p0 =	seq.s32 s5, $0x0;
	s5 =	sld [smem:$0x3FA9]  }
0x2b: {  	s6 =	sld [smem:$0x3FAA]  }
0x2c: {  	s7 =	sld [smem:$0x3FAB]  }
0x2d: {  	s3 =	simm.s32 $0x108;
	s8 =	sld [smem:$0x3FAC]  }
0x2e: {  	s3 =	simm.s32 @!p0 $0x1082;
	s9 =	sld [smem:$0x3FAD]  }
0x2f: {  	lr =	sadd.s32 s0, s3;
	s0 =	sld [smem:$0x3FA4]  }
0x30: {  	s3 =	sld [smem:$0x3FA7]  }
0x31: {  	[smem:$0x3FB0] =	sst s10  }
0x32: {  	s10 =	sld [smem:$0x3FAE];
	_ =	sdelay $0x3  }
0x33: {  	p0 =	seq.s32 s10, $0x1;
	s10 =	sld [smem:$0x3FB0];
	_ =	sdelay $0x3  }
0x34: {  	[smem:$0x3FB0] =	sst s10  }
0x35: {  	s10 =	sld [smem:$0x3FAF];
	_ =	sdelay $0x3  }
0x36: {  	p1 =	seq.s32 s10, $0x1;
	s10 =	sld [smem:$0x3FB0];
	_ =	sdelay $0x3  }
0x37: {  	[smem:$0x3FB0] =	sst s10  }
0x38: {  	s10 =	sld [smem:$0x3FB1]  }
0x39: {  	_ = 	snop;
	(pc) =	sbr.ind lr, $3  }
0x3a: {  	_ = 	snop  }
0x3b: {  	_ = 	snop  }
0x3c: {  	p2 =	seq.s32 s10, $0x1;
	s10 =	sld [smem:$0x3FB0]  }
0x3d: {  	_ =	shalt  }
0x3e: {  	_ =	shalt  }
0x3f: {  	_ =	shalt  }
0x40: {  	_ =	shalt  }
0x41: {  	_ =	shalt  }
0x42: {  	_ =	shalt  }
0x43: {  	_ =	shalt  }
0x44: {  	_ =	shalt  }
0x45: {  	_ =	shalt  }
0x46: {  	_ =	shalt  }
0x47: {  	_ =	shalt  }
0x48: {  	_ =	shalt  }
0x49: {  	_ =	shalt  }
0x4a: {  	_ =	shalt  }
0x4b: {  	_ =	shalt  }
0x4c: {  	_ =	shalt  }
0x4d: {  	_ =	shalt  }
0x4e: {  	_ =	shalt  }
0x4f: {  	_ =	shalt  }
0x50: {  	_ =	shalt  }
0x51: {  	_ =	shalt  }
0x52: {  	_ =	shalt  }
0x53: {  	_ =	shalt  }
0x54: {  	_ =	shalt  }
0x55: {  	_ =	shalt  }
0x56: {  	_ =	shalt  }
0x57: {  	_ =	shalt  }
0x58: {  	_ =	shalt  }
0x59: {  	_ =	shalt  }
0x5a: {  	_ =	shalt  }
0x5b: {  	_ =	shalt  }
0x5c: {  	_ =	shalt  }
0x5d: {  	_ =	shalt  }
0x5e: {  	_ =	shalt  }
0x5f: {  	_ =	shalt  }
0x60: {  	_ =	shalt  }
0x61: {  	_ =	shalt  }
0x62: {  	_ =	shalt  }
0x63: {  	_ =	shalt  }
0x64: {  	_ =	shalt  }
0x65: {  	_ =	shalt  }
0x66: {  	_ =	shalt  }
0x67: {  	_ =	shalt  }
0x68: {  	_ =	shalt  }
0x69: {  	_ =	shalt  }
0x6a: {  	_ =	shalt  }
0x6b: {  	_ =	shalt  }
0x6c: {  	_ =	shalt  }
0x6d: {  	_ =	shalt  }
0x6e: {  	_ =	shalt  }
0x6f: {  	_ =	shalt  }
0x70: {  	_ =	shalt  }
0x71: {  	_ =	shalt  }
0x72: {  	_ =	shalt  }
0x73: {  	_ =	shalt  }
0x74: {  	_ =	shalt  }
0x75: {  	_ =	shalt  }
0x76: {  	_ =	shalt  }
0x77: {  	_ =	shalt  }
0x78: {  	_ =	shalt  }
0x79: {  	_ =	shalt  }
0x7a: {  	_ =	shalt  }
0x7b: {  	_ =	shalt  }
0x7c: {  	_ =	shalt  }
0x7d: {  	_ =	shalt  }
0x7e: {  	_ =	shalt  }
0x7f: {  	_ =	shalt  }
0x80: {  	_ =	shalt  }
0x81: {  	_ =	shalt  }
0x82: {  	_ =	shalt  }
0x83: {  	_ =	shalt  }
0x84: {  	_ =	shalt  }
0x85: {  	_ =	shalt  }
0x86: {  	_ =	shalt  }
0x87: {  	_ =	shalt  }
.Lfunc_end0:
.L_simem_size_0:
called_computation.1_lowered:
.L_overlay_start_0:
0x88: {  	s2 =	sld [smem:$0x3FD9]  }
0x89: {  	s3 =	sld [smem:$0x3FFE];
	_ =	sdelay $0x1  }
0x8a: {  	s1 =	srdreg.scid  }
0x8b: {  	s0 =	sand.u32 $0x1, s1  }
0x8c: {  	s17 =	sshll.u32 s0, $0xA;
	s2 =	sadd.s32 s3, s2  }
0x8d: {  	s2 =	sadd.s32 s2, s17  }
0x8e: {  	[smem:$0x3FBC] =	sst s2  }
0x8f: {  	_ = 	snop  }
0x90: {  	s2 =	sld [smem:$0x3FD0];
	(tm) =	ssettm $0x1  }
0x91: {  	s18 =	sld [smem:$0x3FFB];
	_ =	sdelay $0x3  }
0x92: {  	_ =	strace s18  }
0x93: {  	s3 =	sld [smem:$0x3FFC];
	_ =	sdelay $0x3  }
0x94: {  	_ =	strace s3  }
0x95: {  	s3 =	sld [smem:$0x3FFD];
	_ =	sdelay $0x3  }
0x96: {  	_ =	strace s3  }
0x97: {  	_ =	strace $0x8FFFFFFF  }
0x98: {  	s19 =	sld [smem:$0x3FDB];
	_ =	sdelay $0x1  }
0x99: {  	s4 =	simm.s32 $_scs_section_size  }
0x9a: {  	s5 =	simm.s32 $_size__tile_overlayer_lowered;
	s6 =	simm.s32 $_tile_overlayer_lowered  }
0x9b: {  	s22 =	simm.s32 $0x1BFF;
	s21 =	sshll.u32 s6, $0x1;
	s3 =	sadd.s32 s4, s19  }
0x9c: {  	s7 =	simm.s32 $0x0;
	s20 =	sshll.u32 s5, $0x1;
	s5 =	sadd.s32 s21, s3  }
0x9d: {  	[timem:s7], [sflag:s22] =	dma.local [hbm:s5], s20  }
0x9e: {  	_ =	swait.ge [sflag:s22], s20  }
0x9f: {  	s4 =	ssub.s32 $0x0, s20;
	[sflag:s22] =	ssyncset.done $0x0  }
0xa0: {  	[sflag:s22] =	ssyncadd.s32 s4;
	_ =	sdelay $0x1  }
0xa1: {  	s23 =	simm.s32 $0x1B8B  }
0xa2: {  	_ =	swait.ge [sflag:s23], $0x1  }
0xa3: {  	[sflag:s23] =	ssyncset.done $0x0  }
0xa4: {  	s25 =	simm.s32 $0x1B8E;
	s24 =	sld [smem:$0x3FFE];
	[sflag:s23] =	ssyncadd.s32 $0xFFFFFFFF  }
0xa5: {  	s26 =	simm.s32 $execute0_lowered;
	[smem:$0x3FD2] =	sst s25  }
0xa6: {  	s5 =	sshll.u32 s26, $0x1;
	_ =	strace $0x80000049;
	[dreg:$0x1] =	wrdreg $0xFFFFFFFF  }
0xa7: {  	s28 =	simm.s32 $_size_execute0_lowered;
	s3 =	sadd.s32 s3, s5;
	[dreg:$0x0] =	wrdreg $0x0  }
0xa8: {  	s5 =	sshll.u32 s28, $0x1;
	[dreg:$0x2] =	wrdreg s3  }
0xa9: {  	[dreg:$0x3] =	wrdreg s5  }
0xaa: {  	[dreg:$0x4] =	wrdreg $0xC0  }
0xab: {  	_ =	task [dreg:s7], $0x5FFFF  }
0xac: {  	[dreg:$0x1] =	wrdreg $0xFFFFFFFF  }
0xad: {  	[dreg:$0x0] =	wrdreg $0x60  }
0xae: {  	[dreg:$0x2] =	wrdreg s24  }
0xaf: {  	[dreg:$0x3] =	wrdreg s2  }
0xb0: {  	[dreg:$0x4] =	wrdreg $0xA8000  }
0xb1: {  	[dreg:$0x5] =	wrdreg $0x9  }
0xb2: {  	_ =	task.clear_ibuf [dreg:s7], $0x6FFFF;
	_ =	strace $0x90000049  }
0xb3: {  	s29 =	simm.s32 $0x9;
	_ =	strace $0x8000004B  }
0xb4: {  	_ =	swait.ge [sflag:s29], $0x1  }
0xb5: {  	[sflag:s29] =	ssyncadd.s32 $0xFFFFFFFF  }
0xb6: {  	_ =	strace $0x9000004B  }
0xb7: {  	_ =	sfence  }
0xb8: {  	s30 =	sld [smem:$0x0];
	_ =	sdelay $0x2  }
0xb9: {  	s31 =	sshll.u32 s1, $0xD;
	s1 =	sshrl.u32 s1, $0x2  }
0xba: {  	s3 =	sand.u32 $0x4000, s31;
	s1 =	sadd.s32 s1, s30  }
0xbb: {  	s0 =	sor.u32 s3, s0;
	s1 =	sshll.u32 s1, $0x11  }
0xbc: {  	s0 =	sor.u32 s1, s0  }
0xbd: {  	s0 =	sadd.s32 $0x8F2B, s0  }
0xbe: {  	[sflag:s0] =	ssyncadd.remote.s32 $0x1  }
0xbf: {  	_ =	sfence.sel $0xFFFF  }
0xc0: {  	[dreg:$0x0] =	wrdreg $0xFFFFFFFF;
	(pc) =	sbr.abs _section_cstart, $3  }
0xc1: {  	[dreg:$0x1] =	wrdreg $0xFFFFFFFF  }
0xc2: {  	_ =	task.clear_ibuf [dreg:s7], $0x2FFFF;
	_ =	strace $0x9FFFFFFF  }
0xc3: {  	(tm) =	ssettm $0x7FFFFFFF  }
tec
execute0_lowered:
.L_overlay_start_1:
0x0: {  	(tag) =	ssettag $0x1  }
0x1: {  	s0 =	rddreg [dreg:$0x0]  }
0x2: {  	s2 =	rddreg [dreg:$0x1]  }
0x3: {  	s1 =	rddreg [dreg:$0x2]  }
0x4: {  	s3 =	srdreg.scid;
	s10 =	stileid.u32;
	s28 =	simm.s32 $0x100  }
0x5: {  	s29 =	simm.s32 $0x2;
	s30 =	simm.s32 $0x1480;
	s7 =	smul.u32 $0x14000, s10  }
0x6: {  	s31 =	simm.s32 $0x4;
	s5 =	sand.u32 $0x1, s3;
	s19 =	smul.u32 $0x5000, s10  }
0x7: {  	s3 =	simm.s32 $0x0;
	s4 =	sadd.s32 $0x17800, s0;
	s6 =	smul.u32 $0x140000, s5  }
0x8: {  	s9 =	sadd.s32 $0x67800, s0;
	[smem:$0x7FF] =	sst s3;
	s8 =	smul.u32 $0x50000, s5  }
0x9: {  	s10 =	smul.u32 $0x50000, s10;
	s5 =	ssub.s32 $0x2, s5;
	_ =	strace $0x8000004A  }
0xa: {  	s20 =	sshrl.u32 s5, $0x1;
	s6 =	sadd.s32 s7, s6;
	s7 =	sadd.s32 s19, s8  }
0xb: {  	s21 =	sshrl.u32 s10, $0x2;
	s6 =	sshrl.u32 s6, $0x3;
	s7 =	sshrl.u32 s7, $0x3  }
0xc: {  	s0 =	sadd.s32 s6, s0;
	s6 =	ssub.s32 s5, s20;
	s5 =	sadd.s32 s21, s1  }
0xd: {  	s22 =	sadd.s32 s2, s7;
	s23 =	sadd.s32 $0x280, s7;
	s24 =	sadd.s32 s9, s7  }
0xe: {  	s11 =	sadd.s32 $0x500, s7;
	s7 =	sadd.s32 $0x780, s7;
	[dreg:$0x4] =	wrdreg s22  }
0xf: {  	s20 =	simm.s32 $0x2800;
	s21 =	simm.s32 $0x5;
	[dreg:$0x5] =	wrdreg s24  }
0x10: {  	s25 =	sadd.s32 s2, s23;
	s8 =	sadd.s32 s9, s23;
	s26 =	sadd.s32 s2, s11  }
0x11: {  	s11 =	sadd.s32 s9, s11;
	s12 =	sadd.s32 s2, s7;
	s13 =	sadd.s32 s9, s7  }
0x12: {  	s14 =	sadd.s32 $0x7B800, s0;
	s15 =	smax.u32 s6, $0x1;
	s16 =	sadd.s32 $0x4000, s5  }
0x13: {  	s17 =	sadd.s32 $0x8000, s5;
	s18 =	sadd.s32 $0xC000, s5;
	s19 =	sadd.s32 $0x10000, s5  }
0x14: {  	s22 =	simm.s32 $0x1400;
	s23 =	simm.s32 $0x80;
	s24 =	simm.s32 $0x6800  }
0x15: {  	s0 =	simm.s32 $0x1380;
	s2 =	simm.s32 $0x2700;
	[dreg:$0x6] =	wrdreg s25  }
0x16: {  	s6 =	simm.s32 $0x2780;
	s7 =	simm.s32 $0x0;
	[dreg:$0x7] =	wrdreg s8  }
0x17: {  	v0 =	vimm.f32 $0.0e+00;
	[dreg:$0x8] =	wrdreg s26;
	s25 =	simm.s32 $0x1;
	s26 =	simm.s32 $0x3  }
.LBB2_1:
0x18: {  	s8 =	simm.s32 $0x0;
	s9 =	simm.s32 $0x200  }
.LBB2_2:
0x19: {  	p0 =	sne.s32 s9, $0xFE00;
	[tilespmem:s8+$0x2870] =	vst v0  }
0x1a: {  	[tilespmem:s8+$0x2800] =	vst v0  }
0x1b: {  	[tilespmem:s8+$0x2810] =	vst v0  }
.Ltmp0:
0x1c: {  	[tilespmem:s8+$0x2820] =	vst v0;
	(pc) =	sbr.rel @p0 .LBB2_2-.Ltmp0, $4  }
0x1d: {  	[tilespmem:s8+$0x2830] =	vst v0  }
0x1e: {  	[tilespmem:s8+$0x2840] =	vst v0  }
0x1f: {  	[tilespmem:s8+$0x2850] =	vst v0  }
0x20: {  	[tilespmem:s8+$0x2860] =	vst v0;
	s8 =	sshra.s32 s9, $0x2;
	s9 =	sadd.s32 $0x200, s9  }
0x21: {  	[tilespmem:s8+$0x2870] =	vst v0  }
0x22: {  	[tilespmem:s8+$0x2800] =	vst v0  }
0x23: {  	[tilespmem:s8+$0x2810] =	vst v0  }
0x24: {  	[tilespmem:s8+$0x2820] =	vst v0  }
0x25: {  	[tilespmem:s8+$0x2830] =	vst v0  }
0x26: {  	[tilespmem:s8+$0x2840] =	vst v0  }
0x27: {  	[tilespmem:s8+$0x2850] =	vst v0  }
0x28: {  	[tilespmem:s8+$0x2860] =	vst v0  }
0x29: {  	[spmem:s5] =	stream.linear.scatter [tilespmem:s20], [sflag:$0x5], $0x4000, $0x38;
	[tilespmem:$0x1E800] =	vst v63  }
0x2a: {  	_ =	swait.ge [sflag:s21], $0x4000  }
0x2b: {  	[sflag:s21] =	ssyncset.done $0x0  }
0x2c: {  	[sflag:s21] =	ssyncadd.s32 $0xFFFFC000  }
0x2d: {  	[spmem:s16] =	stream.linear.scatter [tilespmem:s20], [sflag:$0x5], $0x4000, $0x38;
	[tilespmem:$0x1E800] =	vst v63  }
0x2e: {  	_ =	swait.ge [sflag:s21], $0x4000  }
0x2f: {  	[sflag:s21] =	ssyncset.done $0x0  }
0x30: {  	[sflag:s21] =	ssyncadd.s32 $0xFFFFC000  }
0x31: {  	[spmem:s17] =	stream.linear.scatter [tilespmem:s20], [sflag:$0x5], $0x4000, $0x38;
	[tilespmem:$0x1E800] =	vst v63  }
0x32: {  	_ =	swait.ge [sflag:s21], $0x4000  }
0x33: {  	[sflag:s21] =	ssyncset.done $0x0  }
0x34: {  	[sflag:s21] =	ssyncadd.s32 $0xFFFFC000  }
0x35: {  	[spmem:s18] =	stream.linear.scatter [tilespmem:s20], [sflag:$0x5], $0x4000, $0x38;
	[tilespmem:$0x1E800] =	vst v63  }
0x36: {  	_ =	swait.ge [sflag:s21], $0x4000  }
0x37: {  	[sflag:s21] =	ssyncset.done $0x0  }
0x38: {  	[sflag:s21] =	ssyncadd.s32 $0xFFFFC000  }
0x39: {  	[spmem:s19] =	stream.linear.scatter [tilespmem:s20], [sflag:$0x5], $0x4000, $0x38;
	[tilespmem:$0x1E800] =	vst v63  }
0x3a: {  	_ =	swait.ge [sflag:s21], $0x4000  }
0x3b: {  	[sflag:s21] =	ssyncset.done $0x0  }
0x3c: {  	[sflag:s21] =	ssyncadd.s32 $0xFFFFC000  }
0x3d: {  	[bflag:$0x0] =	sbarrier.arrive $0xFFFF  }
0x3e: {  	s10 =	rddreg [dreg:$0x4]  }
0x3f: {  	[tilespmem:s3], [sflag:$0x5] =	stream.linear.gather [hbm4b:s10+s3], $0x1400, $0x38;
	[tilespmem:$0x1E800] =	vst v63  }
0x40: {  	_ =	swait.ge [sflag:s21], $0x1400  }
0x41: {  	[sflag:s21] =	ssyncset.done $0x0  }
0x42: {  	s9 =	rddreg [dreg:$0x5];
	[sflag:s21] =	ssyncadd.s32 $0xFFFFEC00  }
0x43: {  	[tilespmem:s22], [sflag:$0x5] =	stream.linear.gather [hbm4b:s9+s3], $0x1400, $0x38;
	[tilespmem:$0x1E800] =	vst v63  }
0x44: {  	_ =	swait.ge [sflag:s21], $0x1400  }
0x45: {  	[sflag:s21] =	ssyncset.done $0x0  }
0x46: {  	[sflag:s21] =	ssyncadd.s32 $0xFFFFEC00  }
0x47: {  	[tilespmem:s20], [sflag:$0x1] =	stream.indirect.gather [hbm4b:s4+s23], $0x80, s3, s23, $0xb8;
	[tilespmem:$0x1E800] =	vst v63  }
0x48: {  	_ = 	snop  }
0x49: {  	[tilespmem:s24], [sflag:$0x2] =	stream.indirect.gather [hbm4b:s4+s23], $0x80, s23, s23, $0xb8;
	[tilespmem:$0x1E800] =	vst v63  }
0x4a: {  	_ =	swait.ge [sflag:s25], $0x4000  }
0x4b: {  	[sflag:s25] =	ssyncset.done $0x0  }
0x4c: {  	[sflag:s25] =	ssyncadd.s32 $0xFFFFC000  }
0x4d: {  	[spmem:s1] =	stream.indirect.scatter.add.f32 [tilespmem:s20], [sflag:$0x3], $0x80, s22, s23, $0xb8;
	[tilespmem:$0x1E800] =	vst v63  }
0x4e: {  	_ =	swait.ge [sflag:s26], $0x4000  }
0x4f: {  	[sflag:s26] =	ssyncset.done $0x0  }
0x50: {  	[sflag:s26] =	ssyncadd.s32 $0xFFFFC000  }
0x51: {  	[tilespmem:s20], [sflag:$0x1] =	stream.indirect.gather [hbm4b:s4+s23], $0x80, s28, s23, $0xb8;
	[tilespmem:$0x1E800] =	vst v63  }
0x52: {  	_ =	swait.ge [sflag:s29], $0x4000  }
0x53: {  	[sflag:s29] =	ssyncset.done $0x0  }
0x54: {  	[sflag:s29] =	ssyncadd.s32 $0xFFFFC000  }
0x55: {  	[spmem:s1] =	stream.indirect.scatter.add.f32 [tilespmem:s24], [sflag:$0x4], $0x80, s30, s23, $0xb8;
	[tilespmem:$0x1E800] =	vst v63  }
0x56: {  	_ =	swait.ge [sflag:s31], $0x4000  }
0x57: {  	[sflag:s31] =	ssyncset.done $0x0  }
0x58: {  	s10 =	simm.s32 $0x180;
	[sflag:s31] =	ssyncadd.s32 $0xFFFFC000  }
0x59: {  	[tilespmem:s24], [sflag:$0x2] =	stream.indirect.gather [hbm4b:s4+s23], $0x80, s10, s23, $0xb8;
	[tilespmem:$0x1E800] =	vst v63  }
0x5a: {  	_ =	swait.ge [sflag:s25], $0x4000  }
0x5b: {  	[sflag:s25] =	ssyncset.done $0x0  }
0x5c: {  	s9 =	simm.s32 $0x1500;
	[sflag:s25] =	ssyncadd.s32 $0xFFFFC000  }
0x5d: {  	[spmem:s1] =	stream.indirect.scatter.add.f32 [tilespmem:s20], [sflag:$0x3], $0x80, s9, s23, $0xb8;
	[tilespmem:$0x1E800] =	vst v63  }
0x5e: {  	_ =	swait.ge [sflag:s26], $0x4000  }
0x5f: {  	[sflag:s26] =	ssyncset.done $0x0  }
0x60: {  	s10 =	simm.s32 $0x200;
	[sflag:s26] =	ssyncadd.s32 $0xFFFFC000  }
0x61: {  	[tilespmem:s20], [sflag:$0x1] =	stream.indirect.gather [hbm4b:s4+s23], $0x80, s10, s23, $0xb8;
	[tilespmem:$0x1E800] =	vst v63  }
0x62: {  	_ =	swait.ge [sflag:s29], $0x4000  }
0x63: {  	[sflag:s29] =	ssyncset.done $0x0  }
0x64: {  	s8 =	simm.s32 $0xFFFFBC00;
	s9 =	simm.s32 $0x1580;
	[sflag:s29] =	ssyncadd.s32 $0xFFFFC000  }
.LBB2_4:
0x65: {  	[spmem:s1] =	stream.indirect.scatter.add.f32 [tilespmem:s24], [sflag:$0x4], $0x80, s9, s23, $0xb8;
	[tilespmem:$0x1E800] =	vst v63  }
0x66: {  	s9 =	smov.u32 s8  }
0x67: {  	p0 =	sne.s32 s8, $0xFFFFFC00;
	s8 =	sadd.s32 $0x400, s8;
	_ =	swait.ge [sflag:s31], $0x4000  }
0x68: {  	s9 =	sshra.s32 s9, $0x2;
	[sflag:s31] =	ssyncset.done $0x0  }
0x69: {  	s10 =	sadd.s32 $0x1380, s9;
	[sflag:s31] =	ssyncadd.s32 $0xFFFFC000  }
0x6a: {  	[tilespmem:s24], [sflag:$0x2] =	stream.indirect.gather [hbm4b:s4+s23], $0x80, s10, s23, $0xb8;
	[tilespmem:$0x1E800] =	vst v63  }
0x6b: {  	_ =	swait.ge [sflag:s25], $0x4000  }
0x6c: {  	[sflag:s25] =	ssyncset.done $0x0  }
0x6d: {  	s10 =	sadd.s32 $0x2700, s9;
	[sflag:s25] =	ssyncadd.s32 $0xFFFFC000  }
0x6e: {  	[spmem:s1] =	stream.indirect.scatter.add.f32 [tilespmem:s20], [sflag:$0x3], $0x80, s10, s23, $0xb8;
	[tilespmem:$0x1E800] =	vst v63  }
0x6f: {  	_ =	swait.ge [sflag:s26], $0x4000  }
0x70: {  	[sflag:s26] =	ssyncset.done $0x0  }
.Ltmp1:
0x71: {  	s10 =	sadd.s32 $0x1400, s9;
	[sflag:s26] =	ssyncadd.s32 $0xFFFFC000;
	(pc) =	sbr.rel @p0 .LBB2_4-.Ltmp1, $4  }
0x72: {  	[tilespmem:s20], [sflag:$0x1] =	stream.indirect.gather [hbm4b:s4+s23], $0x80, s10, s23, $0xb8;
	[tilespmem:$0x1E800] =	vst v63  }
0x73: {  	_ =	swait.ge [sflag:s29], $0x4000  }
0x74: {  	[sflag:s29] =	ssyncset.done $0x0  }
0x75: {  	s9 =	sadd.s32 $0x2780, s9;
	[sflag:s29] =	ssyncadd.s32 $0xFFFFC000  }
0x76: {  	[spmem:s1] =	stream.indirect.scatter.add.f32 [tilespmem:s24], [sflag:$0x4], $0x80, s9, s23, $0xb8;
	[tilespmem:$0x1E800] =	vst v63  }
0x77: {  	_ =	swait.ge [sflag:s31], $0x4000  }
0x78: {  	[sflag:s31] =	ssyncset.done $0x0  }
0x79: {  	[sflag:s31] =	ssyncadd.s32 $0xFFFFC000  }
0x7a: {  	[tilespmem:s24], [sflag:$0x2] =	stream.indirect.gather [hbm4b:s4+s23], $0x80, s0, s23, $0xb8;
	[tilespmem:$0x1E800] =	vst v63  }
0x7b: {  	_ =	swait.ge [sflag:s25], $0x4000  }
0x7c: {  	[sflag:s25] =	ssyncset.done $0x0  }
0x7d: {  	[sflag:s25] =	ssyncadd.s32 $0xFFFFC000  }
0x7e: {  	[spmem:s1] =	stream.indirect.scatter.add.f32 [tilespmem:s20], [sflag:$0x3], $0x80, s2, s23, $0xb8;
	[tilespmem:$0x1E800] =	vst v63  }
0x7f: {  	_ =	swait.ge [sflag:s26], $0x4000  }
0x80: {  	[sflag:s26] =	ssyncset.done $0x0  }
0x81: {  	[sflag:s26] =	ssyncadd.s32 $0xFFFFC000  }
0x82: {  	_ =	swait.ge [sflag:s29], $0x4000  }
0x83: {  	[sflag:s29] =	ssyncset.done $0x0  }
0x84: {  	[sflag:s29] =	ssyncadd.s32 $0xFFFFC000  }
0x85: {  	[spmem:s1] =	stream.indirect.scatter.add.f32 [tilespmem:s24], [sflag:$0x4], $0x80, s6, s23, $0xb8;
	[tilespmem:$0x1E800] =	vst v63  }
0x86: {  	_ =	swait.ge [sflag:s31], $0x4000  }
0x87: {  	[sflag:s31] =	ssyncset.done $0x0  }
0x88: {  	s8 =	rddreg [dreg:$0x6];
	[sflag:s31] =	ssyncadd.s32 $0xFFFFC000  }
0x89: {  	[tilespmem:s3], [sflag:$0x5] =	stream.linear.gather [hbm4b:s8+s3], $0x1400, $0x38;
	[tilespmem:$0x1E800] =	vst v63  }
0x8a: {  	_ =	swait.ge [sflag:s21], $0x1400  }
0x8b: {  	[sflag:s21] =	ssyncset.done $0x0  }
0x8c: {  	s9 =	rddreg [dreg:$0x7];
	[sflag:s21] =	ssyncadd.s32 $0xFFFFEC00  }
0x8d: {  	[tilespmem:s22], [sflag:$0x5] =	stream.linear.gather [hbm4b:s9+s3], $0x1400, $0x38;
	[tilespmem:$0x1E800] =	vst v63  }
0x8e: {  	_ =	swait.ge [sflag:s21], $0x1400  }
0x8f: {  	[sflag:s21] =	ssyncset.done $0x0  }
0x90: {  	[sflag:s21] =	ssyncadd.s32 $0xFFFFEC00  }
0x91: {  	[tilespmem:s20], [sflag:$0x1] =	stream.indirect.gather [hbm4b:s4+s23], $0x80, s3, s23, $0xb8;
	[tilespmem:$0x1E800] =	vst v63  }
0x92: {  	_ = 	snop  }
0x93: {  	[tilespmem:s24], [sflag:$0x2] =	stream.indirect.gather [hbm4b:s4+s23], $0x80, s23, s23, $0xb8;
	[tilespmem:$0x1E800] =	vst v63  }
0x94: {  	_ =	swait.ge [sflag:s25], $0x4000  }
0x95: {  	[sflag:s25] =	ssyncset.done $0x0  }
0x96: {  	[sflag:s25] =	ssyncadd.s32 $0xFFFFC000  }
0x97: {  	[spmem:s1] =	stream.indirect.scatter.add.f32 [tilespmem:s20], [sflag:$0x3], $0x80, s22, s23, $0xb8;
	[tilespmem:$0x1E800] =	vst v63  }
0x98: {  	_ =	swait.ge [sflag:s26], $0x4000  }
0x99: {  	[sflag:s26] =	ssyncset.done $0x0  }
0x9a: {  	[sflag:s26] =	ssyncadd.s32 $0xFFFFC000  }
0x9b: {  	[tilespmem:s20], [sflag:$0x1] =	stream.indirect.gather [hbm4b:s4+s23], $0x80, s28, s23, $0xb8;
	[tilespmem:$0x1E800] =	vst v63  }
0x9c: {  	_ =	swait.ge [sflag:s29], $0x4000  }
0x9d: {  	[sflag:s29] =	ssyncset.done $0x0  }
0x9e: {  	[sflag:s29] =	ssyncadd.s32 $0xFFFFC000  }
0x9f: {  	[spmem:s1] =	stream.indirect.scatter.add.f32 [tilespmem:s24], [sflag:$0x4], $0x80, s30, s23, $0xb8;
	[tilespmem:$0x1E800] =	vst v63  }
0xa0: {  	_ =	swait.ge [sflag:s31], $0x4000  }
0xa1: {  	[sflag:s31] =	ssyncset.done $0x0  }
0xa2: {  	s10 =	simm.s32 $0x180;
	[sflag:s31] =	ssyncadd.s32 $0xFFFFC000  }
0xa3: {  	[tilespmem:s24], [sflag:$0x2] =	stream.indirect.gather [hbm4b:s4+s23], $0x80, s10, s23, $0xb8;
	[tilespmem:$0x1E800] =	vst v63  }
0xa4: {  	_ =	swait.ge [sflag:s25], $0x4000  }
0xa5: {  	[sflag:s25] =	ssyncset.done $0x0  }
0xa6: {  	s9 =	simm.s32 $0x1500;
	[sflag:s25] =	ssyncadd.s32 $0xFFFFC000  }
0xa7: {  	[spmem:s1] =	stream.indirect.scatter.add.f32 [tilespmem:s20], [sflag:$0x3], $0x80, s9, s23, $0xb8;
	[tilespmem:$0x1E800] =	vst v63  }
0xa8: {  	_ =	swait.ge [sflag:s26], $0x4000  }
0xa9: {  	[sflag:s26] =	ssyncset.done $0x0  }
0xaa: {  	s10 =	simm.s32 $0x200;
	[sflag:s26] =	ssyncadd.s32 $0xFFFFC000  }
0xab: {  	[tilespmem:s20], [sflag:$0x1] =	stream.indirect.gather [hbm4b:s4+s23], $0x80, s10, s23, $0xb8;
	[tilespmem:$0x1E800] =	vst v63  }
0xac: {  	_ =	swait.ge [sflag:s29], $0x4000  }
0xad: {  	[sflag:s29] =	ssyncset.done $0x0  }
0xae: {  	s8 =	simm.s32 $0xFFFFBC00;
	s9 =	simm.s32 $0x1580;
	[sflag:s29] =	ssyncadd.s32 $0xFFFFC000  }
.LBB2_6:
0xaf: {  	[spmem:s1] =	stream.indirect.scatter.add.f32 [tilespmem:s24], [sflag:$0x4], $0x80, s9, s23, $0xb8;
	[tilespmem:$0x1E800] =	vst v63  }
0xb0: {  	s9 =	smov.u32 s8  }
0xb1: {  	p0 =	sne.s32 s8, $0xFFFFFC00;
	s8 =	sadd.s32 $0x400, s8;
	_ =	swait.ge [sflag:s31], $0x4000  }
0xb2: {  	s9 =	sshra.s32 s9, $0x2;
	[sflag:s31] =	ssyncset.done $0x0  }
0xb3: {  	s10 =	sadd.s32 $0x1380, s9;
	[sflag:s31] =	ssyncadd.s32 $0xFFFFC000  }
0xb4: {  	[tilespmem:s24], [sflag:$0x2] =	stream.indirect.gather [hbm4b:s4+s23], $0x80, s10, s23, $0xb8;
	[tilespmem:$0x1E800] =	vst v63  }
0xb5: {  	_ =	swait.ge [sflag:s25], $0x4000  }
0xb6: {  	[sflag:s25] =	ssyncset.done $0x0  }
0xb7: {  	s10 =	sadd.s32 $0x2700, s9;
	[sflag:s25] =	ssyncadd.s32 $0xFFFFC000  }
0xb8: {  	[spmem:s1] =	stream.indirect.scatter.add.f32 [tilespmem:s20], [sflag:$0x3], $0x80, s10, s23, $0xb8;
	[tilespmem:$0x1E800] =	vst v63  }
0xb9: {  	_ =	swait.ge [sflag:s26], $0x4000  }
0xba: {  	[sflag:s26] =	ssyncset.done $0x0  }
.Ltmp2:
0xbb: {  	s10 =	sadd.s32 $0x1400, s9;
	[sflag:s26] =	ssyncadd.s32 $0xFFFFC000;
	(pc) =	sbr.rel @p0 .LBB2_6-.Ltmp2, $4  }
0xbc: {  	[tilespmem:s20], [sflag:$0x1] =	stream.indirect.gather [hbm4b:s4+s23], $0x80, s10, s23, $0xb8;
	[tilespmem:$0x1E800] =	vst v63  }
0xbd: {  	_ =	swait.ge [sflag:s29], $0x4000  }
0xbe: {  	[sflag:s29] =	ssyncset.done $0x0  }
0xbf: {  	s9 =	sadd.s32 $0x2780, s9;
	[sflag:s29] =	ssyncadd.s32 $0xFFFFC000  }
0xc0: {  	[spmem:s1] =	stream.indirect.scatter.add.f32 [tilespmem:s24], [sflag:$0x4], $0x80, s9, s23, $0xb8;
	[tilespmem:$0x1E800] =	vst v63  }
0xc1: {  	_ =	swait.ge [sflag:s31], $0x4000  }
0xc2: {  	[sflag:s31] =	ssyncset.done $0x0  }
0xc3: {  	[sflag:s31] =	ssyncadd.s32 $0xFFFFC000  }
0xc4: {  	[tilespmem:s24], [sflag:$0x2] =	stream.indirect.gather [hbm4b:s4+s23], $0x80, s0, s23, $0xb8;
	[tilespmem:$0x1E800] =	vst v63  }
0xc5: {  	_ =	swait.ge [sflag:s25], $0x4000  }
0xc6: {  	[sflag:s25] =	ssyncset.done $0x0  }
0xc7: {  	[sflag:s25] =	ssyncadd.s32 $0xFFFFC000  }
0xc8: {  	[spmem:s1] =	stream.indirect.scatter.add.f32 [tilespmem:s20], [sflag:$0x3], $0x80, s2, s23, $0xb8;
	[tilespmem:$0x1E800] =	vst v63  }
0xc9: {  	_ =	swait.ge [sflag:s26], $0x4000  }
0xca: {  	[sflag:s26] =	ssyncset.done $0x0  }
0xcb: {  	[sflag:s26] =	ssyncadd.s32 $0xFFFFC000  }
0xcc: {  	_ =	swait.ge [sflag:s29], $0x4000  }
0xcd: {  	[sflag:s29] =	ssyncset.done $0x0  }
0xce: {  	[sflag:s29] =	ssyncadd.s32 $0xFFFFC000  }
0xcf: {  	[spmem:s1] =	stream.indirect.scatter.add.f32 [tilespmem:s24], [sflag:$0x4], $0x80, s6, s23, $0xb8;
	[tilespmem:$0x1E800] =	vst v63  }
0xd0: {  	_ =	swait.ge [sflag:s31], $0x4000  }
0xd1: {  	[sflag:s31] =	ssyncset.done $0x0  }
0xd2: {  	s8 =	rddreg [dreg:$0x8];
	[sflag:s31] =	ssyncadd.s32 $0xFFFFC000  }
0xd3: {  	[tilespmem:s3], [sflag:$0x5] =	stream.linear.gather [hbm4b:s8+s3], $0x1400, $0x38;
	[tilespmem:$0x1E800] =	vst v63  }
0xd4: {  	_ =	swait.ge [sflag:s21], $0x1400  }
0xd5: {  	[sflag:s21] =	ssyncset.done $0x0  }
0xd6: {  	[sflag:s21] =	ssyncadd.s32 $0xFFFFEC00  }
0xd7: {  	[tilespmem:s22], [sflag:$0x5] =	stream.linear.gather [hbm4b:s11+s3], $0x1400, $0x38;
	[tilespmem:$0x1E800] =	vst v63  }
0xd8: {  	_ =	swait.ge [sflag:s21], $0x1400  }
0xd9: {  	[sflag:s21] =	ssyncset.done $0x0  }
0xda: {  	[sflag:s21] =	ssyncadd.s32 $0xFFFFEC00  }
0xdb: {  	[tilespmem:s20], [sflag:$0x1] =	stream.indirect.gather [hbm4b:s4+s23], $0x80, s3, s23, $0xb8;
	[tilespmem:$0x1E800] =	vst v63  }
0xdc: {  	_ = 	snop  }
0xdd: {  	[tilespmem:s24], [sflag:$0x2] =	stream.indirect.gather [hbm4b:s4+s23], $0x80, s23, s23, $0xb8;
	[tilespmem:$0x1E800] =	vst v63  }
0xde: {  	_ =	swait.ge [sflag:s25], $0x4000  }
0xdf: {  	[sflag:s25] =	ssyncset.done $0x0  }
0xe0: {  	[sflag:s25] =	ssyncadd.s32 $0xFFFFC000  }
0xe1: {  	[spmem:s1] =	stream.indirect.scatter.add.f32 [tilespmem:s20], [sflag:$0x3], $0x80, s22, s23, $0xb8;
	[tilespmem:$0x1E800] =	vst v63  }
0xe2: {  	_ =	swait.ge [sflag:s26], $0x4000  }
0xe3: {  	[sflag:s26] =	ssyncset.done $0x0  }
0xe4: {  	[sflag:s26] =	ssyncadd.s32 $0xFFFFC000  }
0xe5: {  	[tilespmem:s20], [sflag:$0x1] =	stream.indirect.gather [hbm4b:s4+s23], $0x80, s28, s23, $0xb8;
	[tilespmem:$0x1E800] =	vst v63  }
0xe6: {  	_ =	swait.ge [sflag:s29], $0x4000  }
0xe7: {  	[sflag:s29] =	ssyncset.done $0x0  }
0xe8: {  	[sflag:s29] =	ssyncadd.s32 $0xFFFFC000  }
0xe9: {  	[spmem:s1] =	stream.indirect.scatter.add.f32 [tilespmem:s24], [sflag:$0x4], $0x80, s30, s23, $0xb8;
	[tilespmem:$0x1E800] =	vst v63  }
0xea: {  	_ =	swait.ge [sflag:s31], $0x4000  }
0xeb: {  	[sflag:s31] =	ssyncset.done $0x0  }
0xec: {  	s10 =	simm.s32 $0x180;
	[sflag:s31] =	ssyncadd.s32 $0xFFFFC000  }
0xed: {  	[tilespmem:s24], [sflag:$0x2] =	stream.indirect.gather [hbm4b:s4+s23], $0x80, s10, s23, $0xb8;
	[tilespmem:$0x1E800] =	vst v63  }
0xee: {  	_ =	swait.ge [sflag:s25], $0x4000  }
0xef: {  	[sflag:s25] =	ssyncset.done $0x0  }
0xf0: {  	s9 =	simm.s32 $0x1500;
	[sflag:s25] =	ssyncadd.s32 $0xFFFFC000  }
0xf1: {  	[spmem:s1] =	stream.indirect.scatter.add.f32 [tilespmem:s20], [sflag:$0x3], $0x80, s9, s23, $0xb8;
	[tilespmem:$0x1E800] =	vst v63  }
0xf2: {  	_ =	swait.ge [sflag:s26], $0x4000  }
0xf3: {  	[sflag:s26] =	ssyncset.done $0x0  }
0xf4: {  	s10 =	simm.s32 $0x200;
	[sflag:s26] =	ssyncadd.s32 $0xFFFFC000  }
0xf5: {  	[tilespmem:s20], [sflag:$0x1] =	stream.indirect.gather [hbm4b:s4+s23], $0x80, s10, s23, $0xb8;
	[tilespmem:$0x1E800] =	vst v63  }
0xf6: {  	_ =	swait.ge [sflag:s29], $0x4000  }
0xf7: {  	[sflag:s29] =	ssyncset.done $0x0  }
0xf8: {  	s8 =	simm.s32 $0xFFFFBC00;
	s9 =	simm.s32 $0x1580;
	[sflag:s29] =	ssyncadd.s32 $0xFFFFC000  }
.LBB2_8:
0xf9: {  	[spmem:s1] =	stream.indirect.scatter.add.f32 [tilespmem:s24], [sflag:$0x4], $0x80, s9, s23, $0xb8;
	[tilespmem:$0x1E800] =	vst v63  }
0xfa: {  	s9 =	smov.u32 s8  }
0xfb: {  	p0 =	sne.s32 s8, $0xFFFFFC00;
	s8 =	sadd.s32 $0x400, s8;
	_ =	swait.ge [sflag:s31], $0x4000  }
0xfc: {  	s9 =	sshra.s32 s9, $0x2;
	[sflag:s31] =	ssyncset.done $0x0  }
0xfd: {  	s10 =	sadd.s32 $0x1380, s9;
	[sflag:s31] =	ssyncadd.s32 $0xFFFFC000  }
0xfe: {  	[tilespmem:s24], [sflag:$0x2] =	stream.indirect.gather [hbm4b:s4+s23], $0x80, s10, s23, $0xb8;
	[tilespmem:$0x1E800] =	vst v63  }
0xff: {  	_ =	swait.ge [sflag:s25], $0x4000  }
0x100: {  	[sflag:s25] =	ssyncset.done $0x0  }
0x101: {  	s10 =	sadd.s32 $0x2700, s9;
	[sflag:s25] =	ssyncadd.s32 $0xFFFFC000  }
0x102: {  	[spmem:s1] =	stream.indirect.scatter.add.f32 [tilespmem:s20], [sflag:$0x3], $0x80, s10, s23, $0xb8;
	[tilespmem:$0x1E800] =	vst v63  }
0x103: {  	_ =	swait.ge [sflag:s26], $0x4000  }
0x104: {  	[sflag:s26] =	ssyncset.done $0x0  }
.Ltmp3:
0x105: {  	s10 =	sadd.s32 $0x1400, s9;
	[sflag:s26] =	ssyncadd.s32 $0xFFFFC000;
	(pc) =	sbr.rel @p0 .LBB2_8-.Ltmp3, $4  }
0x106: {  	[tilespmem:s20], [sflag:$0x1] =	stream.indirect.gather [hbm4b:s4+s23], $0x80, s10, s23, $0xb8;
	[tilespmem:$0x1E800] =	vst v63  }
0x107: {  	_ =	swait.ge [sflag:s29], $0x4000  }
0x108: {  	[sflag:s29] =	ssyncset.done $0x0  }
0x109: {  	s9 =	sadd.s32 $0x2780, s9;
	[sflag:s29] =	ssyncadd.s32 $0xFFFFC000  }
0x10a: {  	[spmem:s1] =	stream.indirect.scatter.add.f32 [tilespmem:s24], [sflag:$0x4], $0x80, s9, s23, $0xb8;
	[tilespmem:$0x1E800] =	vst v63  }
0x10b: {  	_ =	swait.ge [sflag:s31], $0x4000  }
0x10c: {  	[sflag:s31] =	ssyncset.done $0x0  }
0x10d: {  	[sflag:s31] =	ssyncadd.s32 $0xFFFFC000  }
0x10e: {  	[tilespmem:s24], [sflag:$0x2] =	stream.indirect.gather [hbm4b:s4+s23], $0x80, s0, s23, $0xb8;
	[tilespmem:$0x1E800] =	vst v63  }
0x10f: {  	_ =	swait.ge [sflag:s25], $0x4000  }
0x110: {  	[sflag:s25] =	ssyncset.done $0x0  }
0x111: {  	[sflag:s25] =	ssyncadd.s32 $0xFFFFC000  }
0x112: {  	[spmem:s1] =	stream.indirect.scatter.add.f32 [tilespmem:s20], [sflag:$0x3], $0x80, s2, s23, $0xb8;
	[tilespmem:$0x1E800] =	vst v63  }
0x113: {  	_ =	swait.ge [sflag:s26], $0x4000  }
0x114: {  	[sflag:s26] =	ssyncset.done $0x0  }
0x115: {  	[sflag:s26] =	ssyncadd.s32 $0xFFFFC000  }
0x116: {  	_ =	swait.ge [sflag:s29], $0x4000  }
0x117: {  	[sflag:s29] =	ssyncset.done $0x0  }
0x118: {  	[sflag:s29] =	ssyncadd.s32 $0xFFFFC000  }
0x119: {  	[spmem:s1] =	stream.indirect.scatter.add.f32 [tilespmem:s24], [sflag:$0x4], $0x80, s6, s23, $0xb8;
	[tilespmem:$0x1E800] =	vst v63  }
0x11a: {  	_ =	swait.ge [sflag:s31], $0x4000  }
0x11b: {  	[sflag:s31] =	ssyncset.done $0x0  }
0x11c: {  	[sflag:s31] =	ssyncadd.s32 $0xFFFFC000  }
0x11d: {  	[tilespmem:s3], [sflag:$0x5] =	stream.linear.gather [hbm4b:s12+s3], $0x1400, $0x38;
	[tilespmem:$0x1E800] =	vst v63  }
0x11e: {  	_ =	swait.ge [sflag:s21], $0x1400  }
0x11f: {  	[sflag:s21] =	ssyncset.done $0x0  }
0x120: {  	[sflag:s21] =	ssyncadd.s32 $0xFFFFEC00  }
0x121: {  	[tilespmem:s22], [sflag:$0x5] =	stream.linear.gather [hbm4b:s13+s3], $0x1400, $0x38;
	[tilespmem:$0x1E800] =	vst v63  }
0x122: {  	_ =	swait.ge [sflag:s21], $0x1400  }
0x123: {  	[sflag:s21] =	ssyncset.done $0x0  }
0x124: {  	[sflag:s21] =	ssyncadd.s32 $0xFFFFEC00  }
0x125: {  	[tilespmem:s20], [sflag:$0x1] =	stream.indirect.gather [hbm4b:s4+s23], $0x80, s3, s23, $0xb8;
	[tilespmem:$0x1E800] =	vst v63  }
0x126: {  	_ = 	snop  }
0x127: {  	[tilespmem:s24], [sflag:$0x2] =	stream.indirect.gather [hbm4b:s4+s23], $0x80, s23, s23, $0xb8;
	[tilespmem:$0x1E800] =	vst v63  }
0x128: {  	_ =	swait.ge [sflag:s25], $0x4000  }
0x129: {  	[sflag:s25] =	ssyncset.done $0x0  }
0x12a: {  	[sflag:s25] =	ssyncadd.s32 $0xFFFFC000  }
0x12b: {  	[spmem:s1] =	stream.indirect.scatter.add.f32 [tilespmem:s20], [sflag:$0x3], $0x80, s22, s23, $0xb8;
	[tilespmem:$0x1E800] =	vst v63  }
0x12c: {  	_ =	swait.ge [sflag:s26], $0x4000  }
0x12d: {  	[sflag:s26] =	ssyncset.done $0x0  }
0x12e: {  	[sflag:s26] =	ssyncadd.s32 $0xFFFFC000  }
0x12f: {  	[tilespmem:s20], [sflag:$0x1] =	stream.indirect.gather [hbm4b:s4+s23], $0x80, s28, s23, $0xb8;
	[tilespmem:$0x1E800] =	vst v63  }
0x130: {  	_ =	swait.ge [sflag:s29], $0x4000  }
0x131: {  	[sflag:s29] =	ssyncset.done $0x0  }
0x132: {  	[sflag:s29] =	ssyncadd.s32 $0xFFFFC000  }
0x133: {  	[spmem:s1] =	stream.indirect.scatter.add.f32 [tilespmem:s24], [sflag:$0x4], $0x80, s30, s23, $0xb8;
	[tilespmem:$0x1E800] =	vst v63  }
0x134: {  	_ =	swait.ge [sflag:s31], $0x4000  }
0x135: {  	[sflag:s31] =	ssyncset.done $0x0  }
0x136: {  	s8 =	simm.s32 $0x180;
	[sflag:s31] =	ssyncadd.s32 $0xFFFFC000  }
0x137: {  	[tilespmem:s24], [sflag:$0x2] =	stream.indirect.gather [hbm4b:s4+s23], $0x80, s8, s23, $0xb8;
	[tilespmem:$0x1E800] =	vst v63  }
0x138: {  	_ =	swait.ge [sflag:s25], $0x4000  }
0x139: {  	[sflag:s25] =	ssyncset.done $0x0  }
0x13a: {  	s9 =	simm.s32 $0x1500;
	[sflag:s25] =	ssyncadd.s32 $0xFFFFC000  }
0x13b: {  	[spmem:s1] =	stream.indirect.scatter.add.f32 [tilespmem:s20], [sflag:$0x3], $0x80, s9, s23, $0xb8;
	[tilespmem:$0x1E800] =	vst v63  }
0x13c: {  	_ =	swait.ge [sflag:s26], $0x4000  }
0x13d: {  	[sflag:s26] =	ssyncset.done $0x0  }
0x13e: {  	s10 =	simm.s32 $0x200;
	[sflag:s26] =	ssyncadd.s32 $0xFFFFC000  }
0x13f: {  	[tilespmem:s20], [sflag:$0x1] =	stream.indirect.gather [hbm4b:s4+s23], $0x80, s10, s23, $0xb8;
	[tilespmem:$0x1E800] =	vst v63  }
0x140: {  	_ =	swait.ge [sflag:s29], $0x4000  }
0x141: {  	[sflag:s29] =	ssyncset.done $0x0  }
0x142: {  	s8 =	simm.s32 $0xFFFFBC00;
	s9 =	simm.s32 $0x1580;
	[sflag:s29] =	ssyncadd.s32 $0xFFFFC000  }
.LBB2_10:
0x143: {  	[spmem:s1] =	stream.indirect.scatter.add.f32 [tilespmem:s24], [sflag:$0x4], $0x80, s9, s23, $0xb8;
	[tilespmem:$0x1E800] =	vst v63  }
0x144: {  	s9 =	smov.u32 s8  }
0x145: {  	p0 =	sne.s32 s8, $0xFFFFFC00;
	s8 =	sadd.s32 $0x400, s8;
	_ =	swait.ge [sflag:s31], $0x4000  }
0x146: {  	s9 =	sshra.s32 s9, $0x2;
	[sflag:s31] =	ssyncset.done $0x0  }
0x147: {  	s10 =	sadd.s32 $0x1380, s9;
	[sflag:s31] =	ssyncadd.s32 $0xFFFFC000  }
0x148: {  	[tilespmem:s24], [sflag:$0x2] =	stream.indirect.gather [hbm4b:s4+s23], $0x80, s10, s23, $0xb8;
	[tilespmem:$0x1E800] =	vst v63  }
0x149: {  	_ =	swait.ge [sflag:s25], $0x4000  }
0x14a: {  	[sflag:s25] =	ssyncset.done $0x0  }
0x14b: {  	s10 =	sadd.s32 $0x2700, s9;
	[sflag:s25] =	ssyncadd.s32 $0xFFFFC000  }
0x14c: {  	[spmem:s1] =	stream.indirect.scatter.add.f32 [tilespmem:s20], [sflag:$0x3], $0x80, s10, s23, $0xb8;
	[tilespmem:$0x1E800] =	vst v63  }
0x14d: {  	_ =	swait.ge [sflag:s26], $0x4000  }
0x14e: {  	[sflag:s26] =	ssyncset.done $0x0  }
.Ltmp4:
0x14f: {  	s10 =	sadd.s32 $0x1400, s9;
	[sflag:s26] =	ssyncadd.s32 $0xFFFFC000;
	(pc) =	sbr.rel @p0 .LBB2_10-.Ltmp4, $4  }
0x150: {  	[tilespmem:s20], [sflag:$0x1] =	stream.indirect.gather [hbm4b:s4+s23], $0x80, s10, s23, $0xb8;
	[tilespmem:$0x1E800] =	vst v63  }
0x151: {  	_ =	swait.ge [sflag:s29], $0x4000  }
0x152: {  	[sflag:s29] =	ssyncset.done $0x0  }
0x153: {  	s9 =	sadd.s32 $0x2780, s9;
	[sflag:s29] =	ssyncadd.s32 $0xFFFFC000  }
0x154: {  	[spmem:s1] =	stream.indirect.scatter.add.f32 [tilespmem:s24], [sflag:$0x4], $0x80, s9, s23, $0xb8;
	[tilespmem:$0x1E800] =	vst v63  }
0x155: {  	_ =	swait.ge [sflag:s31], $0x4000  }
0x156: {  	[sflag:s31] =	ssyncset.done $0x0  }
0x157: {  	[sflag:s31] =	ssyncadd.s32 $0xFFFFC000  }
0x158: {  	[tilespmem:s24], [sflag:$0x2] =	stream.indirect.gather [hbm4b:s4+s23], $0x80, s0, s23, $0xb8;
	[tilespmem:$0x1E800] =	vst v63  }
0x159: {  	_ =	swait.ge [sflag:s25], $0x4000  }
0x15a: {  	[sflag:s25] =	ssyncset.done $0x0  }
0x15b: {  	[sflag:s25] =	ssyncadd.s32 $0xFFFFC000  }
0x15c: {  	[spmem:s1] =	stream.indirect.scatter.add.f32 [tilespmem:s20], [sflag:$0x3], $0x80, s2, s23, $0xb8;
	[tilespmem:$0x1E800] =	vst v63  }
0x15d: {  	_ =	swait.ge [sflag:s26], $0x4000  }
0x15e: {  	[sflag:s26] =	ssyncset.done $0x0  }
0x15f: {  	[sflag:s26] =	ssyncadd.s32 $0xFFFFC000  }
0x160: {  	_ =	swait.ge [sflag:s29], $0x4000  }
0x161: {  	[sflag:s29] =	ssyncset.done $0x0  }
0x162: {  	[sflag:s29] =	ssyncadd.s32 $0xFFFFC000  }
0x163: {  	[spmem:s1] =	stream.indirect.scatter.add.f32 [tilespmem:s24], [sflag:$0x4], $0x80, s6, s23, $0xb8;
	[tilespmem:$0x1E800] =	vst v63  }
0x164: {  	s8 =	stileid.u32;
	_ =	swait.ge [sflag:s31], $0x4000  }
0x165: {  	s10 =	sshrl.u32 s5, $0x3;
	s7 =	sadd.s32 $0x1, s7;
	[sflag:s31] =	ssyncset.done $0x0  }
0x166: {  	s8 =	sshll.u32 s8, $0x6;
	p0 =	sne.s32 s7, s15;
	[sflag:s31] =	ssyncadd.s32 $0xFFFFC000  }
.Ltmp5:
0x167: {  	s8 =	sor.u32 $0x1C05, s8;
	[bflag:$0x0] =	sbarrier.arrive $0xFFFF;
	(pc) =	sbr.rel @p0 .LBB2_1-.Ltmp5, $4  }
0x168: {  	[hbm:s14], [sflag:s8] =	dma.local [spmem:s10], $0x2800  }
0x169: {  	_ =	swait.ge [sflag:s21], $0x2800  }
0x16a: {  	[sflag:s21] =	ssyncset.done $0x0  }
0x16b: {  	[sflag:s21] =	ssyncadd.s32 $0xFFFFD800  }
0x16c: {  	_ =	sfence.sel $0x180000  }
0x16d: {  	[bflag:$0x0] =	sbarrier.arrive $0xFFFF  }
0x16e: {  	_ =	strace $0x9000004A  }
0x16f: {  	s0 =	stileid.u32;
	[bflag:$0x2] =	sbarrier.arrive $0xFFFF  }
0x170: {  	p0 =	sne.s32 s0, $0x0;
	s0 =	rddreg [dreg:$0x3]  }
0x171: {  	s0 =	sadd.s32 @!p0 $0x100000, s0  }
0x172: {  	[sflag:s0] =	ssyncadd.tile.s32 @!p0 $0x1;
	_ =	shalt  }
.Lfunc_end2:
_tile_overlayer_lowered:
.L_overlay_start_2:
0x173: {  	(tag) =	ssettag $0x2  }
0x174: {  	s0 =	rddreg [dreg:$0x0];
	s2 =	stileid.u32  }
0x175: {  	s1 =	rddreg [dreg:$0x1];
	p0 =	sne.s32 s2, $0x0  }
0x176: {  	s3 =	rddreg [dreg:$0x2];
	[bflag:$0x3] =	sbarrier.arrive $0xFFFF;
	s2 =	simm.s32 @!p0 $0x1C05  }
0x177: {  	[timem:s3], [sflag:s2] =	dma.local @!p0 [hbm:s0], s1  }
0x178: {  	s0 =	simm.s32 @!p0 $0x5  }
0x179: {  	_ =	swait.ge @!p0 [sflag:s0], s1  }
0x17a: {  	s1 =	ssub.s32 @!p0 $0x0, s1;
	[sflag:s0] =	ssyncset.done @!p0 $0x0  }
0x17b: {  	[sflag:s0] =	ssyncadd.s32 @!p0 s1  }
0x17c: {  	[bflag:$0x3] =	sbarrier.arrive $0xFFFF  }
0x17d: {  	_ =	shalt  }

// kernel: kernel.14.cloned.1.call-start
scs
__scs_entry_jumppad:
0x0: {  	(pc) =	sbr.rel $0x88, $3  }
0x1: {  	(tag) =	ssettag $0x0;
	lr =	simm.s32 $0x1  }
0x2: {  	[smem:$0x3F95] =	sst lr;
	_ =	strace $0xD0000000  }
0x3: {  	_ = 	snop  }
0x4: {  	_ = 	snop  }
0x5: {  	_ = 	snop  }
0x6: {  	_ = 	snop  }
0x7: {  	_ = 	snop  }
__scs_overlays_trampoline_lowered:
0x8: {  	[smem:$0x3FA4] =	sst s0  }
0x9: {  	[smem:$0x3FA5] =	sst s1  }
0xa: {  	[smem:$0x3FA6] =	sst s2  }
0xb: {  	[smem:$0x3FA7] =	sst s3  }
0xc: {  	[smem:$0x3FA8] =	sst s4  }
0xd: {  	[smem:$0x3FA9] =	sst s5  }
0xe: {  	[smem:$0x3FAA] =	sst s6  }
0xf: {  	[smem:$0x3FAB] =	sst s7  }
0x10: {  	[smem:$0x3FAC] =	sst s8  }
0x11: {  	[smem:$0x3FAD] =	sst s9;
	s0 =	simm.s32 @!p0 $0x0  }
0x12: {  	s1 =	sld [smem:$0x3F93];
	s0 =	simm.s32 @p0 $0x1  }
0x13: {  	[smem:$0x3FAE] =	sst s0;
	s0 =	simm.s32 @!p1 $0x0  }
0x14: {  	s2 =	sld [smem:$0x3F92];
	s0 =	simm.s32 @p1 $0x1  }
0x15: {  	[smem:$0x3FAF] =	sst s0;
	s0 =	simm.s32 @!p2 $0x0  }
0x16: {  	s3 =	sld [smem:$0x3FDB];
	s0 =	simm.s32 @p2 $0x1  }
0x17: {  	s4 =	simm.s32 $0x1BF5;
	[smem:$0x3FB1] =	sst s0  }
0x18: {  	s0 =	sld [smem:$0x3F94];
	_ =	swait.ge [sflag:s4], $0x0  }
0x19: {  	s7 =	sld [smem:$0x3F95]  }
0x1a: {  	s8 =	sadd.s32 $0xFFFFE003, lr  }
0x1b: {  	s9 =	sadd.s32 $0xFFFFFEF7, lr;
	s5 =	simm.s32 $0xFFFFFFFF;
	p2 =	slt.u32 s8, $0xFFFFF086  }
0x1c: {  	p1 =	slt.u32 s9, $0xF7A;
	s5 =	simm.s32 @!p2 $0x0  }
0x1d: {  	s5 =	simm.s32 @p1 $0x1;
	p0 =	seq.s32 s7, s2  }
0x1e: {  	s7 =	smul.u32 @!p0 $0xF7A, s2;
	p2 =	seq.s32 @!p0 s5, $0x0  }
0x1f: {  	s9 =	smul.u32 $0xF7A, s1;
	s8 =	simm.s32 @!p0 $0x1BF5;
	p2 =	por !p2, p0  }
0x20: {  	[sflag:s8] =	ssyncset.s32 @!p0 $0xFFFFF086;
	s6 =	sadd.s32 @!p0 s3, s7;
	s7 =	simm.s32 @!p0 $0x108  }
0x21: {  	s3 =	sadd.s32 s3, s9;
	s6 =	sadd.s32 @!p0 $0x88, s6;
	s7 =	simm.s32 @p2 $0x1082  }
0x22: {  	[simem:s7], [sflag:s8] =	dma.local @!p0 [hbm:s6], $0xF7A  }
0x23: {  	s9 =	sor.u32 $0xD0000000, s2;
	s6 =	simm.s32 $0x108;
	_ =	swait.ge @!p0 [sflag:s8], $0x0  }
0x24: {  	s3 =	sadd.s32 $0x88, s3;
	s6 =	simm.s32 @!p1 $0x1082;
	[sflag:s4] =	ssyncset.s32 $0xFFFFF086  }
0x25: {  	[simem:s6], [sflag:s4] =	dma.local [hbm:s3], $0xF7A  }
0x26: {  	[smem:$0x3F95] =	sst s1;
	(tag) =	ssettag s2;
	_ =	strace s9  }
0x27: {  	s1 =	sld [smem:$0x3FA5]  }
0x28: {  	s2 =	sld [smem:$0x3FA6]  }
0x29: {  	s4 =	sld [smem:$0x3FA8]  }
0x2a: {  	p0 =	seq.s32 s5, $0x0;
	s5 =	sld [smem:$0x3FA9]  }
0x2b: {  	s6 =	sld [smem:$0x3FAA]  }
0x2c: {  	s7 =	sld [smem:$0x3FAB]  }
0x2d: {  	s3 =	simm.s32 $0x108;
	s8 =	sld [smem:$0x3FAC]  }
0x2e: {  	s3 =	simm.s32 @!p0 $0x1082;
	s9 =	sld [smem:$0x3FAD]  }
0x2f: {  	lr =	sadd.s32 s0, s3;
	s0 =	sld [smem:$0x3FA4]  }
0x30: {  	s3 =	sld [smem:$0x3FA7]  }
0x31: {  	[smem:$0x3FB0] =	sst s10  }
0x32: {  	s10 =	sld [smem:$0x3FAE];
	_ =	sdelay $0x3  }
0x33: {  	p0 =	seq.s32 s10, $0x1;
	s10 =	sld [smem:$0x3FB0];
	_ =	sdelay $0x3  }
0x34: {  	[smem:$0x3FB0] =	sst s10  }
0x35: {  	s10 =	sld [smem:$0x3FAF];
	_ =	sdelay $0x3  }
0x36: {  	p1 =	seq.s32 s10, $0x1;
	s10 =	sld [smem:$0x3FB0];
	_ =	sdelay $0x3  }
0x37: {  	[smem:$0x3FB0] =	sst s10  }
0x38: {  	s10 =	sld [smem:$0x3FB1]  }
0x39: {  	_ = 	snop;
	(pc) =	sbr.ind lr, $3  }
0x3a: {  	_ = 	snop  }
0x3b: {  	_ = 	snop  }
0x3c: {  	p2 =	seq.s32 s10, $0x1;
	s10 =	sld [smem:$0x3FB0]  }
0x3d: {  	_ =	shalt  }
0x3e: {  	_ =	shalt  }
0x3f: {  	_ =	shalt  }
0x40: {  	_ =	shalt  }
0x41: {  	_ =	shalt  }
0x42: {  	_ =	shalt  }
0x43: {  	_ =	shalt  }
0x44: {  	_ =	shalt  }
0x45: {  	_ =	shalt  }
0x46: {  	_ =	shalt  }
0x47: {  	_ =	shalt  }
0x48: {  	_ =	shalt  }
0x49: {  	_ =	shalt  }
0x4a: {  	_ =	shalt  }
0x4b: {  	_ =	shalt  }
0x4c: {  	_ =	shalt  }
0x4d: {  	_ =	shalt  }
0x4e: {  	_ =	shalt  }
0x4f: {  	_ =	shalt  }
0x50: {  	_ =	shalt  }
0x51: {  	_ =	shalt  }
0x52: {  	_ =	shalt  }
0x53: {  	_ =	shalt  }
0x54: {  	_ =	shalt  }
0x55: {  	_ =	shalt  }
0x56: {  	_ =	shalt  }
0x57: {  	_ =	shalt  }
0x58: {  	_ =	shalt  }
0x59: {  	_ =	shalt  }
0x5a: {  	_ =	shalt  }
0x5b: {  	_ =	shalt  }
0x5c: {  	_ =	shalt  }
0x5d: {  	_ =	shalt  }
0x5e: {  	_ =	shalt  }
0x5f: {  	_ =	shalt  }
0x60: {  	_ =	shalt  }
0x61: {  	_ =	shalt  }
0x62: {  	_ =	shalt  }
0x63: {  	_ =	shalt  }
0x64: {  	_ =	shalt  }
0x65: {  	_ =	shalt  }
0x66: {  	_ =	shalt  }
0x67: {  	_ =	shalt  }
0x68: {  	_ =	shalt  }
0x69: {  	_ =	shalt  }
0x6a: {  	_ =	shalt  }
0x6b: {  	_ =	shalt  }
0x6c: {  	_ =	shalt  }
0x6d: {  	_ =	shalt  }
0x6e: {  	_ =	shalt  }
0x6f: {  	_ =	shalt  }
0x70: {  	_ =	shalt  }
0x71: {  	_ =	shalt  }
0x72: {  	_ =	shalt  }
0x73: {  	_ =	shalt  }
0x74: {  	_ =	shalt  }
0x75: {  	_ =	shalt  }
0x76: {  	_ =	shalt  }
0x77: {  	_ =	shalt  }
0x78: {  	_ =	shalt  }
0x79: {  	_ =	shalt  }
0x7a: {  	_ =	shalt  }
0x7b: {  	_ =	shalt  }
0x7c: {  	_ =	shalt  }
0x7d: {  	_ =	shalt  }
0x7e: {  	_ =	shalt  }
0x7f: {  	_ =	shalt  }
0x80: {  	_ =	shalt  }
0x81: {  	_ =	shalt  }
0x82: {  	_ =	shalt  }
0x83: {  	_ =	shalt  }
0x84: {  	_ =	shalt  }
0x85: {  	_ =	shalt  }
0x86: {  	_ =	shalt  }
0x87: {  	_ =	shalt  }
.Lfunc_end0:
.L_simem_size_0:
called_computation.2_lowered:
.L_overlay_start_0:
0x88: {  	s2 =	sld [smem:$0x3FD9]  }
0x89: {  	s3 =	sld [smem:$0x3FFE];
	_ =	sdelay $0x1  }
0x8a: {  	s1 =	srdreg.scid  }
0x8b: {  	s0 =	sand.u32 $0x1, s1  }
0x8c: {  	s16 =	sshll.u32 s0, $0xA;
	s2 =	sadd.s32 s3, s2  }
0x8d: {  	s2 =	sadd.s32 s2, s16  }
0x8e: {  	[smem:$0x3FBC] =	sst s2  }
0x8f: {  	_ = 	snop  }
0x90: {  	(tm) =	ssettm $0x1  }
0x91: {  	s17 =	sld [smem:$0x3FFB];
	_ =	sdelay $0x3  }
0x92: {  	_ =	strace s17  }
0x93: {  	s2 =	sld [smem:$0x3FFC];
	_ =	sdelay $0x3  }
0x94: {  	_ =	strace s2  }
0x95: {  	s2 =	sld [smem:$0x3FFD];
	_ =	sdelay $0x3  }
0x96: {  	_ =	strace s2  }
0x97: {  	_ =	strace $0x8FFFFFFF  }
0x98: {  	s18 =	sld [smem:$0x3FDB];
	_ =	sdelay $0x1  }
0x99: {  	s19 =	simm.s32 $_scs_section_size  }
0x9a: {  	s4 =	simm.s32 $_size__tile_overlayer_lowered;
	s5 =	simm.s32 $_tile_overlayer_lowered  }
0x9b: {  	s22 =	simm.s32 $0x1BFF;
	s21 =	sshll.u32 s5, $0x1;
	s2 =	sadd.s32 s19, s18  }
0x9c: {  	s6 =	simm.s32 $0x0;
	s20 =	sshll.u32 s4, $0x1;
	s4 =	sadd.s32 s21, s2  }
0x9d: {  	[timem:s6], [sflag:s22] =	dma.local [hbm:s4], s20  }
0x9e: {  	_ =	swait.ge [sflag:s22], s20  }
0x9f: {  	s3 =	ssub.s32 $0x0, s20;
	[sflag:s22] =	ssyncset.done $0x0  }
0xa0: {  	[sflag:s22] =	ssyncadd.s32 s3;
	_ =	sdelay $0x1  }
0xa1: {  	s23 =	simm.s32 $0x1B8B  }
0xa2: {  	_ =	swait.ge [sflag:s23], $0x1  }
0xa3: {  	[sflag:s23] =	ssyncset.done $0x0  }
0xa4: {  	s25 =	simm.s32 $0x1B8E;
	s24 =	sld [smem:$0x3FFE];
	[sflag:s23] =	ssyncadd.s32 $0xFFFFFFFF  }
0xa5: {  	s26 =	simm.s32 $execute0_lowered;
	[smem:$0x3FD2] =	sst s25  }
0xa6: {  	s4 =	sshll.u32 s26, $0x1;
	_ =	strace $0x8000004C;
	[dreg:$0x1] =	wrdreg $0xFFFFFFFF  }
0xa7: {  	s28 =	simm.s32 $_size_execute0_lowered;
	s2 =	sadd.s32 s2, s4;
	[dreg:$0x0] =	wrdreg $0x0  }
0xa8: {  	s4 =	sshll.u32 s28, $0x1;
	[dreg:$0x2] =	wrdreg s2  }
0xa9: {  	[dreg:$0x3] =	wrdreg s4  }
0xaa: {  	[dreg:$0x4] =	wrdreg $0xC0  }
0xab: {  	_ =	task [dreg:s6], $0x5FFFF  }
0xac: {  	[dreg:$0x1] =	wrdreg $0xFFFFFFFF  }
0xad: {  	[dreg:$0x0] =	wrdreg $0x60  }
0xae: {  	[dreg:$0x2] =	wrdreg s24  }
0xaf: {  	[dreg:$0x3] =	wrdreg $0xA8000  }
0xb0: {  	[dreg:$0x4] =	wrdreg $0x9  }
0xb1: {  	_ =	task.clear_ibuf [dreg:s6], $0x5FFFF;
	_ =	strace $0x9000004C  }
0xb2: {  	s29 =	simm.s32 $0x9;
	_ =	strace $0x8000004E  }
0xb3: {  	_ =	swait.ge [sflag:s29], $0x1  }
0xb4: {  	[sflag:s29] =	ssyncadd.s32 $0xFFFFFFFF  }
0xb5: {  	_ =	strace $0x9000004E  }
0xb6: {  	_ =	sfence  }
0xb7: {  	s30 =	sld [smem:$0x0];
	_ =	sdelay $0x2  }
0xb8: {  	s31 =	sshll.u32 s1, $0xD;
	s1 =	sshrl.u32 s1, $0x2  }
0xb9: {  	s3 =	sand.u32 $0x4000, s31;
	s1 =	sadd.s32 s1, s30  }
0xba: {  	s0 =	sor.u32 s3, s0;
	s1 =	sshll.u32 s1, $0x11  }
0xbb: {  	s0 =	sor.u32 s1, s0  }
0xbc: {  	s0 =	sadd.s32 $0x8F2B, s0  }
0xbd: {  	[sflag:s0] =	ssyncadd.remote.s32 $0x1  }
0xbe: {  	_ =	sfence.sel $0xFFFF  }
0xbf: {  	[dreg:$0x0] =	wrdreg $0xFFFFFFFF;
	(pc) =	sbr.abs _section_cstart, $3  }
0xc0: {  	[dreg:$0x1] =	wrdreg $0xFFFFFFFF  }
0xc1: {  	_ =	task.clear_ibuf [dreg:s6], $0x2FFFF;
	_ =	strace $0x9FFFFFFF  }
0xc2: {  	(tm) =	ssettm $0x7FFFFFFF  }
0xc3: {  	_ =	shalt  }
tec
execute0_lowered:
.L_overlay_start_1:
0x0: {  	(tag) =	ssettag $0x1  }
0x1: {  	s0 =	rddreg [dreg:$0x0]  }
0x2: {  	s1 =	rddreg [dreg:$0x1]  }
0x3: {  	s3 =	simm.s32 $0x0;
	s2 =	srdreg.scid;
	s10 =	stileid.u32  }
0x4: {  	s16 =	simm.s32 $0x2800;
	s17 =	simm.s32 $0x5;
	s18 =	simm.s32 $0x1400  }
0x5: {  	s19 =	simm.s32 $0x80;
	s20 =	simm.s32 $0x6800;
	s21 =	simm.s32 $0x1  }
0x6: {  	s22 =	simm.s32 $0x3;
	s28 =	simm.s32 $0x1380;
	s6 =	smul.u32 $0x14000, s10  }
0x7: {  	s29 =	simm.s32 $0x2700;
	s30 =	simm.s32 $0x2780;
	s23 =	smul.u32 $0x2800, s10  }
0x8: {  	s31 =	simm.s32 $0x0;
	s2 =	sand.u32 $0x1, s2;
	s10 =	smul.u32 $0x50000, s10  }
0x9: {  	[smem:$0x7FF] =	sst s3;
	s4 =	sadd.s32 $0x17800, s0;
	s5 =	smul.u32 $0x140000, s2  }
0xa: {  	s8 =	sadd.s32 $0x3800, s0;
	s7 =	smul.u32 $0x28000, s2;
	s2 =	ssub.s32 $0x2, s2  }
0xb: {  	s9 =	sadd.s32 $0xD800, s0;
	_ =	strace $0x8000004D;
	s24 =	sshrl.u32 s2, $0x1  }
0xc: {  	s25 =	sshrl.u32 s10, $0x2;
	s5 =	sadd.s32 s6, s5;
	s6 =	sadd.s32 s23, s7  }
0xd: {  	s2 =	ssub.s32 s2, s24;
	s23 =	simm.s32 $0x100;
	s24 =	simm.s32 $0x2  }
0xe: {  	s5 =	sshrl.u32 s5, $0x3;
	s7 =	sshrl.u32 s6, $0x3;
	s11 =	smax.u32 s2, $0x1  }
0xf: {  	s0 =	sadd.s32 s5, s0;
	s5 =	sadd.s32 s25, s1;
	s6 =	sadd.s32 s8, s7  }
0x10: {  	s26 =	sadd.s32 $0x280, s7;
	s7 =	sadd.s32 s9, s7;
	s25 =	simm.s32 $0x1480  }
0x11: {  	[dreg:$0x3] =	wrdreg s6;
	s8 =	sadd.s32 s8, s26;
	s9 =	sadd.s32 s9, s26  }
0x12: {  	s10 =	sadd.s32 $0x3F800, s0;
	s12 =	sadd.s32 $0x4000, s5;
	s13 =	sadd.s32 $0x8000, s5  }
0x13: {  	v0 =	vimm.f32 $0.0e+00;
	s14 =	sadd.s32 $0xC000, s5;
	s15 =	sadd.s32 $0x10000, s5;
	s26 =	simm.s32 $0x4  }
.LBB2_1:
0x14: {  	s0 =	simm.s32 $0x0;
	s2 =	simm.s32 $0x200  }
.LBB2_2:
0x15: {  	p0 =	sne.s32 s2, $0xFE00;
	[tilespmem:s0+$0x2870] =	vst v0  }
0x16: {  	[tilespmem:s0+$0x2800] =	vst v0  }
0x17: {  	[tilespmem:s0+$0x2810] =	vst v0  }
.Ltmp0:
0x18: {  	[tilespmem:s0+$0x2820] =	vst v0;
	(pc) =	sbr.rel @p0 .LBB2_2-.Ltmp0, $4  }
0x19: {  	[tilespmem:s0+$0x2830] =	vst v0  }
0x1a: {  	[tilespmem:s0+$0x2840] =	vst v0  }
0x1b: {  	[tilespmem:s0+$0x2850] =	vst v0  }
0x1c: {  	[tilespmem:s0+$0x2860] =	vst v0;
	s0 =	sshra.s32 s2, $0x2;
	s2 =	sadd.s32 $0x200, s2  }
0x1d: {  	[tilespmem:s0+$0x2870] =	vst v0  }
0x1e: {  	[tilespmem:s0+$0x2800] =	vst v0  }
0x1f: {  	[tilespmem:s0+$0x2810] =	vst v0  }
0x20: {  	[tilespmem:s0+$0x2820] =	vst v0  }
0x21: {  	[tilespmem:s0+$0x2830] =	vst v0  }
0x22: {  	[tilespmem:s0+$0x2840] =	vst v0  }
0x23: {  	[tilespmem:s0+$0x2850] =	vst v0  }
0x24: {  	[tilespmem:s0+$0x2860] =	vst v0  }
0x25: {  	[spmem:s5] =	stream.linear.scatter [tilespmem:s16], [sflag:$0x5], $0x4000, $0x38;
	[tilespmem:$0x1E800] =	vst v63  }
0x26: {  	_ =	swait.ge [sflag:s17], $0x4000  }
0x27: {  	[sflag:s17] =	ssyncset.done $0x0  }
0x28: {  	[sflag:s17] =	ssyncadd.s32 $0xFFFFC000  }
0x29: {  	[spmem:s12] =	stream.linear.scatter [tilespmem:s16], [sflag:$0x5], $0x4000, $0x38;
	[tilespmem:$0x1E800] =	vst v63  }
0x2a: {  	_ =	swait.ge [sflag:s17], $0x4000  }
0x2b: {  	[sflag:s17] =	ssyncset.done $0x0  }
0x2c: {  	[sflag:s17] =	ssyncadd.s32 $0xFFFFC000  }
0x2d: {  	[spmem:s13] =	stream.linear.scatter [tilespmem:s16], [sflag:$0x5], $0x4000, $0x38;
	[tilespmem:$0x1E800] =	vst v63  }
0x2e: {  	_ =	swait.ge [sflag:s17], $0x4000  }
0x2f: {  	[sflag:s17] =	ssyncset.done $0x0  }
0x30: {  	[sflag:s17] =	ssyncadd.s32 $0xFFFFC000  }
0x31: {  	[spmem:s14] =	stream.linear.scatter [tilespmem:s16], [sflag:$0x5], $0x4000, $0x38;
	[tilespmem:$0x1E800] =	vst v63  }
0x32: {  	_ =	swait.ge [sflag:s17], $0x4000  }
0x33: {  	[sflag:s17] =	ssyncset.done $0x0  }
0x34: {  	[sflag:s17] =	ssyncadd.s32 $0xFFFFC000  }
0x35: {  	[spmem:s15] =	stream.linear.scatter [tilespmem:s16], [sflag:$0x5], $0x4000, $0x38;
	[tilespmem:$0x1E800] =	vst v63  }
0x36: {  	_ =	swait.ge [sflag:s17], $0x4000  }
0x37: {  	[sflag:s17] =	ssyncset.done $0x0  }
0x38: {  	[sflag:s17] =	ssyncadd.s32 $0xFFFFC000  }
0x39: {  	[bflag:$0x0] =	sbarrier.arrive $0xFFFF  }
0x3a: {  	s2 =	rddreg [dreg:$0x3]  }
0x3b: {  	[tilespmem:s3], [sflag:$0x5] =	stream.linear.gather [hbm4b:s2+s3], $0x1400, $0x38;
	[tilespmem:$0x1E800] =	vst v63  }
0x3c: {  	_ =	swait.ge [sflag:s17], $0x1400  }
0x3d: {  	[sflag:s17] =	ssyncset.done $0x0  }
0x3e: {  	[sflag:s17] =	ssyncadd.s32 $0xFFFFEC00  }
0x3f: {  	[tilespmem:s18], [sflag:$0x5] =	stream.linear.gather [hbm4b:s7+s3], $0x1400, $0x38;
	[tilespmem:$0x1E800] =	vst v63  }
0x40: {  	_ =	swait.ge [sflag:s17], $0x1400  }
0x41: {  	[sflag:s17] =	ssyncset.done $0x0  }
0x42: {  	[sflag:s17] =	ssyncadd.s32 $0xFFFFEC00  }
0x43: {  	[tilespmem:s16], [sflag:$0x1] =	stream.indirect.gather [hbm4b:s4+s19], $0x80, s3, s19, $0xb8;
	[tilespmem:$0x1E800] =	vst v63  }
0x44: {  	_ = 	snop  }
0x45: {  	[tilespmem:s20], [sflag:$0x2] =	stream.indirect.gather [hbm4b:s4+s19], $0x80, s19, s19, $0xb8;
	[tilespmem:$0x1E800] =	vst v63  }
0x46: {  	_ =	swait.ge [sflag:s21], $0x4000  }
0x47: {  	[sflag:s21] =	ssyncset.done $0x0  }
0x48: {  	[sflag:s21] =	ssyncadd.s32 $0xFFFFC000  }
0x49: {  	[spmem:s1] =	stream.indirect.scatter.add.f32 [tilespmem:s16], [sflag:$0x3], $0x80, s18, s19, $0xb8;
	[tilespmem:$0x1E800] =	vst v63  }
0x4a: {  	_ =	swait.ge [sflag:s22], $0x4000  }
0x4b: {  	[sflag:s22] =	ssyncset.done $0x0  }
0x4c: {  	[sflag:s22] =	ssyncadd.s32 $0xFFFFC000  }
0x4d: {  	[tilespmem:s16], [sflag:$0x1] =	stream.indirect.gather [hbm4b:s4+s19], $0x80, s23, s19, $0xb8;
	[tilespmem:$0x1E800] =	vst v63  }
0x4e: {  	_ =	swait.ge [sflag:s24], $0x4000  }
0x4f: {  	[sflag:s24] =	ssyncset.done $0x0  }
0x50: {  	[sflag:s24] =	ssyncadd.s32 $0xFFFFC000  }
0x51: {  	[spmem:s1] =	stream.indirect.scatter.add.f32 [tilespmem:s20], [sflag:$0x4], $0x80, s25, s19, $0xb8;
	[tilespmem:$0x1E800] =	vst v63  }
0x52: {  	_ =	swait.ge [sflag:s26], $0x4000  }
0x53: {  	[sflag:s26] =	ssyncset.done $0x0  }
0x54: {  	s6 =	simm.s32 $0x180;
	[sflag:s26] =	ssyncadd.s32 $0xFFFFC000  }
0x55: {  	[tilespmem:s20], [sflag:$0x2] =	stream.indirect.gather [hbm4b:s4+s19], $0x80, s6, s19, $0xb8;
	[tilespmem:$0x1E800] =	vst v63  }
0x56: {  	_ =	swait.ge [sflag:s21], $0x4000  }
0x57: {  	[sflag:s21] =	ssyncset.done $0x0  }
0x58: {  	s2 =	simm.s32 $0x1500;
	[sflag:s21] =	ssyncadd.s32 $0xFFFFC000  }
0x59: {  	[spmem:s1] =	stream.indirect.scatter.add.f32 [tilespmem:s16], [sflag:$0x3], $0x80, s2, s19, $0xb8;
	[tilespmem:$0x1E800] =	vst v63  }
0x5a: {  	_ =	swait.ge [sflag:s22], $0x4000  }
0x5b: {  	[sflag:s22] =	ssyncset.done $0x0  }
0x5c: {  	s6 =	simm.s32 $0x200;
	[sflag:s22] =	ssyncadd.s32 $0xFFFFC000  }
0x5d: {  	[tilespmem:s16], [sflag:$0x1] =	stream.indirect.gather [hbm4b:s4+s19], $0x80, s6, s19, $0xb8;
	[tilespmem:$0x1E800] =	vst v63  }
0x5e: {  	_ =	swait.ge [sflag:s24], $0x4000  }
0x5f: {  	[sflag:s24] =	ssyncset.done $0x0  }
0x60: {  	s0 =	simm.s32 $0xFFFFBC00;
	s2 =	simm.s32 $0x1580;
	[sflag:s24] =	ssyncadd.s32 $0xFFFFC000  }
.LBB2_4:
0x61: {  	[spmem:s1] =	stream.indirect.scatter.add.f32 [tilespmem:s20], [sflag:$0x4], $0x80, s2, s19, $0xb8;
	[tilespmem:$0x1E800] =	vst v63  }
0x62: {  	s2 =	smov.u32 s0  }
0x63: {  	p0 =	sne.s32 s0, $0xFFFFFC00;
	s0 =	sadd.s32 $0x400, s0;
	_ =	swait.ge [sflag:s26], $0x4000  }
0x64: {  	s2 =	sshra.s32 s2, $0x2;
	[sflag:s26] =	ssyncset.done $0x0  }
0x65: {  	s6 =	sadd.s32 $0x1380, s2;
	[sflag:s26] =	ssyncadd.s32 $0xFFFFC000  }
0x66: {  	[tilespmem:s20], [sflag:$0x2] =	stream.indirect.gather [hbm4b:s4+s19], $0x80, s6, s19, $0xb8;
	[tilespmem:$0x1E800] =	vst v63  }
0x67: {  	_ =	swait.ge [sflag:s21], $0x4000  }
0x68: {  	[sflag:s21] =	ssyncset.done $0x0  }
0x69: {  	s6 =	sadd.s32 $0x2700, s2;
	[sflag:s21] =	ssyncadd.s32 $0xFFFFC000  }
0x6a: {  	[spmem:s1] =	stream.indirect.scatter.add.f32 [tilespmem:s16], [sflag:$0x3], $0x80, s6, s19, $0xb8;
	[tilespmem:$0x1E800] =	vst v63  }
0x6b: {  	_ =	swait.ge [sflag:s22], $0x4000  }
0x6c: {  	[sflag:s22] =	ssyncset.done $0x0  }
.Ltmp1:
0x6d: {  	s6 =	sadd.s32 $0x1400, s2;
	[sflag:s22] =	ssyncadd.s32 $0xFFFFC000;
	(pc) =	sbr.rel @p0 .LBB2_4-.Ltmp1, $4  }
0x6e: {  	[tilespmem:s16], [sflag:$0x1] =	stream.indirect.gather [hbm4b:s4+s19], $0x80, s6, s19, $0xb8;
	[tilespmem:$0x1E800] =	vst v63  }
0x6f: {  	_ =	swait.ge [sflag:s24], $0x4000  }
0x70: {  	[sflag:s24] =	ssyncset.done $0x0  }
0x71: {  	s2 =	sadd.s32 $0x2780, s2;
	[sflag:s24] =	ssyncadd.s32 $0xFFFFC000  }
0x72: {  	[spmem:s1] =	stream.indirect.scatter.add.f32 [tilespmem:s20], [sflag:$0x4], $0x80, s2, s19, $0xb8;
	[tilespmem:$0x1E800] =	vst v63  }
0x73: {  	_ =	swait.ge [sflag:s26], $0x4000  }
0x74: {  	[sflag:s26] =	ssyncset.done $0x0  }
0x75: {  	[sflag:s26] =	ssyncadd.s32 $0xFFFFC000  }
0x76: {  	[tilespmem:s20], [sflag:$0x2] =	stream.indirect.gather [hbm4b:s4+s19], $0x80, s28, s19, $0xb8;
	[tilespmem:$0x1E800] =	vst v63  }
0x77: {  	_ =	swait.ge [sflag:s21], $0x4000  }
0x78: {  	[sflag:s21] =	ssyncset.done $0x0  }
0x79: {  	[sflag:s21] =	ssyncadd.s32 $0xFFFFC000  }
0x7a: {  	[spmem:s1] =	stream.indirect.scatter.add.f32 [tilespmem:s16], [sflag:$0x3], $0x80, s29, s19, $0xb8;
	[tilespmem:$0x1E800] =	vst v63  }
0x7b: {  	_ =	swait.ge [sflag:s22], $0x4000  }
0x7c: {  	[sflag:s22] =	ssyncset.done $0x0  }
0x7d: {  	[sflag:s22] =	ssyncadd.s32 $0xFFFFC000  }
0x7e: {  	_ =	swait.ge [sflag:s24], $0x4000  }
0x7f: {  	[sflag:s24] =	ssyncset.done $0x0  }
0x80: {  	[sflag:s24] =	ssyncadd.s32 $0xFFFFC000  }
0x81: {  	[spmem:s1] =	stream.indirect.scatter.add.f32 [tilespmem:s20], [sflag:$0x4], $0x80, s30, s19, $0xb8;
	[tilespmem:$0x1E800] =	vst v63  }
0x82: {  	_ =	swait.ge [sflag:s26], $0x4000  }
0x83: {  	[sflag:s26] =	ssyncset.done $0x0  }
0x84: {  	[sflag:s26] =	ssyncadd.s32 $0xFFFFC000  }
0x85: {  	[tilespmem:s3], [sflag:$0x5] =	stream.linear.gather [hbm4b:s8+s3], $0x1400, $0x38;
	[tilespmem:$0x1E800] =	vst v63  }
0x86: {  	_ =	swait.ge [sflag:s17], $0x1400  }
0x87: {  	[sflag:s17] =	ssyncset.done $0x0  }
0x88: {  	[sflag:s17] =	ssyncadd.s32 $0xFFFFEC00  }
0x89: {  	[tilespmem:s18], [sflag:$0x5] =	stream.linear.gather [hbm4b:s9+s3], $0x1400, $0x38;
	[tilespmem:$0x1E800] =	vst v63  }
0x8a: {  	_ =	swait.ge [sflag:s17], $0x1400  }
0x8b: {  	[sflag:s17] =	ssyncset.done $0x0  }
0x8c: {  	[sflag:s17] =	ssyncadd.s32 $0xFFFFEC00  }
0x8d: {  	[tilespmem:s16], [sflag:$0x1] =	stream.indirect.gather [hbm4b:s4+s19], $0x80, s3, s19, $0xb8;
	[tilespmem:$0x1E800] =	vst v63  }
0x8e: {  	_ = 	snop  }
0x8f: {  	[tilespmem:s20], [sflag:$0x2] =	stream.indirect.gather [hbm4b:s4+s19], $0x80, s19, s19, $0xb8;
	[tilespmem:$0x1E800] =	vst v63  }
0x90: {  	_ =	swait.ge [sflag:s21], $0x4000  }
0x91: {  	[sflag:s21] =	ssyncset.done $0x0  }
0x92: {  	[sflag:s21] =	ssyncadd.s32 $0xFFFFC000  }
0x93: {  	[spmem:s1] =	stream.indirect.scatter.add.f32 [tilespmem:s16], [sflag:$0x3], $0x80, s18, s19, $0xb8;
	[tilespmem:$0x1E800] =	vst v63  }
0x94: {  	_ =	swait.ge [sflag:s22], $0x4000  }
0x95: {  	[sflag:s22] =	ssyncset.done $0x0  }
0x96: {  	[sflag:s22] =	ssyncadd.s32 $0xFFFFC000  }
0x97: {  	[tilespmem:s16], [sflag:$0x1] =	stream.indirect.gather [hbm4b:s4+s19], $0x80, s23, s19, $0xb8;
	[tilespmem:$0x1E800] =	vst v63  }
0x98: {  	_ =	swait.ge [sflag:s24], $0x4000  }
0x99: {  	[sflag:s24] =	ssyncset.done $0x0  }
0x9a: {  	[sflag:s24] =	ssyncadd.s32 $0xFFFFC000  }
0x9b: {  	[spmem:s1] =	stream.indirect.scatter.add.f32 [tilespmem:s20], [sflag:$0x4], $0x80, s25, s19, $0xb8;
	[tilespmem:$0x1E800] =	vst v63  }
0x9c: {  	_ =	swait.ge [sflag:s26], $0x4000  }
0x9d: {  	[sflag:s26] =	ssyncset.done $0x0  }
0x9e: {  	s0 =	simm.s32 $0x180;
	[sflag:s26] =	ssyncadd.s32 $0xFFFFC000  }
0x9f: {  	[tilespmem:s20], [sflag:$0x2] =	stream.indirect.gather [hbm4b:s4+s19], $0x80, s0, s19, $0xb8;
	[tilespmem:$0x1E800] =	vst v63  }
0xa0: {  	_ =	swait.ge [sflag:s21], $0x4000  }
0xa1: {  	[sflag:s21] =	ssyncset.done $0x0  }
0xa2: {  	s2 =	simm.s32 $0x1500;
	[sflag:s21] =	ssyncadd.s32 $0xFFFFC000  }
0xa3: {  	[spmem:s1] =	stream.indirect.scatter.add.f32 [tilespmem:s16], [sflag:$0x3], $0x80, s2, s19, $0xb8;
	[tilespmem:$0x1E800] =	vst v63  }
0xa4: {  	_ =	swait.ge [sflag:s22], $0x4000  }
0xa5: {  	[sflag:s22] =	ssyncset.done $0x0  }
0xa6: {  	s6 =	simm.s32 $0x200;
	[sflag:s22] =	ssyncadd.s32 $0xFFFFC000  }
0xa7: {  	[tilespmem:s16], [sflag:$0x1] =	stream.indirect.gather [hbm4b:s4+s19], $0x80, s6, s19, $0xb8;
	[tilespmem:$0x1E800] =	vst v63  }
0xa8: {  	_ =	swait.ge [sflag:s24], $0x4000  }
0xa9: {  	[sflag:s24] =	ssyncset.done $0x0  }
0xaa: {  	s0 =	simm.s32 $0xFFFFBC00;
	s2 =	simm.s32 $0x1580;
	[sflag:s24] =	ssyncadd.s32 $0xFFFFC000  }
.LBB2_6:
0xab: {  	[spmem:s1] =	stream.indirect.scatter.add.f32 [tilespmem:s20], [sflag:$0x4], $0x80, s2, s19, $0xb8;
	[tilespmem:$0x1E800] =	vst v63  }
0xac: {  	s2 =	smov.u32 s0  }
0xad: {  	p0 =	sne.s32 s0, $0xFFFFFC00;
	s0 =	sadd.s32 $0x400, s0;
	_ =	swait.ge [sflag:s26], $0x4000  }
0xae: {  	s2 =	sshra.s32 s2, $0x2;
	[sflag:s26] =	ssyncset.done $0x0  }
0xaf: {  	s6 =	sadd.s32 $0x1380, s2;
	[sflag:s26] =	ssyncadd.s32 $0xFFFFC000  }
0xb0: {  	[tilespmem:s20], [sflag:$0x2] =	stream.indirect.gather [hbm4b:s4+s19], $0x80, s6, s19, $0xb8;
	[tilespmem:$0x1E800] =	vst v63  }
0xb1: {  	_ =	swait.ge [sflag:s21], $0x4000  }
0xb2: {  	[sflag:s21] =	ssyncset.done $0x0  }
0xb3: {  	s6 =	sadd.s32 $0x2700, s2;
	[sflag:s21] =	ssyncadd.s32 $0xFFFFC000  }
0xb4: {  	[spmem:s1] =	stream.indirect.scatter.add.f32 [tilespmem:s16], [sflag:$0x3], $0x80, s6, s19, $0xb8;
	[tilespmem:$0x1E800] =	vst v63  }
0xb5: {  	_ =	swait.ge [sflag:s22], $0x4000  }
0xb6: {  	[sflag:s22] =	ssyncset.done $0x0  }
.Ltmp2:
0xb7: {  	s6 =	sadd.s32 $0x1400, s2;
	[sflag:s22] =	ssyncadd.s32 $0xFFFFC000;
	(pc) =	sbr.rel @p0 .LBB2_6-.Ltmp2, $4  }
0xb8: {  	[tilespmem:s16], [sflag:$0x1] =	stream.indirect.gather [hbm4b:s4+s19], $0x80, s6, s19, $0xb8;
	[tilespmem:$0x1E800] =	vst v63  }
0xb9: {  	_ =	swait.ge [sflag:s24], $0x4000  }
0xba: {  	[sflag:s24] =	ssyncset.done $0x0  }
0xbb: {  	s2 =	sadd.s32 $0x2780, s2;
	[sflag:s24] =	ssyncadd.s32 $0xFFFFC000  }
0xbc: {  	[spmem:s1] =	stream.indirect.scatter.add.f32 [tilespmem:s20], [sflag:$0x4], $0x80, s2, s19, $0xb8;
	[tilespmem:$0x1E800] =	vst v63  }
0xbd: {  	_ =	swait.ge [sflag:s26], $0x4000  }
0xbe: {  	[sflag:s26] =	ssyncset.done $0x0  }
0xbf: {  	[sflag:s26] =	ssyncadd.s32 $0xFFFFC000  }
0xc0: {  	[tilespmem:s20], [sflag:$0x2] =	stream.indirect.gather [hbm4b:s4+s19], $0x80, s28, s19, $0xb8;
	[tilespmem:$0x1E800] =	vst v63  }
0xc1: {  	_ =	swait.ge [sflag:s21], $0x4000  }
0xc2: {  	[sflag:s21] =	ssyncset.done $0x0  }
0xc3: {  	[sflag:s21] =	ssyncadd.s32 $0xFFFFC000  }
0xc4: {  	[spmem:s1] =	stream.indirect.scatter.add.f32 [tilespmem:s16], [sflag:$0x3], $0x80, s29, s19, $0xb8;
	[tilespmem:$0x1E800] =	vst v63  }
0xc5: {  	_ =	swait.ge [sflag:s22], $0x4000  }
0xc6: {  	[sflag:s22] =	ssyncset.done $0x0  }
0xc7: {  	[sflag:s22] =	ssyncadd.s32 $0xFFFFC000  }
0xc8: {  	_ =	swait.ge [sflag:s24], $0x4000  }
0xc9: {  	[sflag:s24] =	ssyncset.done $0x0  }
0xca: {  	[sflag:s24] =	ssyncadd.s32 $0xFFFFC000  }
0xcb: {  	[spmem:s1] =	stream.indirect.scatter.add.f32 [tilespmem:s20], [sflag:$0x4], $0x80, s30, s19, $0xb8;
	[tilespmem:$0x1E800] =	vst v63  }
0xcc: {  	s0 =	stileid.u32;
	_ =	swait.ge [sflag:s26], $0x4000  }
0xcd: {  	s6 =	sshrl.u32 s5, $0x3;
	s31 =	sadd.s32 $0x1, s31;
	[sflag:s26] =	ssyncset.done $0x0  }
0xce: {  	s0 =	sshll.u32 s0, $0x6;
	p0 =	sne.s32 s31, s11;
	[sflag:s26] =	ssyncadd.s32 $0xFFFFC000  }
.Ltmp3:
0xcf: {  	s0 =	sor.u32 $0x1C05, s0;
	[bflag:$0x0] =	sbarrier.arrive $0xFFFF;
	(pc) =	sbr.rel @p0 .LBB2_1-.Ltmp3, $4  }
0xd0: {  	[hbm:s10], [sflag:s0] =	dma.local [spmem:s6], $0x2800  }
0xd1: {  	_ =	swait.ge [sflag:s17], $0x2800  }
0xd2: {  	[sflag:s17] =	ssyncset.done $0x0  }
0xd3: {  	[sflag:s17] =	ssyncadd.s32 $0xFFFFD800  }
0xd4: {  	_ =	sfence.sel $0x180000  }
0xd5: {  	[bflag:$0x0] =	sbarrier.arrive $0xFFFF  }
0xd6: {  	_ =	strace $0x9000004D  }
0xd7: {  	s0 =	stileid.u32;
	[bflag:$0x2] =	sbarrier.arrive $0xFFFF  }
0xd8: {  	p0 =	sne.s32 s0, $0x0;
	s0 =	rddreg [dreg:$0x2]  }
0xd9: {  	s0 =	sadd.s32 @!p0 $0x100000, s0  }
0xda: {  	[sflag:s0] =	ssyncadd.tile.s32 @!p0 $0x1;
	_ =	shalt  }
.Lfunc_end2:
_tile_overlayer_lowered:
.L_overlay_start_2:
0xdb: {  	(tag) =	ssettag $0x2  }
0xdc: {  	s0 =	rddreg [dreg:$0x0];
	s2 =	stileid.u32  }
0xdd: {  	s1 =	rddreg [dreg:$0x1];
	p0 =	sne.s32 s2, $0x0  }
0xde: {  	s3 =	rddreg [dreg:$0x2];
	[bflag:$0x3] =	sbarrier.arrive $0xFFFF;
	s2 =	simm.s32 @!p0 $0x1C05  }
0xdf: {  	[timem:s3], [sflag:s2] =	dma.local @!p0 [hbm:s0], s1  }
0xe0: {  	s0 =	simm.s32 @!p0 $0x5  }
0xe1: {  	_ =	swait.ge @!p0 [sflag:s0], s1  }
0xe2: {  	s1 =	ssub.s32 @!p0 $0x0, s1;
	[sflag:s0] =	ssyncset.done @!p0 $0x0  }
0xe3: {  	[sflag:s0] =	ssyncadd.s32 @!p0 s1  }
0xe4: {  	[bflag:$0x3] =	sbarrier.arrive $0xFFFF  }
0xe5: {  	_ =	shalt  }

// kernel: kernel.8.cloned.1.call-start
scs
__scs_entry_jumppad:
0x0: {  	(pc) =	sbr.rel $0x88, $3  }
0x1: {  	(tag) =	ssettag $0x0;
	lr =	simm.s32 $0x1  }
0x2: {  	[smem:$0x3F95] =	sst lr;
	_ =	strace $0xD0000000  }
0x3: {  	_ = 	snop  }
0x4: {  	_ = 	snop  }
0x5: {  	_ = 	snop  }
0x6: {  	_ = 	snop  }
0x7: {  	_ = 	snop  }
__scs_overlays_trampoline_lowered:
0x8: {  	[smem:$0x3FA4] =	sst s0  }
0x9: {  	[smem:$0x3FA5] =	sst s1  }
0xa: {  	[smem:$0x3FA6] =	sst s2  }
0xb: {  	[smem:$0x3FA7] =	sst s3  }
0xc: {  	[smem:$0x3FA8] =	sst s4  }
0xd: {  	[smem:$0x3FA9] =	sst s5  }
0xe: {  	[smem:$0x3FAA] =	sst s6  }
0xf: {  	[smem:$0x3FAB] =	sst s7  }
0x10: {  	[smem:$0x3FAC] =	sst s8  }
0x11: {  	[smem:$0x3FAD] =	sst s9;
	s0 =	simm.s32 @!p0 $0x0  }
0x12: {  	s1 =	sld [smem:$0x3F93];
	s0 =	simm.s32 @p0 $0x1  }
0x13: {  	[smem:$0x3FAE] =	sst s0;
	s0 =	simm.s32 @!p1 $0x0  }
0x14: {  	s2 =	sld [smem:$0x3F92];
	s0 =	simm.s32 @p1 $0x1  }
0x15: {  	[smem:$0x3FAF] =	sst s0;
	s0 =	simm.s32 @!p2 $0x0  }
0x16: {  	s3 =	sld [smem:$0x3FDB];
	s0 =	simm.s32 @p2 $0x1  }
0x17: {  	s4 =	simm.s32 $0x1BF5;
	[smem:$0x3FB1] =	sst s0  }
0x18: {  	s0 =	sld [smem:$0x3F94];
	_ =	swait.ge [sflag:s4], $0x0  }
0x19: {  	s7 =	sld [smem:$0x3F95]  }
0x1a: {  	s8 =	sadd.s32 $0xFFFFE003, lr  }
0x1b: {  	s9 =	sadd.s32 $0xFFFFFEF7, lr;
	s5 =	simm.s32 $0xFFFFFFFF;
	p2 =	slt.u32 s8, $0xFFFFF086  }
0x1c: {  	p1 =	slt.u32 s9, $0xF7A;
	s5 =	simm.s32 @!p2 $0x0  }
0x1d: {  	s5 =	simm.s32 @p1 $0x1;
	p0 =	seq.s32 s7, s2  }
0x1e: {  	s7 =	smul.u32 @!p0 $0xF7A, s2;
	p2 =	seq.s32 @!p0 s5, $0x0  }
0x1f: {  	s9 =	smul.u32 $0xF7A, s1;
	s8 =	simm.s32 @!p0 $0x1BF5;
	p2 =	por !p2, p0  }
0x20: {  	[sflag:s8] =	ssyncset.s32 @!p0 $0xFFFFF086;
	s6 =	sadd.s32 @!p0 s3, s7;
	s7 =	simm.s32 @!p0 $0x108  }
0x21: {  	s3 =	sadd.s32 s3, s9;
	s6 =	sadd.s32 @!p0 $0x88, s6;
	s7 =	simm.s32 @p2 $0x1082  }
0x22: {  	[simem:s7], [sflag:s8] =	dma.local @!p0 [hbm:s6], $0xF7A  }
0x23: {  	s9 =	sor.u32 $0xD0000000, s2;
	s6 =	simm.s32 $0x108;
	_ =	swait.ge @!p0 [sflag:s8], $0x0  }
0x24: {  	s3 =	sadd.s32 $0x88, s3;
	s6 =	simm.s32 @!p1 $0x1082;
	[sflag:s4] =	ssyncset.s32 $0xFFFFF086  }
0x25: {  	[simem:s6], [sflag:s4] =	dma.local [hbm:s3], $0xF7A  }
0x26: {  	[smem:$0x3F95] =	sst s1;
	(tag) =	ssettag s2;
	_ =	strace s9  }
0x27: {  	s1 =	sld [smem:$0x3FA5]  }
0x28: {  	s2 =	sld [smem:$0x3FA6]  }
0x29: {  	s4 =	sld [smem:$0x3FA8]  }
0x2a: {  	p0 =	seq.s32 s5, $0x0;
	s5 =	sld [smem:$0x3FA9]  }
0x2b: {  	s6 =	sld [smem:$0x3FAA]  }
0x2c: {  	s7 =	sld [smem:$0x3FAB]  }
0x2d: {  	s3 =	simm.s32 $0x108;
	s8 =	sld [smem:$0x3FAC]  }
0x2e: {  	s3 =	simm.s32 @!p0 $0x1082;
	s9 =	sld [smem:$0x3FAD]  }
0x2f: {  	lr =	sadd.s32 s0, s3;
	s0 =	sld [smem:$0x3FA4]  }
0x30: {  	s3 =	sld [smem:$0x3FA7]  }
0x31: {  	[smem:$0x3FB0] =	sst s10  }
0x32: {  	s10 =	sld [smem:$0x3FAE];
	_ =	sdelay $0x3  }
0x33: {  	p0 =	seq.s32 s10, $0x1;
	s10 =	sld [smem:$0x3FB0];
	_ =	sdelay $0x3  }
0x34: {  	[smem:$0x3FB0] =	sst s10  }
0x35: {  	s10 =	sld [smem:$0x3FAF];
	_ =	sdelay $0x3  }
0x36: {  	p1 =	seq.s32 s10, $0x1;
	s10 =	sld [smem:$0x3FB0];
	_ =	sdelay $0x3  }
0x37: {  	[smem:$0x3FB0] =	sst s10  }
0x38: {  	s10 =	sld [smem:$0x3FB1]  }
0x39: {  	_ = 	snop;
	(pc) =	sbr.ind lr, $3  }
0x3a: {  	_ = 	snop  }
0x3b: {  	_ = 	snop  }
0x3c: {  	p2 =	seq.s32 s10, $0x1;
	s10 =	sld [smem:$0x3FB0]  }
0x3d: {  	_ =	shalt  }
0x3e: {  	_ =	shalt  }
0x3f: {  	_ =	shalt  }
0x40: {  	_ =	shalt  }
0x41: {  	_ =	shalt  }
0x42: {  	_ =	shalt  }
0x43: {  	_ =	shalt  }
0x44: {  	_ =	shalt  }
0x45: {  	_ =	shalt  }
0x46: {  	_ =	shalt  }
0x47: {  	_ =	shalt  }
0x48: {  	_ =	shalt  }
0x49: {  	_ =	shalt  }
0x4a: {  	_ =	shalt  }
0x4b: {  	_ =	shalt  }
0x4c: {  	_ =	shalt  }
0x4d: {  	_ =	shalt  }
0x4e: {  	_ =	shalt  }
0x4f: {  	_ =	shalt  }
0x50: {  	_ =	shalt  }
0x51: {  	_ =	shalt  }
0x52: {  	_ =	shalt  }
0x53: {  	_ =	shalt  }
0x54: {  	_ =	shalt  }
0x55: {  	_ =	shalt  }
0x56: {  	_ =	shalt  }
0x57: {  	_ =	shalt  }
0x58: {  	_ =	shalt  }
0x59: {  	_ =	shalt  }
0x5a: {  	_ =	shalt  }
0x5b: {  	_ =	shalt  }
0x5c: {  	_ =	shalt  }
0x5d: {  	_ =	shalt  }
0x5e: {  	_ =	shalt  }
0x5f: {  	_ =	shalt  }
0x60: {  	_ =	shalt  }
0x61: {  	_ =	shalt  }
0x62: {  	_ =	shalt  }
0x63: {  	_ =	shalt  }
0x64: {  	_ =	shalt  }
0x65: {  	_ =	shalt  }
0x66: {  	_ =	shalt  }
0x67: {  	_ =	shalt  }
0x68: {  	_ =	shalt  }
0x69: {  	_ =	shalt  }
0x6a: {  	_ =	shalt  }
0x6b: {  	_ =	shalt  }
0x6c: {  	_ =	shalt  }
0x6d: {  	_ =	shalt  }
0x6e: {  	_ =	shalt  }
0x6f: {  	_ =	shalt  }
0x70: {  	_ =	shalt  }
0x71: {  	_ =	shalt  }
0x72: {  	_ =	shalt  }
0x73: {  	_ =	shalt  }
0x74: {  	_ =	shalt  }
0x75: {  	_ =	shalt  }
0x76: {  	_ =	shalt  }
0x77: {  	_ =	shalt  }
0x78: {  	_ =	shalt  }
0x79: {  	_ =	shalt  }
0x7a: {  	_ =	shalt  }
0x7b: {  	_ =	shalt  }
0x7c: {  	_ =	shalt  }
0x7d: {  	_ =	shalt  }
0x7e: {  	_ =	shalt  }
0x7f: {  	_ =	shalt  }
0x80: {  	_ =	shalt  }
0x81: {  	_ =	shalt  }
0x82: {  	_ =	shalt  }
0x83: {  	_ =	shalt  }
0x84: {  	_ =	shalt  }
0x85: {  	_ =	shalt  }
0x86: {  	_ =	shalt  }
0x87: {  	_ =	shalt  }
.Lfunc_end0:
.L_simem_size_0:
called_computation_lowered:
.L_overlay_start_0:
0x88: {  	s2 =	sld [smem:$0x3FD9]  }
0x89: {  	s3 =	sld [smem:$0x3FFE];
	_ =	sdelay $0x1  }
0x8a: {  	s1 =	srdreg.scid  }
0x8b: {  	s0 =	sand.u32 $0x1, s1  }
0x8c: {  	s17 =	sshll.u32 s0, $0xA;
	s2 =	sadd.s32 s3, s2  }
0x8d: {  	s2 =	sadd.s32 s2, s17  }
0x8e: {  	[smem:$0x3FBC] =	sst s2  }
0x8f: {  	_ = 	snop  }
0x90: {  	s2 =	sld [smem:$0x3FC9];
	(tm) =	ssettm $0x1  }
0x91: {  	s18 =	sld [smem:$0x3FFB];
	_ =	sdelay $0x3  }
0x92: {  	_ =	strace s18  }
0x93: {  	s3 =	sld [smem:$0x3FFC];
	_ =	sdelay $0x3  }
0x94: {  	_ =	strace s3  }
0x95: {  	s3 =	sld [smem:$0x3FFD];
	_ =	sdelay $0x3  }
0x96: {  	_ =	strace s3  }
0x97: {  	_ =	strace $0x8FFFFFFF  }
0x98: {  	s19 =	sld [smem:$0x3FDB];
	_ =	sdelay $0x1  }
0x99: {  	s4 =	simm.s32 $_scs_section_size  }
0x9a: {  	s5 =	simm.s32 $_size__tile_overlayer_lowered;
	s6 =	simm.s32 $_tile_overlayer_lowered  }
0x9b: {  	s22 =	simm.s32 $0x1BFF;
	s21 =	sshll.u32 s6, $0x1;
	s3 =	sadd.s32 s4, s19  }
0x9c: {  	s7 =	simm.s32 $0x0;
	s20 =	sshll.u32 s5, $0x1;
	s5 =	sadd.s32 s21, s3  }
0x9d: {  	[timem:s7], [sflag:s22] =	dma.local [hbm:s5], s20  }
0x9e: {  	_ =	swait.ge [sflag:s22], s20  }
0x9f: {  	s4 =	ssub.s32 $0x0, s20;
	[sflag:s22] =	ssyncset.done $0x0  }
0xa0: {  	[sflag:s22] =	ssyncadd.s32 s4;
	_ =	sdelay $0x1  }
0xa1: {  	s23 =	simm.s32 $0x1B8B  }
0xa2: {  	_ =	swait.ge [sflag:s23], $0x1  }
0xa3: {  	[sflag:s23] =	ssyncset.done $0x0  }
0xa4: {  	s25 =	simm.s32 $0x1B8E;
	s24 =	sld [smem:$0x3FFE];
	[sflag:s23] =	ssyncadd.s32 $0xFFFFFFFF  }
0xa5: {  	s26 =	simm.s32 $execute0_lowered;
	[smem:$0x3FD2] =	sst s25  }
0xa6: {  	s5 =	sshll.u32 s26, $0x1;
	_ =	strace $0x80000046;
	[dreg:$0x1] =	wrdreg $0xFFFFFFFF  }
0xa7: {  	s28 =	simm.s32 $_size_execute0_lowered;
	s3 =	sadd.s32 s3, s5;
	[dreg:$0x0] =	wrdreg $0x0  }
0xa8: {  	s5 =	sshll.u32 s28, $0x1;
	[dreg:$0x2] =	wrdreg s3  }
0xa9: {  	[dreg:$0x3] =	wrdreg s5  }
0xaa: {  	[dreg:$0x4] =	wrdreg $0xC0  }
0xab: {  	_ =	task [dreg:s7], $0x5FFFF  }
0xac: {  	[dreg:$0x1] =	wrdreg $0xFFFFFFFF  }
0xad: {  	[dreg:$0x0] =	wrdreg $0x60  }
0xae: {  	[dreg:$0x2] =	wrdreg s2  }
0xaf: {  	[dreg:$0x3] =	wrdreg s24  }
0xb0: {  	[dreg:$0x4] =	wrdreg $0xA8000  }
0xb1: {  	[dreg:$0x5] =	wrdreg $0x9  }
0xb2: {  	_ =	task.clear_ibuf [dreg:s7], $0x6FFFF;
	_ =	strace $0x90000046  }
0xb3: {  	s29 =	simm.s32 $0x9;
	_ =	strace $0x80000048  }
0xb4: {  	_ =	swait.ge [sflag:s29], $0x1  }
0xb5: {  	[sflag:s29] =	ssyncadd.s32 $0xFFFFFFFF  }
0xb6: {  	_ =	strace $0x90000048  }
0xb7: {  	_ =	sfence  }
0xb8: {  	s30 =	sld [smem:$0x0];
	_ =	sdelay $0x2  }
0xb9: {  	s31 =	sshll.u32 s1, $0xD;
	s1 =	sshrl.u32 s1, $0x2  }
0xba: {  	s3 =	sand.u32 $0x4000, s31;
	s1 =	sadd.s32 s1, s30  }
0xbb: {  	s0 =	sor.u32 s3, s0;
	s1 =	sshll.u32 s1, $0x11  }
0xbc: {  	s0 =	sor.u32 s1, s0  }
0xbd: {  	s0 =	sadd.s32 $0x8F2B, s0  }
0xbe: {  	[sflag:s0] =	ssyncadd.remote.s32 $0x1  }
0xbf: {  	_ =	sfence.sel $0xFFFF  }
0xc0: {  	[dreg:$0x0] =	wrdreg $0xFFFFFFFF;
	(pc) =	sbr.abs _section_cstart, $3  }
0xc1: {  	[dreg:$0x1] =	wrdreg $0xFFFFFFFF  }
0xc2: {  	_ =	task.clear_ibuf [dreg:s7], $0x2FFFF;
	_ =	strace $0x9FFFFFFF  }
0xc3: {  	(tm) =	ssettm $0x7FFFFFFF  }
tec
execute0_lowered:
.L_overlay_start_1:
0x0: {  	(tag) =	ssettag $0x1  }
0x1: {  	s1 =	rddreg [dreg:$0x0]  }
0x2: {  	s0 =	rddreg [dreg:$0x1]  }
0x3: {  	s2 =	rddreg [dreg:$0x2];
	s3 =	srdreg.scid;
	s4 =	simm.s32 $0x0  }
0x4: {  	s10 =	stileid.u32;
	s16 =	simm.s32 $0x2800;
	s17 =	simm.s32 $0x5  }
0x5: {  	s18 =	simm.s32 $0x1400;
	s19 =	simm.s32 $0x80;
	s20 =	simm.s32 $0x6800  }
0x6: {  	s21 =	simm.s32 $0x1;
	s22 =	simm.s32 $0x3;
	s6 =	smul.u32 $0x14000, s10  }
0x7: {  	s28 =	simm.s32 $0x1380;
	s29 =	simm.s32 $0x2700;
	s23 =	smul.u32 $0x2800, s10  }
0x8: {  	s30 =	simm.s32 $0x2780;
	s3 =	sand.u32 $0x1, s3;
	s10 =	smul.u32 $0x50000, s10  }
0x9: {  	s31 =	simm.s32 $0x0;
	[smem:$0x7FF] =	sst s4;
	s5 =	smul.u32 $0x140000, s3  }
0xa: {  	s8 =	sadd.s32 $0x3800, s0;
	s7 =	smul.u32 $0x28000, s3;
	s3 =	ssub.s32 $0x2, s3  }
0xb: {  	s9 =	sadd.s32 $0xD800, s0;
	_ =	strace $0x80000047;
	s24 =	sshrl.u32 s3, $0x1  }
0xc: {  	s25 =	sshrl.u32 s10, $0x2;
	s5 =	sadd.s32 s6, s5;
	s6 =	sadd.s32 s23, s7  }
0xd: {  	s3 =	ssub.s32 s3, s24;
	s23 =	simm.s32 $0x100;
	s24 =	simm.s32 $0x2  }
0xe: {  	s5 =	sshrl.u32 s5, $0x3;
	s7 =	sshrl.u32 s6, $0x3;
	s11 =	smax.u32 s3, $0x1  }
0xf: {  	s0 =	sadd.s32 s5, s0;
	s5 =	sadd.s32 s25, s2;
	s6 =	sadd.s32 s8, s7  }
0x10: {  	s26 =	sadd.s32 $0x280, s7;
	s7 =	sadd.s32 s9, s7;
	s25 =	simm.s32 $0x1480  }
0x11: {  	[dreg:$0x4] =	wrdreg s6;
	s8 =	sadd.s32 s8, s26;
	s9 =	sadd.s32 s9, s26  }
0x12: {  	s10 =	sadd.s32 $0x17800, s0;
	s12 =	sadd.s32 $0x4000, s5;
	s13 =	sadd.s32 $0x8000, s5  }
0x13: {  	v0 =	vimm.f32 $0.0e+00;
	s14 =	sadd.s32 $0xC000, s5;
	s15 =	sadd.s32 $0x10000, s5;
	s26 =	simm.s32 $0x4  }
.LBB2_1:
0x14: {  	s0 =	simm.s32 $0x0;
	s3 =	simm.s32 $0x200  }
.LBB2_2:
0x15: {  	p0 =	sne.s32 s3, $0xFE00;
	[tilespmem:s0+$0x2870] =	vst v0  }
0x16: {  	[tilespmem:s0+$0x2800] =	vst v0  }
0x17: {  	[tilespmem:s0+$0x2810] =	vst v0  }
.Ltmp0:
0x18: {  	[tilespmem:s0+$0x2820] =	vst v0;
	(pc) =	sbr.rel @p0 .LBB2_2-.Ltmp0, $4  }
0x19: {  	[tilespmem:s0+$0x2830] =	vst v0  }
0x1a: {  	[tilespmem:s0+$0x2840] =	vst v0  }
0x1b: {  	[tilespmem:s0+$0x2850] =	vst v0  }
0x1c: {  	[tilespmem:s0+$0x2860] =	vst v0;
	s0 =	sshra.s32 s3, $0x2;
	s3 =	sadd.s32 $0x200, s3  }
0x1d: {  	[tilespmem:s0+$0x2870] =	vst v0  }
0x1e: {  	[tilespmem:s0+$0x2800] =	vst v0  }
0x1f: {  	[tilespmem:s0+$0x2810] =	vst v0  }
0x20: {  	[tilespmem:s0+$0x2820] =	vst v0  }
0x21: {  	[tilespmem:s0+$0x2830] =	vst v0  }
0x22: {  	[tilespmem:s0+$0x2840] =	vst v0  }
0x23: {  	[tilespmem:s0+$0x2850] =	vst v0  }
0x24: {  	[tilespmem:s0+$0x2860] =	vst v0  }
0x25: {  	[spmem:s5] =	stream.linear.scatter [tilespmem:s16], [sflag:$0x5], $0x4000, $0x38;
	[tilespmem:$0x1E800] =	vst v63  }
0x26: {  	_ =	swait.ge [sflag:s17], $0x4000  }
0x27: {  	[sflag:s17] =	ssyncset.done $0x0  }
0x28: {  	[sflag:s17] =	ssyncadd.s32 $0xFFFFC000  }
0x29: {  	[spmem:s12] =	stream.linear.scatter [tilespmem:s16], [sflag:$0x5], $0x4000, $0x38;
	[tilespmem:$0x1E800] =	vst v63  }
0x2a: {  	_ =	swait.ge [sflag:s17], $0x4000  }
0x2b: {  	[sflag:s17] =	ssyncset.done $0x0  }
0x2c: {  	[sflag:s17] =	ssyncadd.s32 $0xFFFFC000  }
0x2d: {  	[spmem:s13] =	stream.linear.scatter [tilespmem:s16], [sflag:$0x5], $0x4000, $0x38;
	[tilespmem:$0x1E800] =	vst v63  }
0x2e: {  	_ =	swait.ge [sflag:s17], $0x4000  }
0x2f: {  	[sflag:s17] =	ssyncset.done $0x0  }
0x30: {  	[sflag:s17] =	ssyncadd.s32 $0xFFFFC000  }
0x31: {  	[spmem:s14] =	stream.linear.scatter [tilespmem:s16], [sflag:$0x5], $0x4000, $0x38;
	[tilespmem:$0x1E800] =	vst v63  }
0x32: {  	_ =	swait.ge [sflag:s17], $0x4000  }
0x33: {  	[sflag:s17] =	ssyncset.done $0x0  }
0x34: {  	[sflag:s17] =	ssyncadd.s32 $0xFFFFC000  }
0x35: {  	[spmem:s15] =	stream.linear.scatter [tilespmem:s16], [sflag:$0x5], $0x4000, $0x38;
	[tilespmem:$0x1E800] =	vst v63  }
0x36: {  	_ =	swait.ge [sflag:s17], $0x4000  }
0x37: {  	[sflag:s17] =	ssyncset.done $0x0  }
0x38: {  	[sflag:s17] =	ssyncadd.s32 $0xFFFFC000  }
0x39: {  	[bflag:$0x0] =	sbarrier.arrive $0xFFFF  }
0x3a: {  	s3 =	rddreg [dreg:$0x4]  }
0x3b: {  	[tilespmem:s4], [sflag:$0x5] =	stream.linear.gather [hbm4b:s3+s4], $0x1400, $0x38;
	[tilespmem:$0x1E800] =	vst v63  }
0x3c: {  	_ =	swait.ge [sflag:s17], $0x1400  }
0x3d: {  	[sflag:s17] =	ssyncset.done $0x0  }
0x3e: {  	[sflag:s17] =	ssyncadd.s32 $0xFFFFEC00  }
0x3f: {  	[tilespmem:s18], [sflag:$0x5] =	stream.linear.gather [hbm4b:s7+s4], $0x1400, $0x38;
	[tilespmem:$0x1E800] =	vst v63  }
0x40: {  	_ =	swait.ge [sflag:s17], $0x1400  }
0x41: {  	[sflag:s17] =	ssyncset.done $0x0  }
0x42: {  	[sflag:s17] =	ssyncadd.s32 $0xFFFFEC00  }
0x43: {  	[tilespmem:s16], [sflag:$0x1] =	stream.indirect.gather [hbm4b:s1+s19], $0x80, s4, s19, $0xb8;
	[tilespmem:$0x1E800] =	vst v63  }
0x44: {  	_ = 	snop  }
0x45: {  	[tilespmem:s20], [sflag:$0x2] =	stream.indirect.gather [hbm4b:s1+s19], $0x80, s19, s19, $0xb8;
	[tilespmem:$0x1E800] =	vst v63  }
0x46: {  	_ =	swait.ge [sflag:s21], $0x4000  }
0x47: {  	[sflag:s21] =	ssyncset.done $0x0  }
0x48: {  	[sflag:s21] =	ssyncadd.s32 $0xFFFFC000  }
0x49: {  	[spmem:s2] =	stream.indirect.scatter.add.f32 [tilespmem:s16], [sflag:$0x3], $0x80, s18, s19, $0xb8;
	[tilespmem:$0x1E800] =	vst v63  }
0x4a: {  	_ =	swait.ge [sflag:s22], $0x4000  }
0x4b: {  	[sflag:s22] =	ssyncset.done $0x0  }
0x4c: {  	[sflag:s22] =	ssyncadd.s32 $0xFFFFC000  }
0x4d: {  	[tilespmem:s16], [sflag:$0x1] =	stream.indirect.gather [hbm4b:s1+s19], $0x80, s23, s19, $0xb8;
	[tilespmem:$0x1E800] =	vst v63  }
0x4e: {  	_ =	swait.ge [sflag:s24], $0x4000  }
0x4f: {  	[sflag:s24] =	ssyncset.done $0x0  }
0x50: {  	[sflag:s24] =	ssyncadd.s32 $0xFFFFC000  }
0x51: {  	[spmem:s2] =	stream.indirect.scatter.add.f32 [tilespmem:s20], [sflag:$0x4], $0x80, s25, s19, $0xb8;
	[tilespmem:$0x1E800] =	vst v63  }
0x52: {  	_ =	swait.ge [sflag:s26], $0x4000  }
0x53: {  	[sflag:s26] =	ssyncset.done $0x0  }
0x54: {  	s6 =	simm.s32 $0x180;
	[sflag:s26] =	ssyncadd.s32 $0xFFFFC000  }
0x55: {  	[tilespmem:s20], [sflag:$0x2] =	stream.indirect.gather [hbm4b:s1+s19], $0x80, s6, s19, $0xb8;
	[tilespmem:$0x1E800] =	vst v63  }
0x56: {  	_ =	swait.ge [sflag:s21], $0x4000  }
0x57: {  	[sflag:s21] =	ssyncset.done $0x0  }
0x58: {  	s3 =	simm.s32 $0x1500;
	[sflag:s21] =	ssyncadd.s32 $0xFFFFC000  }
0x59: {  	[spmem:s2] =	stream.indirect.scatter.add.f32 [tilespmem:s16], [sflag:$0x3], $0x80, s3, s19, $0xb8;
	[tilespmem:$0x1E800] =	vst v63  }
0x5a: {  	_ =	swait.ge [sflag:s22], $0x4000  }
0x5b: {  	[sflag:s22] =	ssyncset.done $0x0  }
0x5c: {  	s6 =	simm.s32 $0x200;
	[sflag:s22] =	ssyncadd.s32 $0xFFFFC000  }
0x5d: {  	[tilespmem:s16], [sflag:$0x1] =	stream.indirect.gather [hbm4b:s1+s19], $0x80, s6, s19, $0xb8;
	[tilespmem:$0x1E800] =	vst v63  }
0x5e: {  	_ =	swait.ge [sflag:s24], $0x4000  }
0x5f: {  	[sflag:s24] =	ssyncset.done $0x0  }
0x60: {  	s0 =	simm.s32 $0xFFFFBC00;
	s3 =	simm.s32 $0x1580;
	[sflag:s24] =	ssyncadd.s32 $0xFFFFC000  }
.LBB2_4:
0x61: {  	[spmem:s2] =	stream.indirect.scatter.add.f32 [tilespmem:s20], [sflag:$0x4], $0x80, s3, s19, $0xb8;
	[tilespmem:$0x1E800] =	vst v63  }
0x62: {  	s3 =	smov.u32 s0  }
0x63: {  	p0 =	sne.s32 s0, $0xFFFFFC00;
	s0 =	sadd.s32 $0x400, s0;
	_ =	swait.ge [sflag:s26], $0x4000  }
0x64: {  	s3 =	sshra.s32 s3, $0x2;
	[sflag:s26] =	ssyncset.done $0x0  }
0x65: {  	s6 =	sadd.s32 $0x1380, s3;
	[sflag:s26] =	ssyncadd.s32 $0xFFFFC000  }
0x66: {  	[tilespmem:s20], [sflag:$0x2] =	stream.indirect.gather [hbm4b:s1+s19], $0x80, s6, s19, $0xb8;
	[tilespmem:$0x1E800] =	vst v63  }
0x67: {  	_ =	swait.ge [sflag:s21], $0x4000  }
0x68: {  	[sflag:s21] =	ssyncset.done $0x0  }
0x69: {  	s6 =	sadd.s32 $0x2700, s3;
	[sflag:s21] =	ssyncadd.s32 $0xFFFFC000  }
0x6a: {  	[spmem:s2] =	stream.indirect.scatter.add.f32 [tilespmem:s16], [sflag:$0x3], $0x80, s6, s19, $0xb8;
	[tilespmem:$0x1E800] =	vst v63  }
0x6b: {  	_ =	swait.ge [sflag:s22], $0x4000  }
0x6c: {  	[sflag:s22] =	ssyncset.done $0x0  }
.Ltmp1:
0x6d: {  	s6 =	sadd.s32 $0x1400, s3;
	[sflag:s22] =	ssyncadd.s32 $0xFFFFC000;
	(pc) =	sbr.rel @p0 .LBB2_4-.Ltmp1, $4  }
0x6e: {  	[tilespmem:s16], [sflag:$0x1] =	stream.indirect.gather [hbm4b:s1+s19], $0x80, s6, s19, $0xb8;
	[tilespmem:$0x1E800] =	vst v63  }
0x6f: {  	_ =	swait.ge [sflag:s24], $0x4000  }
0x70: {  	[sflag:s24] =	ssyncset.done $0x0  }
0x71: {  	s3 =	sadd.s32 $0x2780, s3;
	[sflag:s24] =	ssyncadd.s32 $0xFFFFC000  }
0x72: {  	[spmem:s2] =	stream.indirect.scatter.add.f32 [tilespmem:s20], [sflag:$0x4], $0x80, s3, s19, $0xb8;
	[tilespmem:$0x1E800] =	vst v63  }
0x73: {  	_ =	swait.ge [sflag:s26], $0x4000  }
0x74: {  	[sflag:s26] =	ssyncset.done $0x0  }
0x75: {  	[sflag:s26] =	ssyncadd.s32 $0xFFFFC000  }
0x76: {  	[tilespmem:s20], [sflag:$0x2] =	stream.indirect.gather [hbm4b:s1+s19], $0x80, s28, s19, $0xb8;
	[tilespmem:$0x1E800] =	vst v63  }
0x77: {  	_ =	swait.ge [sflag:s21], $0x4000  }
0x78: {  	[sflag:s21] =	ssyncset.done $0x0  }
0x79: {  	[sflag:s21] =	ssyncadd.s32 $0xFFFFC000  }
0x7a: {  	[spmem:s2] =	stream.indirect.scatter.add.f32 [tilespmem:s16], [sflag:$0x3], $0x80, s29, s19, $0xb8;
	[tilespmem:$0x1E800] =	vst v63  }
0x7b: {  	_ =	swait.ge [sflag:s22], $0x4000  }
0x7c: {  	[sflag:s22] =	ssyncset.done $0x0  }
0x7d: {  	[sflag:s22] =	ssyncadd.s32 $0xFFFFC000  }
0x7e: {  	_ =	swait.ge [sflag:s24], $0x4000  }
0x7f: {  	[sflag:s24] =	ssyncset.done $0x0  }
0x80: {  	[sflag:s24] =	ssyncadd.s32 $0xFFFFC000  }
0x81: {  	[spmem:s2] =	stream.indirect.scatter.add.f32 [tilespmem:s20], [sflag:$0x4], $0x80, s30, s19, $0xb8;
	[tilespmem:$0x1E800] =	vst v63  }
0x82: {  	_ =	swait.ge [sflag:s26], $0x4000  }
0x83: {  	[sflag:s26] =	ssyncset.done $0x0  }
0x84: {  	[sflag:s26] =	ssyncadd.s32 $0xFFFFC000  }
0x85: {  	[tilespmem:s4], [sflag:$0x5] =	stream.linear.gather [hbm4b:s8+s4], $0x1400, $0x38;
	[tilespmem:$0x1E800] =	vst v63  }
0x86: {  	_ =	swait.ge [sflag:s17], $0x1400  }
0x87: {  	[sflag:s17] =	ssyncset.done $0x0  }
0x88: {  	[sflag:s17] =	ssyncadd.s32 $0xFFFFEC00  }
0x89: {  	[tilespmem:s18], [sflag:$0x5] =	stream.linear.gather [hbm4b:s9+s4], $0x1400, $0x38;
	[tilespmem:$0x1E800] =	vst v63  }
0x8a: {  	_ =	swait.ge [sflag:s17], $0x1400  }
0x8b: {  	[sflag:s17] =	ssyncset.done $0x0  }
0x8c: {  	[sflag:s17] =	ssyncadd.s32 $0xFFFFEC00  }
0x8d: {  	[tilespmem:s16], [sflag:$0x1] =	stream.indirect.gather [hbm4b:s1+s19], $0x80, s4, s19, $0xb8;
	[tilespmem:$0x1E800] =	vst v63  }
0x8e: {  	_ = 	snop  }
0x8f: {  	[tilespmem:s20], [sflag:$0x2] =	stream.indirect.gather [hbm4b:s1+s19], $0x80, s19, s19, $0xb8;
	[tilespmem:$0x1E800] =	vst v63  }
0x90: {  	_ =	swait.ge [sflag:s21], $0x4000  }
0x91: {  	[sflag:s21] =	ssyncset.done $0x0  }
0x92: {  	[sflag:s21] =	ssyncadd.s32 $0xFFFFC000  }
0x93: {  	[spmem:s2] =	stream.indirect.scatter.add.f32 [tilespmem:s16], [sflag:$0x3], $0x80, s18, s19, $0xb8;
	[tilespmem:$0x1E800] =	vst v63  }
0x94: {  	_ =	swait.ge [sflag:s22], $0x4000  }
0x95: {  	[sflag:s22] =	ssyncset.done $0x0  }
0x96: {  	[sflag:s22] =	ssyncadd.s32 $0xFFFFC000  }
0x97: {  	[tilespmem:s16], [sflag:$0x1] =	stream.indirect.gather [hbm4b:s1+s19], $0x80, s23, s19, $0xb8;
	[tilespmem:$0x1E800] =	vst v63  }
0x98: {  	_ =	swait.ge [sflag:s24], $0x4000  }
0x99: {  	[sflag:s24] =	ssyncset.done $0x0  }
0x9a: {  	[sflag:s24] =	ssyncadd.s32 $0xFFFFC000  }
0x9b: {  	[spmem:s2] =	stream.indirect.scatter.add.f32 [tilespmem:s20], [sflag:$0x4], $0x80, s25, s19, $0xb8;
	[tilespmem:$0x1E800] =	vst v63  }
0x9c: {  	_ =	swait.ge [sflag:s26], $0x4000  }
0x9d: {  	[sflag:s26] =	ssyncset.done $0x0  }
0x9e: {  	s0 =	simm.s32 $0x180;
	[sflag:s26] =	ssyncadd.s32 $0xFFFFC000  }
0x9f: {  	[tilespmem:s20], [sflag:$0x2] =	stream.indirect.gather [hbm4b:s1+s19], $0x80, s0, s19, $0xb8;
	[tilespmem:$0x1E800] =	vst v63  }
0xa0: {  	_ =	swait.ge [sflag:s21], $0x4000  }
0xa1: {  	[sflag:s21] =	ssyncset.done $0x0  }
0xa2: {  	s3 =	simm.s32 $0x1500;
	[sflag:s21] =	ssyncadd.s32 $0xFFFFC000  }
0xa3: {  	[spmem:s2] =	stream.indirect.scatter.add.f32 [tilespmem:s16], [sflag:$0x3], $0x80, s3, s19, $0xb8;
	[tilespmem:$0x1E800] =	vst v63  }
0xa4: {  	_ =	swait.ge [sflag:s22], $0x4000  }
0xa5: {  	[sflag:s22] =	ssyncset.done $0x0  }
0xa6: {  	s6 =	simm.s32 $0x200;
	[sflag:s22] =	ssyncadd.s32 $0xFFFFC000  }
0xa7: {  	[tilespmem:s16], [sflag:$0x1] =	stream.indirect.gather [hbm4b:s1+s19], $0x80, s6, s19, $0xb8;
	[tilespmem:$0x1E800] =	vst v63  }
0xa8: {  	_ =	swait.ge [sflag:s24], $0x4000  }
0xa9: {  	[sflag:s24] =	ssyncset.done $0x0  }
0xaa: {  	s0 =	simm.s32 $0xFFFFBC00;
	s3 =	simm.s32 $0x1580;
	[sflag:s24] =	ssyncadd.s32 $0xFFFFC000  }
.LBB2_6:
0xab: {  	[spmem:s2] =	stream.indirect.scatter.add.f32 [tilespmem:s20], [sflag:$0x4], $0x80, s3, s19, $0xb8;
	[tilespmem:$0x1E800] =	vst v63  }
0xac: {  	s3 =	smov.u32 s0  }
0xad: {  	p0 =	sne.s32 s0, $0xFFFFFC00;
	s0 =	sadd.s32 $0x400, s0;
	_ =	swait.ge [sflag:s26], $0x4000  }
0xae: {  	s3 =	sshra.s32 s3, $0x2;
	[sflag:s26] =	ssyncset.done $0x0  }
0xaf: {  	s6 =	sadd.s32 $0x1380, s3;
	[sflag:s26] =	ssyncadd.s32 $0xFFFFC000  }
0xb0: {  	[tilespmem:s20], [sflag:$0x2] =	stream.indirect.gather [hbm4b:s1+s19], $0x80, s6, s19, $0xb8;
	[tilespmem:$0x1E800] =	vst v63  }
0xb1: {  	_ =	swait.ge [sflag:s21], $0x4000  }
0xb2: {  	[sflag:s21] =	ssyncset.done $0x0  }
0xb3: {  	s6 =	sadd.s32 $0x2700, s3;
	[sflag:s21] =	ssyncadd.s32 $0xFFFFC000  }
0xb4: {  	[spmem:s2] =	stream.indirect.scatter.add.f32 [tilespmem:s16], [sflag:$0x3], $0x80, s6, s19, $0xb8;
	[tilespmem:$0x1E800] =	vst v63  }
0xb5: {  	_ =	swait.ge [sflag:s22], $0x4000  }
0xb6: {  	[sflag:s22] =	ssyncset.done $0x0  }
.Ltmp2:
0xb7: {  	s6 =	sadd.s32 $0x1400, s3;
	[sflag:s22] =	ssyncadd.s32 $0xFFFFC000;
	(pc) =	sbr.rel @p0 .LBB2_6-.Ltmp2, $4  }
0xb8: {  	[tilespmem:s16], [sflag:$0x1] =	stream.indirect.gather [hbm4b:s1+s19], $0x80, s6, s19, $0xb8;
	[tilespmem:$0x1E800] =	vst v63  }
0xb9: {  	_ =	swait.ge [sflag:s24], $0x4000  }
0xba: {  	[sflag:s24] =	ssyncset.done $0x0  }
0xbb: {  	s3 =	sadd.s32 $0x2780, s3;
	[sflag:s24] =	ssyncadd.s32 $0xFFFFC000  }
0xbc: {  	[spmem:s2] =	stream.indirect.scatter.add.f32 [tilespmem:s20], [sflag:$0x4], $0x80, s3, s19, $0xb8;
	[tilespmem:$0x1E800] =	vst v63  }
0xbd: {  	_ =	swait.ge [sflag:s26], $0x4000  }
0xbe: {  	[sflag:s26] =	ssyncset.done $0x0  }
0xbf: {  	[sflag:s26] =	ssyncadd.s32 $0xFFFFC000  }
0xc0: {  	[tilespmem:s20], [sflag:$0x2] =	stream.indirect.gather [hbm4b:s1+s19], $0x80, s28, s19, $0xb8;
	[tilespmem:$0x1E800] =	vst v63  }
0xc1: {  	_ =	swait.ge [sflag:s21], $0x4000  }
0xc2: {  	[sflag:s21] =	ssyncset.done $0x0  }
0xc3: {  	[sflag:s21] =	ssyncadd.s32 $0xFFFFC000  }
0xc4: {  	[spmem:s2] =	stream.indirect.scatter.add.f32 [tilespmem:s16], [sflag:$0x3], $0x80, s29, s19, $0xb8;
	[tilespmem:$0x1E800] =	vst v63  }
0xc5: {  	_ =	swait.ge [sflag:s22], $0x4000  }
0xc6: {  	[sflag:s22] =	ssyncset.done $0x0  }
0xc7: {  	[sflag:s22] =	ssyncadd.s32 $0xFFFFC000  }
0xc8: {  	_ =	swait.ge [sflag:s24], $0x4000  }
0xc9: {  	[sflag:s24] =	ssyncset.done $0x0  }
0xca: {  	[sflag:s24] =	ssyncadd.s32 $0xFFFFC000  }
0xcb: {  	[spmem:s2] =	stream.indirect.scatter.add.f32 [tilespmem:s20], [sflag:$0x4], $0x80, s30, s19, $0xb8;
	[tilespmem:$0x1E800] =	vst v63  }
0xcc: {  	s0 =	stileid.u32;
	_ =	swait.ge [sflag:s26], $0x4000  }
0xcd: {  	s6 =	sshrl.u32 s5, $0x3;
	s31 =	sadd.s32 $0x1, s31;
	[sflag:s26] =	ssyncset.done $0x0  }
0xce: {  	s0 =	sshll.u32 s0, $0x6;
	p0 =	sne.s32 s31, s11;
	[sflag:s26] =	ssyncadd.s32 $0xFFFFC000  }
.Ltmp3:
0xcf: {  	s0 =	sor.u32 $0x1C05, s0;
	[bflag:$0x0] =	sbarrier.arrive $0xFFFF;
	(pc) =	sbr.rel @p0 .LBB2_1-.Ltmp3, $4  }
0xd0: {  	[hbm:s10], [sflag:s0] =	dma.local [spmem:s6], $0x2800  }
0xd1: {  	_ =	swait.ge [sflag:s17], $0x2800  }
0xd2: {  	[sflag:s17] =	ssyncset.done $0x0  }
0xd3: {  	[sflag:s17] =	ssyncadd.s32 $0xFFFFD800  }
0xd4: {  	_ =	sfence.sel $0x180000  }
0xd5: {  	[bflag:$0x0] =	sbarrier.arrive $0xFFFF  }
0xd6: {  	_ =	strace $0x90000047  }
0xd7: {  	s0 =	stileid.u32;
	[bflag:$0x2] =	sbarrier.arrive $0xFFFF  }
0xd8: {  	p0 =	sne.s32 s0, $0x0;
	s0 =	rddreg [dreg:$0x3]  }
0xd9: {  	s0 =	sadd.s32 @!p0 $0x100000, s0  }
0xda: {  	[sflag:s0] =	ssyncadd.tile.s32 @!p0 $0x1;
	_ =	shalt  }
.Lfunc_end2:
_tile_overlayer_lowered:
.L_overlay_start_2:
0xdb: {  	(tag) =	ssettag $0x2  }
0xdc: {  	s0 =	rddreg [dreg:$0x0];
	s2 =	stileid.u32  }
0xdd: {  	s1 =	rddreg [dreg:$0x1];
	p0 =	sne.s32 s2, $0x0  }
0xde: {  	s3 =	rddreg [dreg:$0x2];
	[bflag:$0x3] =	sbarrier.arrive $0xFFFF;
	s2 =	simm.s32 @!p0 $0x1C05  }
0xdf: {  	[timem:s3], [sflag:s2] =	dma.local @!p0 [hbm:s0], s1  }
0xe0: {  	s0 =	simm.s32 @!p0 $0x5  }
0xe1: {  	_ =	swait.ge @!p0 [sflag:s0], s1  }
0xe2: {  	s1 =	ssub.s32 @!p0 $0x0, s1;
	[sflag:s0] =	ssyncset.done @!p0 $0x0  }
0xe3: {  	[sflag:s0] =	ssyncadd.s32 @!p0 s1  }
0xe4: {  	[bflag:$0x3] =	sbarrier.arrive $0xFFFF  }
0xe5: {  	_ =	shalt  }

</sc_bundles>
